<compile_context>
chip_gen: v7x
topology: tpu7x:2x2x1
jax: 0.10.2.dev20260603
libtpu: 0.0.44.dev20260713+nightly
codegen_flags: <defaults>
</compile_context>

<pallas_src>
import functools

import jax
import jax.numpy as jnp
from jax import lax
from jax.experimental import pallas as pl
from jax.experimental.pallas import tpu as pltpu
from jax.experimental.pallas import tpu_sc as plsc

UP_TO = 512
DIM = 64
D = DIM * DIM

_NC = 2
_NS = 16
_NW = _NC * _NS

_MW = 1024
_NBUF = 4


def _build_table_kernel(prim_ref, out_ref, table_ref, tt_ref, sem):
    b0 = prim_ref[0]
    b1 = prim_ref[1]
    table_ref[pl.ds(0, 2)] = prim_ref[pl.ds(0, 2)]
    t2 = jnp.dot(b1, b0, preferred_element_type=jnp.float32)
    table_ref[pl.ds(2, 1)] = t2[None]
    filled = 3
    while filled < UP_TO:
        p0 = (filled + 1) // 2
        s = filled - p0
        parents = table_ref[pl.ds(p0, s)]
        pf = parents.reshape(s * DIM, DIM)
        c1 = jnp.dot(pf, b1, preferred_element_type=jnp.float32)
        c0 = jnp.dot(pf, b0, preferred_element_type=jnp.float32)
        ch = jnp.stack(
            [c1.reshape(s, DIM, DIM), c0.reshape(s, DIM, DIM)], axis=1
        ).reshape(2 * s, DIM, DIM)
        start = 2 * p0 - 1
        cnt = min(2 * s, UP_TO - start)
        table_ref[pl.ds(start, cnt)] = ch[:cnt] if cnt != 2 * s else ch
        filled = start + cnt
    t3 = table_ref[...]
    tt_ref[...] = jnp.transpose(t3, (1, 2, 0)).reshape(D, UP_TO)
    cp = pltpu.make_async_copy(tt_ref, out_ref, sem)
    cp.start()
    cp.wait()


def _build_table_t(primitives):
    return pl.pallas_call(
        _build_table_kernel,
        out_shape=jax.ShapeDtypeStruct((D, UP_TO), jnp.float32),
        out_specs=pl.BlockSpec(memory_space=pltpu.MemorySpace.HBM),
        compiler_params=pltpu.CompilerParams(
            vmem_limit_bytes=100 * 1024 * 1024
        ),
        scratch_shapes=[
            pltpu.VMEM((UP_TO, DIM, DIM), jnp.float32),
            pltpu.VMEM((D, UP_TO), jnp.float32),
            pltpu.SemaphoreType.DMA,
        ],
    )(primitives)


def _make_tgather(n_lookups):
    rpw = D // _NW
    ntr = rpw // 8
    nmc = n_lookups // _MW
    mesh = plsc.VectorSubcoreMesh(core_axis_name="c", subcore_axis_name="s")

    ntc = _MW // 128

    @functools.partial(
        pl.kernel,
        out_type=jax.ShapeDtypeStruct(
            (D // 8, n_lookups // 128, 8, 128), jnp.float32
        ),
        mesh=mesh,
        compiler_params=pltpu.CompilerParams(needs_layout_passes=False),
        scratch_types=[
            pltpu.VMEM((rpw, UP_TO), jnp.float32),
            pltpu.VMEM((n_lookups,), jnp.int32),
            *[pltpu.VMEM((ntc, 8, 128), jnp.float32) for _ in range(_NBUF)],
            *[pltpu.SemaphoreType.DMA for _ in range(_NBUF)],
        ],
    )
    def tgather_kernel(tt_hbm, idx_hbm, out_hbm, tab_v, idx_v, *bufs_sems):
        bufs = bufs_sems[:_NBUF]
        sems = bufs_sems[_NBUF:]
        wid = lax.axis_index("s") * _NC + lax.axis_index("c")
        r0 = wid * rpw
        pltpu.sync_copy(tt_hbm.at[pl.ds(r0, rpw)], tab_v)
        pltpu.sync_copy(idx_hbm, idx_v)

        nblk = ntr * nmc

        @pl.loop(0, nblk, step=_NBUF)
        def _(b):
            for k in range(_NBUF):
                bb = b + k
                buf = bufs[k]
                sem = sems[k]
                tr = bb // nmc
                mc = bb % nmc
                dst = out_hbm.at[
                    wid * ntr + tr, pl.ds(mc * ntc, ntc)
                ]

                @pl.when(bb >= _NBUF)
                def _():
                    pltpu.make_async_copy(buf, dst, sem).wait()

                m0 = mc * _MW
                rvecs = [
                    jnp.full((16,), tr * 8 + s, jnp.int32) for s in range(8)
                ]
                @plsc.parallel_loop(0, _MW // 16, unroll=8)
                def _(jv):
                    mvec = idx_v[pl.ds(m0 + jv * 16, 16)]
                    for s in range(8):
                        vals = plsc.load_gather(tab_v, [rvecs[s], mvec])
                        buf[jv // 8, s, pl.ds((jv % 8) * 16, 16)] = vals

                pltpu.async_copy(buf, dst, sem)

        for k in range(_NBUF):
            last = nblk - _NBUF + k
            tr = last // nmc
            mc = last % nmc
            dst = out_hbm.at[wid * ntr + tr, pl.ds(mc * ntc, ntc)]
            pltpu.make_async_copy(bufs[k], dst, sems[k]).wait()

    return tgather_kernel


def kernel(primitives, node_positions):
    n = node_positions.shape[0]
    tt = _build_table_t(primitives)
    idx = (node_positions - 1).astype(jnp.int32)
    out4 = _make_tgather(n)(tt, idx)
    out_t = out4.transpose(0, 2, 1, 3).reshape(D, n)
    return out_t.T.reshape(n, DIM, DIM)

# --- scband reference (transcript-rebuilt; emitter-appended) ---
"""Pipeline reference for scband-binary-path-encoder-57793079935415 (READ-ONLY COPY).

The authoritative reference and input builder live on the scoring server;
editing this copy changes nothing except your own understanding.
"""

import jax, jax.numpy as jnp
import numpy as np

UP_TO = 512
DIM = 64
N_LOOKUPS = 16384


def setup_inputs(seed: int = 0) -> dict:
    key = jax.random.key(seed)
    k1, k2 = jax.random.split(key)
    # learned parameter: two primitive dim x dim matrices
    primitives = jax.random.normal(k1, (2, DIM, DIM), dtype=jnp.float32)
    # node positions are 1-indexed binary-tree path codes in [1, UP_TO]
    node_positions = jax.random.randint(k2, (N_LOOKUPS,), 1, UP_TO + 1, dtype=jnp.int32)
    return {"primitives": primitives, "node_positions": node_positions}


def reference(primitives, node_positions):
    # precompute(up_to): recursively build path matrices.
    # position p stored at list index p-1; new entry for i is
    # precomputed[i//2] @ precomputed[1 - i%2] (same list indexing as torch code)
    pre = [primitives[0], primitives[1]]
    for i in range(3, UP_TO + 1):
        pre.append(pre[i // 2] @ pre[1 - i % 2])
    precomputed = jnp.stack(pre)  # [UP_TO, DIM, DIM]
    # forward: index_select(precomputed, 0, node_positions - 1)
    return jnp.take(precomputed, node_positions - 1, axis=0)

if __name__ == "__main__":
    import jax
    _d = setup_inputs()
    print(jax.jit(kernel)(*tuple(_d.values())))

</pallas_src>

<mosaic_0001>
#map = affine_map<(d0, d1) -> (0, 0)>
#map1 = affine_map<(d0, d1) -> (0)>
#map2 = affine_map<(d0, d1) -> (0, 0, 0, 0)>
module attributes {stable_mosaic.version = 14 : i64} {
  func.func @tgather_kernel(%arg0: i32, %arg1: i32, %arg2: memref<4096x512xf32, #tpu.memory_space<hbm>>, %arg3: memref<16384xi32, #tpu.memory_space<hbm>>, %arg4: memref<512x128x8x128xf32, #tpu.memory_space<hbm>>, %arg5: memref<128x512xf32, #tpu.memory_space<vmem>>, %arg6: memref<16384xi32, #tpu.memory_space<vmem>>, %arg7: memref<8x8x128xf32, #tpu.memory_space<vmem>>, %arg8: memref<8x8x128xf32, #tpu.memory_space<vmem>>, %arg9: memref<8x8x128xf32, #tpu.memory_space<vmem>>, %arg10: memref<8x8x128xf32, #tpu.memory_space<vmem>>, %arg11: memref<!tpu.dma_semaphore, #tpu.memory_space<semaphore_mem>>, %arg12: memref<!tpu.dma_semaphore, #tpu.memory_space<semaphore_mem>>, %arg13: memref<!tpu.dma_semaphore, #tpu.memory_space<semaphore_mem>>, %arg14: memref<!tpu.dma_semaphore, #tpu.memory_space<semaphore_mem>>) attributes {dimension_semantics = [#tpu.dimension_semantics<core_parallel>, #tpu.dimension_semantics<subcore_parallel>], iteration_bounds = array<i64: 2, 16>, scalar_prefetch = 0 : i64, scratch_operands = 10 : i64, tpu.core_type = #tpu.core_type<sc_vector_subcore>, window_params = [{transform_indices = #map}, {transform_indices = #map1}, {transform_indices = #map2}]} {
    %mul3A = arith.constant 2 : i32
    %mul3A_0 = arith.muli %arg1, %mul3A : i32
    %add3A = arith.addi %mul3A_0, %arg0 : i32
    %mul3A_1 = arith.constant 128 : i32
    %mul3A_2 = arith.muli %add3A, %mul3A_1 : i32
    "tpu.region"() ({
      %run_scoped3A = tpu.sem_alloc : memref<!tpu.dma_semaphore, #tpu.memory_space<semaphore_mem>>
      %dma_start3A = arith.constant 0 : i32
      %dma_start3A_62 = tpu.memref_slice %arg2[%mul3A_2, %dma_start3A] : memref<4096x512xf32, #tpu.memory_space<hbm>> -> memref<128x512xf32, #tpu.memory_space<hbm>>
      %dma_start3A_63 = arith.constant 0 : i32
      %dma_start3A_64 = tpu.memref_slice %arg2[%mul3A_2, %dma_start3A_63] : memref<4096x512xf32, #tpu.memory_space<hbm>> -> memref<128x512xf32, #tpu.memory_space<hbm>>
      tpu.enqueue_dma source(%dma_start3A_64 : memref<128x512xf32, #tpu.memory_space<hbm>>) target(%arg5 : memref<128x512xf32, #tpu.memory_space<vmem>>) target_semaphore(%run_scoped3A : memref<!tpu.dma_semaphore, #tpu.memory_space<semaphore_mem>>)
      %dma_wait3A_65 = arith.constant 0 : i32
      %dma_wait3A_66 = tpu.memref_slice %arg2[%mul3A_2, %dma_wait3A_65] : memref<4096x512xf32, #tpu.memory_space<hbm>> -> memref<128x512xf32, #tpu.memory_space<hbm>>
      %dma_wait3A_67 = arith.constant 0 : i32
      %dma_wait3A_68 = tpu.memref_slice %arg2[%mul3A_2, %dma_wait3A_67] : memref<4096x512xf32, #tpu.memory_space<hbm>> -> memref<128x512xf32, #tpu.memory_space<hbm>>
      tpu.wait_dma2 semaphore(%run_scoped3A : memref<!tpu.dma_semaphore, #tpu.memory_space<semaphore_mem>>) src(%dma_wait3A_68 : memref<128x512xf32, #tpu.memory_space<hbm>>) dst(%arg5 : memref<128x512xf32, #tpu.memory_space<vmem>>)
      tpu.yield
    }) : () -> ()
    "tpu.region"() ({
      %run_scoped3A = tpu.sem_alloc : memref<!tpu.dma_semaphore, #tpu.memory_space<semaphore_mem>>
      tpu.enqueue_dma source(%arg3 : memref<16384xi32, #tpu.memory_space<hbm>>) target(%arg6 : memref<16384xi32, #tpu.memory_space<vmem>>) target_semaphore(%run_scoped3A : memref<!tpu.dma_semaphore, #tpu.memory_space<semaphore_mem>>)
      tpu.wait_dma2 semaphore(%run_scoped3A : memref<!tpu.dma_semaphore, #tpu.memory_space<semaphore_mem>>) src(%arg3 : memref<16384xi32, #tpu.memory_space<hbm>>) dst(%arg6 : memref<16384xi32, #tpu.memory_space<vmem>>)
      tpu.yield
    }) : () -> ()
    %scan3A = arith.constant 0 : i32
    %scan3A_3 = arith.constant 64 : i32
    %scan3A_4 = arith.addi %scan3A, %scan3A_3 : i32
    %scan3A_5 = arith.constant 1 : i32
    scf.for %scan3A_62 = %scan3A to %scan3A_4 step %scan3A_5  : i32 {
      %mul3A_63 = arith.constant 4 : i32
      %mul3A_64 = arith.muli %scan3A_62, %mul3A_63 : i32
      %add3A_65 = arith.constant 0 : i32
      %add3A_66 = arith.addi %add3A_65, %mul3A_64 : i32
      %add3A_67 = arith.constant 0 : i32
      %add3A_68 = arith.addi %add3A_66, %add3A_67 : i32
      %jit3A = arith.constant 16 : i32
      %div3A = arith.divsi %add3A_68, %jit3A : i32
      %sign3A = arith.constant 0 : i32
      %sign3A_69 = arith.cmpi sgt, %add3A_68, %sign3A : i32
      %sign3A_70 = arith.extui %sign3A_69 : i1 to i32
      %sign3A_71 = arith.constant 0 : i32
      %sign3A_72 = arith.cmpi slt, %add3A_68, %sign3A_71 : i32
      %sign3A_73 = arith.extui %sign3A_72 : i1 to i32
      %sign3A_74 = arith.subi %sign3A_70, %sign3A_73 : i32
      %sign3A_75 = arith.constant 0 : i32
      %sign3A_76 = arith.cmpi sgt, %jit3A, %sign3A_75 : i32
      %sign3A_77 = arith.extui %sign3A_76 : i1 to i32
      %sign3A_78 = arith.constant 0 : i32
      %sign3A_79 = arith.cmpi slt, %jit3A, %sign3A_78 : i32
      %sign3A_80 = arith.extui %sign3A_79 : i1 to i32
      %sign3A_81 = arith.subi %sign3A_77, %sign3A_80 : i32
      %ne3A = arith.cmpi ne, %sign3A_74, %sign3A_81 : i32
      %rem3A = arith.remsi %add3A_68, %jit3A : i32
      %ne3A_82 = arith.constant 0 : i32
      %ne3A_83 = arith.cmpi ne, %rem3A, %ne3A_82 : i32
      %and3A = arith.andi %ne3A, %ne3A_83 : i1
      %sub3A = arith.constant 1 : i32
      %sub3A_84 = arith.subi %div3A, %sub3A : i32
      %select_n3A = arith.select %and3A, %sub3A_84, %div3A : i32
      %jit3A_85 = arith.constant 16 : i32
      %eq3A = arith.constant 0 : i32
      %eq3A_86 = arith.cmpi eq, %jit3A_85, %eq3A : i32
      %jit3A_87 = arith.constant 1 : i32
      %select_n3A_88 = arith.select %eq3A_86, %jit3A_87, %jit3A_85 : i32
      %rem3A_89 = arith.remsi %add3A_68, %select_n3A_88 : i32
      %ne3A_90 = arith.constant 0 : i32
      %ne3A_91 = arith.cmpi ne, %rem3A_89, %ne3A_90 : i32
      %lt3A = arith.constant 0 : i32
      %lt3A_92 = arith.cmpi slt, %rem3A_89, %lt3A : i32
      %lt3A_93 = arith.constant 0 : i32
      %lt3A_94 = arith.cmpi slt, %select_n3A_88, %lt3A_93 : i32
      %ne3A_95 = arith.xori %lt3A_92, %lt3A_94 : i1
      %and3A_96 = arith.andi %ne3A_95, %ne3A_91 : i1
      %add3A_97 = arith.addi %rem3A_89, %select_n3A_88 : i32
      %select_n3A_98 = arith.select %and3A_96, %add3A_97, %rem3A_89 : i32
      %mul3A_99 = arith.constant 16 : i32
      %mul3A_100 = arith.muli %add3A, %mul3A_99 : i32
      %add3A_101 = arith.addi %mul3A_100, %select_n3A : i32
      %mul3A_102 = arith.constant 8 : i32
      %mul3A_103 = arith.muli %select_n3A_98, %mul3A_102 : i32
      %ge3A = arith.constant 4 : i32
      %ge3A_104 = arith.cmpi sge, %add3A_68, %ge3A : i32
      %convert_element_type3A = arith.extui %ge3A_104 : i1 to i32
      %cond3A = arith.constant 0 : i32
      %cond3A_105 = arith.cmpi ne, %convert_element_type3A, %cond3A : i32
      scf.if %cond3A_105 {
        %dma_wait3A_471 = arith.constant 0 : i32
        %dma_wait3A_472 = arith.constant 0 : i32
        %dma_wait3A_473 = tpu.memref_slice %arg4[%add3A_101, %mul3A_103, %dma_wait3A_471, %dma_wait3A_472] : memref<512x128x8x128xf32, #tpu.memory_space<hbm>> -> memref<1x8x8x128xf32, #tpu.memory_space<hbm>>
        %dma_wait3A_474 = tpu.memref_squeeze %dma_wait3A_473 : memref<1x8x8x128xf32, #tpu.memory_space<hbm>> -> memref<8x8x128xf32, #tpu.memory_space<hbm>>
        %dma_wait3A_475 = arith.constant 0 : i32
        %dma_wait3A_476 = arith.constant 0 : i32
        %dma_wait3A_477 = tpu.memref_slice %arg4[%add3A_101, %mul3A_103, %dma_wait3A_475, %dma_wait3A_476] : memref<512x128x8x128xf32, #tpu.memory_space<hbm>> -> memref<1x8x8x128xf32, #tpu.memory_space<hbm>>
        %dma_wait3A_478 = tpu.memref_squeeze %dma_wait3A_477 : memref<1x8x8x128xf32, #tpu.memory_space<hbm>> -> memref<8x8x128xf32, #tpu.memory_space<hbm>>
        tpu.wait_dma2 semaphore(%arg11 : memref<!tpu.dma_semaphore, #tpu.memory_space<semaphore_mem>>) src(%arg7 : memref<8x8x128xf32, #tpu.memory_space<vmem>>) dst(%dma_wait3A_478 : memref<8x8x128xf32, #tpu.memory_space<hbm>>)
      } else {
      }
      %mul3A_106 = arith.constant 1024 : i32
      %mul3A_107 = arith.muli %select_n3A_98, %mul3A_106 : i32
      %mul3A_108 = arith.constant 8 : i32
      %mul3A_109 = arith.muli %select_n3A, %mul3A_108 : i32
      %add3A_110 = arith.constant 0 : i32
      %add3A_111 = arith.addi %mul3A_109, %add3A_110 : i32
      %broadcast_in_dim3A = vector.broadcast %add3A_111 : i32 to vector<16xi32>
      %mul3A_112 = arith.constant 8 : i32
      %mul3A_113 = arith.muli %select_n3A, %mul3A_112 : i32
      %add3A_114 = arith.constant 1 : i32
      %add3A_115 = arith.addi %mul3A_113, %add3A_114 : i32
      %broadcast_in_dim3A_116 = vector.broadcast %add3A_115 : i32 to vector<16xi32>
      %mul3A_117 = arith.constant 8 : i32
      %mul3A_118 = arith.muli %select_n3A, %mul3A_117 : i32
      %add3A_119 = arith.constant 2 : i32
      %add3A_120 = arith.addi %mul3A_118, %add3A_119 : i32
      %broadcast_in_dim3A_121 = vector.broadcast %add3A_120 : i32 to vector<16xi32>
      %mul3A_122 = arith.constant 8 : i32
      %mul3A_123 = arith.muli %select_n3A, %mul3A_122 : i32
      %add3A_124 = arith.constant 3 : i32
      %add3A_125 = arith.addi %mul3A_123, %add3A_124 : i32
      %broadcast_in_dim3A_126 = vector.broadcast %add3A_125 : i32 to vector<16xi32>
      %mul3A_127 = arith.constant 8 : i32
      %mul3A_128 = arith.muli %select_n3A, %mul3A_127 : i32
      %add3A_129 = arith.constant 4 : i32
      %add3A_130 = arith.addi %mul3A_128, %add3A_129 : i32
      %broadcast_in_dim3A_131 = vector.broadcast %add3A_130 : i32 to vector<16xi32>
      %mul3A_132 = arith.constant 8 : i32
      %mul3A_133 = arith.muli %select_n3A, %mul3A_132 : i32
      %add3A_134 = arith.constant 5 : i32
      %add3A_135 = arith.addi %mul3A_133, %add3A_134 : i32
      %broadcast_in_dim3A_136 = vector.broadcast %add3A_135 : i32 to vector<16xi32>
      %mul3A_137 = arith.constant 8 : i32
      %mul3A_138 = arith.muli %select_n3A, %mul3A_137 : i32
      %add3A_139 = arith.constant 6 : i32
      %add3A_140 = arith.addi %mul3A_138, %add3A_139 : i32
      %broadcast_in_dim3A_141 = vector.broadcast %add3A_140 : i32 to vector<16xi32>
      %mul3A_142 = arith.constant 8 : i32
      %mul3A_143 = arith.muli %select_n3A, %mul3A_142 : i32
      %add3A_144 = arith.constant 7 : i32
      %add3A_145 = arith.addi %mul3A_143, %add3A_144 : i32
      %broadcast_in_dim3A_146 = vector.broadcast %add3A_145 : i32 to vector<16xi32>
      %parallel_loop3A = arith.constant 0 : i32
      %parallel_loop3A_147 = arith.constant 64 : i32
      %parallel_loop3A_148 = arith.constant 1 : i32
      scf.for %parallel_loop3A_471 = %parallel_loop3A to %parallel_loop3A_147 step %parallel_loop3A_148  : i32 {
        %parallel_loop3A_472 = arith.constant 16 : i32
        %parallel_loop3A_473 = arith.muli %parallel_loop3A_471, %parallel_loop3A_472 : i32
        %parallel_loop3A_474 = arith.addi %mul3A_107, %parallel_loop3A_473 : i32
        %parallel_loop3A_475 = arith.index_cast %parallel_loop3A_474 : i32 to index
        %parallel_loop3A_476 = tpu.vector_load %arg6[%parallel_loop3A_475] {strides = array<i32>} : memref<16384xi32, #tpu.memory_space<vmem>>, vector<16xi32>,
        %parallel_loop3A_477 = tpu.vector_load_idx %arg5[%broadcast_in_dim3A, %parallel_loop3A_476] : memref<128x512xf32, #tpu.memory_space<vmem>>[vector<16xi32>, vector<16xi32>], vector<16xf32>,
        %parallel_loop3A_478 = arith.constant 8 : i32
        %parallel_loop3A_479 = arith.divsi %parallel_loop3A_471, %parallel_loop3A_478 : i32
        %parallel_loop3A_480 = arith.constant 0 : i32
        %parallel_loop3A_481 = arith.cmpi sgt, %parallel_loop3A_471, %parallel_loop3A_480 : i32
        %parallel_loop3A_482 = arith.extui %parallel_loop3A_481 : i1 to i32
        %parallel_loop3A_483 = arith.constant 0 : i32
        %parallel_loop3A_484 = arith.cmpi slt, %parallel_loop3A_471, %parallel_loop3A_483 : i32
        %parallel_loop3A_485 = arith.extui %parallel_loop3A_484 : i1 to i32
        %parallel_loop3A_486 = arith.subi %parallel_loop3A_482, %parallel_loop3A_485 : i32
        %parallel_loop3A_487 = arith.constant 0 : i32
        %parallel_loop3A_488 = arith.cmpi sgt, %parallel_loop3A_478, %parallel_loop3A_487 : i32
        %parallel_loop3A_489 = arith.extui %parallel_loop3A_488 : i1 to i32
        %parallel_loop3A_490 = arith.constant 0 : i32
        %parallel_loop3A_491 = arith.cmpi slt, %parallel_loop3A_478, %parallel_loop3A_490 : i32
        %parallel_loop3A_492 = arith.extui %parallel_loop3A_491 : i1 to i32
        %parallel_loop3A_493 = arith.subi %parallel_loop3A_489, %parallel_loop3A_492 : i32
        %parallel_loop3A_494 = arith.cmpi ne, %parallel_loop3A_486, %parallel_loop3A_493 : i32
        %parallel_loop3A_495 = arith.remsi %parallel_loop3A_471, %parallel_loop3A_478 : i32
        %parallel_loop3A_496 = arith.constant 0 : i32
        %parallel_loop3A_497 = arith.cmpi ne, %parallel_loop3A_495, %parallel_loop3A_496 : i32
        %parallel_loop3A_498 = arith.andi %parallel_loop3A_494, %parallel_loop3A_497 : i1
        %parallel_loop3A_499 = arith.constant 1 : i32
        %parallel_loop3A_500 = arith.subi %parallel_loop3A_479, %parallel_loop3A_499 : i32
        %parallel_loop3A_501 = arith.select %parallel_loop3A_498, %parallel_loop3A_500, %parallel_loop3A_479 : i32
        %parallel_loop3A_502 = arith.constant 8 : i32
        %parallel_loop3A_503 = arith.constant 0 : i32
        %parallel_loop3A_504 = arith.cmpi eq, %parallel_loop3A_502, %parallel_loop3A_503 : i32
        %parallel_loop3A_505 = arith.constant 1 : i32
        %parallel_loop3A_506 = arith.select %parallel_loop3A_504, %parallel_loop3A_505, %parallel_loop3A_502 : i32
        %parallel_loop3A_507 = arith.remsi %parallel_loop3A_471, %parallel_loop3A_506 : i32
        %parallel_loop3A_508 = arith.constant 0 : i32
        %parallel_loop3A_509 = arith.cmpi ne, %parallel_loop3A_507, %parallel_loop3A_508 : i32
        %parallel_loop3A_510 = arith.constant 0 : i32
        %parallel_loop3A_511 = arith.cmpi slt, %parallel_loop3A_507, %parallel_loop3A_510 : i32
        %parallel_loop3A_512 = arith.constant 0 : i32
        %parallel_loop3A_513 = arith.cmpi slt, %parallel_loop3A_506, %parallel_loop3A_512 : i32
        %parallel_loop3A_514 = arith.xori %parallel_loop3A_511, %parallel_loop3A_513 : i1
        %parallel_loop3A_515 = arith.andi %parallel_loop3A_514, %parallel_loop3A_509 : i1
        %parallel_loop3A_516 = arith.addi %parallel_loop3A_507, %parallel_loop3A_506 : i32
        %parallel_loop3A_517 = arith.select %parallel_loop3A_515, %parallel_loop3A_516, %parallel_loop3A_507 : i32
        %parallel_loop3A_518 = arith.constant 16 : i32
        %parallel_loop3A_519 = arith.muli %parallel_loop3A_517, %parallel_loop3A_518 : i32
        %parallel_loop3A_520 = arith.constant 0 : i32
        %parallel_loop3A_521 = arith.index_cast %parallel_loop3A_501 : i32 to index
        %parallel_loop3A_522 = arith.index_cast %parallel_loop3A_520 : i32 to index
        %parallel_loop3A_523 = arith.index_cast %parallel_loop3A_519 : i32 to index
        %parallel_loop3A_524 = tpu.vector_load %arg7[%parallel_loop3A_521, %parallel_loop3A_522, %parallel_loop3A_523] {strides = array<i32>} : memref<8x8x128xf32, #tpu.memory_space<vmem>>, vector<16xf32>,
        tpu.vector_store %arg7[%parallel_loop3A_521, %parallel_loop3A_522, %parallel_loop3A_523], %parallel_loop3A_477 {strides = array<i32>} : memref<8x8x128xf32, #tpu.memory_space<vmem>>, vector<16xf32>,
        %parallel_loop3A_525 = tpu.vector_load_idx %arg5[%broadcast_in_dim3A_116, %parallel_loop3A_476] : memref<128x512xf32, #tpu.memory_space<vmem>>[vector<16xi32>, vector<16xi32>], vector<16xf32>,
        %parallel_loop3A_526 = arith.constant 8 : i32
        %parallel_loop3A_527 = arith.divsi %parallel_loop3A_471, %parallel_loop3A_526 : i32
        %parallel_loop3A_528 = arith.constant 0 : i32
        %parallel_loop3A_529 = arith.cmpi sgt, %parallel_loop3A_471, %parallel_loop3A_528 : i32
        %parallel_loop3A_530 = arith.extui %parallel_loop3A_529 : i1 to i32
        %parallel_loop3A_531 = arith.constant 0 : i32
        %parallel_loop3A_532 = arith.cmpi slt, %parallel_loop3A_471, %parallel_loop3A_531 : i32
        %parallel_loop3A_533 = arith.extui %parallel_loop3A_532 : i1 to i32
        %parallel_loop3A_534 = arith.subi %parallel_loop3A_530, %parallel_loop3A_533 : i32
        %parallel_loop3A_535 = arith.constant 0 : i32
        %parallel_loop3A_536 = arith.cmpi sgt, %parallel_loop3A_526, %parallel_loop3A_535 : i32
        %parallel_loop3A_537 = arith.extui %parallel_loop3A_536 : i1 to i32
        %parallel_loop3A_538 = arith.constant 0 : i32
        %parallel_loop3A_539 = arith.cmpi slt, %parallel_loop3A_526, %parallel_loop3A_538 : i32
        %parallel_loop3A_540 = arith.extui %parallel_loop3A_539 : i1 to i32
        %parallel_loop3A_541 = arith.subi %parallel_loop3A_537, %parallel_loop3A_540 : i32
        %parallel_loop3A_542 = arith.cmpi ne, %parallel_loop3A_534, %parallel_loop3A_541 : i32
        %parallel_loop3A_543 = arith.remsi %parallel_loop3A_471, %parallel_loop3A_526 : i32
        %parallel_loop3A_544 = arith.constant 0 : i32
        %parallel_loop3A_545 = arith.cmpi ne, %parallel_loop3A_543, %parallel_loop3A_544 : i32
        %parallel_loop3A_546 = arith.andi %parallel_loop3A_542, %parallel_loop3A_545 : i1
        %parallel_loop3A_547 = arith.constant 1 : i32
        %parallel_loop3A_548 = arith.subi %parallel_loop3A_527, %parallel_loop3A_547 : i32
        %parallel_loop3A_549 = arith.select %parallel_loop3A_546, %parallel_loop3A_548, %parallel_loop3A_527 : i32
        %parallel_loop3A_550 = arith.constant 8 : i32
        %parallel_loop3A_551 = arith.constant 0 : i32
        %parallel_loop3A_552 = arith.cmpi eq, %parallel_loop3A_550, %parallel_loop3A_551 : i32
        %parallel_loop3A_553 = arith.constant 1 : i32
        %parallel_loop3A_554 = arith.select %parallel_loop3A_552, %parallel_loop3A_553, %parallel_loop3A_550 : i32
        %parallel_loop3A_555 = arith.remsi %parallel_loop3A_471, %parallel_loop3A_554 : i32
        %parallel_loop3A_556 = arith.constant 0 : i32
        %parallel_loop3A_557 = arith.cmpi ne, %parallel_loop3A_555, %parallel_loop3A_556 : i32
        %parallel_loop3A_558 = arith.constant 0 : i32
        %parallel_loop3A_559 = arith.cmpi slt, %parallel_loop3A_555, %parallel_loop3A_558 : i32
        %parallel_loop3A_560 = arith.constant 0 : i32
        %parallel_loop3A_561 = arith.cmpi slt, %parallel_loop3A_554, %parallel_loop3A_560 : i32
        %parallel_loop3A_562 = arith.xori %parallel_loop3A_559, %parallel_loop3A_561 : i1
        %parallel_loop3A_563 = arith.andi %parallel_loop3A_562, %parallel_loop3A_557 : i1
        %parallel_loop3A_564 = arith.addi %parallel_loop3A_555, %parallel_loop3A_554 : i32
        %parallel_loop3A_565 = arith.select %parallel_loop3A_563, %parallel_loop3A_564, %parallel_loop3A_555 : i32
        %parallel_loop3A_566 = arith.constant 16 : i32
        %parallel_loop3A_567 = arith.muli %parallel_loop3A_565, %parallel_loop3A_566 : i32
        %parallel_loop3A_568 = arith.constant 1 : i32
        %parallel_loop3A_569 = arith.index_cast %parallel_loop3A_549 : i32 to index
        %parallel_loop3A_570 = arith.index_cast %parallel_loop3A_568 : i32 to index
        %parallel_loop3A_571 = arith.index_cast %parallel_loop3A_567 : i32 to index
        %parallel_loop3A_572 = tpu.vector_load %arg7[%parallel_loop3A_569, %parallel_loop3A_570, %parallel_loop3A_571] {strides = array<i32>} : memref<8x8x128xf32, #tpu.memory_space<vmem>>, vector<16xf32>,
        tpu.vector_store %arg7[%parallel_loop3A_569, %parallel_loop3A_570, %parallel_loop3A_571], %parallel_loop3A_525 {strides = array<i32>} : memref<8x8x128xf32, #tpu.memory_space<vmem>>, vector<16xf32>,
        %parallel_loop3A_573 = tpu.vector_load_idx %arg5[%broadcast_in_dim3A_121, %parallel_loop3A_476] : memref<128x512xf32, #tpu.memory_space<vmem>>[vector<16xi32>, vector<16xi32>], vector<16xf32>,
        %parallel_loop3A_574 = arith.constant 8 : i32
        %parallel_loop3A_575 = arith.divsi %parallel_loop3A_471, %parallel_loop3A_574 : i32
        %parallel_loop3A_576 = arith.constant 0 : i32
        %parallel_loop3A_577 = arith.cmpi sgt, %parallel_loop3A_471, %parallel_loop3A_576 : i32
        %parallel_loop3A_578 = arith.extui %parallel_loop3A_577 : i1 to i32
        %parallel_loop3A_579 = arith.constant 0 : i32
        %parallel_loop3A_580 = arith.cmpi slt, %parallel_loop3A_471, %parallel_loop3A_579 : i32
        %parallel_loop3A_581 = arith.extui %parallel_loop3A_580 : i1 to i32
        %parallel_loop3A_582 = arith.subi %parallel_loop3A_578, %parallel_loop3A_581 : i32
        %parallel_loop3A_583 = arith.constant 0 : i32
        %parallel_loop3A_584 = arith.cmpi sgt, %parallel_loop3A_574, %parallel_loop3A_583 : i32
        %parallel_loop3A_585 = arith.extui %parallel_loop3A_584 : i1 to i32
        %parallel_loop3A_586 = arith.constant 0 : i32
        %parallel_loop3A_587 = arith.cmpi slt, %parallel_loop3A_574, %parallel_loop3A_586 : i32
        %parallel_loop3A_588 = arith.extui %parallel_loop3A_587 : i1 to i32
        %parallel_loop3A_589 = arith.subi %parallel_loop3A_585, %parallel_loop3A_588 : i32
        %parallel_loop3A_590 = arith.cmpi ne, %parallel_loop3A_582, %parallel_loop3A_589 : i32
        %parallel_loop3A_591 = arith.remsi %parallel_loop3A_471, %parallel_loop3A_574 : i32
        %parallel_loop3A_592 = arith.constant 0 : i32
        %parallel_loop3A_593 = arith.cmpi ne, %parallel_loop3A_591, %parallel_loop3A_592 : i32
        %parallel_loop3A_594 = arith.andi %parallel_loop3A_590, %parallel_loop3A_593 : i1
        %parallel_loop3A_595 = arith.constant 1 : i32
        %parallel_loop3A_596 = arith.subi %parallel_loop3A_575, %parallel_loop3A_595 : i32
        %parallel_loop3A_597 = arith.select %parallel_loop3A_594, %parallel_loop3A_596, %parallel_loop3A_575 : i32
        %parallel_loop3A_598 = arith.constant 8 : i32
        %parallel_loop3A_599 = arith.constant 0 : i32
        %parallel_loop3A_600 = arith.cmpi eq, %parallel_loop3A_598, %parallel_loop3A_599 : i32
        %parallel_loop3A_601 = arith.constant 1 : i32
        %parallel_loop3A_602 = arith.select %parallel_loop3A_600, %parallel_loop3A_601, %parallel_loop3A_598 : i32
        %parallel_loop3A_603 = arith.remsi %parallel_loop3A_471, %parallel_loop3A_602 : i32
        %parallel_loop3A_604 = arith.constant 0 : i32
        %parallel_loop3A_605 = arith.cmpi ne, %parallel_loop3A_603, %parallel_loop3A_604 : i32
        %parallel_loop3A_606 = arith.constant 0 : i32
        %parallel_loop3A_607 = arith.cmpi slt, %parallel_loop3A_603, %parallel_loop3A_606 : i32
        %parallel_loop3A_608 = arith.constant 0 : i32
        %parallel_loop3A_609 = arith.cmpi slt, %parallel_loop3A_602, %parallel_loop3A_608 : i32
        %parallel_loop3A_610 = arith.xori %parallel_loop3A_607, %parallel_loop3A_609 : i1
        %parallel_loop3A_611 = arith.andi %parallel_loop3A_610, %parallel_loop3A_605 : i1
        %parallel_loop3A_612 = arith.addi %parallel_loop3A_603, %parallel_loop3A_602 : i32
        %parallel_loop3A_613 = arith.select %parallel_loop3A_611, %parallel_loop3A_612, %parallel_loop3A_603 : i32
        %parallel_loop3A_614 = arith.constant 16 : i32
        %parallel_loop3A_615 = arith.muli %parallel_loop3A_613, %parallel_loop3A_614 : i32
        %parallel_loop3A_616 = arith.constant 2 : i32
        %parallel_loop3A_617 = arith.index_cast %parallel_loop3A_597 : i32 to index
        %parallel_loop3A_618 = arith.index_cast %parallel_loop3A_616 : i32 to index
        %parallel_loop3A_619 = arith.index_cast %parallel_loop3A_615 : i32 to index
        %parallel_loop3A_620 = tpu.vector_load %arg7[%parallel_loop3A_617, %parallel_loop3A_618, %parallel_loop3A_619] {strides = array<i32>} : memref<8x8x128xf32, #tpu.memory_space<vmem>>, vector<16xf32>,
        tpu.vector_store %arg7[%parallel_loop3A_617, %parallel_loop3A_618, %parallel_loop3A_619], %parallel_loop3A_573 {strides = array<i32>} : memref<8x8x128xf32, #tpu.memory_space<vmem>>, vector<16xf32>,
        %parallel_loop3A_621 = tpu.vector_load_idx %arg5[%broadcast_in_dim3A_126, %parallel_loop3A_476] : memref<128x512xf32, #tpu.memory_space<vmem>>[vector<16xi32>, vector<16xi32>], vector<16xf32>,
        %parallel_loop3A_622 = arith.constant 8 : i32
        %parallel_loop3A_623 = arith.divsi %parallel_loop3A_471, %parallel_loop3A_622 : i32
        %parallel_loop3A_624 = arith.constant 0 : i32
        %parallel_loop3A_625 = arith.cmpi sgt, %parallel_loop3A_471, %parallel_loop3A_624 : i32
        %parallel_loop3A_626 = arith.extui %parallel_loop3A_625 : i1 to i32
        %parallel_loop3A_627 = arith.constant 0 : i32
        %parallel_loop3A_628 = arith.cmpi slt, %parallel_loop3A_471, %parallel_loop3A_627 : i32
        %parallel_loop3A_629 = arith.extui %parallel_loop3A_628 : i1 to i32
        %parallel_loop3A_630 = arith.subi %parallel_loop3A_626, %parallel_loop3A_629 : i32
        %parallel_loop3A_631 = arith.constant 0 : i32
        %parallel_loop3A_632 = arith.cmpi sgt, %parallel_loop3A_622, %parallel_loop3A_631 : i32
        %parallel_loop3A_633 = arith.extui %parallel_loop3A_632 : i1 to i32
        %parallel_loop3A_634 = arith.constant 0 : i32
        %parallel_loop3A_635 = arith.cmpi slt, %parallel_loop3A_622, %parallel_loop3A_634 : i32
        %parallel_loop3A_636 = arith.extui %parallel_loop3A_635 : i1 to i32
        %parallel_loop3A_637 = arith.subi %parallel_loop3A_633, %parallel_loop3A_636 : i32
        %parallel_loop3A_638 = arith.cmpi ne, %parallel_loop3A_630, %parallel_loop3A_637 : i32
        %parallel_loop3A_639 = arith.remsi %parallel_loop3A_471, %parallel_loop3A_622 : i32
        %parallel_loop3A_640 = arith.constant 0 : i32
        %parallel_loop3A_641 = arith.cmpi ne, %parallel_loop3A_639, %parallel_loop3A_640 : i32
        %parallel_loop3A_642 = arith.andi %parallel_loop3A_638, %parallel_loop3A_641 : i1
        %parallel_loop3A_643 = arith.constant 1 : i32
        %parallel_loop3A_644 = arith.subi %parallel_loop3A_623, %parallel_loop3A_643 : i32
        %parallel_loop3A_645 = arith.select %parallel_loop3A_642, %parallel_loop3A_644, %parallel_loop3A_623 : i32
        %parallel_loop3A_646 = arith.constant 8 : i32
        %parallel_loop3A_647 = arith.constant 0 : i32
        %parallel_loop3A_648 = arith.cmpi eq, %parallel_loop3A_646, %parallel_loop3A_647 : i32
        %parallel_loop3A_649 = arith.constant 1 : i32
        %parallel_loop3A_650 = arith.select %parallel_loop3A_648, %parallel_loop3A_649, %parallel_loop3A_646 : i32
        %parallel_loop3A_651 = arith.remsi %parallel_loop3A_471, %parallel_loop3A_650 : i32
        %parallel_loop3A_652 = arith.constant 0 : i32
        %parallel_loop3A_653 = arith.cmpi ne, %parallel_loop3A_651, %parallel_loop3A_652 : i32
        %parallel_loop3A_654 = arith.constant 0 : i32
        %parallel_loop3A_655 = arith.cmpi slt, %parallel_loop3A_651, %parallel_loop3A_654 : i32
        %parallel_loop3A_656 = arith.constant 0 : i32
        %parallel_loop3A_657 = arith.cmpi slt, %parallel_loop3A_650, %parallel_loop3A_656 : i32
        %parallel_loop3A_658 = arith.xori %parallel_loop3A_655, %parallel_loop3A_657 : i1
        %parallel_loop3A_659 = arith.andi %parallel_loop3A_658, %parallel_loop3A_653 : i1
        %parallel_loop3A_660 = arith.addi %parallel_loop3A_651, %parallel_loop3A_650 : i32
        %parallel_loop3A_661 = arith.select %parallel_loop3A_659, %parallel_loop3A_660, %parallel_loop3A_651 : i32
        %parallel_loop3A_662 = arith.constant 16 : i32
        %parallel_loop3A_663 = arith.muli %parallel_loop3A_661, %parallel_loop3A_662 : i32
        %parallel_loop3A_664 = arith.constant 3 : i32
        %parallel_loop3A_665 = arith.index_cast %parallel_loop3A_645 : i32 to index
        %parallel_loop3A_666 = arith.index_cast %parallel_loop3A_664 : i32 to index
        %parallel_loop3A_667 = arith.index_cast %parallel_loop3A_663 : i32 to index
        %parallel_loop3A_668 = tpu.vector_load %arg7[%parallel_loop3A_665, %parallel_loop3A_666, %parallel_loop3A_667] {strides = array<i32>} : memref<8x8x128xf32, #tpu.memory_space<vmem>>, vector<16xf32>,
        tpu.vector_store %arg7[%parallel_loop3A_665, %parallel_loop3A_666, %parallel_loop3A_667], %parallel_loop3A_621 {strides = array<i32>} : memref<8x8x128xf32, #tpu.memory_space<vmem>>, vector<16xf32>,
        %parallel_loop3A_669 = tpu.vector_load_idx %arg5[%broadcast_in_dim3A_131, %parallel_loop3A_476] : memref<128x512xf32, #tpu.memory_space<vmem>>[vector<16xi32>, vector<16xi32>], vector<16xf32>,
        %parallel_loop3A_670 = arith.constant 8 : i32
        %parallel_loop3A_671 = arith.divsi %parallel_loop3A_471, %parallel_loop3A_670 : i32
        %parallel_loop3A_672 = arith.constant 0 : i32
        %parallel_loop3A_673 = arith.cmpi sgt, %parallel_loop3A_471, %parallel_loop3A_672 : i32
        %parallel_loop3A_674 = arith.extui %parallel_loop3A_673 : i1 to i32
        %parallel_loop3A_675 = arith.constant 0 : i32
        %parallel_loop3A_676 = arith.cmpi slt, %parallel_loop3A_471, %parallel_loop3A_675 : i32
        %parallel_loop3A_677 = arith.extui %parallel_loop3A_676 : i1 to i32
        %parallel_loop3A_678 = arith.subi %parallel_loop3A_674, %parallel_loop3A_677 : i32
        %parallel_loop3A_679 = arith.constant 0 : i32
        %parallel_loop3A_680 = arith.cmpi sgt, %parallel_loop3A_670, %parallel_loop3A_679 : i32
        %parallel_loop3A_681 = arith.extui %parallel_loop3A_680 : i1 to i32
        %parallel_loop3A_682 = arith.constant 0 : i32
        %parallel_loop3A_683 = arith.cmpi slt, %parallel_loop3A_670, %parallel_loop3A_682 : i32
        %parallel_loop3A_684 = arith.extui %parallel_loop3A_683 : i1 to i32
        %parallel_loop3A_685 = arith.subi %parallel_loop3A_681, %parallel_loop3A_684 : i32
        %parallel_loop3A_686 = arith.cmpi ne, %parallel_loop3A_678, %parallel_loop3A_685 : i32
        %parallel_loop3A_687 = arith.remsi %parallel_loop3A_471, %parallel_loop3A_670 : i32
        %parallel_loop3A_688 = arith.constant 0 : i32
        %parallel_loop3A_689 = arith.cmpi ne, %parallel_loop3A_687, %parallel_loop3A_688 : i32
        %parallel_loop3A_690 = arith.andi %parallel_loop3A_686, %parallel_loop3A_689 : i1
        %parallel_loop3A_691 = arith.constant 1 : i32
        %parallel_loop3A_692 = arith.subi %parallel_loop3A_671, %parallel_loop3A_691 : i32
        %parallel_loop3A_693 = arith.select %parallel_loop3A_690, %parallel_loop3A_692, %parallel_loop3A_671 : i32
        %parallel_loop3A_694 = arith.constant 8 : i32
        %parallel_loop3A_695 = arith.constant 0 : i32
        %parallel_loop3A_696 = arith.cmpi eq, %parallel_loop3A_694, %parallel_loop3A_695 : i32
        %parallel_loop3A_697 = arith.constant 1 : i32
        %parallel_loop3A_698 = arith.select %parallel_loop3A_696, %parallel_loop3A_697, %parallel_loop3A_694 : i32
        %parallel_loop3A_699 = arith.remsi %parallel_loop3A_471, %parallel_loop3A_698 : i32
        %parallel_loop3A_700 = arith.constant 0 : i32
        %parallel_loop3A_701 = arith.cmpi ne, %parallel_loop3A_699, %parallel_loop3A_700 : i32
        %parallel_loop3A_702 = arith.constant 0 : i32
        %parallel_loop3A_703 = arith.cmpi slt, %parallel_loop3A_699, %parallel_loop3A_702 : i32
        %parallel_loop3A_704 = arith.constant 0 : i32
        %parallel_loop3A_705 = arith.cmpi slt, %parallel_loop3A_698, %parallel_loop3A_704 : i32
        %parallel_loop3A_706 = arith.xori %parallel_loop3A_703, %parallel_loop3A_705 : i1
        %parallel_loop3A_707 = arith.andi %parallel_loop3A_706, %parallel_loop3A_701 : i1
        %parallel_loop3A_708 = arith.addi %parallel_loop3A_699, %parallel_loop3A_698 : i32
        %parallel_loop3A_709 = arith.select %parallel_loop3A_707, %parallel_loop3A_708, %parallel_loop3A_699 : i32
        %parallel_loop3A_710 = arith.constant 16 : i32
        %parallel_loop3A_711 = arith.muli %parallel_loop3A_709, %parallel_loop3A_710 : i32
        %parallel_loop3A_712 = arith.constant 4 : i32
        %parallel_loop3A_713 = arith.index_cast %parallel_loop3A_693 : i32 to index
        %parallel_loop3A_714 = arith.index_cast %parallel_loop3A_712 : i32 to index
        %parallel_loop3A_715 = arith.index_cast %parallel_loop3A_711 : i32 to index
        %parallel_loop3A_716 = tpu.vector_load %arg7[%parallel_loop3A_713, %parallel_loop3A_714, %parallel_loop3A_715] {strides = array<i32>} : memref<8x8x128xf32, #tpu.memory_space<vmem>>, vector<16xf32>,
        tpu.vector_store %arg7[%parallel_loop3A_713, %parallel_loop3A_714, %parallel_loop3A_715], %parallel_loop3A_669 {strides = array<i32>} : memref<8x8x128xf32, #tpu.memory_space<vmem>>, vector<16xf32>,
        %parallel_loop3A_717 = tpu.vector_load_idx %arg5[%broadcast_in_dim3A_136, %parallel_loop3A_476] : memref<128x512xf32, #tpu.memory_space<vmem>>[vector<16xi32>, vector<16xi32>], vector<16xf32>,
        %parallel_loop3A_718 = arith.constant 8 : i32
        %parallel_loop3A_719 = arith.divsi %parallel_loop3A_471, %parallel_loop3A_718 : i32
        %parallel_loop3A_720 = arith.constant 0 : i32
        %parallel_loop3A_721 = arith.cmpi sgt, %parallel_loop3A_471, %parallel_loop3A_720 : i32
        %parallel_loop3A_722 = arith.extui %parallel_loop3A_721 : i1 to i32
        %parallel_loop3A_723 = arith.constant 0 : i32
        %parallel_loop3A_724 = arith.cmpi slt, %parallel_loop3A_471, %parallel_loop3A_723 : i32
        %parallel_loop3A_725 = arith.extui %parallel_loop3A_724 : i1 to i32
        %parallel_loop3A_726 = arith.subi %parallel_loop3A_722, %parallel_loop3A_725 : i32
        %parallel_loop3A_727 = arith.constant 0 : i32
        %parallel_loop3A_728 = arith.cmpi sgt, %parallel_loop3A_718, %parallel_loop3A_727 : i32
        %parallel_loop3A_729 = arith.extui %parallel_loop3A_728 : i1 to i32
        %parallel_loop3A_730 = arith.constant 0 : i32
        %parallel_loop3A_731 = arith.cmpi slt, %parallel_loop3A_718, %parallel_loop3A_730 : i32
        %parallel_loop3A_732 = arith.extui %parallel_loop3A_731 : i1 to i32
        %parallel_loop3A_733 = arith.subi %parallel_loop3A_729, %parallel_loop3A_732 : i32
        %parallel_loop3A_734 = arith.cmpi ne, %parallel_loop3A_726, %parallel_loop3A_733 : i32
        %parallel_loop3A_735 = arith.remsi %parallel_loop3A_471, %parallel_loop3A_718 : i32
        %parallel_loop3A_736 = arith.constant 0 : i32
        %parallel_loop3A_737 = arith.cmpi ne, %parallel_loop3A_735, %parallel_loop3A_736 : i32
        %parallel_loop3A_738 = arith.andi %parallel_loop3A_734, %parallel_loop3A_737 : i1
        %parallel_loop3A_739 = arith.constant 1 : i32
        %parallel_loop3A_740 = arith.subi %parallel_loop3A_719, %parallel_loop3A_739 : i32
        %parallel_loop3A_741 = arith.select %parallel_loop3A_738, %parallel_loop3A_740, %parallel_loop3A_719 : i32
        %parallel_loop3A_742 = arith.constant 8 : i32
        %parallel_loop3A_743 = arith.constant 0 : i32
        %parallel_loop3A_744 = arith.cmpi eq, %parallel_loop3A_742, %parallel_loop3A_743 : i32
        %parallel_loop3A_745 = arith.constant 1 : i32
        %parallel_loop3A_746 = arith.select %parallel_loop3A_744, %parallel_loop3A_745, %parallel_loop3A_742 : i32
        %parallel_loop3A_747 = arith.remsi %parallel_loop3A_471, %parallel_loop3A_746 : i32
        %parallel_loop3A_748 = arith.constant 0 : i32
        %parallel_loop3A_749 = arith.cmpi ne, %parallel_loop3A_747, %parallel_loop3A_748 : i32
        %parallel_loop3A_750 = arith.constant 0 : i32
        %parallel_loop3A_751 = arith.cmpi slt, %parallel_loop3A_747, %parallel_loop3A_750 : i32
        %parallel_loop3A_752 = arith.constant 0 : i32
        %parallel_loop3A_753 = arith.cmpi slt, %parallel_loop3A_746, %parallel_loop3A_752 : i32
        %parallel_loop3A_754 = arith.xori %parallel_loop3A_751, %parallel_loop3A_753 : i1
        %parallel_loop3A_755 = arith.andi %parallel_loop3A_754, %parallel_loop3A_749 : i1
        %parallel_loop3A_756 = arith.addi %parallel_loop3A_747, %parallel_loop3A_746 : i32
        %parallel_loop3A_757 = arith.select %parallel_loop3A_755, %parallel_loop3A_756, %parallel_loop3A_747 : i32
        %parallel_loop3A_758 = arith.constant 16 : i32
        %parallel_loop3A_759 = arith.muli %parallel_loop3A_757, %parallel_loop3A_758 : i32
        %parallel_loop3A_760 = arith.constant 5 : i32
        %parallel_loop3A_761 = arith.index_cast %parallel_loop3A_741 : i32 to index
        %parallel_loop3A_762 = arith.index_cast %parallel_loop3A_760 : i32 to index
        %parallel_loop3A_763 = arith.index_cast %parallel_loop3A_759 : i32 to index
        %parallel_loop3A_764 = tpu.vector_load %arg7[%parallel_loop3A_761, %parallel_loop3A_762, %parallel_loop3A_763] {strides = array<i32>} : memref<8x8x128xf32, #tpu.memory_space<vmem>>, vector<16xf32>,
        tpu.vector_store %arg7[%parallel_loop3A_761, %parallel_loop3A_762, %parallel_loop3A_763], %parallel_loop3A_717 {strides = array<i32>} : memref<8x8x128xf32, #tpu.memory_space<vmem>>, vector<16xf32>,
        %parallel_loop3A_765 = tpu.vector_load_idx %arg5[%broadcast_in_dim3A_141, %parallel_loop3A_476] : memref<128x512xf32, #tpu.memory_space<vmem>>[vector<16xi32>, vector<16xi32>], vector<16xf32>,
        %parallel_loop3A_766 = arith.constant 8 : i32
        %parallel_loop3A_767 = arith.divsi %parallel_loop3A_471, %parallel_loop3A_766 : i32
        %parallel_loop3A_768 = arith.constant 0 : i32
        %parallel_loop3A_769 = arith.cmpi sgt, %parallel_loop3A_471, %parallel_loop3A_768 : i32
        %parallel_loop3A_770 = arith.extui %parallel_loop3A_769 : i1 to i32
        %parallel_loop3A_771 = arith.constant 0 : i32
        %parallel_loop3A_772 = arith.cmpi slt, %parallel_loop3A_471, %parallel_loop3A_771 : i32
        %parallel_loop3A_773 = arith.extui %parallel_loop3A_772 : i1 to i32
        %parallel_loop3A_774 = arith.subi %parallel_loop3A_770, %parallel_loop3A_773 : i32
        %parallel_loop3A_775 = arith.constant 0 : i32
        %parallel_loop3A_776 = arith.cmpi sgt, %parallel_loop3A_766, %parallel_loop3A_775 : i32
        %parallel_loop3A_777 = arith.extui %parallel_loop3A_776 : i1 to i32
        %parallel_loop3A_778 = arith.constant 0 : i32
        %parallel_loop3A_779 = arith.cmpi slt, %parallel_loop3A_766, %parallel_loop3A_778 : i32
        %parallel_loop3A_780 = arith.extui %parallel_loop3A_779 : i1 to i32
        %parallel_loop3A_781 = arith.subi %parallel_loop3A_777, %parallel_loop3A_780 : i32
        %parallel_loop3A_782 = arith.cmpi ne, %parallel_loop3A_774, %parallel_loop3A_781 : i32
        %parallel_loop3A_783 = arith.remsi %parallel_loop3A_471, %parallel_loop3A_766 : i32
        %parallel_loop3A_784 = arith.constant 0 : i32
        %parallel_loop3A_785 = arith.cmpi ne, %parallel_loop3A_783, %parallel_loop3A_784 : i32
        %parallel_loop3A_786 = arith.andi %parallel_loop3A_782, %parallel_loop3A_785 : i1
        %parallel_loop3A_787 = arith.constant 1 : i32
        %parallel_loop3A_788 = arith.subi %parallel_loop3A_767, %parallel_loop3A_787 : i32
        %parallel_loop3A_789 = arith.select %parallel_loop3A_786, %parallel_loop3A_788, %parallel_loop3A_767 : i32
        %parallel_loop3A_790 = arith.constant 8 : i32
        %parallel_loop3A_791 = arith.constant 0 : i32
        %parallel_loop3A_792 = arith.cmpi eq, %parallel_loop3A_790, %parallel_loop3A_791 : i32
        %parallel_loop3A_793 = arith.constant 1 : i32
        %parallel_loop3A_794 = arith.select %parallel_loop3A_792, %parallel_loop3A_793, %parallel_loop3A_790 : i32
        %parallel_loop3A_795 = arith.remsi %parallel_loop3A_471, %parallel_loop3A_794 : i32
        %parallel_loop3A_796 = arith.constant 0 : i32
        %parallel_loop3A_797 = arith.cmpi ne, %parallel_loop3A_795, %parallel_loop3A_796 : i32
        %parallel_loop3A_798 = arith.constant 0 : i32
        %parallel_loop3A_799 = arith.cmpi slt, %parallel_loop3A_795, %parallel_loop3A_798 : i32
        %parallel_loop3A_800 = arith.constant 0 : i32
        %parallel_loop3A_801 = arith.cmpi slt, %parallel_loop3A_794, %parallel_loop3A_800 : i32
        %parallel_loop3A_802 = arith.xori %parallel_loop3A_799, %parallel_loop3A_801 : i1
        %parallel_loop3A_803 = arith.andi %parallel_loop3A_802, %parallel_loop3A_797 : i1
        %parallel_loop3A_804 = arith.addi %parallel_loop3A_795, %parallel_loop3A_794 : i32
        %parallel_loop3A_805 = arith.select %parallel_loop3A_803, %parallel_loop3A_804, %parallel_loop3A_795 : i32
        %parallel_loop3A_806 = arith.constant 16 : i32
        %parallel_loop3A_807 = arith.muli %parallel_loop3A_805, %parallel_loop3A_806 : i32
        %parallel_loop3A_808 = arith.constant 6 : i32
        %parallel_loop3A_809 = arith.index_cast %parallel_loop3A_789 : i32 to index
        %parallel_loop3A_810 = arith.index_cast %parallel_loop3A_808 : i32 to index
        %parallel_loop3A_811 = arith.index_cast %parallel_loop3A_807 : i32 to index
        %parallel_loop3A_812 = tpu.vector_load %arg7[%parallel_loop3A_809, %parallel_loop3A_810, %parallel_loop3A_811] {strides = array<i32>} : memref<8x8x128xf32, #tpu.memory_space<vmem>>, vector<16xf32>,
        tpu.vector_store %arg7[%parallel_loop3A_809, %parallel_loop3A_810, %parallel_loop3A_811], %parallel_loop3A_765 {strides = array<i32>} : memref<8x8x128xf32, #tpu.memory_space<vmem>>, vector<16xf32>,
        %parallel_loop3A_813 = tpu.vector_load_idx %arg5[%broadcast_in_dim3A_146, %parallel_loop3A_476] : memref<128x512xf32, #tpu.memory_space<vmem>>[vector<16xi32>, vector<16xi32>], vector<16xf32>,
        %parallel_loop3A_814 = arith.constant 8 : i32
        %parallel_loop3A_815 = arith.divsi %parallel_loop3A_471, %parallel_loop3A_814 : i32
        %parallel_loop3A_816 = arith.constant 0 : i32
        %parallel_loop3A_817 = arith.cmpi sgt, %parallel_loop3A_471, %parallel_loop3A_816 : i32
        %parallel_loop3A_818 = arith.extui %parallel_loop3A_817 : i1 to i32
        %parallel_loop3A_819 = arith.constant 0 : i32
        %parallel_loop3A_820 = arith.cmpi slt, %parallel_loop3A_471, %parallel_loop3A_819 : i32
        %parallel_loop3A_821 = arith.extui %parallel_loop3A_820 : i1 to i32
        %parallel_loop3A_822 = arith.subi %parallel_loop3A_818, %parallel_loop3A_821 : i32
        %parallel_loop3A_823 = arith.constant 0 : i32
        %parallel_loop3A_824 = arith.cmpi sgt, %parallel_loop3A_814, %parallel_loop3A_823 : i32
        %parallel_loop3A_825 = arith.extui %parallel_loop3A_824 : i1 to i32
        %parallel_loop3A_826 = arith.constant 0 : i32
        %parallel_loop3A_827 = arith.cmpi slt, %parallel_loop3A_814, %parallel_loop3A_826 : i32
        %parallel_loop3A_828 = arith.extui %parallel_loop3A_827 : i1 to i32
        %parallel_loop3A_829 = arith.subi %parallel_loop3A_825, %parallel_loop3A_828 : i32
        %parallel_loop3A_830 = arith.cmpi ne, %parallel_loop3A_822, %parallel_loop3A_829 : i32
        %parallel_loop3A_831 = arith.remsi %parallel_loop3A_471, %parallel_loop3A_814 : i32
        %parallel_loop3A_832 = arith.constant 0 : i32
        %parallel_loop3A_833 = arith.cmpi ne, %parallel_loop3A_831, %parallel_loop3A_832 : i32
        %parallel_loop3A_834 = arith.andi %parallel_loop3A_830, %parallel_loop3A_833 : i1
        %parallel_loop3A_835 = arith.constant 1 : i32
        %parallel_loop3A_836 = arith.subi %parallel_loop3A_815, %parallel_loop3A_835 : i32
        %parallel_loop3A_837 = arith.select %parallel_loop3A_834, %parallel_loop3A_836, %parallel_loop3A_815 : i32
        %parallel_loop3A_838 = arith.constant 8 : i32
        %parallel_loop3A_839 = arith.constant 0 : i32
        %parallel_loop3A_840 = arith.cmpi eq, %parallel_loop3A_838, %parallel_loop3A_839 : i32
        %parallel_loop3A_841 = arith.constant 1 : i32
        %parallel_loop3A_842 = arith.select %parallel_loop3A_840, %parallel_loop3A_841, %parallel_loop3A_838 : i32
        %parallel_loop3A_843 = arith.remsi %parallel_loop3A_471, %parallel_loop3A_842 : i32
        %parallel_loop3A_844 = arith.constant 0 : i32
        %parallel_loop3A_845 = arith.cmpi ne, %parallel_loop3A_843, %parallel_loop3A_844 : i32
        %parallel_loop3A_846 = arith.constant 0 : i32
        %parallel_loop3A_847 = arith.cmpi slt, %parallel_loop3A_843, %parallel_loop3A_846 : i32
        %parallel_loop3A_848 = arith.constant 0 : i32
        %parallel_loop3A_849 = arith.cmpi slt, %parallel_loop3A_842, %parallel_loop3A_848 : i32
        %parallel_loop3A_850 = arith.xori %parallel_loop3A_847, %parallel_loop3A_849 : i1
        %parallel_loop3A_851 = arith.andi %parallel_loop3A_850, %parallel_loop3A_845 : i1
        %parallel_loop3A_852 = arith.addi %parallel_loop3A_843, %parallel_loop3A_842 : i32
        %parallel_loop3A_853 = arith.select %parallel_loop3A_851, %parallel_loop3A_852, %parallel_loop3A_843 : i32
        %parallel_loop3A_854 = arith.constant 16 : i32
        %parallel_loop3A_855 = arith.muli %parallel_loop3A_853, %parallel_loop3A_854 : i32
        %parallel_loop3A_856 = arith.constant 7 : i32
        %parallel_loop3A_857 = arith.index_cast %parallel_loop3A_837 : i32 to index
        %parallel_loop3A_858 = arith.index_cast %parallel_loop3A_856 : i32 to index
        %parallel_loop3A_859 = arith.index_cast %parallel_loop3A_855 : i32 to index
        %parallel_loop3A_860 = tpu.vector_load %arg7[%parallel_loop3A_857, %parallel_loop3A_858, %parallel_loop3A_859] {strides = array<i32>} : memref<8x8x128xf32, #tpu.memory_space<vmem>>, vector<16xf32>,
        tpu.vector_store %arg7[%parallel_loop3A_857, %parallel_loop3A_858, %parallel_loop3A_859], %parallel_loop3A_813 {strides = array<i32>} : memref<8x8x128xf32, #tpu.memory_space<vmem>>, vector<16xf32>,
      } {sc.loop_unroll_factor = 8 : i64, sc.parallel_access}
      %dma_start3A = arith.constant 0 : i32
      %dma_start3A_149 = arith.constant 0 : i32
      %dma_start3A_150 = tpu.memref_slice %arg4[%add3A_101, %mul3A_103, %dma_start3A, %dma_start3A_149] : memref<512x128x8x128xf32, #tpu.memory_space<hbm>> -> memref<1x8x8x128xf32, #tpu.memory_space<hbm>>
      %dma_start3A_151 = tpu.memref_squeeze %dma_start3A_150 : memref<1x8x8x128xf32, #tpu.memory_space<hbm>> -> memref<8x8x128xf32, #tpu.memory_space<hbm>>
      %dma_start3A_152 = arith.constant 0 : i32
      %dma_start3A_153 = arith.constant 0 : i32
      %dma_start3A_154 = tpu.memref_slice %arg4[%add3A_101, %mul3A_103, %dma_start3A_152, %dma_start3A_153] : memref<512x128x8x128xf32, #tpu.memory_space<hbm>> -> memref<1x8x8x128xf32, #tpu.memory_space<hbm>>
      %dma_start3A_155 = tpu.memref_squeeze %dma_start3A_154 : memref<1x8x8x128xf32, #tpu.memory_space<hbm>> -> memref<8x8x128xf32, #tpu.memory_space<hbm>>
      tpu.enqueue_dma source(%arg7 : memref<8x8x128xf32, #tpu.memory_space<vmem>>) target(%dma_start3A_155 : memref<8x8x128xf32, #tpu.memory_space<hbm>>) target_semaphore(%arg11 : memref<!tpu.dma_semaphore, #tpu.memory_space<semaphore_mem>>)
      %add3A_156 = arith.constant 1 : i32
      %add3A_157 = arith.addi %add3A_66, %add3A_156 : i32
      %jit3A_158 = arith.constant 16 : i32
      %div3A_159 = arith.divsi %add3A_157, %jit3A_158 : i32
      %sign3A_160 = arith.constant 0 : i32
      %sign3A_161 = arith.cmpi sgt, %add3A_157, %sign3A_160 : i32
      %sign3A_162 = arith.extui %sign3A_161 : i1 to i32
      %sign3A_163 = arith.constant 0 : i32
      %sign3A_164 = arith.cmpi slt, %add3A_157, %sign3A_163 : i32
      %sign3A_165 = arith.extui %sign3A_164 : i1 to i32
      %sign3A_166 = arith.subi %sign3A_162, %sign3A_165 : i32
      %sign3A_167 = arith.constant 0 : i32
      %sign3A_168 = arith.cmpi sgt, %jit3A_158, %sign3A_167 : i32
      %sign3A_169 = arith.extui %sign3A_168 : i1 to i32
      %sign3A_170 = arith.constant 0 : i32
      %sign3A_171 = arith.cmpi slt, %jit3A_158, %sign3A_170 : i32
      %sign3A_172 = arith.extui %sign3A_171 : i1 to i32
      %sign3A_173 = arith.subi %sign3A_169, %sign3A_172 : i32
      %ne3A_174 = arith.cmpi ne, %sign3A_166, %sign3A_173 : i32
      %rem3A_175 = arith.remsi %add3A_157, %jit3A_158 : i32
      %ne3A_176 = arith.constant 0 : i32
      %ne3A_177 = arith.cmpi ne, %rem3A_175, %ne3A_176 : i32
      %and3A_178 = arith.andi %ne3A_174, %ne3A_177 : i1
      %sub3A_179 = arith.constant 1 : i32
      %sub3A_180 = arith.subi %div3A_159, %sub3A_179 : i32
      %select_n3A_181 = arith.select %and3A_178, %sub3A_180, %div3A_159 : i32
      %jit3A_182 = arith.constant 16 : i32
      %eq3A_183 = arith.constant 0 : i32
      %eq3A_184 = arith.cmpi eq, %jit3A_182, %eq3A_183 : i32
      %jit3A_185 = arith.constant 1 : i32
      %select_n3A_186 = arith.select %eq3A_184, %jit3A_185, %jit3A_182 : i32
      %rem3A_187 = arith.remsi %add3A_157, %select_n3A_186 : i32
      %ne3A_188 = arith.constant 0 : i32
      %ne3A_189 = arith.cmpi ne, %rem3A_187, %ne3A_188 : i32
      %lt3A_190 = arith.constant 0 : i32
      %lt3A_191 = arith.cmpi slt, %rem3A_187, %lt3A_190 : i32
      %lt3A_192 = arith.constant 0 : i32
      %lt3A_193 = arith.cmpi slt, %select_n3A_186, %lt3A_192 : i32
      %ne3A_194 = arith.xori %lt3A_191, %lt3A_193 : i1
      %and3A_195 = arith.andi %ne3A_194, %ne3A_189 : i1
      %add3A_196 = arith.addi %rem3A_187, %select_n3A_186 : i32
      %select_n3A_197 = arith.select %and3A_195, %add3A_196, %rem3A_187 : i32
      %mul3A_198 = arith.constant 16 : i32
      %mul3A_199 = arith.muli %add3A, %mul3A_198 : i32
      %add3A_200 = arith.addi %mul3A_199, %select_n3A_181 : i32
      %mul3A_201 = arith.constant 8 : i32
      %mul3A_202 = arith.muli %select_n3A_197, %mul3A_201 : i32
      %ge3A_203 = arith.constant 4 : i32
      %ge3A_204 = arith.cmpi sge, %add3A_157, %ge3A_203 : i32
      %convert_element_type3A_205 = arith.extui %ge3A_204 : i1 to i32
      %cond3A_206 = arith.constant 0 : i32
      %cond3A_207 = arith.cmpi ne, %convert_element_type3A_205, %cond3A_206 : i32
      scf.if %cond3A_207 {
        %dma_wait3A_471 = arith.constant 0 : i32
        %dma_wait3A_472 = arith.constant 0 : i32
        %dma_wait3A_473 = tpu.memref_slice %arg4[%add3A_200, %mul3A_202, %dma_wait3A_471, %dma_wait3A_472] : memref<512x128x8x128xf32, #tpu.memory_space<hbm>> -> memref<1x8x8x128xf32, #tpu.memory_space<hbm>>
        %dma_wait3A_474 = tpu.memref_squeeze %dma_wait3A_473 : memref<1x8x8x128xf32, #tpu.memory_space<hbm>> -> memref<8x8x128xf32, #tpu.memory_space<hbm>>
        %dma_wait3A_475 = arith.constant 0 : i32
        %dma_wait3A_476 = arith.constant 0 : i32
        %dma_wait3A_477 = tpu.memref_slice %arg4[%add3A_200, %mul3A_202, %dma_wait3A_475, %dma_wait3A_476] : memref<512x128x8x128xf32, #tpu.memory_space<hbm>> -> memref<1x8x8x128xf32, #tpu.memory_space<hbm>>
        %dma_wait3A_478 = tpu.memref_squeeze %dma_wait3A_477 : memref<1x8x8x128xf32, #tpu.memory_space<hbm>> -> memref<8x8x128xf32, #tpu.memory_space<hbm>>
        tpu.wait_dma2 semaphore(%arg12 : memref<!tpu.dma_semaphore, #tpu.memory_space<semaphore_mem>>) src(%arg8 : memref<8x8x128xf32, #tpu.memory_space<vmem>>) dst(%dma_wait3A_478 : memref<8x8x128xf32, #tpu.memory_space<hbm>>)
      } else {
      }
      %mul3A_208 = arith.constant 1024 : i32
      %mul3A_209 = arith.muli %select_n3A_197, %mul3A_208 : i32
      %mul3A_210 = arith.constant 8 : i32
      %mul3A_211 = arith.muli %select_n3A_181, %mul3A_210 : i32
      %add3A_212 = arith.constant 0 : i32
      %add3A_213 = arith.addi %mul3A_211, %add3A_212 : i32
      %broadcast_in_dim3A_214 = vector.broadcast %add3A_213 : i32 to vector<16xi32>
      %mul3A_215 = arith.constant 8 : i32
      %mul3A_216 = arith.muli %select_n3A_181, %mul3A_215 : i32
      %add3A_217 = arith.constant 1 : i32
      %add3A_218 = arith.addi %mul3A_216, %add3A_217 : i32
      %broadcast_in_dim3A_219 = vector.broadcast %add3A_218 : i32 to vector<16xi32>
      %mul3A_220 = arith.constant 8 : i32
      %mul3A_221 = arith.muli %select_n3A_181, %mul3A_220 : i32
      %add3A_222 = arith.constant 2 : i32
      %add3A_223 = arith.addi %mul3A_221, %add3A_222 : i32
      %broadcast_in_dim3A_224 = vector.broadcast %add3A_223 : i32 to vector<16xi32>
      %mul3A_225 = arith.constant 8 : i32
      %mul3A_226 = arith.muli %select_n3A_181, %mul3A_225 : i32
      %add3A_227 = arith.constant 3 : i32
      %add3A_228 = arith.addi %mul3A_226, %add3A_227 : i32
      %broadcast_in_dim3A_229 = vector.broadcast %add3A_228 : i32 to vector<16xi32>
      %mul3A_230 = arith.constant 8 : i32
      %mul3A_231 = arith.muli %select_n3A_181, %mul3A_230 : i32
      %add3A_232 = arith.constant 4 : i32
      %add3A_233 = arith.addi %mul3A_231, %add3A_232 : i32
      %broadcast_in_dim3A_234 = vector.broadcast %add3A_233 : i32 to vector<16xi32>
      %mul3A_235 = arith.constant 8 : i32
      %mul3A_236 = arith.muli %select_n3A_181, %mul3A_235 : i32
      %add3A_237 = arith.constant 5 : i32
      %add3A_238 = arith.addi %mul3A_236, %add3A_237 : i32
      %broadcast_in_dim3A_239 = vector.broadcast %add3A_238 : i32 to vector<16xi32>
      %mul3A_240 = arith.constant 8 : i32
      %mul3A_241 = arith.muli %select_n3A_181, %mul3A_240 : i32
      %add3A_242 = arith.constant 6 : i32
      %add3A_243 = arith.addi %mul3A_241, %add3A_242 : i32
      %broadcast_in_dim3A_244 = vector.broadcast %add3A_243 : i32 to vector<16xi32>
      %mul3A_245 = arith.constant 8 : i32
      %mul3A_246 = arith.muli %select_n3A_181, %mul3A_245 : i32
      %add3A_247 = arith.constant 7 : i32
      %add3A_248 = arith.addi %mul3A_246, %add3A_247 : i32
      %broadcast_in_dim3A_249 = vector.broadcast %add3A_248 : i32 to vector<16xi32>
      %parallel_loop3A_250 = arith.constant 0 : i32
      %parallel_loop3A_251 = arith.constant 64 : i32
      %parallel_loop3A_252 = arith.constant 1 : i32
      scf.for %parallel_loop3A_471 = %parallel_loop3A_250 to %parallel_loop3A_251 step %parallel_loop3A_252  : i32 {
        %parallel_loop3A_472 = arith.constant 16 : i32
        %parallel_loop3A_473 = arith.muli %parallel_loop3A_471, %parallel_loop3A_472 : i32
        %parallel_loop3A_474 = arith.addi %mul3A_209, %parallel_loop3A_473 : i32
        %parallel_loop3A_475 = arith.index_cast %parallel_loop3A_474 : i32 to index
        %parallel_loop3A_476 = tpu.vector_load %arg6[%parallel_loop3A_475] {strides = array<i32>} : memref<16384xi32, #tpu.memory_space<vmem>>, vector<16xi32>,
        %parallel_loop3A_477 = tpu.vector_load_idx %arg5[%broadcast_in_dim3A_214, %parallel_loop3A_476] : memref<128x512xf32, #tpu.memory_space<vmem>>[vector<16xi32>, vector<16xi32>], vector<16xf32>,
        %parallel_loop3A_478 = arith.constant 8 : i32
        %parallel_loop3A_479 = arith.divsi %parallel_loop3A_471, %parallel_loop3A_478 : i32
        %parallel_loop3A_480 = arith.constant 0 : i32
        %parallel_loop3A_481 = arith.cmpi sgt, %parallel_loop3A_471, %parallel_loop3A_480 : i32
        %parallel_loop3A_482 = arith.extui %parallel_loop3A_481 : i1 to i32
        %parallel_loop3A_483 = arith.constant 0 : i32
        %parallel_loop3A_484 = arith.cmpi slt, %parallel_loop3A_471, %parallel_loop3A_483 : i32
        %parallel_loop3A_485 = arith.extui %parallel_loop3A_484 : i1 to i32
        %parallel_loop3A_486 = arith.subi %parallel_loop3A_482, %parallel_loop3A_485 : i32
        %parallel_loop3A_487 = arith.constant 0 : i32
        %parallel_loop3A_488 = arith.cmpi sgt, %parallel_loop3A_478, %parallel_loop3A_487 : i32
        %parallel_loop3A_489 = arith.extui %parallel_loop3A_488 : i1 to i32
        %parallel_loop3A_490 = arith.constant 0 : i32
        %parallel_loop3A_491 = arith.cmpi slt, %parallel_loop3A_478, %parallel_loop3A_490 : i32
        %parallel_loop3A_492 = arith.extui %parallel_loop3A_491 : i1 to i32
        %parallel_loop3A_493 = arith.subi %parallel_loop3A_489, %parallel_loop3A_492 : i32
        %parallel_loop3A_494 = arith.cmpi ne, %parallel_loop3A_486, %parallel_loop3A_493 : i32
        %parallel_loop3A_495 = arith.remsi %parallel_loop3A_471, %parallel_loop3A_478 : i32
        %parallel_loop3A_496 = arith.constant 0 : i32
        %parallel_loop3A_497 = arith.cmpi ne, %parallel_loop3A_495, %parallel_loop3A_496 : i32
        %parallel_loop3A_498 = arith.andi %parallel_loop3A_494, %parallel_loop3A_497 : i1
        %parallel_loop3A_499 = arith.constant 1 : i32
        %parallel_loop3A_500 = arith.subi %parallel_loop3A_479, %parallel_loop3A_499 : i32
        %parallel_loop3A_501 = arith.select %parallel_loop3A_498, %parallel_loop3A_500, %parallel_loop3A_479 : i32
        %parallel_loop3A_502 = arith.constant 8 : i32
        %parallel_loop3A_503 = arith.constant 0 : i32
        %parallel_loop3A_504 = arith.cmpi eq, %parallel_loop3A_502, %parallel_loop3A_503 : i32
        %parallel_loop3A_505 = arith.constant 1 : i32
        %parallel_loop3A_506 = arith.select %parallel_loop3A_504, %parallel_loop3A_505, %parallel_loop3A_502 : i32
        %parallel_loop3A_507 = arith.remsi %parallel_loop3A_471, %parallel_loop3A_506 : i32
        %parallel_loop3A_508 = arith.constant 0 : i32
        %parallel_loop3A_509 = arith.cmpi ne, %parallel_loop3A_507, %parallel_loop3A_508 : i32
        %parallel_loop3A_510 = arith.constant 0 : i32
        %parallel_loop3A_511 = arith.cmpi slt, %parallel_loop3A_507, %parallel_loop3A_510 : i32
        %parallel_loop3A_512 = arith.constant 0 : i32
        %parallel_loop3A_513 = arith.cmpi slt, %parallel_loop3A_506, %parallel_loop3A_512 : i32
        %parallel_loop3A_514 = arith.xori %parallel_loop3A_511, %parallel_loop3A_513 : i1
        %parallel_loop3A_515 = arith.andi %parallel_loop3A_514, %parallel_loop3A_509 : i1
        %parallel_loop3A_516 = arith.addi %parallel_loop3A_507, %parallel_loop3A_506 : i32
        %parallel_loop3A_517 = arith.select %parallel_loop3A_515, %parallel_loop3A_516, %parallel_loop3A_507 : i32
        %parallel_loop3A_518 = arith.constant 16 : i32
        %parallel_loop3A_519 = arith.muli %parallel_loop3A_517, %parallel_loop3A_518 : i32
        %parallel_loop3A_520 = arith.constant 0 : i32
        %parallel_loop3A_521 = arith.index_cast %parallel_loop3A_501 : i32 to index
        %parallel_loop3A_522 = arith.index_cast %parallel_loop3A_520 : i32 to index
        %parallel_loop3A_523 = arith.index_cast %parallel_loop3A_519 : i32 to index
        %parallel_loop3A_524 = tpu.vector_load %arg8[%parallel_loop3A_521, %parallel_loop3A_522, %parallel_loop3A_523] {strides = array<i32>} : memref<8x8x128xf32, #tpu.memory_space<vmem>>, vector<16xf32>,
        tpu.vector_store %arg8[%parallel_loop3A_521, %parallel_loop3A_522, %parallel_loop3A_523], %parallel_loop3A_477 {strides = array<i32>} : memref<8x8x128xf32, #tpu.memory_space<vmem>>, vector<16xf32>,
        %parallel_loop3A_525 = tpu.vector_load_idx %arg5[%broadcast_in_dim3A_219, %parallel_loop3A_476] : memref<128x512xf32, #tpu.memory_space<vmem>>[vector<16xi32>, vector<16xi32>], vector<16xf32>,
        %parallel_loop3A_526 = arith.constant 8 : i32
        %parallel_loop3A_527 = arith.divsi %parallel_loop3A_471, %parallel_loop3A_526 : i32
        %parallel_loop3A_528 = arith.constant 0 : i32
        %parallel_loop3A_529 = arith.cmpi sgt, %parallel_loop3A_471, %parallel_loop3A_528 : i32
        %parallel_loop3A_530 = arith.extui %parallel_loop3A_529 : i1 to i32
        %parallel_loop3A_531 = arith.constant 0 : i32
        %parallel_loop3A_532 = arith.cmpi slt, %parallel_loop3A_471, %parallel_loop3A_531 : i32
        %parallel_loop3A_533 = arith.extui %parallel_loop3A_532 : i1 to i32
        %parallel_loop3A_534 = arith.subi %parallel_loop3A_530, %parallel_loop3A_533 : i32
        %parallel_loop3A_535 = arith.constant 0 : i32
        %parallel_loop3A_536 = arith.cmpi sgt, %parallel_loop3A_526, %parallel_loop3A_535 : i32
        %parallel_loop3A_537 = arith.extui %parallel_loop3A_536 : i1 to i32
        %parallel_loop3A_538 = arith.constant 0 : i32
        %parallel_loop3A_539 = arith.cmpi slt, %parallel_loop3A_526, %parallel_loop3A_538 : i32
        %parallel_loop3A_540 = arith.extui %parallel_loop3A_539 : i1 to i32
        %parallel_loop3A_541 = arith.subi %parallel_loop3A_537, %parallel_loop3A_540 : i32
        %parallel_loop3A_542 = arith.cmpi ne, %parallel_loop3A_534, %parallel_loop3A_541 : i32
        %parallel_loop3A_543 = arith.remsi %parallel_loop3A_471, %parallel_loop3A_526 : i32
        %parallel_loop3A_544 = arith.constant 0 : i32
        %parallel_loop3A_545 = arith.cmpi ne, %parallel_loop3A_543, %parallel_loop3A_544 : i32
        %parallel_loop3A_546 = arith.andi %parallel_loop3A_542, %parallel_loop3A_545 : i1
        %parallel_loop3A_547 = arith.constant 1 : i32
        %parallel_loop3A_548 = arith.subi %parallel_loop3A_527, %parallel_loop3A_547 : i32
        %parallel_loop3A_549 = arith.select %parallel_loop3A_546, %parallel_loop3A_548, %parallel_loop3A_527 : i32
        %parallel_loop3A_550 = arith.constant 8 : i32
        %parallel_loop3A_551 = arith.constant 0 : i32
        %parallel_loop3A_552 = arith.cmpi eq, %parallel_loop3A_550, %parallel_loop3A_551 : i32
        %parallel_loop3A_553 = arith.constant 1 : i32
        %parallel_loop3A_554 = arith.select %parallel_loop3A_552, %parallel_loop3A_553, %parallel_loop3A_550 : i32
        %parallel_loop3A_555 = arith.remsi %parallel_loop3A_471, %parallel_loop3A_554 : i32
        %parallel_loop3A_556 = arith.constant 0 : i32
        %parallel_loop3A_557 = arith.cmpi ne, %parallel_loop3A_555, %parallel_loop3A_556 : i32
        %parallel_loop3A_558 = arith.constant 0 : i32
        %parallel_loop3A_559 = arith.cmpi slt, %parallel_loop3A_555, %parallel_loop3A_558 : i32
        %parallel_loop3A_560 = arith.constant 0 : i32
        %parallel_loop3A_561 = arith.cmpi slt, %parallel_loop3A_554, %parallel_loop3A_560 : i32
        %parallel_loop3A_562 = arith.xori %parallel_loop3A_559, %parallel_loop3A_561 : i1
        %parallel_loop3A_563 = arith.andi %parallel_loop3A_562, %parallel_loop3A_557 : i1
        %parallel_loop3A_564 = arith.addi %parallel_loop3A_555, %parallel_loop3A_554 : i32
        %parallel_loop3A_565 = arith.select %parallel_loop3A_563, %parallel_loop3A_564, %parallel_loop3A_555 : i32
        %parallel_loop3A_566 = arith.constant 16 : i32
        %parallel_loop3A_567 = arith.muli %parallel_loop3A_565, %parallel_loop3A_566 : i32
        %parallel_loop3A_568 = arith.constant 1 : i32
        %parallel_loop3A_569 = arith.index_cast %parallel_loop3A_549 : i32 to index
        %parallel_loop3A_570 = arith.index_cast %parallel_loop3A_568 : i32 to index
        %parallel_loop3A_571 = arith.index_cast %parallel_loop3A_567 : i32 to index
        %parallel_loop3A_572 = tpu.vector_load %arg8[%parallel_loop3A_569, %parallel_loop3A_570, %parallel_loop3A_571] {strides = array<i32>} : memref<8x8x128xf32, #tpu.memory_space<vmem>>, vector<16xf32>,
        tpu.vector_store %arg8[%parallel_loop3A_569, %parallel_loop3A_570, %parallel_loop3A_571], %parallel_loop3A_525 {strides = array<i32>} : memref<8x8x128xf32, #tpu.memory_space<vmem>>, vector<16xf32>,
        %parallel_loop3A_573 = tpu.vector_load_idx %arg5[%broadcast_in_dim3A_224, %parallel_loop3A_476] : memref<128x512xf32, #tpu.memory_space<vmem>>[vector<16xi32>, vector<16xi32>], vector<16xf32>,
        %parallel_loop3A_574 = arith.constant 8 : i32
        %parallel_loop3A_575 = arith.divsi %parallel_loop3A_471, %parallel_loop3A_574 : i32
        %parallel_loop3A_576 = arith.constant 0 : i32
        %parallel_loop3A_577 = arith.cmpi sgt, %parallel_loop3A_471, %parallel_loop3A_576 : i32
        %parallel_loop3A_578 = arith.extui %parallel_loop3A_577 : i1 to i32
        %parallel_loop3A_579 = arith.constant 0 : i32
        %parallel_loop3A_580 = arith.cmpi slt, %parallel_loop3A_471, %parallel_loop3A_579 : i32
        %parallel_loop3A_581 = arith.extui %parallel_loop3A_580 : i1 to i32
        %parallel_loop3A_582 = arith.subi %parallel_loop3A_578, %parallel_loop3A_581 : i32
        %parallel_loop3A_583 = arith.constant 0 : i32
        %parallel_loop3A_584 = arith.cmpi sgt, %parallel_loop3A_574, %parallel_loop3A_583 : i32
        %parallel_loop3A_585 = arith.extui %parallel_loop3A_584 : i1 to i32
        %parallel_loop3A_586 = arith.constant 0 : i32
        %parallel_loop3A_587 = arith.cmpi slt, %parallel_loop3A_574, %parallel_loop3A_586 : i32
        %parallel_loop3A_588 = arith.extui %parallel_loop3A_587 : i1 to i32
        %parallel_loop3A_589 = arith.subi %parallel_loop3A_585, %parallel_loop3A_588 : i32
        %parallel_loop3A_590 = arith.cmpi ne, %parallel_loop3A_582, %parallel_loop3A_589 : i32
        %parallel_loop3A_591 = arith.remsi %parallel_loop3A_471, %parallel_loop3A_574 : i32
        %parallel_loop3A_592 = arith.constant 0 : i32
        %parallel_loop3A_593 = arith.cmpi ne, %parallel_loop3A_591, %parallel_loop3A_592 : i32
        %parallel_loop3A_594 = arith.andi %parallel_loop3A_590, %parallel_loop3A_593 : i1
        %parallel_loop3A_595 = arith.constant 1 : i32
        %parallel_loop3A_596 = arith.subi %parallel_loop3A_575, %parallel_loop3A_595 : i32
        %parallel_loop3A_597 = arith.select %parallel_loop3A_594, %parallel_loop3A_596, %parallel_loop3A_575 : i32
        %parallel_loop3A_598 = arith.constant 8 : i32
        %parallel_loop3A_599 = arith.constant 0 : i32
        %parallel_loop3A_600 = arith.cmpi eq, %parallel_loop3A_598, %parallel_loop3A_599 : i32
        %parallel_loop3A_601 = arith.constant 1 : i32
        %parallel_loop3A_602 = arith.select %parallel_loop3A_600, %parallel_loop3A_601, %parallel_loop3A_598 : i32
        %parallel_loop3A_603 = arith.remsi %parallel_loop3A_471, %parallel_loop3A_602 : i32
        %parallel_loop3A_604 = arith.constant 0 : i32
        %parallel_loop3A_605 = arith.cmpi ne, %parallel_loop3A_603, %parallel_loop3A_604 : i32
        %parallel_loop3A_606 = arith.constant 0 : i32
        %parallel_loop3A_607 = arith.cmpi slt, %parallel_loop3A_603, %parallel_loop3A_606 : i32
        %parallel_loop3A_608 = arith.constant 0 : i32
        %parallel_loop3A_609 = arith.cmpi slt, %parallel_loop3A_602, %parallel_loop3A_608 : i32
        %parallel_loop3A_610 = arith.xori %parallel_loop3A_607, %parallel_loop3A_609 : i1
        %parallel_loop3A_611 = arith.andi %parallel_loop3A_610, %parallel_loop3A_605 : i1
        %parallel_loop3A_612 = arith.addi %parallel_loop3A_603, %parallel_loop3A_602 : i32
        %parallel_loop3A_613 = arith.select %parallel_loop3A_611, %parallel_loop3A_612, %parallel_loop3A_603 : i32
        %parallel_loop3A_614 = arith.constant 16 : i32
        %parallel_loop3A_615 = arith.muli %parallel_loop3A_613, %parallel_loop3A_614 : i32
        %parallel_loop3A_616 = arith.constant 2 : i32
        %parallel_loop3A_617 = arith.index_cast %parallel_loop3A_597 : i32 to index
        %parallel_loop3A_618 = arith.index_cast %parallel_loop3A_616 : i32 to index
        %parallel_loop3A_619 = arith.index_cast %parallel_loop3A_615 : i32 to index
        %parallel_loop3A_620 = tpu.vector_load %arg8[%parallel_loop3A_617, %parallel_loop3A_618, %parallel_loop3A_619] {strides = array<i32>} : memref<8x8x128xf32, #tpu.memory_space<vmem>>, vector<16xf32>,
        tpu.vector_store %arg8[%parallel_loop3A_617, %parallel_loop3A_618, %parallel_loop3A_619], %parallel_loop3A_573 {strides = array<i32>} : memref<8x8x128xf32, #tpu.memory_space<vmem>>, vector<16xf32>,
        %parallel_loop3A_621 = tpu.vector_load_idx %arg5[%broadcast_in_dim3A_229, %parallel_loop3A_476] : memref<128x512xf32, #tpu.memory_space<vmem>>[vector<16xi32>, vector<16xi32>], vector<16xf32>,
        %parallel_loop3A_622 = arith.constant 8 : i32
        %parallel_loop3A_623 = arith.divsi %parallel_loop3A_471, %parallel_loop3A_622 : i32
        %parallel_loop3A_624 = arith.constant 0 : i32
        %parallel_loop3A_625 = arith.cmpi sgt, %parallel_loop3A_471, %parallel_loop3A_624 : i32
        %parallel_loop3A_626 = arith.extui %parallel_loop3A_625 : i1 to i32
        %parallel_loop3A_627 = arith.constant 0 : i32
        %parallel_loop3A_628 = arith.cmpi slt, %parallel_loop3A_471, %parallel_loop3A_627 : i32
        %parallel_loop3A_629 = arith.extui %parallel_loop3A_628 : i1 to i32
        %parallel_loop3A_630 = arith.subi %parallel_loop3A_626, %parallel_loop3A_629 : i32
        %parallel_loop3A_631 = arith.constant 0 : i32
        %parallel_loop3A_632 = arith.cmpi sgt, %parallel_loop3A_622, %parallel_loop3A_631 : i32
        %parallel_loop3A_633 = arith.extui %parallel_loop3A_632 : i1 to i32
        %parallel_loop3A_634 = arith.constant 0 : i32
        %parallel_loop3A_635 = arith.cmpi slt, %parallel_loop3A_622, %parallel_loop3A_634 : i32
        %parallel_loop3A_636 = arith.extui %parallel_loop3A_635 : i1 to i32
        %parallel_loop3A_637 = arith.subi %parallel_loop3A_633, %parallel_loop3A_636 : i32
        %parallel_loop3A_638 = arith.cmpi ne, %parallel_loop3A_630, %parallel_loop3A_637 : i32
        %parallel_loop3A_639 = arith.remsi %parallel_loop3A_471, %parallel_loop3A_622 : i32
        %parallel_loop3A_640 = arith.constant 0 : i32
        %parallel_loop3A_641 = arith.cmpi ne, %parallel_loop3A_639, %parallel_loop3A_640 : i32
        %parallel_loop3A_642 = arith.andi %parallel_loop3A_638, %parallel_loop3A_641 : i1
        %parallel_loop3A_643 = arith.constant 1 : i32
        %parallel_loop3A_644 = arith.subi %parallel_loop3A_623, %parallel_loop3A_643 : i32
        %parallel_loop3A_645 = arith.select %parallel_loop3A_642, %parallel_loop3A_644, %parallel_loop3A_623 : i32
        %parallel_loop3A_646 = arith.constant 8 : i32
        %parallel_loop3A_647 = arith.constant 0 : i32
        %parallel_loop3A_648 = arith.cmpi eq, %parallel_loop3A_646, %parallel_loop3A_647 : i32
        %parallel_loop3A_649 = arith.constant 1 : i32
        %parallel_loop3A_650 = arith.select %parallel_loop3A_648, %parallel_loop3A_649, %parallel_loop3A_646 : i32
        %parallel_loop3A_651 = arith.remsi %parallel_loop3A_471, %parallel_loop3A_650 : i32
        %parallel_loop3A_652 = arith.constant 0 : i32
        %parallel_loop3A_653 = arith.cmpi ne, %parallel_loop3A_651, %parallel_loop3A_652 : i32
        %parallel_loop3A_654 = arith.constant 0 : i32
        %parallel_loop3A_655 = arith.cmpi slt, %parallel_loop3A_651, %parallel_loop3A_654 : i32
        %parallel_loop3A_656 = arith.constant 0 : i32
        %parallel_loop3A_657 = arith.cmpi slt, %parallel_loop3A_650, %parallel_loop3A_656 : i32
        %parallel_loop3A_658 = arith.xori %parallel_loop3A_655, %parallel_loop3A_657 : i1
        %parallel_loop3A_659 = arith.andi %parallel_loop3A_658, %parallel_loop3A_653 : i1
        %parallel_loop3A_660 = arith.addi %parallel_loop3A_651, %parallel_loop3A_650 : i32
        %parallel_loop3A_661 = arith.select %parallel_loop3A_659, %parallel_loop3A_660, %parallel_loop3A_651 : i32
        %parallel_loop3A_662 = arith.constant 16 : i32
        %parallel_loop3A_663 = arith.muli %parallel_loop3A_661, %parallel_loop3A_662 : i32
        %parallel_loop3A_664 = arith.constant 3 : i32
        %parallel_loop3A_665 = arith.index_cast %parallel_loop3A_645 : i32 to index
        %parallel_loop3A_666 = arith.index_cast %parallel_loop3A_664 : i32 to index
        %parallel_loop3A_667 = arith.index_cast %parallel_loop3A_663 : i32 to index
        %parallel_loop3A_668 = tpu.vector_load %arg8[%parallel_loop3A_665, %parallel_loop3A_666, %parallel_loop3A_667] {strides = array<i32>} : memref<8x8x128xf32, #tpu.memory_space<vmem>>, vector<16xf32>,
        tpu.vector_store %arg8[%parallel_loop3A_665, %parallel_loop3A_666, %parallel_loop3A_667], %parallel_loop3A_621 {strides = array<i32>} : memref<8x8x128xf32, #tpu.memory_space<vmem>>, vector<16xf32>,
        %parallel_loop3A_669 = tpu.vector_load_idx %arg5[%broadcast_in_dim3A_234, %parallel_loop3A_476] : memref<128x512xf32, #tpu.memory_space<vmem>>[vector<16xi32>, vector<16xi32>], vector<16xf32>,
        %parallel_loop3A_670 = arith.constant 8 : i32
        %parallel_loop3A_671 = arith.divsi %parallel_loop3A_471, %parallel_loop3A_670 : i32
        %parallel_loop3A_672 = arith.constant 0 : i32
        %parallel_loop3A_673 = arith.cmpi sgt, %parallel_loop3A_471, %parallel_loop3A_672 : i32
        %parallel_loop3A_674 = arith.extui %parallel_loop3A_673 : i1 to i32
        %parallel_loop3A_675 = arith.constant 0 : i32
        %parallel_loop3A_676 = arith.cmpi slt, %parallel_loop3A_471, %parallel_loop3A_675 : i32
        %parallel_loop3A_677 = arith.extui %parallel_loop3A_676 : i1 to i32
        %parallel_loop3A_678 = arith.subi %parallel_loop3A_674, %parallel_loop3A_677 : i32
        %parallel_loop3A_679 = arith.constant 0 : i32
        %parallel_loop3A_680 = arith.cmpi sgt, %parallel_loop3A_670, %parallel_loop3A_679 : i32
        %parallel_loop3A_681 = arith.extui %parallel_loop3A_680 : i1 to i32
        %parallel_loop3A_682 = arith.constant 0 : i32
        %parallel_loop3A_683 = arith.cmpi slt, %parallel_loop3A_670, %parallel_loop3A_682 : i32
        %parallel_loop3A_684 = arith.extui %parallel_loop3A_683 : i1 to i32
        %parallel_loop3A_685 = arith.subi %parallel_loop3A_681, %parallel_loop3A_684 : i32
        %parallel_loop3A_686 = arith.cmpi ne, %parallel_loop3A_678, %parallel_loop3A_685 : i32
        %parallel_loop3A_687 = arith.remsi %parallel_loop3A_471, %parallel_loop3A_670 : i32
        %parallel_loop3A_688 = arith.constant 0 : i32
        %parallel_loop3A_689 = arith.cmpi ne, %parallel_loop3A_687, %parallel_loop3A_688 : i32
        %parallel_loop3A_690 = arith.andi %parallel_loop3A_686, %parallel_loop3A_689 : i1
        %parallel_loop3A_691 = arith.constant 1 : i32
        %parallel_loop3A_692 = arith.subi %parallel_loop3A_671, %parallel_loop3A_691 : i32
        %parallel_loop3A_693 = arith.select %parallel_loop3A_690, %parallel_loop3A_692, %parallel_loop3A_671 : i32
        %parallel_loop3A_694 = arith.constant 8 : i32
        %parallel_loop3A_695 = arith.constant 0 : i32
        %parallel_loop3A_696 = arith.cmpi eq, %parallel_loop3A_694, %parallel_loop3A_695 : i32
        %parallel_loop3A_697 = arith.constant 1 : i32
        %parallel_loop3A_698 = arith.select %parallel_loop3A_696, %parallel_loop3A_697, %parallel_loop3A_694 : i32
        %parallel_loop3A_699 = arith.remsi %parallel_loop3A_471, %parallel_loop3A_698 : i32
        %parallel_loop3A_700 = arith.constant 0 : i32
        %parallel_loop3A_701 = arith.cmpi ne, %parallel_loop3A_699, %parallel_loop3A_700 : i32
        %parallel_loop3A_702 = arith.constant 0 : i32
        %parallel_loop3A_703 = arith.cmpi slt, %parallel_loop3A_699, %parallel_loop3A_702 : i32
        %parallel_loop3A_704 = arith.constant 0 : i32
        %parallel_loop3A_705 = arith.cmpi slt, %parallel_loop3A_698, %parallel_loop3A_704 : i32
        %parallel_loop3A_706 = arith.xori %parallel_loop3A_703, %parallel_loop3A_705 : i1
        %parallel_loop3A_707 = arith.andi %parallel_loop3A_706, %parallel_loop3A_701 : i1
        %parallel_loop3A_708 = arith.addi %parallel_loop3A_699, %parallel_loop3A_698 : i32
        %parallel_loop3A_709 = arith.select %parallel_loop3A_707, %parallel_loop3A_708, %parallel_loop3A_699 : i32
        %parallel_loop3A_710 = arith.constant 16 : i32
        %parallel_loop3A_711 = arith.muli %parallel_loop3A_709, %parallel_loop3A_710 : i32
        %parallel_loop3A_712 = arith.constant 4 : i32
        %parallel_loop3A_713 = arith.index_cast %parallel_loop3A_693 : i32 to index
        %parallel_loop3A_714 = arith.index_cast %parallel_loop3A_712 : i32 to index
        %parallel_loop3A_715 = arith.index_cast %parallel_loop3A_711 : i32 to index
        %parallel_loop3A_716 = tpu.vector_load %arg8[%parallel_loop3A_713, %parallel_loop3A_714, %parallel_loop3A_715] {strides = array<i32>} : memref<8x8x128xf32, #tpu.memory_space<vmem>>, vector<16xf32>,
        tpu.vector_store %arg8[%parallel_loop3A_713, %parallel_loop3A_714, %parallel_loop3A_715], %parallel_loop3A_669 {strides = array<i32>} : memref<8x8x128xf32, #tpu.memory_space<vmem>>, vector<16xf32>,
        %parallel_loop3A_717 = tpu.vector_load_idx %arg5[%broadcast_in_dim3A_239, %parallel_loop3A_476] : memref<128x512xf32, #tpu.memory_space<vmem>>[vector<16xi32>, vector<16xi32>], vector<16xf32>,
        %parallel_loop3A_718 = arith.constant 8 : i32
        %parallel_loop3A_719 = arith.divsi %parallel_loop3A_471, %parallel_loop3A_718 : i32
        %parallel_loop3A_720 = arith.constant 0 : i32
        %parallel_loop3A_721 = arith.cmpi sgt, %parallel_loop3A_471, %parallel_loop3A_720 : i32
        %parallel_loop3A_722 = arith.extui %parallel_loop3A_721 : i1 to i32
        %parallel_loop3A_723 = arith.constant 0 : i32
        %parallel_loop3A_724 = arith.cmpi slt, %parallel_loop3A_471, %parallel_loop3A_723 : i32
        %parallel_loop3A_725 = arith.extui %parallel_loop3A_724 : i1 to i32
        %parallel_loop3A_726 = arith.subi %parallel_loop3A_722, %parallel_loop3A_725 : i32
        %parallel_loop3A_727 = arith.constant 0 : i32
        %parallel_loop3A_728 = arith.cmpi sgt, %parallel_loop3A_718, %parallel_loop3A_727 : i32
        %parallel_loop3A_729 = arith.extui %parallel_loop3A_728 : i1 to i32
        %parallel_loop3A_730 = arith.constant 0 : i32
        %parallel_loop3A_731 = arith.cmpi slt, %parallel_loop3A_718, %parallel_loop3A_730 : i32
        %parallel_loop3A_732 = arith.extui %parallel_loop3A_731 : i1 to i32
        %parallel_loop3A_733 = arith.subi %parallel_loop3A_729, %parallel_loop3A_732 : i32
        %parallel_loop3A_734 = arith.cmpi ne, %parallel_loop3A_726, %parallel_loop3A_733 : i32
        %parallel_loop3A_735 = arith.remsi %parallel_loop3A_471, %parallel_loop3A_718 : i32
        %parallel_loop3A_736 = arith.constant 0 : i32
        %parallel_loop3A_737 = arith.cmpi ne, %parallel_loop3A_735, %parallel_loop3A_736 : i32
        %parallel_loop3A_738 = arith.andi %parallel_loop3A_734, %parallel_loop3A_737 : i1
        %parallel_loop3A_739 = arith.constant 1 : i32
        %parallel_loop3A_740 = arith.subi %parallel_loop3A_719, %parallel_loop3A_739 : i32
        %parallel_loop3A_741 = arith.select %parallel_loop3A_738, %parallel_loop3A_740, %parallel_loop3A_719 : i32
        %parallel_loop3A_742 = arith.constant 8 : i32
        %parallel_loop3A_743 = arith.constant 0 : i32
        %parallel_loop3A_744 = arith.cmpi eq, %parallel_loop3A_742, %parallel_loop3A_743 : i32
        %parallel_loop3A_745 = arith.constant 1 : i32
        %parallel_loop3A_746 = arith.select %parallel_loop3A_744, %parallel_loop3A_745, %parallel_loop3A_742 : i32
        %parallel_loop3A_747 = arith.remsi %parallel_loop3A_471, %parallel_loop3A_746 : i32
        %parallel_loop3A_748 = arith.constant 0 : i32
        %parallel_loop3A_749 = arith.cmpi ne, %parallel_loop3A_747, %parallel_loop3A_748 : i32
        %parallel_loop3A_750 = arith.constant 0 : i32
        %parallel_loop3A_751 = arith.cmpi slt, %parallel_loop3A_747, %parallel_loop3A_750 : i32
        %parallel_loop3A_752 = arith.constant 0 : i32
        %parallel_loop3A_753 = arith.cmpi slt, %parallel_loop3A_746, %parallel_loop3A_752 : i32
        %parallel_loop3A_754 = arith.xori %parallel_loop3A_751, %parallel_loop3A_753 : i1
        %parallel_loop3A_755 = arith.andi %parallel_loop3A_754, %parallel_loop3A_749 : i1
        %parallel_loop3A_756 = arith.addi %parallel_loop3A_747, %parallel_loop3A_746 : i32
        %parallel_loop3A_757 = arith.select %parallel_loop3A_755, %parallel_loop3A_756, %parallel_loop3A_747 : i32
        %parallel_loop3A_758 = arith.constant 16 : i32
        %parallel_loop3A_759 = arith.muli %parallel_loop3A_757, %parallel_loop3A_758 : i32
        %parallel_loop3A_760 = arith.constant 5 : i32
        %parallel_loop3A_761 = arith.index_cast %parallel_loop3A_741 : i32 to index
        %parallel_loop3A_762 = arith.index_cast %parallel_loop3A_760 : i32 to index
        %parallel_loop3A_763 = arith.index_cast %parallel_loop3A_759 : i32 to index
        %parallel_loop3A_764 = tpu.vector_load %arg8[%parallel_loop3A_761, %parallel_loop3A_762, %parallel_loop3A_763] {strides = array<i32>} : memref<8x8x128xf32, #tpu.memory_space<vmem>>, vector<16xf32>,
        tpu.vector_store %arg8[%parallel_loop3A_761, %parallel_loop3A_762, %parallel_loop3A_763], %parallel_loop3A_717 {strides = array<i32>} : memref<8x8x128xf32, #tpu.memory_space<vmem>>, vector<16xf32>,
        %parallel_loop3A_765 = tpu.vector_load_idx %arg5[%broadcast_in_dim3A_244, %parallel_loop3A_476] : memref<128x512xf32, #tpu.memory_space<vmem>>[vector<16xi32>, vector<16xi32>], vector<16xf32>,
        %parallel_loop3A_766 = arith.constant 8 : i32
        %parallel_loop3A_767 = arith.divsi %parallel_loop3A_471, %parallel_loop3A_766 : i32
        %parallel_loop3A_768 = arith.constant 0 : i32
        %parallel_loop3A_769 = arith.cmpi sgt, %parallel_loop3A_471, %parallel_loop3A_768 : i32
        %parallel_loop3A_770 = arith.extui %parallel_loop3A_769 : i1 to i32
        %parallel_loop3A_771 = arith.constant 0 : i32
        %parallel_loop3A_772 = arith.cmpi slt, %parallel_loop3A_471, %parallel_loop3A_771 : i32
        %parallel_loop3A_773 = arith.extui %parallel_loop3A_772 : i1 to i32
        %parallel_loop3A_774 = arith.subi %parallel_loop3A_770, %parallel_loop3A_773 : i32
        %parallel_loop3A_775 = arith.constant 0 : i32
        %parallel_loop3A_776 = arith.cmpi sgt, %parallel_loop3A_766, %parallel_loop3A_775 : i32
        %parallel_loop3A_777 = arith.extui %parallel_loop3A_776 : i1 to i32
        %parallel_loop3A_778 = arith.constant 0 : i32
        %parallel_loop3A_779 = arith.cmpi slt, %parallel_loop3A_766, %parallel_loop3A_778 : i32
        %parallel_loop3A_780 = arith.extui %parallel_loop3A_779 : i1 to i32
        %parallel_loop3A_781 = arith.subi %parallel_loop3A_777, %parallel_loop3A_780 : i32
        %parallel_loop3A_782 = arith.cmpi ne, %parallel_loop3A_774, %parallel_loop3A_781 : i32
        %parallel_loop3A_783 = arith.remsi %parallel_loop3A_471, %parallel_loop3A_766 : i32
        %parallel_loop3A_784 = arith.constant 0 : i32
        %parallel_loop3A_785 = arith.cmpi ne, %parallel_loop3A_783, %parallel_loop3A_784 : i32
        %parallel_loop3A_786 = arith.andi %parallel_loop3A_782, %parallel_loop3A_785 : i1
        %parallel_loop3A_787 = arith.constant 1 : i32
        %parallel_loop3A_788 = arith.subi %parallel_loop3A_767, %parallel_loop3A_787 : i32
        %parallel_loop3A_789 = arith.select %parallel_loop3A_786, %parallel_loop3A_788, %parallel_loop3A_767 : i32
        %parallel_loop3A_790 = arith.constant 8 : i32
        %parallel_loop3A_791 = arith.constant 0 : i32
        %parallel_loop3A_792 = arith.cmpi eq, %parallel_loop3A_790, %parallel_loop3A_791 : i32
        %parallel_loop3A_793 = arith.constant 1 : i32
        %parallel_loop3A_794 = arith.select %parallel_loop3A_792, %parallel_loop3A_793, %parallel_loop3A_790 : i32
        %parallel_loop3A_795 = arith.remsi %parallel_loop3A_471, %parallel_loop3A_794 : i32
        %parallel_loop3A_796 = arith.constant 0 : i32
        %parallel_loop3A_797 = arith.cmpi ne, %parallel_loop3A_795, %parallel_loop3A_796 : i32
        %parallel_loop3A_798 = arith.constant 0 : i32
        %parallel_loop3A_799 = arith.cmpi slt, %parallel_loop3A_795, %parallel_loop3A_798 : i32
        %parallel_loop3A_800 = arith.constant 0 : i32
        %parallel_loop3A_801 = arith.cmpi slt, %parallel_loop3A_794, %parallel_loop3A_800 : i32
        %parallel_loop3A_802 = arith.xori %parallel_loop3A_799, %parallel_loop3A_801 : i1
        %parallel_loop3A_803 = arith.andi %parallel_loop3A_802, %parallel_loop3A_797 : i1
        %parallel_loop3A_804 = arith.addi %parallel_loop3A_795, %parallel_loop3A_794 : i32
        %parallel_loop3A_805 = arith.select %parallel_loop3A_803, %parallel_loop3A_804, %parallel_loop3A_795 : i32
        %parallel_loop3A_806 = arith.constant 16 : i32
        %parallel_loop3A_807 = arith.muli %parallel_loop3A_805, %parallel_loop3A_806 : i32
        %parallel_loop3A_808 = arith.constant 6 : i32
        %parallel_loop3A_809 = arith.index_cast %parallel_loop3A_789 : i32 to index
        %parallel_loop3A_810 = arith.index_cast %parallel_loop3A_808 : i32 to index
        %parallel_loop3A_811 = arith.index_cast %parallel_loop3A_807 : i32 to index
        %parallel_loop3A_812 = tpu.vector_load %arg8[%parallel_loop3A_809, %parallel_loop3A_810, %parallel_loop3A_811] {strides = array<i32>} : memref<8x8x128xf32, #tpu.memory_space<vmem>>, vector<16xf32>,
        tpu.vector_store %arg8[%parallel_loop3A_809, %parallel_loop3A_810, %parallel_loop3A_811], %parallel_loop3A_765 {strides = array<i32>} : memref<8x8x128xf32, #tpu.memory_space<vmem>>, vector<16xf32>,
        %parallel_loop3A_813 = tpu.vector_load_idx %arg5[%broadcast_in_dim3A_249, %parallel_loop3A_476] : memref<128x512xf32, #tpu.memory_space<vmem>>[vector<16xi32>, vector<16xi32>], vector<16xf32>,
        %parallel_loop3A_814 = arith.constant 8 : i32
        %parallel_loop3A_815 = arith.divsi %parallel_loop3A_471, %parallel_loop3A_814 : i32
        %parallel_loop3A_816 = arith.constant 0 : i32
        %parallel_loop3A_817 = arith.cmpi sgt, %parallel_loop3A_471, %parallel_loop3A_816 : i32
        %parallel_loop3A_818 = arith.extui %parallel_loop3A_817 : i1 to i32
        %parallel_loop3A_819 = arith.constant 0 : i32
        %parallel_loop3A_820 = arith.cmpi slt, %parallel_loop3A_471, %parallel_loop3A_819 : i32
        %parallel_loop3A_821 = arith.extui %parallel_loop3A_820 : i1 to i32
        %parallel_loop3A_822 = arith.subi %parallel_loop3A_818, %parallel_loop3A_821 : i32
        %parallel_loop3A_823 = arith.constant 0 : i32
        %parallel_loop3A_824 = arith.cmpi sgt, %parallel_loop3A_814, %parallel_loop3A_823 : i32
        %parallel_loop3A_825 = arith.extui %parallel_loop3A_824 : i1 to i32
        %parallel_loop3A_826 = arith.constant 0 : i32
        %parallel_loop3A_827 = arith.cmpi slt, %parallel_loop3A_814, %parallel_loop3A_826 : i32
        %parallel_loop3A_828 = arith.extui %parallel_loop3A_827 : i1 to i32
        %parallel_loop3A_829 = arith.subi %parallel_loop3A_825, %parallel_loop3A_828 : i32
        %parallel_loop3A_830 = arith.cmpi ne, %parallel_loop3A_822, %parallel_loop3A_829 : i32
        %parallel_loop3A_831 = arith.remsi %parallel_loop3A_471, %parallel_loop3A_814 : i32
        %parallel_loop3A_832 = arith.constant 0 : i32
        %parallel_loop3A_833 = arith.cmpi ne, %parallel_loop3A_831, %parallel_loop3A_832 : i32
        %parallel_loop3A_834 = arith.andi %parallel_loop3A_830, %parallel_loop3A_833 : i1
        %parallel_loop3A_835 = arith.constant 1 : i32
        %parallel_loop3A_836 = arith.subi %parallel_loop3A_815, %parallel_loop3A_835 : i32
        %parallel_loop3A_837 = arith.select %parallel_loop3A_834, %parallel_loop3A_836, %parallel_loop3A_815 : i32
        %parallel_loop3A_838 = arith.constant 8 : i32
        %parallel_loop3A_839 = arith.constant 0 : i32
        %parallel_loop3A_840 = arith.cmpi eq, %parallel_loop3A_838, %parallel_loop3A_839 : i32
        %parallel_loop3A_841 = arith.constant 1 : i32
        %parallel_loop3A_842 = arith.select %parallel_loop3A_840, %parallel_loop3A_841, %parallel_loop3A_838 : i32
        %parallel_loop3A_843 = arith.remsi %parallel_loop3A_471, %parallel_loop3A_842 : i32
        %parallel_loop3A_844 = arith.constant 0 : i32
        %parallel_loop3A_845 = arith.cmpi ne, %parallel_loop3A_843, %parallel_loop3A_844 : i32
        %parallel_loop3A_846 = arith.constant 0 : i32
        %parallel_loop3A_847 = arith.cmpi slt, %parallel_loop3A_843, %parallel_loop3A_846 : i32
        %parallel_loop3A_848 = arith.constant 0 : i32
        %parallel_loop3A_849 = arith.cmpi slt, %parallel_loop3A_842, %parallel_loop3A_848 : i32
        %parallel_loop3A_850 = arith.xori %parallel_loop3A_847, %parallel_loop3A_849 : i1
        %parallel_loop3A_851 = arith.andi %parallel_loop3A_850, %parallel_loop3A_845 : i1
        %parallel_loop3A_852 = arith.addi %parallel_loop3A_843, %parallel_loop3A_842 : i32
        %parallel_loop3A_853 = arith.select %parallel_loop3A_851, %parallel_loop3A_852, %parallel_loop3A_843 : i32
        %parallel_loop3A_854 = arith.constant 16 : i32
        %parallel_loop3A_855 = arith.muli %parallel_loop3A_853, %parallel_loop3A_854 : i32
        %parallel_loop3A_856 = arith.constant 7 : i32
        %parallel_loop3A_857 = arith.index_cast %parallel_loop3A_837 : i32 to index
        %parallel_loop3A_858 = arith.index_cast %parallel_loop3A_856 : i32 to index
        %parallel_loop3A_859 = arith.index_cast %parallel_loop3A_855 : i32 to index
        %parallel_loop3A_860 = tpu.vector_load %arg8[%parallel_loop3A_857, %parallel_loop3A_858, %parallel_loop3A_859] {strides = array<i32>} : memref<8x8x128xf32, #tpu.memory_space<vmem>>, vector<16xf32>,
        tpu.vector_store %arg8[%parallel_loop3A_857, %parallel_loop3A_858, %parallel_loop3A_859], %parallel_loop3A_813 {strides = array<i32>} : memref<8x8x128xf32, #tpu.memory_space<vmem>>, vector<16xf32>,
      } {sc.loop_unroll_factor = 8 : i64, sc.parallel_access}
      %dma_start3A_253 = arith.constant 0 : i32
      %dma_start3A_254 = arith.constant 0 : i32
      %dma_start3A_255 = tpu.memref_slice %arg4[%add3A_200, %mul3A_202, %dma_start3A_253, %dma_start3A_254] : memref<512x128x8x128xf32, #tpu.memory_space<hbm>> -> memref<1x8x8x128xf32, #tpu.memory_space<hbm>>
      %dma_start3A_256 = tpu.memref_squeeze %dma_start3A_255 : memref<1x8x8x128xf32, #tpu.memory_space<hbm>> -> memref<8x8x128xf32, #tpu.memory_space<hbm>>
      %dma_start3A_257 = arith.constant 0 : i32
      %dma_start3A_258 = arith.constant 0 : i32
      %dma_start3A_259 = tpu.memref_slice %arg4[%add3A_200, %mul3A_202, %dma_start3A_257, %dma_start3A_258] : memref<512x128x8x128xf32, #tpu.memory_space<hbm>> -> memref<1x8x8x128xf32, #tpu.memory_space<hbm>>
      %dma_start3A_260 = tpu.memref_squeeze %dma_start3A_259 : memref<1x8x8x128xf32, #tpu.memory_space<hbm>> -> memref<8x8x128xf32, #tpu.memory_space<hbm>>
      tpu.enqueue_dma source(%arg8 : memref<8x8x128xf32, #tpu.memory_space<vmem>>) target(%dma_start3A_260 : memref<8x8x128xf32, #tpu.memory_space<hbm>>) target_semaphore(%arg12 : memref<!tpu.dma_semaphore, #tpu.memory_space<semaphore_mem>>)
      %add3A_261 = arith.constant 2 : i32
      %add3A_262 = arith.addi %add3A_66, %add3A_261 : i32
      %jit3A_263 = arith.constant 16 : i32
      %div3A_264 = arith.divsi %add3A_262, %jit3A_263 : i32
      %sign3A_265 = arith.constant 0 : i32
      %sign3A_266 = arith.cmpi sgt, %add3A_262, %sign3A_265 : i32
      %sign3A_267 = arith.extui %sign3A_266 : i1 to i32
      %sign3A_268 = arith.constant 0 : i32
      %sign3A_269 = arith.cmpi slt, %add3A_262, %sign3A_268 : i32
      %sign3A_270 = arith.extui %sign3A_269 : i1 to i32
      %sign3A_271 = arith.subi %sign3A_267, %sign3A_270 : i32
      %sign3A_272 = arith.constant 0 : i32
      %sign3A_273 = arith.cmpi sgt, %jit3A_263, %sign3A_272 : i32
      %sign3A_274 = arith.extui %sign3A_273 : i1 to i32
      %sign3A_275 = arith.constant 0 : i32
      %sign3A_276 = arith.cmpi slt, %jit3A_263, %sign3A_275 : i32
      %sign3A_277 = arith.extui %sign3A_276 : i1 to i32
      %sign3A_278 = arith.subi %sign3A_274, %sign3A_277 : i32
      %ne3A_279 = arith.cmpi ne, %sign3A_271, %sign3A_278 : i32
      %rem3A_280 = arith.remsi %add3A_262, %jit3A_263 : i32
      %ne3A_281 = arith.constant 0 : i32
      %ne3A_282 = arith.cmpi ne, %rem3A_280, %ne3A_281 : i32
      %and3A_283 = arith.andi %ne3A_279, %ne3A_282 : i1
      %sub3A_284 = arith.constant 1 : i32
      %sub3A_285 = arith.subi %div3A_264, %sub3A_284 : i32
      %select_n3A_286 = arith.select %and3A_283, %sub3A_285, %div3A_264 : i32
      %jit3A_287 = arith.constant 16 : i32
      %eq3A_288 = arith.constant 0 : i32
      %eq3A_289 = arith.cmpi eq, %jit3A_287, %eq3A_288 : i32
      %jit3A_290 = arith.constant 1 : i32
      %select_n3A_291 = arith.select %eq3A_289, %jit3A_290, %jit3A_287 : i32
      %rem3A_292 = arith.remsi %add3A_262, %select_n3A_291 : i32
      %ne3A_293 = arith.constant 0 : i32
      %ne3A_294 = arith.cmpi ne, %rem3A_292, %ne3A_293 : i32
      %lt3A_295 = arith.constant 0 : i32
      %lt3A_296 = arith.cmpi slt, %rem3A_292, %lt3A_295 : i32
      %lt3A_297 = arith.constant 0 : i32
      %lt3A_298 = arith.cmpi slt, %select_n3A_291, %lt3A_297 : i32
      %ne3A_299 = arith.xori %lt3A_296, %lt3A_298 : i1
      %and3A_300 = arith.andi %ne3A_299, %ne3A_294 : i1
      %add3A_301 = arith.addi %rem3A_292, %select_n3A_291 : i32
      %select_n3A_302 = arith.select %and3A_300, %add3A_301, %rem3A_292 : i32
      %mul3A_303 = arith.constant 16 : i32
      %mul3A_304 = arith.muli %add3A, %mul3A_303 : i32
      %add3A_305 = arith.addi %mul3A_304, %select_n3A_286 : i32
      %mul3A_306 = arith.constant 8 : i32
      %mul3A_307 = arith.muli %select_n3A_302, %mul3A_306 : i32
      %ge3A_308 = arith.constant 4 : i32
      %ge3A_309 = arith.cmpi sge, %add3A_262, %ge3A_308 : i32
      %convert_element_type3A_310 = arith.extui %ge3A_309 : i1 to i32
      %cond3A_311 = arith.constant 0 : i32
      %cond3A_312 = arith.cmpi ne, %convert_element_type3A_310, %cond3A_311 : i32
      scf.if %cond3A_312 {
        %dma_wait3A_471 = arith.constant 0 : i32
        %dma_wait3A_472 = arith.constant 0 : i32
        %dma_wait3A_473 = tpu.memref_slice %arg4[%add3A_305, %mul3A_307, %dma_wait3A_471, %dma_wait3A_472] : memref<512x128x8x128xf32, #tpu.memory_space<hbm>> -> memref<1x8x8x128xf32, #tpu.memory_space<hbm>>
        %dma_wait3A_474 = tpu.memref_squeeze %dma_wait3A_473 : memref<1x8x8x128xf32, #tpu.memory_space<hbm>> -> memref<8x8x128xf32, #tpu.memory_space<hbm>>
        %dma_wait3A_475 = arith.constant 0 : i32
        %dma_wait3A_476 = arith.constant 0 : i32
        %dma_wait3A_477 = tpu.memref_slice %arg4[%add3A_305, %mul3A_307, %dma_wait3A_475, %dma_wait3A_476] : memref<512x128x8x128xf32, #tpu.memory_space<hbm>> -> memref<1x8x8x128xf32, #tpu.memory_space<hbm>>
        %dma_wait3A_478 = tpu.memref_squeeze %dma_wait3A_477 : memref<1x8x8x128xf32, #tpu.memory_space<hbm>> -> memref<8x8x128xf32, #tpu.memory_space<hbm>>
        tpu.wait_dma2 semaphore(%arg13 : memref<!tpu.dma_semaphore, #tpu.memory_space<semaphore_mem>>) src(%arg9 : memref<8x8x128xf32, #tpu.memory_space<vmem>>) dst(%dma_wait3A_478 : memref<8x8x128xf32, #tpu.memory_space<hbm>>)
      } else {
      }
      %mul3A_313 = arith.constant 1024 : i32
      %mul3A_314 = arith.muli %select_n3A_302, %mul3A_313 : i32
      %mul3A_315 = arith.constant 8 : i32
      %mul3A_316 = arith.muli %select_n3A_286, %mul3A_315 : i32
      %add3A_317 = arith.constant 0 : i32
      %add3A_318 = arith.addi %mul3A_316, %add3A_317 : i32
      %broadcast_in_dim3A_319 = vector.broadcast %add3A_318 : i32 to vector<16xi32>
      %mul3A_320 = arith.constant 8 : i32
      %mul3A_321 = arith.muli %select_n3A_286, %mul3A_320 : i32
      %add3A_322 = arith.constant 1 : i32
      %add3A_323 = arith.addi %mul3A_321, %add3A_322 : i32
      %broadcast_in_dim3A_324 = vector.broadcast %add3A_323 : i32 to vector<16xi32>
      %mul3A_325 = arith.constant 8 : i32
      %mul3A_326 = arith.muli %select_n3A_286, %mul3A_325 : i32
      %add3A_327 = arith.constant 2 : i32
      %add3A_328 = arith.addi %mul3A_326, %add3A_327 : i32
      %broadcast_in_dim3A_329 = vector.broadcast %add3A_328 : i32 to vector<16xi32>
      %mul3A_330 = arith.constant 8 : i32
      %mul3A_331 = arith.muli %select_n3A_286, %mul3A_330 : i32
      %add3A_332 = arith.constant 3 : i32
      %add3A_333 = arith.addi %mul3A_331, %add3A_332 : i32
      %broadcast_in_dim3A_334 = vector.broadcast %add3A_333 : i32 to vector<16xi32>
      %mul3A_335 = arith.constant 8 : i32
      %mul3A_336 = arith.muli %select_n3A_286, %mul3A_335 : i32
      %add3A_337 = arith.constant 4 : i32
      %add3A_338 = arith.addi %mul3A_336, %add3A_337 : i32
      %broadcast_in_dim3A_339 = vector.broadcast %add3A_338 : i32 to vector<16xi32>
      %mul3A_340 = arith.constant 8 : i32
      %mul3A_341 = arith.muli %select_n3A_286, %mul3A_340 : i32
      %add3A_342 = arith.constant 5 : i32
      %add3A_343 = arith.addi %mul3A_341, %add3A_342 : i32
      %broadcast_in_dim3A_344 = vector.broadcast %add3A_343 : i32 to vector<16xi32>
      %mul3A_345 = arith.constant 8 : i32
      %mul3A_346 = arith.muli %select_n3A_286, %mul3A_345 : i32
      %add3A_347 = arith.constant 6 : i32
      %add3A_348 = arith.addi %mul3A_346, %add3A_347 : i32
      %broadcast_in_dim3A_349 = vector.broadcast %add3A_348 : i32 to vector<16xi32>
      %mul3A_350 = arith.constant 8 : i32
      %mul3A_351 = arith.muli %select_n3A_286, %mul3A_350 : i32
      %add3A_352 = arith.constant 7 : i32
      %add3A_353 = arith.addi %mul3A_351, %add3A_352 : i32
      %broadcast_in_dim3A_354 = vector.broadcast %add3A_353 : i32 to vector<16xi32>
      %parallel_loop3A_355 = arith.constant 0 : i32
      %parallel_loop3A_356 = arith.constant 64 : i32
      %parallel_loop3A_357 = arith.constant 1 : i32
      scf.for %parallel_loop3A_471 = %parallel_loop3A_355 to %parallel_loop3A_356 step %parallel_loop3A_357  : i32 {
        %parallel_loop3A_472 = arith.constant 16 : i32
        %parallel_loop3A_473 = arith.muli %parallel_loop3A_471, %parallel_loop3A_472 : i32
        %parallel_loop3A_474 = arith.addi %mul3A_314, %parallel_loop3A_473 : i32
        %parallel_loop3A_475 = arith.index_cast %parallel_loop3A_474 : i32 to index
        %parallel_loop3A_476 = tpu.vector_load %arg6[%parallel_loop3A_475] {strides = array<i32>} : memref<16384xi32, #tpu.memory_space<vmem>>, vector<16xi32>,
        %parallel_loop3A_477 = tpu.vector_load_idx %arg5[%broadcast_in_dim3A_319, %parallel_loop3A_476] : memref<128x512xf32, #tpu.memory_space<vmem>>[vector<16xi32>, vector<16xi32>], vector<16xf32>,
        %parallel_loop3A_478 = arith.constant 8 : i32
        %parallel_loop3A_479 = arith.divsi %parallel_loop3A_471, %parallel_loop3A_478 : i32
        %parallel_loop3A_480 = arith.constant 0 : i32
        %parallel_loop3A_481 = arith.cmpi sgt, %parallel_loop3A_471, %parallel_loop3A_480 : i32
        %parallel_loop3A_482 = arith.extui %parallel_loop3A_481 : i1 to i32
        %parallel_loop3A_483 = arith.constant 0 : i32
        %parallel_loop3A_484 = arith.cmpi slt, %parallel_loop3A_471, %parallel_loop3A_483 : i32
        %parallel_loop3A_485 = arith.extui %parallel_loop3A_484 : i1 to i32
        %parallel_loop3A_486 = arith.subi %parallel_loop3A_482, %parallel_loop3A_485 : i32
        %parallel_loop3A_487 = arith.constant 0 : i32
        %parallel_loop3A_488 = arith.cmpi sgt, %parallel_loop3A_478, %parallel_loop3A_487 : i32
        %parallel_loop3A_489 = arith.extui %parallel_loop3A_488 : i1 to i32
        %parallel_loop3A_490 = arith.constant 0 : i32
        %parallel_loop3A_491 = arith.cmpi slt, %parallel_loop3A_478, %parallel_loop3A_490 : i32
        %parallel_loop3A_492 = arith.extui %parallel_loop3A_491 : i1 to i32
        %parallel_loop3A_493 = arith.subi %parallel_loop3A_489, %parallel_loop3A_492 : i32
        %parallel_loop3A_494 = arith.cmpi ne, %parallel_loop3A_486, %parallel_loop3A_493 : i32
        %parallel_loop3A_495 = arith.remsi %parallel_loop3A_471, %parallel_loop3A_478 : i32
        %parallel_loop3A_496 = arith.constant 0 : i32
        %parallel_loop3A_497 = arith.cmpi ne, %parallel_loop3A_495, %parallel_loop3A_496 : i32
        %parallel_loop3A_498 = arith.andi %parallel_loop3A_494, %parallel_loop3A_497 : i1
        %parallel_loop3A_499 = arith.constant 1 : i32
        %parallel_loop3A_500 = arith.subi %parallel_loop3A_479, %parallel_loop3A_499 : i32
        %parallel_loop3A_501 = arith.select %parallel_loop3A_498, %parallel_loop3A_500, %parallel_loop3A_479 : i32
        %parallel_loop3A_502 = arith.constant 8 : i32
        %parallel_loop3A_503 = arith.constant 0 : i32
        %parallel_loop3A_504 = arith.cmpi eq, %parallel_loop3A_502, %parallel_loop3A_503 : i32
        %parallel_loop3A_505 = arith.constant 1 : i32
        %parallel_loop3A_506 = arith.select %parallel_loop3A_504, %parallel_loop3A_505, %parallel_loop3A_502 : i32
        %parallel_loop3A_507 = arith.remsi %parallel_loop3A_471, %parallel_loop3A_506 : i32
        %parallel_loop3A_508 = arith.constant 0 : i32
        %parallel_loop3A_509 = arith.cmpi ne, %parallel_loop3A_507, %parallel_loop3A_508 : i32
        %parallel_loop3A_510 = arith.constant 0 : i32
        %parallel_loop3A_511 = arith.cmpi slt, %parallel_loop3A_507, %parallel_loop3A_510 : i32
        %parallel_loop3A_512 = arith.constant 0 : i32
        %parallel_loop3A_513 = arith.cmpi slt, %parallel_loop3A_506, %parallel_loop3A_512 : i32
        %parallel_loop3A_514 = arith.xori %parallel_loop3A_511, %parallel_loop3A_513 : i1
        %parallel_loop3A_515 = arith.andi %parallel_loop3A_514, %parallel_loop3A_509 : i1
        %parallel_loop3A_516 = arith.addi %parallel_loop3A_507, %parallel_loop3A_506 : i32
        %parallel_loop3A_517 = arith.select %parallel_loop3A_515, %parallel_loop3A_516, %parallel_loop3A_507 : i32
        %parallel_loop3A_518 = arith.constant 16 : i32
        %parallel_loop3A_519 = arith.muli %parallel_loop3A_517, %parallel_loop3A_518 : i32
        %parallel_loop3A_520 = arith.constant 0 : i32
        %parallel_loop3A_521 = arith.index_cast %parallel_loop3A_501 : i32 to index
        %parallel_loop3A_522 = arith.index_cast %parallel_loop3A_520 : i32 to index
        %parallel_loop3A_523 = arith.index_cast %parallel_loop3A_519 : i32 to index
        %parallel_loop3A_524 = tpu.vector_load %arg9[%parallel_loop3A_521, %parallel_loop3A_522, %parallel_loop3A_523] {strides = array<i32>} : memref<8x8x128xf32, #tpu.memory_space<vmem>>, vector<16xf32>,
        tpu.vector_store %arg9[%parallel_loop3A_521, %parallel_loop3A_522, %parallel_loop3A_523], %parallel_loop3A_477 {strides = array<i32>} : memref<8x8x128xf32, #tpu.memory_space<vmem>>, vector<16xf32>,
        %parallel_loop3A_525 = tpu.vector_load_idx %arg5[%broadcast_in_dim3A_324, %parallel_loop3A_476] : memref<128x512xf32, #tpu.memory_space<vmem>>[vector<16xi32>, vector<16xi32>], vector<16xf32>,
        %parallel_loop3A_526 = arith.constant 8 : i32
        %parallel_loop3A_527 = arith.divsi %parallel_loop3A_471, %parallel_loop3A_526 : i32
        %parallel_loop3A_528 = arith.constant 0 : i32
        %parallel_loop3A_529 = arith.cmpi sgt, %parallel_loop3A_471, %parallel_loop3A_528 : i32
        %parallel_loop3A_530 = arith.extui %parallel_loop3A_529 : i1 to i32
        %parallel_loop3A_531 = arith.constant 0 : i32
        %parallel_loop3A_532 = arith.cmpi slt, %parallel_loop3A_471, %parallel_loop3A_531 : i32
        %parallel_loop3A_533 = arith.extui %parallel_loop3A_532 : i1 to i32
        %parallel_loop3A_534 = arith.subi %parallel_loop3A_530, %parallel_loop3A_533 : i32
        %parallel_loop3A_535 = arith.constant 0 : i32
        %parallel_loop3A_536 = arith.cmpi sgt, %parallel_loop3A_526, %parallel_loop3A_535 : i32
        %parallel_loop3A_537 = arith.extui %parallel_loop3A_536 : i1 to i32
        %parallel_loop3A_538 = arith.constant 0 : i32
        %parallel_loop3A_539 = arith.cmpi slt, %parallel_loop3A_526, %parallel_loop3A_538 : i32
        %parallel_loop3A_540 = arith.extui %parallel_loop3A_539 : i1 to i32
        %parallel_loop3A_541 = arith.subi %parallel_loop3A_537, %parallel_loop3A_540 : i32
        %parallel_loop3A_542 = arith.cmpi ne, %parallel_loop3A_534, %parallel_loop3A_541 : i32
        %parallel_loop3A_543 = arith.remsi %parallel_loop3A_471, %parallel_loop3A_526 : i32
        %parallel_loop3A_544 = arith.constant 0 : i32
        %parallel_loop3A_545 = arith.cmpi ne, %parallel_loop3A_543, %parallel_loop3A_544 : i32
        %parallel_loop3A_546 = arith.andi %parallel_loop3A_542, %parallel_loop3A_545 : i1
        %parallel_loop3A_547 = arith.constant 1 : i32
        %parallel_loop3A_548 = arith.subi %parallel_loop3A_527, %parallel_loop3A_547 : i32
        %parallel_loop3A_549 = arith.select %parallel_loop3A_546, %parallel_loop3A_548, %parallel_loop3A_527 : i32
        %parallel_loop3A_550 = arith.constant 8 : i32
        %parallel_loop3A_551 = arith.constant 0 : i32
        %parallel_loop3A_552 = arith.cmpi eq, %parallel_loop3A_550, %parallel_loop3A_551 : i32
        %parallel_loop3A_553 = arith.constant 1 : i32
        %parallel_loop3A_554 = arith.select %parallel_loop3A_552, %parallel_loop3A_553, %parallel_loop3A_550 : i32
        %parallel_loop3A_555 = arith.remsi %parallel_loop3A_471, %parallel_loop3A_554 : i32
        %parallel_loop3A_556 = arith.constant 0 : i32
        %parallel_loop3A_557 = arith.cmpi ne, %parallel_loop3A_555, %parallel_loop3A_556 : i32
        %parallel_loop3A_558 = arith.constant 0 : i32
        %parallel_loop3A_559 = arith.cmpi slt, %parallel_loop3A_555, %parallel_loop3A_558 : i32
        %parallel_loop3A_560 = arith.constant 0 : i32
        %parallel_loop3A_561 = arith.cmpi slt, %parallel_loop3A_554, %parallel_loop3A_560 : i32
        %parallel_loop3A_562 = arith.xori %parallel_loop3A_559, %parallel_loop3A_561 : i1
        %parallel_loop3A_563 = arith.andi %parallel_loop3A_562, %parallel_loop3A_557 : i1
        %parallel_loop3A_564 = arith.addi %parallel_loop3A_555, %parallel_loop3A_554 : i32
        %parallel_loop3A_565 = arith.select %parallel_loop3A_563, %parallel_loop3A_564, %parallel_loop3A_555 : i32
        %parallel_loop3A_566 = arith.constant 16 : i32
        %parallel_loop3A_567 = arith.muli %parallel_loop3A_565, %parallel_loop3A_566 : i32
        %parallel_loop3A_568 = arith.constant 1 : i32
        %parallel_loop3A_569 = arith.index_cast %parallel_loop3A_549 : i32 to index
        %parallel_loop3A_570 = arith.index_cast %parallel_loop3A_568 : i32 to index
        %parallel_loop3A_571 = arith.index_cast %parallel_loop3A_567 : i32 to index
        %parallel_loop3A_572 = tpu.vector_load %arg9[%parallel_loop3A_569, %parallel_loop3A_570, %parallel_loop3A_571] {strides = array<i32>} : memref<8x8x128xf32, #tpu.memory_space<vmem>>, vector<16xf32>,
        tpu.vector_store %arg9[%parallel_loop3A_569, %parallel_loop3A_570, %parallel_loop3A_571], %parallel_loop3A_525 {strides = array<i32>} : memref<8x8x128xf32, #tpu.memory_space<vmem>>, vector<16xf32>,
        %parallel_loop3A_573 = tpu.vector_load_idx %arg5[%broadcast_in_dim3A_329, %parallel_loop3A_476] : memref<128x512xf32, #tpu.memory_space<vmem>>[vector<16xi32>, vector<16xi32>], vector<16xf32>,
        %parallel_loop3A_574 = arith.constant 8 : i32
        %parallel_loop3A_575 = arith.divsi %parallel_loop3A_471, %parallel_loop3A_574 : i32
        %parallel_loop3A_576 = arith.constant 0 : i32
        %parallel_loop3A_577 = arith.cmpi sgt, %parallel_loop3A_471, %parallel_loop3A_576 : i32
        %parallel_loop3A_578 = arith.extui %parallel_loop3A_577 : i1 to i32
        %parallel_loop3A_579 = arith.constant 0 : i32
        %parallel_loop3A_580 = arith.cmpi slt, %parallel_loop3A_471, %parallel_loop3A_579 : i32
        %parallel_loop3A_581 = arith.extui %parallel_loop3A_580 : i1 to i32
        %parallel_loop3A_582 = arith.subi %parallel_loop3A_578, %parallel_loop3A_581 : i32
        %parallel_loop3A_583 = arith.constant 0 : i32
        %parallel_loop3A_584 = arith.cmpi sgt, %parallel_loop3A_574, %parallel_loop3A_583 : i32
        %parallel_loop3A_585 = arith.extui %parallel_loop3A_584 : i1 to i32
        %parallel_loop3A_586 = arith.constant 0 : i32
        %parallel_loop3A_587 = arith.cmpi slt, %parallel_loop3A_574, %parallel_loop3A_586 : i32
        %parallel_loop3A_588 = arith.extui %parallel_loop3A_587 : i1 to i32
        %parallel_loop3A_589 = arith.subi %parallel_loop3A_585, %parallel_loop3A_588 : i32
        %parallel_loop3A_590 = arith.cmpi ne, %parallel_loop3A_582, %parallel_loop3A_589 : i32
        %parallel_loop3A_591 = arith.remsi %parallel_loop3A_471, %parallel_loop3A_574 : i32
        %parallel_loop3A_592 = arith.constant 0 : i32
        %parallel_loop3A_593 = arith.cmpi ne, %parallel_loop3A_591, %parallel_loop3A_592 : i32
        %parallel_loop3A_594 = arith.andi %parallel_loop3A_590, %parallel_loop3A_593 : i1
        %parallel_loop3A_595 = arith.constant 1 : i32
        %parallel_loop3A_596 = arith.subi %parallel_loop3A_575, %parallel_loop3A_595 : i32
        %parallel_loop3A_597 = arith.select %parallel_loop3A_594, %parallel_loop3A_596, %parallel_loop3A_575 : i32
        %parallel_loop3A_598 = arith.constant 8 : i32
        %parallel_loop3A_599 = arith.constant 0 : i32
        %parallel_loop3A_600 = arith.cmpi eq, %parallel_loop3A_598, %parallel_loop3A_599 : i32
        %parallel_loop3A_601 = arith.constant 1 : i32
        %parallel_loop3A_602 = arith.select %parallel_loop3A_600, %parallel_loop3A_601, %parallel_loop3A_598 : i32
        %parallel_loop3A_603 = arith.remsi %parallel_loop3A_471, %parallel_loop3A_602 : i32
        %parallel_loop3A_604 = arith.constant 0 : i32
        %parallel_loop3A_605 = arith.cmpi ne, %parallel_loop3A_603, %parallel_loop3A_604 : i32
        %parallel_loop3A_606 = arith.constant 0 : i32
        %parallel_loop3A_607 = arith.cmpi slt, %parallel_loop3A_603, %parallel_loop3A_606 : i32
        %parallel_loop3A_608 = arith.constant 0 : i32
        %parallel_loop3A_609 = arith.cmpi slt, %parallel_loop3A_602, %parallel_loop3A_608 : i32
        %parallel_loop3A_610 = arith.xori %parallel_loop3A_607, %parallel_loop3A_609 : i1
        %parallel_loop3A_611 = arith.andi %parallel_loop3A_610, %parallel_loop3A_605 : i1
        %parallel_loop3A_612 = arith.addi %parallel_loop3A_603, %parallel_loop3A_602 : i32
        %parallel_loop3A_613 = arith.select %parallel_loop3A_611, %parallel_loop3A_612, %parallel_loop3A_603 : i32
        %parallel_loop3A_614 = arith.constant 16 : i32
        %parallel_loop3A_615 = arith.muli %parallel_loop3A_613, %parallel_loop3A_614 : i32
        %parallel_loop3A_616 = arith.constant 2 : i32
        %parallel_loop3A_617 = arith.index_cast %parallel_loop3A_597 : i32 to index
        %parallel_loop3A_618 = arith.index_cast %parallel_loop3A_616 : i32 to index
        %parallel_loop3A_619 = arith.index_cast %parallel_loop3A_615 : i32 to index
        %parallel_loop3A_620 = tpu.vector_load %arg9[%parallel_loop3A_617, %parallel_loop3A_618, %parallel_loop3A_619] {strides = array<i32>} : memref<8x8x128xf32, #tpu.memory_space<vmem>>, vector<16xf32>,
        tpu.vector_store %arg9[%parallel_loop3A_617, %parallel_loop3A_618, %parallel_loop3A_619], %parallel_loop3A_573 {strides = array<i32>} : memref<8x8x128xf32, #tpu.memory_space<vmem>>, vector<16xf32>,
        %parallel_loop3A_621 = tpu.vector_load_idx %arg5[%broadcast_in_dim3A_334, %parallel_loop3A_476] : memref<128x512xf32, #tpu.memory_space<vmem>>[vector<16xi32>, vector<16xi32>], vector<16xf32>,
        %parallel_loop3A_622 = arith.constant 8 : i32
        %parallel_loop3A_623 = arith.divsi %parallel_loop3A_471, %parallel_loop3A_622 : i32
        %parallel_loop3A_624 = arith.constant 0 : i32
        %parallel_loop3A_625 = arith.cmpi sgt, %parallel_loop3A_471, %parallel_loop3A_624 : i32
        %parallel_loop3A_626 = arith.extui %parallel_loop3A_625 : i1 to i32
        %parallel_loop3A_627 = arith.constant 0 : i32
        %parallel_loop3A_628 = arith.cmpi slt, %parallel_loop3A_471, %parallel_loop3A_627 : i32
        %parallel_loop3A_629 = arith.extui %parallel_loop3A_628 : i1 to i32
        %parallel_loop3A_630 = arith.subi %parallel_loop3A_626, %parallel_loop3A_629 : i32
        %parallel_loop3A_631 = arith.constant 0 : i32
        %parallel_loop3A_632 = arith.cmpi sgt, %parallel_loop3A_622, %parallel_loop3A_631 : i32
        %parallel_loop3A_633 = arith.extui %parallel_loop3A_632 : i1 to i32
        %parallel_loop3A_634 = arith.constant 0 : i32
        %parallel_loop3A_635 = arith.cmpi slt, %parallel_loop3A_622, %parallel_loop3A_634 : i32
        %parallel_loop3A_636 = arith.extui %parallel_loop3A_635 : i1 to i32
        %parallel_loop3A_637 = arith.subi %parallel_loop3A_633, %parallel_loop3A_636 : i32
        %parallel_loop3A_638 = arith.cmpi ne, %parallel_loop3A_630, %parallel_loop3A_637 : i32
        %parallel_loop3A_639 = arith.remsi %parallel_loop3A_471, %parallel_loop3A_622 : i32
        %parallel_loop3A_640 = arith.constant 0 : i32
        %parallel_loop3A_641 = arith.cmpi ne, %parallel_loop3A_639, %parallel_loop3A_640 : i32
        %parallel_loop3A_642 = arith.andi %parallel_loop3A_638, %parallel_loop3A_641 : i1
        %parallel_loop3A_643 = arith.constant 1 : i32
        %parallel_loop3A_644 = arith.subi %parallel_loop3A_623, %parallel_loop3A_643 : i32
        %parallel_loop3A_645 = arith.select %parallel_loop3A_642, %parallel_loop3A_644, %parallel_loop3A_623 : i32
        %parallel_loop3A_646 = arith.constant 8 : i32
        %parallel_loop3A_647 = arith.constant 0 : i32
        %parallel_loop3A_648 = arith.cmpi eq, %parallel_loop3A_646, %parallel_loop3A_647 : i32
        %parallel_loop3A_649 = arith.constant 1 : i32
        %parallel_loop3A_650 = arith.select %parallel_loop3A_648, %parallel_loop3A_649, %parallel_loop3A_646 : i32
        %parallel_loop3A_651 = arith.remsi %parallel_loop3A_471, %parallel_loop3A_650 : i32
        %parallel_loop3A_652 = arith.constant 0 : i32
        %parallel_loop3A_653 = arith.cmpi ne, %parallel_loop3A_651, %parallel_loop3A_652 : i32
        %parallel_loop3A_654 = arith.constant 0 : i32
        %parallel_loop3A_655 = arith.cmpi slt, %parallel_loop3A_651, %parallel_loop3A_654 : i32
        %parallel_loop3A_656 = arith.constant 0 : i32
        %parallel_loop3A_657 = arith.cmpi slt, %parallel_loop3A_650, %parallel_loop3A_656 : i32
        %parallel_loop3A_658 = arith.xori %parallel_loop3A_655, %parallel_loop3A_657 : i1
        %parallel_loop3A_659 = arith.andi %parallel_loop3A_658, %parallel_loop3A_653 : i1
        %parallel_loop3A_660 = arith.addi %parallel_loop3A_651, %parallel_loop3A_650 : i32
        %parallel_loop3A_661 = arith.select %parallel_loop3A_659, %parallel_loop3A_660, %parallel_loop3A_651 : i32
        %parallel_loop3A_662 = arith.constant 16 : i32
        %parallel_loop3A_663 = arith.muli %parallel_loop3A_661, %parallel_loop3A_662 : i32
        %parallel_loop3A_664 = arith.constant 3 : i32
        %parallel_loop3A_665 = arith.index_cast %parallel_loop3A_645 : i32 to index
        %parallel_loop3A_666 = arith.index_cast %parallel_loop3A_664 : i32 to index
        %parallel_loop3A_667 = arith.index_cast %parallel_loop3A_663 : i32 to index
        %parallel_loop3A_668 = tpu.vector_load %arg9[%parallel_loop3A_665, %parallel_loop3A_666, %parallel_loop3A_667] {strides = array<i32>} : memref<8x8x128xf32, #tpu.memory_space<vmem>>, vector<16xf32>,
        tpu.vector_store %arg9[%parallel_loop3A_665, %parallel_loop3A_666, %parallel_loop3A_667], %parallel_loop3A_621 {strides = array<i32>} : memref<8x8x128xf32, #tpu.memory_space<vmem>>, vector<16xf32>,
        %parallel_loop3A_669 = tpu.vector_load_idx %arg5[%broadcast_in_dim3A_339, %parallel_loop3A_476] : memref<128x512xf32, #tpu.memory_space<vmem>>[vector<16xi32>, vector<16xi32>], vector<16xf32>,
        %parallel_loop3A_670 = arith.constant 8 : i32
        %parallel_loop3A_671 = arith.divsi %parallel_loop3A_471, %parallel_loop3A_670 : i32
        %parallel_loop3A_672 = arith.constant 0 : i32
        %parallel_loop3A_673 = arith.cmpi sgt, %parallel_loop3A_471, %parallel_loop3A_672 : i32
        %parallel_loop3A_674 = arith.extui %parallel_loop3A_673 : i1 to i32
        %parallel_loop3A_675 = arith.constant 0 : i32
        %parallel_loop3A_676 = arith.cmpi slt, %parallel_loop3A_471, %parallel_loop3A_675 : i32
        %parallel_loop3A_677 = arith.extui %parallel_loop3A_676 : i1 to i32
        %parallel_loop3A_678 = arith.subi %parallel_loop3A_674, %parallel_loop3A_677 : i32
        %parallel_loop3A_679 = arith.constant 0 : i32
        %parallel_loop3A_680 = arith.cmpi sgt, %parallel_loop3A_670, %parallel_loop3A_679 : i32
        %parallel_loop3A_681 = arith.extui %parallel_loop3A_680 : i1 to i32
        %parallel_loop3A_682 = arith.constant 0 : i32
        %parallel_loop3A_683 = arith.cmpi slt, %parallel_loop3A_670, %parallel_loop3A_682 : i32
        %parallel_loop3A_684 = arith.extui %parallel_loop3A_683 : i1 to i32
        %parallel_loop3A_685 = arith.subi %parallel_loop3A_681, %parallel_loop3A_684 : i32
        %parallel_loop3A_686 = arith.cmpi ne, %parallel_loop3A_678, %parallel_loop3A_685 : i32
        %parallel_loop3A_687 = arith.remsi %parallel_loop3A_471, %parallel_loop3A_670 : i32
        %parallel_loop3A_688 = arith.constant 0 : i32
        %parallel_loop3A_689 = arith.cmpi ne, %parallel_loop3A_687, %parallel_loop3A_688 : i32
        %parallel_loop3A_690 = arith.andi %parallel_loop3A_686, %parallel_loop3A_689 : i1
        %parallel_loop3A_691 = arith.constant 1 : i32
        %parallel_loop3A_692 = arith.subi %parallel_loop3A_671, %parallel_loop3A_691 : i32
        %parallel_loop3A_693 = arith.select %parallel_loop3A_690, %parallel_loop3A_692, %parallel_loop3A_671 : i32
        %parallel_loop3A_694 = arith.constant 8 : i32
        %parallel_loop3A_695 = arith.constant 0 : i32
        %parallel_loop3A_696 = arith.cmpi eq, %parallel_loop3A_694, %parallel_loop3A_695 : i32
        %parallel_loop3A_697 = arith.constant 1 : i32
        %parallel_loop3A_698 = arith.select %parallel_loop3A_696, %parallel_loop3A_697, %parallel_loop3A_694 : i32
        %parallel_loop3A_699 = arith.remsi %parallel_loop3A_471, %parallel_loop3A_698 : i32
        %parallel_loop3A_700 = arith.constant 0 : i32
        %parallel_loop3A_701 = arith.cmpi ne, %parallel_loop3A_699, %parallel_loop3A_700 : i32
        %parallel_loop3A_702 = arith.constant 0 : i32
        %parallel_loop3A_703 = arith.cmpi slt, %parallel_loop3A_699, %parallel_loop3A_702 : i32
        %parallel_loop3A_704 = arith.constant 0 : i32
        %parallel_loop3A_705 = arith.cmpi slt, %parallel_loop3A_698, %parallel_loop3A_704 : i32
        %parallel_loop3A_706 = arith.xori %parallel_loop3A_703, %parallel_loop3A_705 : i1
        %parallel_loop3A_707 = arith.andi %parallel_loop3A_706, %parallel_loop3A_701 : i1
        %parallel_loop3A_708 = arith.addi %parallel_loop3A_699, %parallel_loop3A_698 : i32
        %parallel_loop3A_709 = arith.select %parallel_loop3A_707, %parallel_loop3A_708, %parallel_loop3A_699 : i32
        %parallel_loop3A_710 = arith.constant 16 : i32
        %parallel_loop3A_711 = arith.muli %parallel_loop3A_709, %parallel_loop3A_710 : i32
        %parallel_loop3A_712 = arith.constant 4 : i32
        %parallel_loop3A_713 = arith.index_cast %parallel_loop3A_693 : i32 to index
        %parallel_loop3A_714 = arith.index_cast %parallel_loop3A_712 : i32 to index
        %parallel_loop3A_715 = arith.index_cast %parallel_loop3A_711 : i32 to index
        %parallel_loop3A_716 = tpu.vector_load %arg9[%parallel_loop3A_713, %parallel_loop3A_714, %parallel_loop3A_715] {strides = array<i32>} : memref<8x8x128xf32, #tpu.memory_space<vmem>>, vector<16xf32>,
        tpu.vector_store %arg9[%parallel_loop3A_713, %parallel_loop3A_714, %parallel_loop3A_715], %parallel_loop3A_669 {strides = array<i32>} : memref<8x8x128xf32, #tpu.memory_space<vmem>>, vector<16xf32>,
        %parallel_loop3A_717 = tpu.vector_load_idx %arg5[%broadcast_in_dim3A_344, %parallel_loop3A_476] : memref<128x512xf32, #tpu.memory_space<vmem>>[vector<16xi32>, vector<16xi32>], vector<16xf32>,
        %parallel_loop3A_718 = arith.constant 8 : i32
        %parallel_loop3A_719 = arith.divsi %parallel_loop3A_471, %parallel_loop3A_718 : i32
        %parallel_loop3A_720 = arith.constant 0 : i32
        %parallel_loop3A_721 = arith.cmpi sgt, %parallel_loop3A_471, %parallel_loop3A_720 : i32
        %parallel_loop3A_722 = arith.extui %parallel_loop3A_721 : i1 to i32
        %parallel_loop3A_723 = arith.constant 0 : i32
        %parallel_loop3A_724 = arith.cmpi slt, %parallel_loop3A_471, %parallel_loop3A_723 : i32
        %parallel_loop3A_725 = arith.extui %parallel_loop3A_724 : i1 to i32
        %parallel_loop3A_726 = arith.subi %parallel_loop3A_722, %parallel_loop3A_725 : i32
        %parallel_loop3A_727 = arith.constant 0 : i32
        %parallel_loop3A_728 = arith.cmpi sgt, %parallel_loop3A_718, %parallel_loop3A_727 : i32
        %parallel_loop3A_729 = arith.extui %parallel_loop3A_728 : i1 to i32
        %parallel_loop3A_730 = arith.constant 0 : i32
        %parallel_loop3A_731 = arith.cmpi slt, %parallel_loop3A_718, %parallel_loop3A_730 : i32
        %parallel_loop3A_732 = arith.extui %parallel_loop3A_731 : i1 to i32
        %parallel_loop3A_733 = arith.subi %parallel_loop3A_729, %parallel_loop3A_732 : i32
        %parallel_loop3A_734 = arith.cmpi ne, %parallel_loop3A_726, %parallel_loop3A_733 : i32
        %parallel_loop3A_735 = arith.remsi %parallel_loop3A_471, %parallel_loop3A_718 : i32
        %parallel_loop3A_736 = arith.constant 0 : i32
        %parallel_loop3A_737 = arith.cmpi ne, %parallel_loop3A_735, %parallel_loop3A_736 : i32
        %parallel_loop3A_738 = arith.andi %parallel_loop3A_734, %parallel_loop3A_737 : i1
        %parallel_loop3A_739 = arith.constant 1 : i32
        %parallel_loop3A_740 = arith.subi %parallel_loop3A_719, %parallel_loop3A_739 : i32
        %parallel_loop3A_741 = arith.select %parallel_loop3A_738, %parallel_loop3A_740, %parallel_loop3A_719 : i32
        %parallel_loop3A_742 = arith.constant 8 : i32
        %parallel_loop3A_743 = arith.constant 0 : i32
        %parallel_loop3A_744 = arith.cmpi eq, %parallel_loop3A_742, %parallel_loop3A_743 : i32
        %parallel_loop3A_745 = arith.constant 1 : i32
        %parallel_loop3A_746 = arith.select %parallel_loop3A_744, %parallel_loop3A_745, %parallel_loop3A_742 : i32
        %parallel_loop3A_747 = arith.remsi %parallel_loop3A_471, %parallel_loop3A_746 : i32
        %parallel_loop3A_748 = arith.constant 0 : i32
        %parallel_loop3A_749 = arith.cmpi ne, %parallel_loop3A_747, %parallel_loop3A_748 : i32
        %parallel_loop3A_750 = arith.constant 0 : i32
        %parallel_loop3A_751 = arith.cmpi slt, %parallel_loop3A_747, %parallel_loop3A_750 : i32
        %parallel_loop3A_752 = arith.constant 0 : i32
        %parallel_loop3A_753 = arith.cmpi slt, %parallel_loop3A_746, %parallel_loop3A_752 : i32
        %parallel_loop3A_754 = arith.xori %parallel_loop3A_751, %parallel_loop3A_753 : i1
        %parallel_loop3A_755 = arith.andi %parallel_loop3A_754, %parallel_loop3A_749 : i1
        %parallel_loop3A_756 = arith.addi %parallel_loop3A_747, %parallel_loop3A_746 : i32
        %parallel_loop3A_757 = arith.select %parallel_loop3A_755, %parallel_loop3A_756, %parallel_loop3A_747 : i32
        %parallel_loop3A_758 = arith.constant 16 : i32
        %parallel_loop3A_759 = arith.muli %parallel_loop3A_757, %parallel_loop3A_758 : i32
        %parallel_loop3A_760 = arith.constant 5 : i32
        %parallel_loop3A_761 = arith.index_cast %parallel_loop3A_741 : i32 to index
        %parallel_loop3A_762 = arith.index_cast %parallel_loop3A_760 : i32 to index
        %parallel_loop3A_763 = arith.index_cast %parallel_loop3A_759 : i32 to index
        %parallel_loop3A_764 = tpu.vector_load %arg9[%parallel_loop3A_761, %parallel_loop3A_762, %parallel_loop3A_763] {strides = array<i32>} : memref<8x8x128xf32, #tpu.memory_space<vmem>>, vector<16xf32>,
        tpu.vector_store %arg9[%parallel_loop3A_761, %parallel_loop3A_762, %parallel_loop3A_763], %parallel_loop3A_717 {strides = array<i32>} : memref<8x8x128xf32, #tpu.memory_space<vmem>>, vector<16xf32>,
        %parallel_loop3A_765 = tpu.vector_load_idx %arg5[%broadcast_in_dim3A_349, %parallel_loop3A_476] : memref<128x512xf32, #tpu.memory_space<vmem>>[vector<16xi32>, vector<16xi32>], vector<16xf32>,
        %parallel_loop3A_766 = arith.constant 8 : i32
        %parallel_loop3A_767 = arith.divsi %parallel_loop3A_471, %parallel_loop3A_766 : i32
        %parallel_loop3A_768 = arith.constant 0 : i32
        %parallel_loop3A_769 = arith.cmpi sgt, %parallel_loop3A_471, %parallel_loop3A_768 : i32
        %parallel_loop3A_770 = arith.extui %parallel_loop3A_769 : i1 to i32
        %parallel_loop3A_771 = arith.constant 0 : i32
        %parallel_loop3A_772 = arith.cmpi slt, %parallel_loop3A_471, %parallel_loop3A_771 : i32
        %parallel_loop3A_773 = arith.extui %parallel_loop3A_772 : i1 to i32
        %parallel_loop3A_774 = arith.subi %parallel_loop3A_770, %parallel_loop3A_773 : i32
        %parallel_loop3A_775 = arith.constant 0 : i32
        %parallel_loop3A_776 = arith.cmpi sgt, %parallel_loop3A_766, %parallel_loop3A_775 : i32
        %parallel_loop3A_777 = arith.extui %parallel_loop3A_776 : i1 to i32
        %parallel_loop3A_778 = arith.constant 0 : i32
        %parallel_loop3A_779 = arith.cmpi slt, %parallel_loop3A_766, %parallel_loop3A_778 : i32
        %parallel_loop3A_780 = arith.extui %parallel_loop3A_779 : i1 to i32
        %parallel_loop3A_781 = arith.subi %parallel_loop3A_777, %parallel_loop3A_780 : i32
        %parallel_loop3A_782 = arith.cmpi ne, %parallel_loop3A_774, %parallel_loop3A_781 : i32
        %parallel_loop3A_783 = arith.remsi %parallel_loop3A_471, %parallel_loop3A_766 : i32
        %parallel_loop3A_784 = arith.constant 0 : i32
        %parallel_loop3A_785 = arith.cmpi ne, %parallel_loop3A_783, %parallel_loop3A_784 : i32
        %parallel_loop3A_786 = arith.andi %parallel_loop3A_782, %parallel_loop3A_785 : i1
        %parallel_loop3A_787 = arith.constant 1 : i32
        %parallel_loop3A_788 = arith.subi %parallel_loop3A_767, %parallel_loop3A_787 : i32
        %parallel_loop3A_789 = arith.select %parallel_loop3A_786, %parallel_loop3A_788, %parallel_loop3A_767 : i32
        %parallel_loop3A_790 = arith.constant 8 : i32
        %parallel_loop3A_791 = arith.constant 0 : i32
        %parallel_loop3A_792 = arith.cmpi eq, %parallel_loop3A_790, %parallel_loop3A_791 : i32
        %parallel_loop3A_793 = arith.constant 1 : i32
        %parallel_loop3A_794 = arith.select %parallel_loop3A_792, %parallel_loop3A_793, %parallel_loop3A_790 : i32
        %parallel_loop3A_795 = arith.remsi %parallel_loop3A_471, %parallel_loop3A_794 : i32
        %parallel_loop3A_796 = arith.constant 0 : i32
        %parallel_loop3A_797 = arith.cmpi ne, %parallel_loop3A_795, %parallel_loop3A_796 : i32
        %parallel_loop3A_798 = arith.constant 0 : i32
        %parallel_loop3A_799 = arith.cmpi slt, %parallel_loop3A_795, %parallel_loop3A_798 : i32
        %parallel_loop3A_800 = arith.constant 0 : i32
        %parallel_loop3A_801 = arith.cmpi slt, %parallel_loop3A_794, %parallel_loop3A_800 : i32
        %parallel_loop3A_802 = arith.xori %parallel_loop3A_799, %parallel_loop3A_801 : i1
        %parallel_loop3A_803 = arith.andi %parallel_loop3A_802, %parallel_loop3A_797 : i1
        %parallel_loop3A_804 = arith.addi %parallel_loop3A_795, %parallel_loop3A_794 : i32
        %parallel_loop3A_805 = arith.select %parallel_loop3A_803, %parallel_loop3A_804, %parallel_loop3A_795 : i32
        %parallel_loop3A_806 = arith.constant 16 : i32
        %parallel_loop3A_807 = arith.muli %parallel_loop3A_805, %parallel_loop3A_806 : i32
        %parallel_loop3A_808 = arith.constant 6 : i32
        %parallel_loop3A_809 = arith.index_cast %parallel_loop3A_789 : i32 to index
        %parallel_loop3A_810 = arith.index_cast %parallel_loop3A_808 : i32 to index
        %parallel_loop3A_811 = arith.index_cast %parallel_loop3A_807 : i32 to index
        %parallel_loop3A_812 = tpu.vector_load %arg9[%parallel_loop3A_809, %parallel_loop3A_810, %parallel_loop3A_811] {strides = array<i32>} : memref<8x8x128xf32, #tpu.memory_space<vmem>>, vector<16xf32>,
        tpu.vector_store %arg9[%parallel_loop3A_809, %parallel_loop3A_810, %parallel_loop3A_811], %parallel_loop3A_765 {strides = array<i32>} : memref<8x8x128xf32, #tpu.memory_space<vmem>>, vector<16xf32>,
        %parallel_loop3A_813 = tpu.vector_load_idx %arg5[%broadcast_in_dim3A_354, %parallel_loop3A_476] : memref<128x512xf32, #tpu.memory_space<vmem>>[vector<16xi32>, vector<16xi32>], vector<16xf32>,
        %parallel_loop3A_814 = arith.constant 8 : i32
        %parallel_loop3A_815 = arith.divsi %parallel_loop3A_471, %parallel_loop3A_814 : i32
        %parallel_loop3A_816 = arith.constant 0 : i32
        %parallel_loop3A_817 = arith.cmpi sgt, %parallel_loop3A_471, %parallel_loop3A_816 : i32
        %parallel_loop3A_818 = arith.extui %parallel_loop3A_817 : i1 to i32
        %parallel_loop3A_819 = arith.constant 0 : i32
        %parallel_loop3A_820 = arith.cmpi slt, %parallel_loop3A_471, %parallel_loop3A_819 : i32
        %parallel_loop3A_821 = arith.extui %parallel_loop3A_820 : i1 to i32
        %parallel_loop3A_822 = arith.subi %parallel_loop3A_818, %parallel_loop3A_821 : i32
        %parallel_loop3A_823 = arith.constant 0 : i32
        %parallel_loop3A_824 = arith.cmpi sgt, %parallel_loop3A_814, %parallel_loop3A_823 : i32
        %parallel_loop3A_825 = arith.extui %parallel_loop3A_824 : i1 to i32
        %parallel_loop3A_826 = arith.constant 0 : i32
        %parallel_loop3A_827 = arith.cmpi slt, %parallel_loop3A_814, %parallel_loop3A_826 : i32
        %parallel_loop3A_828 = arith.extui %parallel_loop3A_827 : i1 to i32
        %parallel_loop3A_829 = arith.subi %parallel_loop3A_825, %parallel_loop3A_828 : i32
        %parallel_loop3A_830 = arith.cmpi ne, %parallel_loop3A_822, %parallel_loop3A_829 : i32
        %parallel_loop3A_831 = arith.remsi %parallel_loop3A_471, %parallel_loop3A_814 : i32
        %parallel_loop3A_832 = arith.constant 0 : i32
        %parallel_loop3A_833 = arith.cmpi ne, %parallel_loop3A_831, %parallel_loop3A_832 : i32
        %parallel_loop3A_834 = arith.andi %parallel_loop3A_830, %parallel_loop3A_833 : i1
        %parallel_loop3A_835 = arith.constant 1 : i32
        %parallel_loop3A_836 = arith.subi %parallel_loop3A_815, %parallel_loop3A_835 : i32
        %parallel_loop3A_837 = arith.select %parallel_loop3A_834, %parallel_loop3A_836, %parallel_loop3A_815 : i32
        %parallel_loop3A_838 = arith.constant 8 : i32
        %parallel_loop3A_839 = arith.constant 0 : i32
        %parallel_loop3A_840 = arith.cmpi eq, %parallel_loop3A_838, %parallel_loop3A_839 : i32
        %parallel_loop3A_841 = arith.constant 1 : i32
        %parallel_loop3A_842 = arith.select %parallel_loop3A_840, %parallel_loop3A_841, %parallel_loop3A_838 : i32
        %parallel_loop3A_843 = arith.remsi %parallel_loop3A_471, %parallel_loop3A_842 : i32
        %parallel_loop3A_844 = arith.constant 0 : i32
        %parallel_loop3A_845 = arith.cmpi ne, %parallel_loop3A_843, %parallel_loop3A_844 : i32
        %parallel_loop3A_846 = arith.constant 0 : i32
        %parallel_loop3A_847 = arith.cmpi slt, %parallel_loop3A_843, %parallel_loop3A_846 : i32
        %parallel_loop3A_848 = arith.constant 0 : i32
        %parallel_loop3A_849 = arith.cmpi slt, %parallel_loop3A_842, %parallel_loop3A_848 : i32
        %parallel_loop3A_850 = arith.xori %parallel_loop3A_847, %parallel_loop3A_849 : i1
        %parallel_loop3A_851 = arith.andi %parallel_loop3A_850, %parallel_loop3A_845 : i1
        %parallel_loop3A_852 = arith.addi %parallel_loop3A_843, %parallel_loop3A_842 : i32
        %parallel_loop3A_853 = arith.select %parallel_loop3A_851, %parallel_loop3A_852, %parallel_loop3A_843 : i32
        %parallel_loop3A_854 = arith.constant 16 : i32
        %parallel_loop3A_855 = arith.muli %parallel_loop3A_853, %parallel_loop3A_854 : i32
        %parallel_loop3A_856 = arith.constant 7 : i32
        %parallel_loop3A_857 = arith.index_cast %parallel_loop3A_837 : i32 to index
        %parallel_loop3A_858 = arith.index_cast %parallel_loop3A_856 : i32 to index
        %parallel_loop3A_859 = arith.index_cast %parallel_loop3A_855 : i32 to index
        %parallel_loop3A_860 = tpu.vector_load %arg9[%parallel_loop3A_857, %parallel_loop3A_858, %parallel_loop3A_859] {strides = array<i32>} : memref<8x8x128xf32, #tpu.memory_space<vmem>>, vector<16xf32>,
        tpu.vector_store %arg9[%parallel_loop3A_857, %parallel_loop3A_858, %parallel_loop3A_859], %parallel_loop3A_813 {strides = array<i32>} : memref<8x8x128xf32, #tpu.memory_space<vmem>>, vector<16xf32>,
      } {sc.loop_unroll_factor = 8 : i64, sc.parallel_access}
      %dma_start3A_358 = arith.constant 0 : i32
      %dma_start3A_359 = arith.constant 0 : i32
      %dma_start3A_360 = tpu.memref_slice %arg4[%add3A_305, %mul3A_307, %dma_start3A_358, %dma_start3A_359] : memref<512x128x8x128xf32, #tpu.memory_space<hbm>> -> memref<1x8x8x128xf32, #tpu.memory_space<hbm>>
      %dma_start3A_361 = tpu.memref_squeeze %dma_start3A_360 : memref<1x8x8x128xf32, #tpu.memory_space<hbm>> -> memref<8x8x128xf32, #tpu.memory_space<hbm>>
      %dma_start3A_362 = arith.constant 0 : i32
      %dma_start3A_363 = arith.constant 0 : i32
      %dma_start3A_364 = tpu.memref_slice %arg4[%add3A_305, %mul3A_307, %dma_start3A_362, %dma_start3A_363] : memref<512x128x8x128xf32, #tpu.memory_space<hbm>> -> memref<1x8x8x128xf32, #tpu.memory_space<hbm>>
      %dma_start3A_365 = tpu.memref_squeeze %dma_start3A_364 : memref<1x8x8x128xf32, #tpu.memory_space<hbm>> -> memref<8x8x128xf32, #tpu.memory_space<hbm>>
      tpu.enqueue_dma source(%arg9 : memref<8x8x128xf32, #tpu.memory_space<vmem>>) target(%dma_start3A_365 : memref<8x8x128xf32, #tpu.memory_space<hbm>>) target_semaphore(%arg13 : memref<!tpu.dma_semaphore, #tpu.memory_space<semaphore_mem>>)
      %add3A_366 = arith.constant 3 : i32
      %add3A_367 = arith.addi %add3A_66, %add3A_366 : i32
      %jit3A_368 = arith.constant 16 : i32
      %div3A_369 = arith.divsi %add3A_367, %jit3A_368 : i32
      %sign3A_370 = arith.constant 0 : i32
      %sign3A_371 = arith.cmpi sgt, %add3A_367, %sign3A_370 : i32
      %sign3A_372 = arith.extui %sign3A_371 : i1 to i32
      %sign3A_373 = arith.constant 0 : i32
      %sign3A_374 = arith.cmpi slt, %add3A_367, %sign3A_373 : i32
      %sign3A_375 = arith.extui %sign3A_374 : i1 to i32
      %sign3A_376 = arith.subi %sign3A_372, %sign3A_375 : i32
      %sign3A_377 = arith.constant 0 : i32
      %sign3A_378 = arith.cmpi sgt, %jit3A_368, %sign3A_377 : i32
      %sign3A_379 = arith.extui %sign3A_378 : i1 to i32
      %sign3A_380 = arith.constant 0 : i32
      %sign3A_381 = arith.cmpi slt, %jit3A_368, %sign3A_380 : i32
      %sign3A_382 = arith.extui %sign3A_381 : i1 to i32
      %sign3A_383 = arith.subi %sign3A_379, %sign3A_382 : i32
      %ne3A_384 = arith.cmpi ne, %sign3A_376, %sign3A_383 : i32
      %rem3A_385 = arith.remsi %add3A_367, %jit3A_368 : i32
      %ne3A_386 = arith.constant 0 : i32
      %ne3A_387 = arith.cmpi ne, %rem3A_385, %ne3A_386 : i32
      %and3A_388 = arith.andi %ne3A_384, %ne3A_387 : i1
      %sub3A_389 = arith.constant 1 : i32
      %sub3A_390 = arith.subi %div3A_369, %sub3A_389 : i32
      %select_n3A_391 = arith.select %and3A_388, %sub3A_390, %div3A_369 : i32
      %jit3A_392 = arith.constant 16 : i32
      %eq3A_393 = arith.constant 0 : i32
      %eq3A_394 = arith.cmpi eq, %jit3A_392, %eq3A_393 : i32
      %jit3A_395 = arith.constant 1 : i32
      %select_n3A_396 = arith.select %eq3A_394, %jit3A_395, %jit3A_392 : i32
      %rem3A_397 = arith.remsi %add3A_367, %select_n3A_396 : i32
      %ne3A_398 = arith.constant 0 : i32
      %ne3A_399 = arith.cmpi ne, %rem3A_397, %ne3A_398 : i32
      %lt3A_400 = arith.constant 0 : i32
      %lt3A_401 = arith.cmpi slt, %rem3A_397, %lt3A_400 : i32
      %lt3A_402 = arith.constant 0 : i32
      %lt3A_403 = arith.cmpi slt, %select_n3A_396, %lt3A_402 : i32
      %ne3A_404 = arith.xori %lt3A_401, %lt3A_403 : i1
      %and3A_405 = arith.andi %ne3A_404, %ne3A_399 : i1
      %add3A_406 = arith.addi %rem3A_397, %select_n3A_396 : i32
      %select_n3A_407 = arith.select %and3A_405, %add3A_406, %rem3A_397 : i32
      %mul3A_408 = arith.constant 16 : i32
      %mul3A_409 = arith.muli %add3A, %mul3A_408 : i32
      %add3A_410 = arith.addi %mul3A_409, %select_n3A_391 : i32
      %mul3A_411 = arith.constant 8 : i32
      %mul3A_412 = arith.muli %select_n3A_407, %mul3A_411 : i32
      %ge3A_413 = arith.constant 4 : i32
      %ge3A_414 = arith.cmpi sge, %add3A_367, %ge3A_413 : i32
      %convert_element_type3A_415 = arith.extui %ge3A_414 : i1 to i32
      %cond3A_416 = arith.constant 0 : i32
      %cond3A_417 = arith.cmpi ne, %convert_element_type3A_415, %cond3A_416 : i32
      scf.if %cond3A_417 {
        %dma_wait3A_471 = arith.constant 0 : i32
        %dma_wait3A_472 = arith.constant 0 : i32
        %dma_wait3A_473 = tpu.memref_slice %arg4[%add3A_410, %mul3A_412, %dma_wait3A_471, %dma_wait3A_472] : memref<512x128x8x128xf32, #tpu.memory_space<hbm>> -> memref<1x8x8x128xf32, #tpu.memory_space<hbm>>
        %dma_wait3A_474 = tpu.memref_squeeze %dma_wait3A_473 : memref<1x8x8x128xf32, #tpu.memory_space<hbm>> -> memref<8x8x128xf32, #tpu.memory_space<hbm>>
        %dma_wait3A_475 = arith.constant 0 : i32
        %dma_wait3A_476 = arith.constant 0 : i32
        %dma_wait3A_477 = tpu.memref_slice %arg4[%add3A_410, %mul3A_412, %dma_wait3A_475, %dma_wait3A_476] : memref<512x128x8x128xf32, #tpu.memory_space<hbm>> -> memref<1x8x8x128xf32, #tpu.memory_space<hbm>>
        %dma_wait3A_478 = tpu.memref_squeeze %dma_wait3A_477 : memref<1x8x8x128xf32, #tpu.memory_space<hbm>> -> memref<8x8x128xf32, #tpu.memory_space<hbm>>
        tpu.wait_dma2 semaphore(%arg14 : memref<!tpu.dma_semaphore, #tpu.memory_space<semaphore_mem>>) src(%arg10 : memref<8x8x128xf32, #tpu.memory_space<vmem>>) dst(%dma_wait3A_478 : memref<8x8x128xf32, #tpu.memory_space<hbm>>)
      } else {
      }
      %mul3A_418 = arith.constant 1024 : i32
      %mul3A_419 = arith.muli %select_n3A_407, %mul3A_418 : i32
      %mul3A_420 = arith.constant 8 : i32
      %mul3A_421 = arith.muli %select_n3A_391, %mul3A_420 : i32
      %add3A_422 = arith.constant 0 : i32
      %add3A_423 = arith.addi %mul3A_421, %add3A_422 : i32
      %broadcast_in_dim3A_424 = vector.broadcast %add3A_423 : i32 to vector<16xi32>
      %mul3A_425 = arith.constant 8 : i32
      %mul3A_426 = arith.muli %select_n3A_391, %mul3A_425 : i32
      %add3A_427 = arith.constant 1 : i32
      %add3A_428 = arith.addi %mul3A_426, %add3A_427 : i32
      %broadcast_in_dim3A_429 = vector.broadcast %add3A_428 : i32 to vector<16xi32>
      %mul3A_430 = arith.constant 8 : i32
      %mul3A_431 = arith.muli %select_n3A_391, %mul3A_430 : i32
      %add3A_432 = arith.constant 2 : i32
      %add3A_433 = arith.addi %mul3A_431, %add3A_432 : i32
      %broadcast_in_dim3A_434 = vector.broadcast %add3A_433 : i32 to vector<16xi32>
      %mul3A_435 = arith.constant 8 : i32
      %mul3A_436 = arith.muli %select_n3A_391, %mul3A_435 : i32
      %add3A_437 = arith.constant 3 : i32
      %add3A_438 = arith.addi %mul3A_436, %add3A_437 : i32
      %broadcast_in_dim3A_439 = vector.broadcast %add3A_438 : i32 to vector<16xi32>
      %mul3A_440 = arith.constant 8 : i32
      %mul3A_441 = arith.muli %select_n3A_391, %mul3A_440 : i32
      %add3A_442 = arith.constant 4 : i32
      %add3A_443 = arith.addi %mul3A_441, %add3A_442 : i32
      %broadcast_in_dim3A_444 = vector.broadcast %add3A_443 : i32 to vector<16xi32>
      %mul3A_445 = arith.constant 8 : i32
      %mul3A_446 = arith.muli %select_n3A_391, %mul3A_445 : i32
      %add3A_447 = arith.constant 5 : i32
      %add3A_448 = arith.addi %mul3A_446, %add3A_447 : i32
      %broadcast_in_dim3A_449 = vector.broadcast %add3A_448 : i32 to vector<16xi32>
      %mul3A_450 = arith.constant 8 : i32
      %mul3A_451 = arith.muli %select_n3A_391, %mul3A_450 : i32
      %add3A_452 = arith.constant 6 : i32
      %add3A_453 = arith.addi %mul3A_451, %add3A_452 : i32
      %broadcast_in_dim3A_454 = vector.broadcast %add3A_453 : i32 to vector<16xi32>
      %mul3A_455 = arith.constant 8 : i32
      %mul3A_456 = arith.muli %select_n3A_391, %mul3A_455 : i32
      %add3A_457 = arith.constant 7 : i32
      %add3A_458 = arith.addi %mul3A_456, %add3A_457 : i32
      %broadcast_in_dim3A_459 = vector.broadcast %add3A_458 : i32 to vector<16xi32>
      %parallel_loop3A_460 = arith.constant 0 : i32
      %parallel_loop3A_461 = arith.constant 64 : i32
      %parallel_loop3A_462 = arith.constant 1 : i32
      scf.for %parallel_loop3A_471 = %parallel_loop3A_460 to %parallel_loop3A_461 step %parallel_loop3A_462  : i32 {
        %parallel_loop3A_472 = arith.constant 16 : i32
        %parallel_loop3A_473 = arith.muli %parallel_loop3A_471, %parallel_loop3A_472 : i32
        %parallel_loop3A_474 = arith.addi %mul3A_419, %parallel_loop3A_473 : i32
        %parallel_loop3A_475 = arith.index_cast %parallel_loop3A_474 : i32 to index
        %parallel_loop3A_476 = tpu.vector_load %arg6[%parallel_loop3A_475] {strides = array<i32>} : memref<16384xi32, #tpu.memory_space<vmem>>, vector<16xi32>,
        %parallel_loop3A_477 = tpu.vector_load_idx %arg5[%broadcast_in_dim3A_424, %parallel_loop3A_476] : memref<128x512xf32, #tpu.memory_space<vmem>>[vector<16xi32>, vector<16xi32>], vector<16xf32>,
        %parallel_loop3A_478 = arith.constant 8 : i32
        %parallel_loop3A_479 = arith.divsi %parallel_loop3A_471, %parallel_loop3A_478 : i32
        %parallel_loop3A_480 = arith.constant 0 : i32
        %parallel_loop3A_481 = arith.cmpi sgt, %parallel_loop3A_471, %parallel_loop3A_480 : i32
        %parallel_loop3A_482 = arith.extui %parallel_loop3A_481 : i1 to i32
        %parallel_loop3A_483 = arith.constant 0 : i32
        %parallel_loop3A_484 = arith.cmpi slt, %parallel_loop3A_471, %parallel_loop3A_483 : i32
        %parallel_loop3A_485 = arith.extui %parallel_loop3A_484 : i1 to i32
        %parallel_loop3A_486 = arith.subi %parallel_loop3A_482, %parallel_loop3A_485 : i32
        %parallel_loop3A_487 = arith.constant 0 : i32
        %parallel_loop3A_488 = arith.cmpi sgt, %parallel_loop3A_478, %parallel_loop3A_487 : i32
        %parallel_loop3A_489 = arith.extui %parallel_loop3A_488 : i1 to i32
        %parallel_loop3A_490 = arith.constant 0 : i32
        %parallel_loop3A_491 = arith.cmpi slt, %parallel_loop3A_478, %parallel_loop3A_490 : i32
        %parallel_loop3A_492 = arith.extui %parallel_loop3A_491 : i1 to i32
        %parallel_loop3A_493 = arith.subi %parallel_loop3A_489, %parallel_loop3A_492 : i32
        %parallel_loop3A_494 = arith.cmpi ne, %parallel_loop3A_486, %parallel_loop3A_493 : i32
        %parallel_loop3A_495 = arith.remsi %parallel_loop3A_471, %parallel_loop3A_478 : i32
        %parallel_loop3A_496 = arith.constant 0 : i32
        %parallel_loop3A_497 = arith.cmpi ne, %parallel_loop3A_495, %parallel_loop3A_496 : i32
        %parallel_loop3A_498 = arith.andi %parallel_loop3A_494, %parallel_loop3A_497 : i1
        %parallel_loop3A_499 = arith.constant 1 : i32
        %parallel_loop3A_500 = arith.subi %parallel_loop3A_479, %parallel_loop3A_499 : i32
        %parallel_loop3A_501 = arith.select %parallel_loop3A_498, %parallel_loop3A_500, %parallel_loop3A_479 : i32
        %parallel_loop3A_502 = arith.constant 8 : i32
        %parallel_loop3A_503 = arith.constant 0 : i32
        %parallel_loop3A_504 = arith.cmpi eq, %parallel_loop3A_502, %parallel_loop3A_503 : i32
        %parallel_loop3A_505 = arith.constant 1 : i32
        %parallel_loop3A_506 = arith.select %parallel_loop3A_504, %parallel_loop3A_505, %parallel_loop3A_502 : i32
        %parallel_loop3A_507 = arith.remsi %parallel_loop3A_471, %parallel_loop3A_506 : i32
        %parallel_loop3A_508 = arith.constant 0 : i32
        %parallel_loop3A_509 = arith.cmpi ne, %parallel_loop3A_507, %parallel_loop3A_508 : i32
        %parallel_loop3A_510 = arith.constant 0 : i32
        %parallel_loop3A_511 = arith.cmpi slt, %parallel_loop3A_507, %parallel_loop3A_510 : i32
        %parallel_loop3A_512 = arith.constant 0 : i32
        %parallel_loop3A_513 = arith.cmpi slt, %parallel_loop3A_506, %parallel_loop3A_512 : i32
        %parallel_loop3A_514 = arith.xori %parallel_loop3A_511, %parallel_loop3A_513 : i1
        %parallel_loop3A_515 = arith.andi %parallel_loop3A_514, %parallel_loop3A_509 : i1
        %parallel_loop3A_516 = arith.addi %parallel_loop3A_507, %parallel_loop3A_506 : i32
        %parallel_loop3A_517 = arith.select %parallel_loop3A_515, %parallel_loop3A_516, %parallel_loop3A_507 : i32
        %parallel_loop3A_518 = arith.constant 16 : i32
        %parallel_loop3A_519 = arith.muli %parallel_loop3A_517, %parallel_loop3A_518 : i32
        %parallel_loop3A_520 = arith.constant 0 : i32
        %parallel_loop3A_521 = arith.index_cast %parallel_loop3A_501 : i32 to index
        %parallel_loop3A_522 = arith.index_cast %parallel_loop3A_520 : i32 to index
        %parallel_loop3A_523 = arith.index_cast %parallel_loop3A_519 : i32 to index
        %parallel_loop3A_524 = tpu.vector_load %arg10[%parallel_loop3A_521, %parallel_loop3A_522, %parallel_loop3A_523] {strides = array<i32>} : memref<8x8x128xf32, #tpu.memory_space<vmem>>, vector<16xf32>,
        tpu.vector_store %arg10[%parallel_loop3A_521, %parallel_loop3A_522, %parallel_loop3A_523], %parallel_loop3A_477 {strides = array<i32>} : memref<8x8x128xf32, #tpu.memory_space<vmem>>, vector<16xf32>,
        %parallel_loop3A_525 = tpu.vector_load_idx %arg5[%broadcast_in_dim3A_429, %parallel_loop3A_476] : memref<128x512xf32, #tpu.memory_space<vmem>>[vector<16xi32>, vector<16xi32>], vector<16xf32>,
        %parallel_loop3A_526 = arith.constant 8 : i32
        %parallel_loop3A_527 = arith.divsi %parallel_loop3A_471, %parallel_loop3A_526 : i32
        %parallel_loop3A_528 = arith.constant 0 : i32
        %parallel_loop3A_529 = arith.cmpi sgt, %parallel_loop3A_471, %parallel_loop3A_528 : i32
        %parallel_loop3A_530 = arith.extui %parallel_loop3A_529 : i1 to i32
        %parallel_loop3A_531 = arith.constant 0 : i32
        %parallel_loop3A_532 = arith.cmpi slt, %parallel_loop3A_471, %parallel_loop3A_531 : i32
        %parallel_loop3A_533 = arith.extui %parallel_loop3A_532 : i1 to i32
        %parallel_loop3A_534 = arith.subi %parallel_loop3A_530, %parallel_loop3A_533 : i32
        %parallel_loop3A_535 = arith.constant 0 : i32
        %parallel_loop3A_536 = arith.cmpi sgt, %parallel_loop3A_526, %parallel_loop3A_535 : i32
        %parallel_loop3A_537 = arith.extui %parallel_loop3A_536 : i1 to i32
        %parallel_loop3A_538 = arith.constant 0 : i32
        %parallel_loop3A_539 = arith.cmpi slt, %parallel_loop3A_526, %parallel_loop3A_538 : i32
        %parallel_loop3A_540 = arith.extui %parallel_loop3A_539 : i1 to i32
        %parallel_loop3A_541 = arith.subi %parallel_loop3A_537, %parallel_loop3A_540 : i32
        %parallel_loop3A_542 = arith.cmpi ne, %parallel_loop3A_534, %parallel_loop3A_541 : i32
        %parallel_loop3A_543 = arith.remsi %parallel_loop3A_471, %parallel_loop3A_526 : i32
        %parallel_loop3A_544 = arith.constant 0 : i32
        %parallel_loop3A_545 = arith.cmpi ne, %parallel_loop3A_543, %parallel_loop3A_544 : i32
        %parallel_loop3A_546 = arith.andi %parallel_loop3A_542, %parallel_loop3A_545 : i1
        %parallel_loop3A_547 = arith.constant 1 : i32
        %parallel_loop3A_548 = arith.subi %parallel_loop3A_527, %parallel_loop3A_547 : i32
        %parallel_loop3A_549 = arith.select %parallel_loop3A_546, %parallel_loop3A_548, %parallel_loop3A_527 : i32
        %parallel_loop3A_550 = arith.constant 8 : i32
        %parallel_loop3A_551 = arith.constant 0 : i32
        %parallel_loop3A_552 = arith.cmpi eq, %parallel_loop3A_550, %parallel_loop3A_551 : i32
        %parallel_loop3A_553 = arith.constant 1 : i32
        %parallel_loop3A_554 = arith.select %parallel_loop3A_552, %parallel_loop3A_553, %parallel_loop3A_550 : i32
        %parallel_loop3A_555 = arith.remsi %parallel_loop3A_471, %parallel_loop3A_554 : i32
        %parallel_loop3A_556 = arith.constant 0 : i32
        %parallel_loop3A_557 = arith.cmpi ne, %parallel_loop3A_555, %parallel_loop3A_556 : i32
        %parallel_loop3A_558 = arith.constant 0 : i32
        %parallel_loop3A_559 = arith.cmpi slt, %parallel_loop3A_555, %parallel_loop3A_558 : i32
        %parallel_loop3A_560 = arith.constant 0 : i32
        %parallel_loop3A_561 = arith.cmpi slt, %parallel_loop3A_554, %parallel_loop3A_560 : i32
        %parallel_loop3A_562 = arith.xori %parallel_loop3A_559, %parallel_loop3A_561 : i1
        %parallel_loop3A_563 = arith.andi %parallel_loop3A_562, %parallel_loop3A_557 : i1
        %parallel_loop3A_564 = arith.addi %parallel_loop3A_555, %parallel_loop3A_554 : i32
        %parallel_loop3A_565 = arith.select %parallel_loop3A_563, %parallel_loop3A_564, %parallel_loop3A_555 : i32
        %parallel_loop3A_566 = arith.constant 16 : i32
        %parallel_loop3A_567 = arith.muli %parallel_loop3A_565, %parallel_loop3A_566 : i32
        %parallel_loop3A_568 = arith.constant 1 : i32
        %parallel_loop3A_569 = arith.index_cast %parallel_loop3A_549 : i32 to index
        %parallel_loop3A_570 = arith.index_cast %parallel_loop3A_568 : i32 to index
        %parallel_loop3A_571 = arith.index_cast %parallel_loop3A_567 : i32 to index
        %parallel_loop3A_572 = tpu.vector_load %arg10[%parallel_loop3A_569, %parallel_loop3A_570, %parallel_loop3A_571] {strides = array<i32>} : memref<8x8x128xf32, #tpu.memory_space<vmem>>, vector<16xf32>,
        tpu.vector_store %arg10[%parallel_loop3A_569, %parallel_loop3A_570, %parallel_loop3A_571], %parallel_loop3A_525 {strides = array<i32>} : memref<8x8x128xf32, #tpu.memory_space<vmem>>, vector<16xf32>,
        %parallel_loop3A_573 = tpu.vector_load_idx %arg5[%broadcast_in_dim3A_434, %parallel_loop3A_476] : memref<128x512xf32, #tpu.memory_space<vmem>>[vector<16xi32>, vector<16xi32>], vector<16xf32>,
        %parallel_loop3A_574 = arith.constant 8 : i32
        %parallel_loop3A_575 = arith.divsi %parallel_loop3A_471, %parallel_loop3A_574 : i32
        %parallel_loop3A_576 = arith.constant 0 : i32
        %parallel_loop3A_577 = arith.cmpi sgt, %parallel_loop3A_471, %parallel_loop3A_576 : i32
        %parallel_loop3A_578 = arith.extui %parallel_loop3A_577 : i1 to i32
        %parallel_loop3A_579 = arith.constant 0 : i32
        %parallel_loop3A_580 = arith.cmpi slt, %parallel_loop3A_471, %parallel_loop3A_579 : i32
        %parallel_loop3A_581 = arith.extui %parallel_loop3A_580 : i1 to i32
        %parallel_loop3A_582 = arith.subi %parallel_loop3A_578, %parallel_loop3A_581 : i32
        %parallel_loop3A_583 = arith.constant 0 : i32
        %parallel_loop3A_584 = arith.cmpi sgt, %parallel_loop3A_574, %parallel_loop3A_583 : i32
        %parallel_loop3A_585 = arith.extui %parallel_loop3A_584 : i1 to i32
        %parallel_loop3A_586 = arith.constant 0 : i32
        %parallel_loop3A_587 = arith.cmpi slt, %parallel_loop3A_574, %parallel_loop3A_586 : i32
        %parallel_loop3A_588 = arith.extui %parallel_loop3A_587 : i1 to i32
        %parallel_loop3A_589 = arith.subi %parallel_loop3A_585, %parallel_loop3A_588 : i32
        %parallel_loop3A_590 = arith.cmpi ne, %parallel_loop3A_582, %parallel_loop3A_589 : i32
        %parallel_loop3A_591 = arith.remsi %parallel_loop3A_471, %parallel_loop3A_574 : i32
        %parallel_loop3A_592 = arith.constant 0 : i32
        %parallel_loop3A_593 = arith.cmpi ne, %parallel_loop3A_591, %parallel_loop3A_592 : i32
        %parallel_loop3A_594 = arith.andi %parallel_loop3A_590, %parallel_loop3A_593 : i1
        %parallel_loop3A_595 = arith.constant 1 : i32
        %parallel_loop3A_596 = arith.subi %parallel_loop3A_575, %parallel_loop3A_595 : i32
        %parallel_loop3A_597 = arith.select %parallel_loop3A_594, %parallel_loop3A_596, %parallel_loop3A_575 : i32
        %parallel_loop3A_598 = arith.constant 8 : i32
        %parallel_loop3A_599 = arith.constant 0 : i32
        %parallel_loop3A_600 = arith.cmpi eq, %parallel_loop3A_598, %parallel_loop3A_599 : i32
        %parallel_loop3A_601 = arith.constant 1 : i32
        %parallel_loop3A_602 = arith.select %parallel_loop3A_600, %parallel_loop3A_601, %parallel_loop3A_598 : i32
        %parallel_loop3A_603 = arith.remsi %parallel_loop3A_471, %parallel_loop3A_602 : i32
        %parallel_loop3A_604 = arith.constant 0 : i32
        %parallel_loop3A_605 = arith.cmpi ne, %parallel_loop3A_603, %parallel_loop3A_604 : i32
        %parallel_loop3A_606 = arith.constant 0 : i32
        %parallel_loop3A_607 = arith.cmpi slt, %parallel_loop3A_603, %parallel_loop3A_606 : i32
        %parallel_loop3A_608 = arith.constant 0 : i32
        %parallel_loop3A_609 = arith.cmpi slt, %parallel_loop3A_602, %parallel_loop3A_608 : i32
        %parallel_loop3A_610 = arith.xori %parallel_loop3A_607, %parallel_loop3A_609 : i1
        %parallel_loop3A_611 = arith.andi %parallel_loop3A_610, %parallel_loop3A_605 : i1
        %parallel_loop3A_612 = arith.addi %parallel_loop3A_603, %parallel_loop3A_602 : i32
        %parallel_loop3A_613 = arith.select %parallel_loop3A_611, %parallel_loop3A_612, %parallel_loop3A_603 : i32
        %parallel_loop3A_614 = arith.constant 16 : i32
        %parallel_loop3A_615 = arith.muli %parallel_loop3A_613, %parallel_loop3A_614 : i32
        %parallel_loop3A_616 = arith.constant 2 : i32
        %parallel_loop3A_617 = arith.index_cast %parallel_loop3A_597 : i32 to index
        %parallel_loop3A_618 = arith.index_cast %parallel_loop3A_616 : i32 to index
        %parallel_loop3A_619 = arith.index_cast %parallel_loop3A_615 : i32 to index
        %parallel_loop3A_620 = tpu.vector_load %arg10[%parallel_loop3A_617, %parallel_loop3A_618, %parallel_loop3A_619] {strides = array<i32>} : memref<8x8x128xf32, #tpu.memory_space<vmem>>, vector<16xf32>,
        tpu.vector_store %arg10[%parallel_loop3A_617, %parallel_loop3A_618, %parallel_loop3A_619], %parallel_loop3A_573 {strides = array<i32>} : memref<8x8x128xf32, #tpu.memory_space<vmem>>, vector<16xf32>,
        %parallel_loop3A_621 = tpu.vector_load_idx %arg5[%broadcast_in_dim3A_439, %parallel_loop3A_476] : memref<128x512xf32, #tpu.memory_space<vmem>>[vector<16xi32>, vector<16xi32>], vector<16xf32>,
        %parallel_loop3A_622 = arith.constant 8 : i32
        %parallel_loop3A_623 = arith.divsi %parallel_loop3A_471, %parallel_loop3A_622 : i32
        %parallel_loop3A_624 = arith.constant 0 : i32
        %parallel_loop3A_625 = arith.cmpi sgt, %parallel_loop3A_471, %parallel_loop3A_624 : i32
        %parallel_loop3A_626 = arith.extui %parallel_loop3A_625 : i1 to i32
        %parallel_loop3A_627 = arith.constant 0 : i32
        %parallel_loop3A_628 = arith.cmpi slt, %parallel_loop3A_471, %parallel_loop3A_627 : i32
        %parallel_loop3A_629 = arith.extui %parallel_loop3A_628 : i1 to i32
        %parallel_loop3A_630 = arith.subi %parallel_loop3A_626, %parallel_loop3A_629 : i32
        %parallel_loop3A_631 = arith.constant 0 : i32
        %parallel_loop3A_632 = arith.cmpi sgt, %parallel_loop3A_622, %parallel_loop3A_631 : i32
        %parallel_loop3A_633 = arith.extui %parallel_loop3A_632 : i1 to i32
        %parallel_loop3A_634 = arith.constant 0 : i32
        %parallel_loop3A_635 = arith.cmpi slt, %parallel_loop3A_622, %parallel_loop3A_634 : i32
        %parallel_loop3A_636 = arith.extui %parallel_loop3A_635 : i1 to i32
        %parallel_loop3A_637 = arith.subi %parallel_loop3A_633, %parallel_loop3A_636 : i32
        %parallel_loop3A_638 = arith.cmpi ne, %parallel_loop3A_630, %parallel_loop3A_637 : i32
        %parallel_loop3A_639 = arith.remsi %parallel_loop3A_471, %parallel_loop3A_622 : i32
        %parallel_loop3A_640 = arith.constant 0 : i32
        %parallel_loop3A_641 = arith.cmpi ne, %parallel_loop3A_639, %parallel_loop3A_640 : i32
        %parallel_loop3A_642 = arith.andi %parallel_loop3A_638, %parallel_loop3A_641 : i1
        %parallel_loop3A_643 = arith.constant 1 : i32
        %parallel_loop3A_644 = arith.subi %parallel_loop3A_623, %parallel_loop3A_643 : i32
        %parallel_loop3A_645 = arith.select %parallel_loop3A_642, %parallel_loop3A_644, %parallel_loop3A_623 : i32
        %parallel_loop3A_646 = arith.constant 8 : i32
        %parallel_loop3A_647 = arith.constant 0 : i32
        %parallel_loop3A_648 = arith.cmpi eq, %parallel_loop3A_646, %parallel_loop3A_647 : i32
        %parallel_loop3A_649 = arith.constant 1 : i32
        %parallel_loop3A_650 = arith.select %parallel_loop3A_648, %parallel_loop3A_649, %parallel_loop3A_646 : i32
        %parallel_loop3A_651 = arith.remsi %parallel_loop3A_471, %parallel_loop3A_650 : i32
        %parallel_loop3A_652 = arith.constant 0 : i32
        %parallel_loop3A_653 = arith.cmpi ne, %parallel_loop3A_651, %parallel_loop3A_652 : i32
        %parallel_loop3A_654 = arith.constant 0 : i32
        %parallel_loop3A_655 = arith.cmpi slt, %parallel_loop3A_651, %parallel_loop3A_654 : i32
        %parallel_loop3A_656 = arith.constant 0 : i32
        %parallel_loop3A_657 = arith.cmpi slt, %parallel_loop3A_650, %parallel_loop3A_656 : i32
        %parallel_loop3A_658 = arith.xori %parallel_loop3A_655, %parallel_loop3A_657 : i1
        %parallel_loop3A_659 = arith.andi %parallel_loop3A_658, %parallel_loop3A_653 : i1
        %parallel_loop3A_660 = arith.addi %parallel_loop3A_651, %parallel_loop3A_650 : i32
        %parallel_loop3A_661 = arith.select %parallel_loop3A_659, %parallel_loop3A_660, %parallel_loop3A_651 : i32
        %parallel_loop3A_662 = arith.constant 16 : i32
        %parallel_loop3A_663 = arith.muli %parallel_loop3A_661, %parallel_loop3A_662 : i32
        %parallel_loop3A_664 = arith.constant 3 : i32
        %parallel_loop3A_665 = arith.index_cast %parallel_loop3A_645 : i32 to index
        %parallel_loop3A_666 = arith.index_cast %parallel_loop3A_664 : i32 to index
        %parallel_loop3A_667 = arith.index_cast %parallel_loop3A_663 : i32 to index
        %parallel_loop3A_668 = tpu.vector_load %arg10[%parallel_loop3A_665, %parallel_loop3A_666, %parallel_loop3A_667] {strides = array<i32>} : memref<8x8x128xf32, #tpu.memory_space<vmem>>, vector<16xf32>,
        tpu.vector_store %arg10[%parallel_loop3A_665, %parallel_loop3A_666, %parallel_loop3A_667], %parallel_loop3A_621 {strides = array<i32>} : memref<8x8x128xf32, #tpu.memory_space<vmem>>, vector<16xf32>,
        %parallel_loop3A_669 = tpu.vector_load_idx %arg5[%broadcast_in_dim3A_444, %parallel_loop3A_476] : memref<128x512xf32, #tpu.memory_space<vmem>>[vector<16xi32>, vector<16xi32>], vector<16xf32>,
        %parallel_loop3A_670 = arith.constant 8 : i32
        %parallel_loop3A_671 = arith.divsi %parallel_loop3A_471, %parallel_loop3A_670 : i32
        %parallel_loop3A_672 = arith.constant 0 : i32
        %parallel_loop3A_673 = arith.cmpi sgt, %parallel_loop3A_471, %parallel_loop3A_672 : i32
        %parallel_loop3A_674 = arith.extui %parallel_loop3A_673 : i1 to i32
        %parallel_loop3A_675 = arith.constant 0 : i32
        %parallel_loop3A_676 = arith.cmpi slt, %parallel_loop3A_471, %parallel_loop3A_675 : i32
        %parallel_loop3A_677 = arith.extui %parallel_loop3A_676 : i1 to i32
        %parallel_loop3A_678 = arith.subi %parallel_loop3A_674, %parallel_loop3A_677 : i32
        %parallel_loop3A_679 = arith.constant 0 : i32
        %parallel_loop3A_680 = arith.cmpi sgt, %parallel_loop3A_670, %parallel_loop3A_679 : i32
        %parallel_loop3A_681 = arith.extui %parallel_loop3A_680 : i1 to i32
        %parallel_loop3A_682 = arith.constant 0 : i32
        %parallel_loop3A_683 = arith.cmpi slt, %parallel_loop3A_670, %parallel_loop3A_682 : i32
        %parallel_loop3A_684 = arith.extui %parallel_loop3A_683 : i1 to i32
        %parallel_loop3A_685 = arith.subi %parallel_loop3A_681, %parallel_loop3A_684 : i32
        %parallel_loop3A_686 = arith.cmpi ne, %parallel_loop3A_678, %parallel_loop3A_685 : i32
        %parallel_loop3A_687 = arith.remsi %parallel_loop3A_471, %parallel_loop3A_670 : i32
        %parallel_loop3A_688 = arith.constant 0 : i32
        %parallel_loop3A_689 = arith.cmpi ne, %parallel_loop3A_687, %parallel_loop3A_688 : i32
        %parallel_loop3A_690 = arith.andi %parallel_loop3A_686, %parallel_loop3A_689 : i1
        %parallel_loop3A_691 = arith.constant 1 : i32
        %parallel_loop3A_692 = arith.subi %parallel_loop3A_671, %parallel_loop3A_691 : i32
        %parallel_loop3A_693 = arith.select %parallel_loop3A_690, %parallel_loop3A_692, %parallel_loop3A_671 : i32
        %parallel_loop3A_694 = arith.constant 8 : i32
        %parallel_loop3A_695 = arith.constant 0 : i32
        %parallel_loop3A_696 = arith.cmpi eq, %parallel_loop3A_694, %parallel_loop3A_695 : i32
        %parallel_loop3A_697 = arith.constant 1 : i32
        %parallel_loop3A_698 = arith.select %parallel_loop3A_696, %parallel_loop3A_697, %parallel_loop3A_694 : i32
        %parallel_loop3A_699 = arith.remsi %parallel_loop3A_471, %parallel_loop3A_698 : i32
        %parallel_loop3A_700 = arith.constant 0 : i32
        %parallel_loop3A_701 = arith.cmpi ne, %parallel_loop3A_699, %parallel_loop3A_700 : i32
        %parallel_loop3A_702 = arith.constant 0 : i32
        %parallel_loop3A_703 = arith.cmpi slt, %parallel_loop3A_699, %parallel_loop3A_702 : i32
        %parallel_loop3A_704 = arith.constant 0 : i32
        %parallel_loop3A_705 = arith.cmpi slt, %parallel_loop3A_698, %parallel_loop3A_704 : i32
        %parallel_loop3A_706 = arith.xori %parallel_loop3A_703, %parallel_loop3A_705 : i1
        %parallel_loop3A_707 = arith.andi %parallel_loop3A_706, %parallel_loop3A_701 : i1
        %parallel_loop3A_708 = arith.addi %parallel_loop3A_699, %parallel_loop3A_698 : i32
        %parallel_loop3A_709 = arith.select %parallel_loop3A_707, %parallel_loop3A_708, %parallel_loop3A_699 : i32
        %parallel_loop3A_710 = arith.constant 16 : i32
        %parallel_loop3A_711 = arith.muli %parallel_loop3A_709, %parallel_loop3A_710 : i32
        %parallel_loop3A_712 = arith.constant 4 : i32
        %parallel_loop3A_713 = arith.index_cast %parallel_loop3A_693 : i32 to index
        %parallel_loop3A_714 = arith.index_cast %parallel_loop3A_712 : i32 to index
        %parallel_loop3A_715 = arith.index_cast %parallel_loop3A_711 : i32 to index
        %parallel_loop3A_716 = tpu.vector_load %arg10[%parallel_loop3A_713, %parallel_loop3A_714, %parallel_loop3A_715] {strides = array<i32>} : memref<8x8x128xf32, #tpu.memory_space<vmem>>, vector<16xf32>,
        tpu.vector_store %arg10[%parallel_loop3A_713, %parallel_loop3A_714, %parallel_loop3A_715], %parallel_loop3A_669 {strides = array<i32>} : memref<8x8x128xf32, #tpu.memory_space<vmem>>, vector<16xf32>,
        %parallel_loop3A_717 = tpu.vector_load_idx %arg5[%broadcast_in_dim3A_449, %parallel_loop3A_476] : memref<128x512xf32, #tpu.memory_space<vmem>>[vector<16xi32>, vector<16xi32>], vector<16xf32>,
        %parallel_loop3A_718 = arith.constant 8 : i32
        %parallel_loop3A_719 = arith.divsi %parallel_loop3A_471, %parallel_loop3A_718 : i32
        %parallel_loop3A_720 = arith.constant 0 : i32
        %parallel_loop3A_721 = arith.cmpi sgt, %parallel_loop3A_471, %parallel_loop3A_720 : i32
        %parallel_loop3A_722 = arith.extui %parallel_loop3A_721 : i1 to i32
        %parallel_loop3A_723 = arith.constant 0 : i32
        %parallel_loop3A_724 = arith.cmpi slt, %parallel_loop3A_471, %parallel_loop3A_723 : i32
        %parallel_loop3A_725 = arith.extui %parallel_loop3A_724 : i1 to i32
        %parallel_loop3A_726 = arith.subi %parallel_loop3A_722, %parallel_loop3A_725 : i32
        %parallel_loop3A_727 = arith.constant 0 : i32
        %parallel_loop3A_728 = arith.cmpi sgt, %parallel_loop3A_718, %parallel_loop3A_727 : i32
        %parallel_loop3A_729 = arith.extui %parallel_loop3A_728 : i1 to i32
        %parallel_loop3A_730 = arith.constant 0 : i32
        %parallel_loop3A_731 = arith.cmpi slt, %parallel_loop3A_718, %parallel_loop3A_730 : i32
        %parallel_loop3A_732 = arith.extui %parallel_loop3A_731 : i1 to i32
        %parallel_loop3A_733 = arith.subi %parallel_loop3A_729, %parallel_loop3A_732 : i32
        %parallel_loop3A_734 = arith.cmpi ne, %parallel_loop3A_726, %parallel_loop3A_733 : i32
        %parallel_loop3A_735 = arith.remsi %parallel_loop3A_471, %parallel_loop3A_718 : i32
        %parallel_loop3A_736 = arith.constant 0 : i32
        %parallel_loop3A_737 = arith.cmpi ne, %parallel_loop3A_735, %parallel_loop3A_736 : i32
        %parallel_loop3A_738 = arith.andi %parallel_loop3A_734, %parallel_loop3A_737 : i1
        %parallel_loop3A_739 = arith.constant 1 : i32
        %parallel_loop3A_740 = arith.subi %parallel_loop3A_719, %parallel_loop3A_739 : i32
        %parallel_loop3A_741 = arith.select %parallel_loop3A_738, %parallel_loop3A_740, %parallel_loop3A_719 : i32
        %parallel_loop3A_742 = arith.constant 8 : i32
        %parallel_loop3A_743 = arith.constant 0 : i32
        %parallel_loop3A_744 = arith.cmpi eq, %parallel_loop3A_742, %parallel_loop3A_743 : i32
        %parallel_loop3A_745 = arith.constant 1 : i32
        %parallel_loop3A_746 = arith.select %parallel_loop3A_744, %parallel_loop3A_745, %parallel_loop3A_742 : i32
        %parallel_loop3A_747 = arith.remsi %parallel_loop3A_471, %parallel_loop3A_746 : i32
        %parallel_loop3A_748 = arith.constant 0 : i32
        %parallel_loop3A_749 = arith.cmpi ne, %parallel_loop3A_747, %parallel_loop3A_748 : i32
        %parallel_loop3A_750 = arith.constant 0 : i32
        %parallel_loop3A_751 = arith.cmpi slt, %parallel_loop3A_747, %parallel_loop3A_750 : i32
        %parallel_loop3A_752 = arith.constant 0 : i32
        %parallel_loop3A_753 = arith.cmpi slt, %parallel_loop3A_746, %parallel_loop3A_752 : i32
        %parallel_loop3A_754 = arith.xori %parallel_loop3A_751, %parallel_loop3A_753 : i1
        %parallel_loop3A_755 = arith.andi %parallel_loop3A_754, %parallel_loop3A_749 : i1
        %parallel_loop3A_756 = arith.addi %parallel_loop3A_747, %parallel_loop3A_746 : i32
        %parallel_loop3A_757 = arith.select %parallel_loop3A_755, %parallel_loop3A_756, %parallel_loop3A_747 : i32
        %parallel_loop3A_758 = arith.constant 16 : i32
        %parallel_loop3A_759 = arith.muli %parallel_loop3A_757, %parallel_loop3A_758 : i32
        %parallel_loop3A_760 = arith.constant 5 : i32
        %parallel_loop3A_761 = arith.index_cast %parallel_loop3A_741 : i32 to index
        %parallel_loop3A_762 = arith.index_cast %parallel_loop3A_760 : i32 to index
        %parallel_loop3A_763 = arith.index_cast %parallel_loop3A_759 : i32 to index
        %parallel_loop3A_764 = tpu.vector_load %arg10[%parallel_loop3A_761, %parallel_loop3A_762, %parallel_loop3A_763] {strides = array<i32>} : memref<8x8x128xf32, #tpu.memory_space<vmem>>, vector<16xf32>,
        tpu.vector_store %arg10[%parallel_loop3A_761, %parallel_loop3A_762, %parallel_loop3A_763], %parallel_loop3A_717 {strides = array<i32>} : memref<8x8x128xf32, #tpu.memory_space<vmem>>, vector<16xf32>,
        %parallel_loop3A_765 = tpu.vector_load_idx %arg5[%broadcast_in_dim3A_454, %parallel_loop3A_476] : memref<128x512xf32, #tpu.memory_space<vmem>>[vector<16xi32>, vector<16xi32>], vector<16xf32>,
        %parallel_loop3A_766 = arith.constant 8 : i32
        %parallel_loop3A_767 = arith.divsi %parallel_loop3A_471, %parallel_loop3A_766 : i32
        %parallel_loop3A_768 = arith.constant 0 : i32
        %parallel_loop3A_769 = arith.cmpi sgt, %parallel_loop3A_471, %parallel_loop3A_768 : i32
        %parallel_loop3A_770 = arith.extui %parallel_loop3A_769 : i1 to i32
        %parallel_loop3A_771 = arith.constant 0 : i32
        %parallel_loop3A_772 = arith.cmpi slt, %parallel_loop3A_471, %parallel_loop3A_771 : i32
        %parallel_loop3A_773 = arith.extui %parallel_loop3A_772 : i1 to i32
        %parallel_loop3A_774 = arith.subi %parallel_loop3A_770, %parallel_loop3A_773 : i32
        %parallel_loop3A_775 = arith.constant 0 : i32
        %parallel_loop3A_776 = arith.cmpi sgt, %parallel_loop3A_766, %parallel_loop3A_775 : i32
        %parallel_loop3A_777 = arith.extui %parallel_loop3A_776 : i1 to i32
        %parallel_loop3A_778 = arith.constant 0 : i32
        %parallel_loop3A_779 = arith.cmpi slt, %parallel_loop3A_766, %parallel_loop3A_778 : i32
        %parallel_loop3A_780 = arith.extui %parallel_loop3A_779 : i1 to i32
        %parallel_loop3A_781 = arith.subi %parallel_loop3A_777, %parallel_loop3A_780 : i32
        %parallel_loop3A_782 = arith.cmpi ne, %parallel_loop3A_774, %parallel_loop3A_781 : i32
        %parallel_loop3A_783 = arith.remsi %parallel_loop3A_471, %parallel_loop3A_766 : i32
        %parallel_loop3A_784 = arith.constant 0 : i32
        %parallel_loop3A_785 = arith.cmpi ne, %parallel_loop3A_783, %parallel_loop3A_784 : i32
        %parallel_loop3A_786 = arith.andi %parallel_loop3A_782, %parallel_loop3A_785 : i1
        %parallel_loop3A_787 = arith.constant 1 : i32
        %parallel_loop3A_788 = arith.subi %parallel_loop3A_767, %parallel_loop3A_787 : i32
        %parallel_loop3A_789 = arith.select %parallel_loop3A_786, %parallel_loop3A_788, %parallel_loop3A_767 : i32
        %parallel_loop3A_790 = arith.constant 8 : i32
        %parallel_loop3A_791 = arith.constant 0 : i32
        %parallel_loop3A_792 = arith.cmpi eq, %parallel_loop3A_790, %parallel_loop3A_791 : i32
        %parallel_loop3A_793 = arith.constant 1 : i32
        %parallel_loop3A_794 = arith.select %parallel_loop3A_792, %parallel_loop3A_793, %parallel_loop3A_790 : i32
        %parallel_loop3A_795 = arith.remsi %parallel_loop3A_471, %parallel_loop3A_794 : i32
        %parallel_loop3A_796 = arith.constant 0 : i32
        %parallel_loop3A_797 = arith.cmpi ne, %parallel_loop3A_795, %parallel_loop3A_796 : i32
        %parallel_loop3A_798 = arith.constant 0 : i32
        %parallel_loop3A_799 = arith.cmpi slt, %parallel_loop3A_795, %parallel_loop3A_798 : i32
        %parallel_loop3A_800 = arith.constant 0 : i32
        %parallel_loop3A_801 = arith.cmpi slt, %parallel_loop3A_794, %parallel_loop3A_800 : i32
        %parallel_loop3A_802 = arith.xori %parallel_loop3A_799, %parallel_loop3A_801 : i1
        %parallel_loop3A_803 = arith.andi %parallel_loop3A_802, %parallel_loop3A_797 : i1
        %parallel_loop3A_804 = arith.addi %parallel_loop3A_795, %parallel_loop3A_794 : i32
        %parallel_loop3A_805 = arith.select %parallel_loop3A_803, %parallel_loop3A_804, %parallel_loop3A_795 : i32
        %parallel_loop3A_806 = arith.constant 16 : i32
        %parallel_loop3A_807 = arith.muli %parallel_loop3A_805, %parallel_loop3A_806 : i32
        %parallel_loop3A_808 = arith.constant 6 : i32
        %parallel_loop3A_809 = arith.index_cast %parallel_loop3A_789 : i32 to index
        %parallel_loop3A_810 = arith.index_cast %parallel_loop3A_808 : i32 to index
        %parallel_loop3A_811 = arith.index_cast %parallel_loop3A_807 : i32 to index
        %parallel_loop3A_812 = tpu.vector_load %arg10[%parallel_loop3A_809, %parallel_loop3A_810, %parallel_loop3A_811] {strides = array<i32>} : memref<8x8x128xf32, #tpu.memory_space<vmem>>, vector<16xf32>,
        tpu.vector_store %arg10[%parallel_loop3A_809, %parallel_loop3A_810, %parallel_loop3A_811], %parallel_loop3A_765 {strides = array<i32>} : memref<8x8x128xf32, #tpu.memory_space<vmem>>, vector<16xf32>,
        %parallel_loop3A_813 = tpu.vector_load_idx %arg5[%broadcast_in_dim3A_459, %parallel_loop3A_476] : memref<128x512xf32, #tpu.memory_space<vmem>>[vector<16xi32>, vector<16xi32>], vector<16xf32>,
        %parallel_loop3A_814 = arith.constant 8 : i32
        %parallel_loop3A_815 = arith.divsi %parallel_loop3A_471, %parallel_loop3A_814 : i32
        %parallel_loop3A_816 = arith.constant 0 : i32
        %parallel_loop3A_817 = arith.cmpi sgt, %parallel_loop3A_471, %parallel_loop3A_816 : i32
        %parallel_loop3A_818 = arith.extui %parallel_loop3A_817 : i1 to i32
        %parallel_loop3A_819 = arith.constant 0 : i32
        %parallel_loop3A_820 = arith.cmpi slt, %parallel_loop3A_471, %parallel_loop3A_819 : i32
        %parallel_loop3A_821 = arith.extui %parallel_loop3A_820 : i1 to i32
        %parallel_loop3A_822 = arith.subi %parallel_loop3A_818, %parallel_loop3A_821 : i32
        %parallel_loop3A_823 = arith.constant 0 : i32
        %parallel_loop3A_824 = arith.cmpi sgt, %parallel_loop3A_814, %parallel_loop3A_823 : i32
        %parallel_loop3A_825 = arith.extui %parallel_loop3A_824 : i1 to i32
        %parallel_loop3A_826 = arith.constant 0 : i32
        %parallel_loop3A_827 = arith.cmpi slt, %parallel_loop3A_814, %parallel_loop3A_826 : i32
        %parallel_loop3A_828 = arith.extui %parallel_loop3A_827 : i1 to i32
        %parallel_loop3A_829 = arith.subi %parallel_loop3A_825, %parallel_loop3A_828 : i32
        %parallel_loop3A_830 = arith.cmpi ne, %parallel_loop3A_822, %parallel_loop3A_829 : i32
        %parallel_loop3A_831 = arith.remsi %parallel_loop3A_471, %parallel_loop3A_814 : i32
        %parallel_loop3A_832 = arith.constant 0 : i32
        %parallel_loop3A_833 = arith.cmpi ne, %parallel_loop3A_831, %parallel_loop3A_832 : i32
        %parallel_loop3A_834 = arith.andi %parallel_loop3A_830, %parallel_loop3A_833 : i1
        %parallel_loop3A_835 = arith.constant 1 : i32
        %parallel_loop3A_836 = arith.subi %parallel_loop3A_815, %parallel_loop3A_835 : i32
        %parallel_loop3A_837 = arith.select %parallel_loop3A_834, %parallel_loop3A_836, %parallel_loop3A_815 : i32
        %parallel_loop3A_838 = arith.constant 8 : i32
        %parallel_loop3A_839 = arith.constant 0 : i32
        %parallel_loop3A_840 = arith.cmpi eq, %parallel_loop3A_838, %parallel_loop3A_839 : i32
        %parallel_loop3A_841 = arith.constant 1 : i32
        %parallel_loop3A_842 = arith.select %parallel_loop3A_840, %parallel_loop3A_841, %parallel_loop3A_838 : i32
        %parallel_loop3A_843 = arith.remsi %parallel_loop3A_471, %parallel_loop3A_842 : i32
        %parallel_loop3A_844 = arith.constant 0 : i32
        %parallel_loop3A_845 = arith.cmpi ne, %parallel_loop3A_843, %parallel_loop3A_844 : i32
        %parallel_loop3A_846 = arith.constant 0 : i32
        %parallel_loop3A_847 = arith.cmpi slt, %parallel_loop3A_843, %parallel_loop3A_846 : i32
        %parallel_loop3A_848 = arith.constant 0 : i32
        %parallel_loop3A_849 = arith.cmpi slt, %parallel_loop3A_842, %parallel_loop3A_848 : i32
        %parallel_loop3A_850 = arith.xori %parallel_loop3A_847, %parallel_loop3A_849 : i1
        %parallel_loop3A_851 = arith.andi %parallel_loop3A_850, %parallel_loop3A_845 : i1
        %parallel_loop3A_852 = arith.addi %parallel_loop3A_843, %parallel_loop3A_842 : i32
        %parallel_loop3A_853 = arith.select %parallel_loop3A_851, %parallel_loop3A_852, %parallel_loop3A_843 : i32
        %parallel_loop3A_854 = arith.constant 16 : i32
        %parallel_loop3A_855 = arith.muli %parallel_loop3A_853, %parallel_loop3A_854 : i32
        %parallel_loop3A_856 = arith.constant 7 : i32
        %parallel_loop3A_857 = arith.index_cast %parallel_loop3A_837 : i32 to index
        %parallel_loop3A_858 = arith.index_cast %parallel_loop3A_856 : i32 to index
        %parallel_loop3A_859 = arith.index_cast %parallel_loop3A_855 : i32 to index
        %parallel_loop3A_860 = tpu.vector_load %arg10[%parallel_loop3A_857, %parallel_loop3A_858, %parallel_loop3A_859] {strides = array<i32>} : memref<8x8x128xf32, #tpu.memory_space<vmem>>, vector<16xf32>,
        tpu.vector_store %arg10[%parallel_loop3A_857, %parallel_loop3A_858, %parallel_loop3A_859], %parallel_loop3A_813 {strides = array<i32>} : memref<8x8x128xf32, #tpu.memory_space<vmem>>, vector<16xf32>,
      } {sc.loop_unroll_factor = 8 : i64, sc.parallel_access}
      %dma_start3A_463 = arith.constant 0 : i32
      %dma_start3A_464 = arith.constant 0 : i32
      %dma_start3A_465 = tpu.memref_slice %arg4[%add3A_410, %mul3A_412, %dma_start3A_463, %dma_start3A_464] : memref<512x128x8x128xf32, #tpu.memory_space<hbm>> -> memref<1x8x8x128xf32, #tpu.memory_space<hbm>>
      %dma_start3A_466 = tpu.memref_squeeze %dma_start3A_465 : memref<1x8x8x128xf32, #tpu.memory_space<hbm>> -> memref<8x8x128xf32, #tpu.memory_space<hbm>>
      %dma_start3A_467 = arith.constant 0 : i32
      %dma_start3A_468 = arith.constant 0 : i32
      %dma_start3A_469 = tpu.memref_slice %arg4[%add3A_410, %mul3A_412, %dma_start3A_467, %dma_start3A_468] : memref<512x128x8x128xf32, #tpu.memory_space<hbm>> -> memref<1x8x8x128xf32, #tpu.memory_space<hbm>>
      %dma_start3A_470 = tpu.memref_squeeze %dma_start3A_469 : memref<1x8x8x128xf32, #tpu.memory_space<hbm>> -> memref<8x8x128xf32, #tpu.memory_space<hbm>>
      tpu.enqueue_dma source(%arg10 : memref<8x8x128xf32, #tpu.memory_space<vmem>>) target(%dma_start3A_470 : memref<8x8x128xf32, #tpu.memory_space<hbm>>) target_semaphore(%arg14 : memref<!tpu.dma_semaphore, #tpu.memory_space<semaphore_mem>>)
    }
    %scan3A_6 = arith.constant 64 : i32
    %mul3A_7 = arith.constant 16 : i32
    %mul3A_8 = arith.muli %add3A, %mul3A_7 : i32
    %add3A_9 = arith.constant 15 : i32
    %add3A_10 = arith.addi %mul3A_8, %add3A_9 : i32
    %dma_wait3A = arith.constant 96 : i32
    %dma_wait3A_11 = arith.constant 0 : i32
    %dma_wait3A_12 = arith.constant 0 : i32
    %dma_wait3A_13 = tpu.memref_slice %arg4[%add3A_10, %dma_wait3A, %dma_wait3A_11, %dma_wait3A_12] : memref<512x128x8x128xf32, #tpu.memory_space<hbm>> -> memref<1x8x8x128xf32, #tpu.memory_space<hbm>>
    %dma_wait3A_14 = tpu.memref_squeeze %dma_wait3A_13 : memref<1x8x8x128xf32, #tpu.memory_space<hbm>> -> memref<8x8x128xf32, #tpu.memory_space<hbm>>
    %dma_wait3A_15 = arith.constant 96 : i32
    %dma_wait3A_16 = arith.constant 0 : i32
    %dma_wait3A_17 = arith.constant 0 : i32
    %dma_wait3A_18 = tpu.memref_slice %arg4[%add3A_10, %dma_wait3A_15, %dma_wait3A_16, %dma_wait3A_17] : memref<512x128x8x128xf32, #tpu.memory_space<hbm>> -> memref<1x8x8x128xf32, #tpu.memory_space<hbm>>
    %dma_wait3A_19 = tpu.memref_squeeze %dma_wait3A_18 : memref<1x8x8x128xf32, #tpu.memory_space<hbm>> -> memref<8x8x128xf32, #tpu.memory_space<hbm>>
    tpu.wait_dma2 semaphore(%arg11 : memref<!tpu.dma_semaphore, #tpu.memory_space<semaphore_mem>>) src(%arg7 : memref<8x8x128xf32, #tpu.memory_space<vmem>>) dst(%dma_wait3A_19 : memref<8x8x128xf32, #tpu.memory_space<hbm>>)
    %mul3A_20 = arith.constant 16 : i32
    %mul3A_21 = arith.muli %add3A, %mul3A_20 : i32
    %add3A_22 = arith.constant 15 : i32
    %add3A_23 = arith.addi %mul3A_21, %add3A_22 : i32
    %dma_wait3A_24 = arith.constant 104 : i32
    %dma_wait3A_25 = arith.constant 0 : i32
    %dma_wait3A_26 = arith.constant 0 : i32
    %dma_wait3A_27 = tpu.memref_slice %arg4[%add3A_23, %dma_wait3A_24, %dma_wait3A_25, %dma_wait3A_26] : memref<512x128x8x128xf32, #tpu.memory_space<hbm>> -> memref<1x8x8x128xf32, #tpu.memory_space<hbm>>
    %dma_wait3A_28 = tpu.memref_squeeze %dma_wait3A_27 : memref<1x8x8x128xf32, #tpu.memory_space<hbm>> -> memref<8x8x128xf32, #tpu.memory_space<hbm>>
    %dma_wait3A_29 = arith.constant 104 : i32
    %dma_wait3A_30 = arith.constant 0 : i32
    %dma_wait3A_31 = arith.constant 0 : i32
    %dma_wait3A_32 = tpu.memref_slice %arg4[%add3A_23, %dma_wait3A_29, %dma_wait3A_30, %dma_wait3A_31] : memref<512x128x8x128xf32, #tpu.memory_space<hbm>> -> memref<1x8x8x128xf32, #tpu.memory_space<hbm>>
    %dma_wait3A_33 = tpu.memref_squeeze %dma_wait3A_32 : memref<1x8x8x128xf32, #tpu.memory_space<hbm>> -> memref<8x8x128xf32, #tpu.memory_space<hbm>>
    tpu.wait_dma2 semaphore(%arg12 : memref<!tpu.dma_semaphore, #tpu.memory_space<semaphore_mem>>) src(%arg8 : memref<8x8x128xf32, #tpu.memory_space<vmem>>) dst(%dma_wait3A_33 : memref<8x8x128xf32, #tpu.memory_space<hbm>>)
    %mul3A_34 = arith.constant 16 : i32
    %mul3A_35 = arith.muli %add3A, %mul3A_34 : i32
    %add3A_36 = arith.constant 15 : i32
    %add3A_37 = arith.addi %mul3A_35, %add3A_36 : i32
    %dma_wait3A_38 = arith.constant 112 : i32
    %dma_wait3A_39 = arith.constant 0 : i32
    %dma_wait3A_40 = arith.constant 0 : i32
    %dma_wait3A_41 = tpu.memref_slice %arg4[%add3A_37, %dma_wait3A_38, %dma_wait3A_39, %dma_wait3A_40] : memref<512x128x8x128xf32, #tpu.memory_space<hbm>> -> memref<1x8x8x128xf32, #tpu.memory_space<hbm>>
    %dma_wait3A_42 = tpu.memref_squeeze %dma_wait3A_41 : memref<1x8x8x128xf32, #tpu.memory_space<hbm>> -> memref<8x8x128xf32, #tpu.memory_space<hbm>>
    %dma_wait3A_43 = arith.constant 112 : i32
    %dma_wait3A_44 = arith.constant 0 : i32
    %dma_wait3A_45 = arith.constant 0 : i32
    %dma_wait3A_46 = tpu.memref_slice %arg4[%add3A_37, %dma_wait3A_43, %dma_wait3A_44, %dma_wait3A_45] : memref<512x128x8x128xf32, #tpu.memory_space<hbm>> -> memref<1x8x8x128xf32, #tpu.memory_space<hbm>>
    %dma_wait3A_47 = tpu.memref_squeeze %dma_wait3A_46 : memref<1x8x8x128xf32, #tpu.memory_space<hbm>> -> memref<8x8x128xf32, #tpu.memory_space<hbm>>
    tpu.wait_dma2 semaphore(%arg13 : memref<!tpu.dma_semaphore, #tpu.memory_space<semaphore_mem>>) src(%arg9 : memref<8x8x128xf32, #tpu.memory_space<vmem>>) dst(%dma_wait3A_47 : memref<8x8x128xf32, #tpu.memory_space<hbm>>)
    %mul3A_48 = arith.constant 16 : i32
    %mul3A_49 = arith.muli %add3A, %mul3A_48 : i32
    %add3A_50 = arith.constant 15 : i32
    %add3A_51 = arith.addi %mul3A_49, %add3A_50 : i32
    %dma_wait3A_52 = arith.constant 120 : i32
    %dma_wait3A_53 = arith.constant 0 : i32
    %dma_wait3A_54 = arith.constant 0 : i32
    %dma_wait3A_55 = tpu.memref_slice %arg4[%add3A_51, %dma_wait3A_52, %dma_wait3A_53, %dma_wait3A_54] : memref<512x128x8x128xf32, #tpu.memory_space<hbm>> -> memref<1x8x8x128xf32, #tpu.memory_space<hbm>>
    %dma_wait3A_56 = tpu.memref_squeeze %dma_wait3A_55 : memref<1x8x8x128xf32, #tpu.memory_space<hbm>> -> memref<8x8x128xf32, #tpu.memory_space<hbm>>
    %dma_wait3A_57 = arith.constant 120 : i32
    %dma_wait3A_58 = arith.constant 0 : i32
    %dma_wait3A_59 = arith.constant 0 : i32
    %dma_wait3A_60 = tpu.memref_slice %arg4[%add3A_51, %dma_wait3A_57, %dma_wait3A_58, %dma_wait3A_59] : memref<512x128x8x128xf32, #tpu.memory_space<hbm>> -> memref<1x8x8x128xf32, #tpu.memory_space<hbm>>
    %dma_wait3A_61 = tpu.memref_squeeze %dma_wait3A_60 : memref<1x8x8x128xf32, #tpu.memory_space<hbm>> -> memref<8x8x128xf32, #tpu.memory_space<hbm>>
    tpu.wait_dma2 semaphore(%arg14 : memref<!tpu.dma_semaphore, #tpu.memory_space<semaphore_mem>>) src(%arg10 : memref<8x8x128xf32, #tpu.memory_space<vmem>>) dst(%dma_wait3A_61 : memref<8x8x128xf32, #tpu.memory_space<hbm>>)
    return
  }
}

module attributes {stable_mosaic.version = 14 : i64} {
  func.func @_build_table_kernel(%arg0: memref<2x64x64xf32, #tpu.memory_space<vmem>>, %arg1: memref<4096x512xf32, #tpu.memory_space<hbm>>, %arg2: memref<512x64x64xf32, #tpu.memory_space<vmem>>, %arg3: memref<4096x512xf32, #tpu.memory_space<vmem>>, %arg4: memref<!tpu.dma_semaphore, #tpu.memory_space<semaphore_mem>>) attributes {dimension_semantics = [], scalar_prefetch = 0 : i64, scratch_operands = 3 : i64, tpu.core_type = #tpu.core_type<tc>} {
    %get3A = arith.constant 0 : index
    %get3A_0 = arith.constant 0 : index
    %get3A_1 = arith.constant 0 : index
    %get3A_2 = vector.load %arg0[%get3A, %get3A_0, %get3A_1] : memref<2x64x64xf32, #tpu.memory_space<vmem>>, vector<1x64x64xf32>
    %get3A_3 = vector.shape_cast %get3A_2 : vector<1x64x64xf32> to vector<64x64xf32>
    %get3A_4 = arith.constant 1 : index
    %get3A_5 = arith.constant 0 : index
    %get3A_6 = arith.constant 0 : index
    %get3A_7 = vector.load %arg0[%get3A_4, %get3A_5, %get3A_6] : memref<2x64x64xf32, #tpu.memory_space<vmem>>, vector<1x64x64xf32>
    %get3A_8 = vector.shape_cast %get3A_7 : vector<1x64x64xf32> to vector<64x64xf32>
    %get3A_9 = arith.constant 0 : index
    %get3A_10 = arith.constant 0 : index
    %get3A_11 = arith.constant 0 : index
    %get3A_12 = vector.load %arg0[%get3A_9, %get3A_10, %get3A_11] : memref<2x64x64xf32, #tpu.memory_space<vmem>>, vector<2x64x64xf32>
    %swap3A = arith.constant 0 : index
    %swap3A_13 = arith.constant 0 : index
    %swap3A_14 = arith.constant 0 : index
    %swap3A_15 = vector.load %arg2[%swap3A, %swap3A_13, %swap3A_14] : memref<512x64x64xf32, #tpu.memory_space<vmem>>, vector<2x64x64xf32>
    tpu.vector_store %arg2[%swap3A, %swap3A_13, %swap3A_14], %get3A_12 {strides = array<i32>} : memref<512x64x64xf32, #tpu.memory_space<vmem>>, vector<2x64x64xf32>,
    %dot_general3A = arith.constant dense<0.000000e+00> : vector<64x64xf32>
    %dot_general3A_16 = tpu.matmul %get3A_8, %get3A_3, %dot_general3A {dimension_numbers = #tpu.dot_dimension_numbers<[1], [0], [0], [1], [0, 0, 1, 1], [], []>, transpose_lhs_hint = false} : vector<64x64xf32>, vector<64x64xf32>, vector<64x64xf32> -> vector<64x64xf32>
    %broadcast_in_dim3A = vector.shape_cast %dot_general3A_16 : vector<64x64xf32> to vector<1x64x64xf32>
    %swap3A_17 = arith.constant 2 : index
    %swap3A_18 = arith.constant 0 : index
    %swap3A_19 = arith.constant 0 : index
    %swap3A_20 = vector.load %arg2[%swap3A_17, %swap3A_18, %swap3A_19] : memref<512x64x64xf32, #tpu.memory_space<vmem>>, vector<1x64x64xf32>
    tpu.vector_store %arg2[%swap3A_17, %swap3A_18, %swap3A_19], %broadcast_in_dim3A {strides = array<i32>} : memref<512x64x64xf32, #tpu.memory_space<vmem>>, vector<1x64x64xf32>,
    %get3A_21 = arith.constant 2 : index
    %get3A_22 = arith.constant 0 : index
    %get3A_23 = arith.constant 0 : index
    %get3A_24 = vector.load %arg2[%get3A_21, %get3A_22, %get3A_23] : memref<512x64x64xf32, #tpu.memory_space<vmem>>, vector<1x64x64xf32>
    %reshape3A = vector.shape_cast %get3A_24 : vector<1x64x64xf32> to vector<64x64xf32>
    %dot_general3A_25 = arith.constant dense<0.000000e+00> : vector<64x64xf32>
    %dot_general3A_26 = tpu.matmul %reshape3A, %get3A_8, %dot_general3A_25 {dimension_numbers = #tpu.dot_dimension_numbers<[1], [0], [0], [1], [0, 0, 1, 1], [], []>, transpose_lhs_hint = false} : vector<64x64xf32>, vector<64x64xf32>, vector<64x64xf32> -> vector<64x64xf32>
    %dot_general3A_27 = arith.constant dense<0.000000e+00> : vector<64x64xf32>
    %dot_general3A_28 = tpu.matmul %reshape3A, %get3A_3, %dot_general3A_27 {dimension_numbers = #tpu.dot_dimension_numbers<[1], [0], [0], [1], [0, 0, 1, 1], [], []>, transpose_lhs_hint = false} : vector<64x64xf32>, vector<64x64xf32>, vector<64x64xf32> -> vector<64x64xf32>
    %reshape3A_29 = vector.shape_cast %dot_general3A_26 : vector<64x64xf32> to vector<1x64x64xf32>
    %reshape3A_30 = vector.shape_cast %dot_general3A_28 : vector<64x64xf32> to vector<1x64x64xf32>
    %stack3A = vector.shape_cast %reshape3A_29 : vector<1x64x64xf32> to vector<1x1x64x64xf32>
    %stack3A_31 = vector.shape_cast %reshape3A_30 : vector<1x64x64xf32> to vector<1x1x64x64xf32>
    %stack3A_32 = tpu.concatenate %stack3A, %stack3A_31 in 1 : vector<1x1x64x64xf32>, vector<1x1x64x64xf32> -> vector<1x2x64x64xf32>
    %reshape3A_33 = vector.shape_cast %stack3A_32 : vector<1x2x64x64xf32> to vector<2x64x64xf32>
    %swap3A_34 = arith.constant 3 : index
    %swap3A_35 = arith.constant 0 : index
    %swap3A_36 = arith.constant 0 : index
    %swap3A_37 = vector.load %arg2[%swap3A_34, %swap3A_35, %swap3A_36] : memref<512x64x64xf32, #tpu.memory_space<vmem>>, vector<2x64x64xf32>
    tpu.vector_store %arg2[%swap3A_34, %swap3A_35, %swap3A_36], %reshape3A_33 {strides = array<i32>} : memref<512x64x64xf32, #tpu.memory_space<vmem>>, vector<2x64x64xf32>,
    %get3A_38 = arith.constant 3 : index
    %get3A_39 = arith.constant 0 : index
    %get3A_40 = arith.constant 0 : index
    %get3A_41 = vector.load %arg2[%get3A_38, %get3A_39, %get3A_40] : memref<512x64x64xf32, #tpu.memory_space<vmem>>, vector<2x64x64xf32>
    %reshape3A_42 = vector.shape_cast %get3A_41 : vector<2x64x64xf32> to vector<128x64xf32>
    %dot_general3A_43 = arith.constant dense<0.000000e+00> : vector<128x64xf32>
    %dot_general3A_44 = tpu.matmul %reshape3A_42, %get3A_8, %dot_general3A_43 {dimension_numbers = #tpu.dot_dimension_numbers<[1], [0], [0], [1], [0, 0, 1, 1], [], []>, transpose_lhs_hint = false} : vector<128x64xf32>, vector<64x64xf32>, vector<128x64xf32> -> vector<128x64xf32>
    %dot_general3A_45 = arith.constant dense<0.000000e+00> : vector<128x64xf32>
    %dot_general3A_46 = tpu.matmul %reshape3A_42, %get3A_3, %dot_general3A_45 {dimension_numbers = #tpu.dot_dimension_numbers<[1], [0], [0], [1], [0, 0, 1, 1], [], []>, transpose_lhs_hint = false} : vector<128x64xf32>, vector<64x64xf32>, vector<128x64xf32> -> vector<128x64xf32>
    %reshape3A_47 = vector.shape_cast %dot_general3A_44 : vector<128x64xf32> to vector<2x64x64xf32>
    %reshape3A_48 = vector.shape_cast %dot_general3A_46 : vector<128x64xf32> to vector<2x64x64xf32>
    %stack3A_49 = vector.shape_cast %reshape3A_47 : vector<2x64x64xf32> to vector<2x1x64x64xf32>
    %stack3A_50 = vector.shape_cast %reshape3A_48 : vector<2x64x64xf32> to vector<2x1x64x64xf32>
    %stack3A_51 = tpu.concatenate %stack3A_49, %stack3A_50 in 1 : vector<2x1x64x64xf32>, vector<2x1x64x64xf32> -> vector<2x2x64x64xf32>
    %reshape3A_52 = vector.shape_cast %stack3A_51 : vector<2x2x64x64xf32> to vector<4x64x64xf32>
    %swap3A_53 = arith.constant 5 : index
    %swap3A_54 = arith.constant 0 : index
    %swap3A_55 = arith.constant 0 : index
    %swap3A_56 = vector.load %arg2[%swap3A_53, %swap3A_54, %swap3A_55] : memref<512x64x64xf32, #tpu.memory_space<vmem>>, vector<4x64x64xf32>
    tpu.vector_store %arg2[%swap3A_53, %swap3A_54, %swap3A_55], %reshape3A_52 {strides = array<i32>} : memref<512x64x64xf32, #tpu.memory_space<vmem>>, vector<4x64x64xf32>,
    %get3A_57 = arith.constant 5 : index
    %get3A_58 = arith.constant 0 : index
    %get3A_59 = arith.constant 0 : index
    %get3A_60 = vector.load %arg2[%get3A_57, %get3A_58, %get3A_59] : memref<512x64x64xf32, #tpu.memory_space<vmem>>, vector<4x64x64xf32>
    %reshape3A_61 = vector.shape_cast %get3A_60 : vector<4x64x64xf32> to vector<256x64xf32>
    %dot_general3A_62 = arith.constant dense<0.000000e+00> : vector<256x64xf32>
    %dot_general3A_63 = tpu.matmul %reshape3A_61, %get3A_8, %dot_general3A_62 {dimension_numbers = #tpu.dot_dimension_numbers<[1], [0], [0], [1], [0, 0, 1, 1], [], []>, transpose_lhs_hint = false} : vector<256x64xf32>, vector<64x64xf32>, vector<256x64xf32> -> vector<256x64xf32>
    %dot_general3A_64 = arith.constant dense<0.000000e+00> : vector<256x64xf32>
    %dot_general3A_65 = tpu.matmul %reshape3A_61, %get3A_3, %dot_general3A_64 {dimension_numbers = #tpu.dot_dimension_numbers<[1], [0], [0], [1], [0, 0, 1, 1], [], []>, transpose_lhs_hint = false} : vector<256x64xf32>, vector<64x64xf32>, vector<256x64xf32> -> vector<256x64xf32>
    %reshape3A_66 = vector.shape_cast %dot_general3A_63 : vector<256x64xf32> to vector<4x64x64xf32>
    %reshape3A_67 = vector.shape_cast %dot_general3A_65 : vector<256x64xf32> to vector<4x64x64xf32>
    %stack3A_68 = vector.shape_cast %reshape3A_66 : vector<4x64x64xf32> to vector<4x1x64x64xf32>
    %stack3A_69 = vector.shape_cast %reshape3A_67 : vector<4x64x64xf32> to vector<4x1x64x64xf32>
    %stack3A_70 = tpu.concatenate %stack3A_68, %stack3A_69 in 1 : vector<4x1x64x64xf32>, vector<4x1x64x64xf32> -> vector<4x2x64x64xf32>
    %reshape3A_71 = vector.shape_cast %stack3A_70 : vector<4x2x64x64xf32> to vector<8x64x64xf32>
    %swap3A_72 = arith.constant 9 : index
    %swap3A_73 = arith.constant 0 : index
    %swap3A_74 = arith.constant 0 : index
    %swap3A_75 = vector.load %arg2[%swap3A_72, %swap3A_73, %swap3A_74] : memref<512x64x64xf32, #tpu.memory_space<vmem>>, vector<8x64x64xf32>
    tpu.vector_store %arg2[%swap3A_72, %swap3A_73, %swap3A_74], %reshape3A_71 {strides = array<i32>} : memref<512x64x64xf32, #tpu.memory_space<vmem>>, vector<8x64x64xf32>,
    %get3A_76 = arith.constant 9 : index
    %get3A_77 = arith.constant 0 : index
    %get3A_78 = arith.constant 0 : index
    %get3A_79 = vector.load %arg2[%get3A_76, %get3A_77, %get3A_78] : memref<512x64x64xf32, #tpu.memory_space<vmem>>, vector<8x64x64xf32>
    %reshape3A_80 = vector.shape_cast %get3A_79 : vector<8x64x64xf32> to vector<512x64xf32>
    %dot_general3A_81 = arith.constant dense<0.000000e+00> : vector<512x64xf32>
    %dot_general3A_82 = tpu.matmul %reshape3A_80, %get3A_8, %dot_general3A_81 {dimension_numbers = #tpu.dot_dimension_numbers<[1], [0], [0], [1], [0, 0, 1, 1], [], []>, transpose_lhs_hint = false} : vector<512x64xf32>, vector<64x64xf32>, vector<512x64xf32> -> vector<512x64xf32>
    %dot_general3A_83 = arith.constant dense<0.000000e+00> : vector<512x64xf32>
    %dot_general3A_84 = tpu.matmul %reshape3A_80, %get3A_3, %dot_general3A_83 {dimension_numbers = #tpu.dot_dimension_numbers<[1], [0], [0], [1], [0, 0, 1, 1], [], []>, transpose_lhs_hint = false} : vector<512x64xf32>, vector<64x64xf32>, vector<512x64xf32> -> vector<512x64xf32>
    %reshape3A_85 = vector.shape_cast %dot_general3A_82 : vector<512x64xf32> to vector<8x64x64xf32>
    %reshape3A_86 = vector.shape_cast %dot_general3A_84 : vector<512x64xf32> to vector<8x64x64xf32>
    %stack3A_87 = vector.shape_cast %reshape3A_85 : vector<8x64x64xf32> to vector<8x1x64x64xf32>
    %stack3A_88 = vector.shape_cast %reshape3A_86 : vector<8x64x64xf32> to vector<8x1x64x64xf32>
    %stack3A_89 = tpu.concatenate %stack3A_87, %stack3A_88 in 1 : vector<8x1x64x64xf32>, vector<8x1x64x64xf32> -> vector<8x2x64x64xf32>
    %reshape3A_90 = vector.shape_cast %stack3A_89 : vector<8x2x64x64xf32> to vector<16x64x64xf32>
    %swap3A_91 = arith.constant 17 : index
    %swap3A_92 = arith.constant 0 : index
    %swap3A_93 = arith.constant 0 : index
    %swap3A_94 = vector.load %arg2[%swap3A_91, %swap3A_92, %swap3A_93] : memref<512x64x64xf32, #tpu.memory_space<vmem>>, vector<16x64x64xf32>
    tpu.vector_store %arg2[%swap3A_91, %swap3A_92, %swap3A_93], %reshape3A_90 {strides = array<i32>} : memref<512x64x64xf32, #tpu.memory_space<vmem>>, vector<16x64x64xf32>,
    %get3A_95 = arith.constant 17 : index
    %get3A_96 = arith.constant 0 : index
    %get3A_97 = arith.constant 0 : index
    %get3A_98 = vector.load %arg2[%get3A_95, %get3A_96, %get3A_97] : memref<512x64x64xf32, #tpu.memory_space<vmem>>, vector<16x64x64xf32>
    %reshape3A_99 = vector.shape_cast %get3A_98 : vector<16x64x64xf32> to vector<1024x64xf32>
    %dot_general3A_100 = arith.constant dense<0.000000e+00> : vector<1024x64xf32>
    %dot_general3A_101 = tpu.matmul %reshape3A_99, %get3A_8, %dot_general3A_100 {dimension_numbers = #tpu.dot_dimension_numbers<[1], [0], [0], [1], [0, 0, 1, 1], [], []>, transpose_lhs_hint = false} : vector<1024x64xf32>, vector<64x64xf32>, vector<1024x64xf32> -> vector<1024x64xf32>
    %dot_general3A_102 = arith.constant dense<0.000000e+00> : vector<1024x64xf32>
    %dot_general3A_103 = tpu.matmul %reshape3A_99, %get3A_3, %dot_general3A_102 {dimension_numbers = #tpu.dot_dimension_numbers<[1], [0], [0], [1], [0, 0, 1, 1], [], []>, transpose_lhs_hint = false} : vector<1024x64xf32>, vector<64x64xf32>, vector<1024x64xf32> -> vector<1024x64xf32>
    %reshape3A_104 = vector.shape_cast %dot_general3A_101 : vector<1024x64xf32> to vector<16x64x64xf32>
    %reshape3A_105 = vector.shape_cast %dot_general3A_103 : vector<1024x64xf32> to vector<16x64x64xf32>
    %stack3A_106 = vector.shape_cast %reshape3A_104 : vector<16x64x64xf32> to vector<16x1x64x64xf32>
    %stack3A_107 = vector.shape_cast %reshape3A_105 : vector<16x64x64xf32> to vector<16x1x64x64xf32>
    %stack3A_108 = tpu.concatenate %stack3A_106, %stack3A_107 in 1 : vector<16x1x64x64xf32>, vector<16x1x64x64xf32> -> vector<16x2x64x64xf32>
    %reshape3A_109 = vector.shape_cast %stack3A_108 : vector<16x2x64x64xf32> to vector<32x64x64xf32>
    %swap3A_110 = arith.constant 33 : index
    %swap3A_111 = arith.constant 0 : index
    %swap3A_112 = arith.constant 0 : index
    %swap3A_113 = vector.load %arg2[%swap3A_110, %swap3A_111, %swap3A_112] : memref<512x64x64xf32, #tpu.memory_space<vmem>>, vector<32x64x64xf32>
    tpu.vector_store %arg2[%swap3A_110, %swap3A_111, %swap3A_112], %reshape3A_109 {strides = array<i32>} : memref<512x64x64xf32, #tpu.memory_space<vmem>>, vector<32x64x64xf32>,
    %get3A_114 = arith.constant 33 : index
    %get3A_115 = arith.constant 0 : index
    %get3A_116 = arith.constant 0 : index
    %get3A_117 = vector.load %arg2[%get3A_114, %get3A_115, %get3A_116] : memref<512x64x64xf32, #tpu.memory_space<vmem>>, vector<32x64x64xf32>
    %reshape3A_118 = vector.shape_cast %get3A_117 : vector<32x64x64xf32> to vector<2048x64xf32>
    %dot_general3A_119 = arith.constant dense<0.000000e+00> : vector<2048x64xf32>
    %dot_general3A_120 = tpu.matmul %reshape3A_118, %get3A_8, %dot_general3A_119 {dimension_numbers = #tpu.dot_dimension_numbers<[1], [0], [0], [1], [0, 0, 1, 1], [], []>, transpose_lhs_hint = false} : vector<2048x64xf32>, vector<64x64xf32>, vector<2048x64xf32> -> vector<2048x64xf32>
    %dot_general3A_121 = arith.constant dense<0.000000e+00> : vector<2048x64xf32>
    %dot_general3A_122 = tpu.matmul %reshape3A_118, %get3A_3, %dot_general3A_121 {dimension_numbers = #tpu.dot_dimension_numbers<[1], [0], [0], [1], [0, 0, 1, 1], [], []>, transpose_lhs_hint = false} : vector<2048x64xf32>, vector<64x64xf32>, vector<2048x64xf32> -> vector<2048x64xf32>
    %reshape3A_123 = vector.shape_cast %dot_general3A_120 : vector<2048x64xf32> to vector<32x64x64xf32>
    %reshape3A_124 = vector.shape_cast %dot_general3A_122 : vector<2048x64xf32> to vector<32x64x64xf32>
    %stack3A_125 = vector.shape_cast %reshape3A_123 : vector<32x64x64xf32> to vector<32x1x64x64xf32>
    %stack3A_126 = vector.shape_cast %reshape3A_124 : vector<32x64x64xf32> to vector<32x1x64x64xf32>
    %stack3A_127 = tpu.concatenate %stack3A_125, %stack3A_126 in 1 : vector<32x1x64x64xf32>, vector<32x1x64x64xf32> -> vector<32x2x64x64xf32>
    %reshape3A_128 = vector.shape_cast %stack3A_127 : vector<32x2x64x64xf32> to vector<64x64x64xf32>
    %swap3A_129 = arith.constant 65 : index
    %swap3A_130 = arith.constant 0 : index
    %swap3A_131 = arith.constant 0 : index
    %swap3A_132 = vector.load %arg2[%swap3A_129, %swap3A_130, %swap3A_131] : memref<512x64x64xf32, #tpu.memory_space<vmem>>, vector<64x64x64xf32>
    tpu.vector_store %arg2[%swap3A_129, %swap3A_130, %swap3A_131], %reshape3A_128 {strides = array<i32>} : memref<512x64x64xf32, #tpu.memory_space<vmem>>, vector<64x64x64xf32>,
    %get3A_133 = arith.constant 65 : index
    %get3A_134 = arith.constant 0 : index
    %get3A_135 = arith.constant 0 : index
    %get3A_136 = vector.load %arg2[%get3A_133, %get3A_134, %get3A_135] : memref<512x64x64xf32, #tpu.memory_space<vmem>>, vector<64x64x64xf32>
    %reshape3A_137 = vector.shape_cast %get3A_136 : vector<64x64x64xf32> to vector<4096x64xf32>
    %dot_general3A_138 = arith.constant dense<0.000000e+00> : vector<4096x64xf32>
    %dot_general3A_139 = tpu.matmul %reshape3A_137, %get3A_8, %dot_general3A_138 {dimension_numbers = #tpu.dot_dimension_numbers<[1], [0], [0], [1], [0, 0, 1, 1], [], []>, transpose_lhs_hint = false} : vector<4096x64xf32>, vector<64x64xf32>, vector<4096x64xf32> -> vector<4096x64xf32>
    %dot_general3A_140 = arith.constant dense<0.000000e+00> : vector<4096x64xf32>
    %dot_general3A_141 = tpu.matmul %reshape3A_137, %get3A_3, %dot_general3A_140 {dimension_numbers = #tpu.dot_dimension_numbers<[1], [0], [0], [1], [0, 0, 1, 1], [], []>, transpose_lhs_hint = false} : vector<4096x64xf32>, vector<64x64xf32>, vector<4096x64xf32> -> vector<4096x64xf32>
    %reshape3A_142 = vector.shape_cast %dot_general3A_139 : vector<4096x64xf32> to vector<64x64x64xf32>
    %reshape3A_143 = vector.shape_cast %dot_general3A_141 : vector<4096x64xf32> to vector<64x64x64xf32>
    %stack3A_144 = vector.shape_cast %reshape3A_142 : vector<64x64x64xf32> to vector<64x1x64x64xf32>
    %stack3A_145 = vector.shape_cast %reshape3A_143 : vector<64x64x64xf32> to vector<64x1x64x64xf32>
    %stack3A_146 = tpu.concatenate %stack3A_144, %stack3A_145 in 1 : vector<64x1x64x64xf32>, vector<64x1x64x64xf32> -> vector<64x2x64x64xf32>
    %reshape3A_147 = vector.shape_cast %stack3A_146 : vector<64x2x64x64xf32> to vector<128x64x64xf32>
    %swap3A_148 = arith.constant 129 : index
    %swap3A_149 = arith.constant 0 : index
    %swap3A_150 = arith.constant 0 : index
    %swap3A_151 = vector.load %arg2[%swap3A_148, %swap3A_149, %swap3A_150] : memref<512x64x64xf32, #tpu.memory_space<vmem>>, vector<128x64x64xf32>
    tpu.vector_store %arg2[%swap3A_148, %swap3A_149, %swap3A_150], %reshape3A_147 {strides = array<i32>} : memref<512x64x64xf32, #tpu.memory_space<vmem>>, vector<128x64x64xf32>,
    %get3A_152 = arith.constant 129 : index
    %get3A_153 = arith.constant 0 : index
    %get3A_154 = arith.constant 0 : index
    %get3A_155 = vector.load %arg2[%get3A_152, %get3A_153, %get3A_154] : memref<512x64x64xf32, #tpu.memory_space<vmem>>, vector<128x64x64xf32>
    %reshape3A_156 = vector.shape_cast %get3A_155 : vector<128x64x64xf32> to vector<8192x64xf32>
    %dot_general3A_157 = arith.constant dense<0.000000e+00> : vector<8192x64xf32>
    %dot_general3A_158 = tpu.matmul %reshape3A_156, %get3A_8, %dot_general3A_157 {dimension_numbers = #tpu.dot_dimension_numbers<[1], [0], [0], [1], [0, 0, 1, 1], [], []>, transpose_lhs_hint = false} : vector<8192x64xf32>, vector<64x64xf32>, vector<8192x64xf32> -> vector<8192x64xf32>
    %dot_general3A_159 = arith.constant dense<0.000000e+00> : vector<8192x64xf32>
    %dot_general3A_160 = tpu.matmul %reshape3A_156, %get3A_3, %dot_general3A_159 {dimension_numbers = #tpu.dot_dimension_numbers<[1], [0], [0], [1], [0, 0, 1, 1], [], []>, transpose_lhs_hint = false} : vector<8192x64xf32>, vector<64x64xf32>, vector<8192x64xf32> -> vector<8192x64xf32>
    %reshape3A_161 = vector.shape_cast %dot_general3A_158 : vector<8192x64xf32> to vector<128x64x64xf32>
    %reshape3A_162 = vector.shape_cast %dot_general3A_160 : vector<8192x64xf32> to vector<128x64x64xf32>
    %stack3A_163 = vector.shape_cast %reshape3A_161 : vector<128x64x64xf32> to vector<128x1x64x64xf32>
    %stack3A_164 = vector.shape_cast %reshape3A_162 : vector<128x64x64xf32> to vector<128x1x64x64xf32>
    %stack3A_165 = tpu.concatenate %stack3A_163, %stack3A_164 in 1 : vector<128x1x64x64xf32>, vector<128x1x64x64xf32> -> vector<128x2x64x64xf32>
    %reshape3A_166 = vector.shape_cast %stack3A_165 : vector<128x2x64x64xf32> to vector<256x64x64xf32>
    %slice3A = vector.extract_strided_slice %reshape3A_166 {offsets = [0, 0, 0], sizes = [255, 64, 64], strides = [1, 1, 1]} : vector<256x64x64xf32> to vector<255x64x64xf32>
    %swap3A_167 = arith.constant 257 : index
    %swap3A_168 = arith.constant 0 : index
    %swap3A_169 = arith.constant 0 : index
    %swap3A_170 = vector.load %arg2[%swap3A_167, %swap3A_168, %swap3A_169] : memref<512x64x64xf32, #tpu.memory_space<vmem>>, vector<255x64x64xf32>
    tpu.vector_store %arg2[%swap3A_167, %swap3A_168, %swap3A_169], %slice3A {strides = array<i32>} : memref<512x64x64xf32, #tpu.memory_space<vmem>>, vector<255x64x64xf32>,
    %get3A_171 = arith.constant 0 : index
    %get3A_172 = arith.constant 0 : index
    %get3A_173 = arith.constant 0 : index
    %get3A_174 = vector.load %arg2[%get3A_171, %get3A_172, %get3A_173] : memref<512x64x64xf32, #tpu.memory_space<vmem>>, vector<512x64x64xf32>
    %transpose3A = tpu.transpose %get3A_174, [1, 2, 0] : vector<512x64x64xf32> -> vector<64x64x512xf32>
    %reshape3A_175 = vector.shape_cast %transpose3A : vector<64x64x512xf32> to vector<4096x512xf32>
    %swap3A_176 = arith.constant 0 : index
    %swap3A_177 = arith.constant 0 : index
    %swap3A_178 = vector.load %arg3[%swap3A_176, %swap3A_177] : memref<4096x512xf32, #tpu.memory_space<vmem>>, vector<4096x512xf32>
    tpu.vector_store %arg3[%swap3A_176, %swap3A_177], %reshape3A_175 {strides = array<i32>} : memref<4096x512xf32, #tpu.memory_space<vmem>>, vector<4096x512xf32>,
    tpu.enqueue_dma source(%arg3 : memref<4096x512xf32, #tpu.memory_space<vmem>>) target(%arg1 : memref<4096x512xf32, #tpu.memory_space<hbm>>) target_semaphore(%arg4 : memref<!tpu.dma_semaphore, #tpu.memory_space<semaphore_mem>>)
    tpu.wait_dma2 semaphore(%arg4 : memref<!tpu.dma_semaphore, #tpu.memory_space<semaphore_mem>>) src(%arg3 : memref<4096x512xf32, #tpu.memory_space<vmem>>) dst(%arg1 : memref<4096x512xf32, #tpu.memory_space<hbm>>)
    return
  }
}

</mosaic_0001>

<sc_bundles>
// kernel: kernel.4.cloned.1.call-start
scs
__scs_entry_jumppad:
0x0: {  	(pc) =	sbr.rel $0x88, $3  }
0x1: {  	(tag) =	ssettag $0x0;
	lr =	simm.s32 $0x1  }
0x2: {  	[smem:$0x3F9F] =	sst lr;
	_ =	strace $0xD0000000  }
0x3: {  	_ = 	snop  }
0x4: {  	_ = 	snop  }
0x5: {  	_ = 	snop  }
0x6: {  	_ = 	snop  }
0x7: {  	_ = 	snop  }
__scs_overlays_trampoline_lowered:
0x8: {  	[smem:$0x3FAE] =	sst s0  }
0x9: {  	[smem:$0x3FAF] =	sst s1  }
0xa: {  	[smem:$0x3FB0] =	sst s2  }
0xb: {  	[smem:$0x3FB1] =	sst s3  }
0xc: {  	[smem:$0x3FB2] =	sst s4  }
0xd: {  	[smem:$0x3FB3] =	sst s5  }
0xe: {  	[smem:$0x3FB4] =	sst s6  }
0xf: {  	[smem:$0x3FB5] =	sst s7  }
0x10: {  	[smem:$0x3FB6] =	sst s8  }
0x11: {  	[smem:$0x3FB7] =	sst s9;
	s0 =	simm.s32 @!p0 $0x0  }
0x12: {  	s1 =	sld [smem:$0x3F9D];
	s0 =	simm.s32 @p0 $0x1  }
0x13: {  	[smem:$0x3FB8] =	sst s0;
	s0 =	simm.s32 @!p1 $0x0  }
0x14: {  	s2 =	sld [smem:$0x3F9C];
	s0 =	simm.s32 @p1 $0x1  }
0x15: {  	[smem:$0x3FB9] =	sst s0;
	s0 =	simm.s32 @!p2 $0x0  }
0x16: {  	s3 =	sld [smem:$0x3FDB];
	s0 =	simm.s32 @p2 $0x1  }
0x17: {  	s4 =	simm.s32 $0x1BF5;
	[smem:$0x3FBB] =	sst s0  }
0x18: {  	s0 =	sld [smem:$0x3F9E];
	_ =	swait.ge [sflag:s4], $0x0  }
0x19: {  	s7 =	sld [smem:$0x3F9F]  }
0x1a: {  	s8 =	sadd.s32 $0xFFFFE003, lr  }
0x1b: {  	s9 =	sadd.s32 $0xFFFFFEF7, lr;
	s5 =	simm.s32 $0xFFFFFFFF;
	p2 =	slt.u32 s8, $0xFFFFF086  }
0x1c: {  	p1 =	slt.u32 s9, $0xF7A;
	s5 =	simm.s32 @!p2 $0x0  }
0x1d: {  	s5 =	simm.s32 @p1 $0x1;
	p0 =	seq.s32 s7, s2  }
0x1e: {  	s7 =	smul.u32 @!p0 $0xF7A, s2;
	p2 =	seq.s32 @!p0 s5, $0x0  }
0x1f: {  	s9 =	smul.u32 $0xF7A, s1;
	s8 =	simm.s32 @!p0 $0x1BF5;
	p2 =	por !p2, p0  }
0x20: {  	[sflag:s8] =	ssyncset.s32 @!p0 $0xFFFFF086;
	s6 =	sadd.s32 @!p0 s3, s7;
	s7 =	simm.s32 @!p0 $0x108  }
0x21: {  	s3 =	sadd.s32 s3, s9;
	s6 =	sadd.s32 @!p0 $0x88, s6;
	s7 =	simm.s32 @p2 $0x1082  }
0x22: {  	[simem:s7], [sflag:s8] =	dma.local @!p0 [hbm:s6], $0xF7A  }
0x23: {  	s9 =	sor.u32 $0xD0000000, s2;
	s6 =	simm.s32 $0x108;
	_ =	swait.ge @!p0 [sflag:s8], $0x0  }
0x24: {  	s3 =	sadd.s32 $0x88, s3;
	s6 =	simm.s32 @!p1 $0x1082;
	[sflag:s4] =	ssyncset.s32 $0xFFFFF086  }
0x25: {  	[simem:s6], [sflag:s4] =	dma.local [hbm:s3], $0xF7A  }
0x26: {  	[smem:$0x3F9F] =	sst s1;
	(tag) =	ssettag s2;
	_ =	strace s9  }
0x27: {  	s1 =	sld [smem:$0x3FAF]  }
0x28: {  	s2 =	sld [smem:$0x3FB0]  }
0x29: {  	s4 =	sld [smem:$0x3FB2]  }
0x2a: {  	p0 =	seq.s32 s5, $0x0;
	s5 =	sld [smem:$0x3FB3]  }
0x2b: {  	s6 =	sld [smem:$0x3FB4]  }
0x2c: {  	s7 =	sld [smem:$0x3FB5]  }
0x2d: {  	s3 =	simm.s32 $0x108;
	s8 =	sld [smem:$0x3FB6]  }
0x2e: {  	s3 =	simm.s32 @!p0 $0x1082;
	s9 =	sld [smem:$0x3FB7]  }
0x2f: {  	lr =	sadd.s32 s0, s3;
	s0 =	sld [smem:$0x3FAE]  }
0x30: {  	s3 =	sld [smem:$0x3FB1]  }
0x31: {  	[smem:$0x3FBA] =	sst s10  }
0x32: {  	s10 =	sld [smem:$0x3FB8];
	_ =	sdelay $0x3  }
0x33: {  	p0 =	seq.s32 s10, $0x1;
	s10 =	sld [smem:$0x3FBA];
	_ =	sdelay $0x3  }
0x34: {  	[smem:$0x3FBA] =	sst s10  }
0x35: {  	s10 =	sld [smem:$0x3FB9];
	_ =	sdelay $0x3  }
0x36: {  	p1 =	seq.s32 s10, $0x1;
	s10 =	sld [smem:$0x3FBA];
	_ =	sdelay $0x3  }
0x37: {  	[smem:$0x3FBA] =	sst s10  }
0x38: {  	s10 =	sld [smem:$0x3FBB]  }
0x39: {  	_ = 	snop;
	(pc) =	sbr.ind lr, $3  }
0x3a: {  	_ = 	snop  }
0x3b: {  	_ = 	snop  }
0x3c: {  	p2 =	seq.s32 s10, $0x1;
	s10 =	sld [smem:$0x3FBA]  }
0x3d: {  	_ =	shalt  }
0x3e: {  	_ =	shalt  }
0x3f: {  	_ =	shalt  }
0x40: {  	_ =	shalt  }
0x41: {  	_ =	shalt  }
0x42: {  	_ =	shalt  }
0x43: {  	_ =	shalt  }
0x44: {  	_ =	shalt  }
0x45: {  	_ =	shalt  }
0x46: {  	_ =	shalt  }
0x47: {  	_ =	shalt  }
0x48: {  	_ =	shalt  }
0x49: {  	_ =	shalt  }
0x4a: {  	_ =	shalt  }
0x4b: {  	_ =	shalt  }
0x4c: {  	_ =	shalt  }
0x4d: {  	_ =	shalt  }
0x4e: {  	_ =	shalt  }
0x4f: {  	_ =	shalt  }
0x50: {  	_ =	shalt  }
0x51: {  	_ =	shalt  }
0x52: {  	_ =	shalt  }
0x53: {  	_ =	shalt  }
0x54: {  	_ =	shalt  }
0x55: {  	_ =	shalt  }
0x56: {  	_ =	shalt  }
0x57: {  	_ =	shalt  }
0x58: {  	_ =	shalt  }
0x59: {  	_ =	shalt  }
0x5a: {  	_ =	shalt  }
0x5b: {  	_ =	shalt  }
0x5c: {  	_ =	shalt  }
0x5d: {  	_ =	shalt  }
0x5e: {  	_ =	shalt  }
0x5f: {  	_ =	shalt  }
0x60: {  	_ =	shalt  }
0x61: {  	_ =	shalt  }
0x62: {  	_ =	shalt  }
0x63: {  	_ =	shalt  }
0x64: {  	_ =	shalt  }
0x65: {  	_ =	shalt  }
0x66: {  	_ =	shalt  }
0x67: {  	_ =	shalt  }
0x68: {  	_ =	shalt  }
0x69: {  	_ =	shalt  }
0x6a: {  	_ =	shalt  }
0x6b: {  	_ =	shalt  }
0x6c: {  	_ =	shalt  }
0x6d: {  	_ =	shalt  }
0x6e: {  	_ =	shalt  }
0x6f: {  	_ =	shalt  }
0x70: {  	_ =	shalt  }
0x71: {  	_ =	shalt  }
0x72: {  	_ =	shalt  }
0x73: {  	_ =	shalt  }
0x74: {  	_ =	shalt  }
0x75: {  	_ =	shalt  }
0x76: {  	_ =	shalt  }
0x77: {  	_ =	shalt  }
0x78: {  	_ =	shalt  }
0x79: {  	_ =	shalt  }
0x7a: {  	_ =	shalt  }
0x7b: {  	_ =	shalt  }
0x7c: {  	_ =	shalt  }
0x7d: {  	_ =	shalt  }
0x7e: {  	_ =	shalt  }
0x7f: {  	_ =	shalt  }
0x80: {  	_ =	shalt  }
0x81: {  	_ =	shalt  }
0x82: {  	_ =	shalt  }
0x83: {  	_ =	shalt  }
0x84: {  	_ =	shalt  }
0x85: {  	_ =	shalt  }
0x86: {  	_ =	shalt  }
0x87: {  	_ =	shalt  }
.Lfunc_end0:
.L_simem_size_0:
called_computation_lowered:
.L_overlay_start_0:
0x88: {  	s2 =	sld [smem:$0x3FD9]  }
0x89: {  	s3 =	sld [smem:$0x3FFE];
	_ =	sdelay $0x1  }
0x8a: {  	s1 =	srdreg.scid  }
0x8b: {  	s0 =	sand.u32 $0x1, s1  }
0x8c: {  	s17 =	sshll.u32 s0, $0xA;
	s2 =	sadd.s32 s3, s2  }
0x8d: {  	s2 =	sadd.s32 s2, s17  }
0x8e: {  	[smem:$0x3FC6] =	sst s2  }
0x8f: {  	_ = 	snop  }
0x90: {  	s2 =	sld [smem:$0x3FD0];
	(tm) =	ssettm $0x1  }
0x91: {  	s18 =	sld [smem:$0x3FFB];
	_ =	sdelay $0x3  }
0x92: {  	_ =	strace s18  }
0x93: {  	s3 =	sld [smem:$0x3FFC];
	_ =	sdelay $0x3  }
0x94: {  	_ =	strace s3  }
0x95: {  	s3 =	sld [smem:$0x3FFD];
	_ =	sdelay $0x3  }
0x96: {  	_ =	strace s3  }
0x97: {  	_ =	strace $0x8FFFFFFF  }
0x98: {  	s19 =	sld [smem:$0x3FDB];
	_ =	sdelay $0x1  }
0x99: {  	s4 =	simm.s32 $_scs_section_size  }
0x9a: {  	s5 =	simm.s32 $_size__tile_overlayer_lowered;
	s6 =	simm.s32 $_tile_overlayer_lowered  }
0x9b: {  	s22 =	simm.s32 $0x1BFF;
	s21 =	sshll.u32 s6, $0x1;
	s3 =	sadd.s32 s4, s19  }
0x9c: {  	s7 =	simm.s32 $0x0;
	s20 =	sshll.u32 s5, $0x1;
	s5 =	sadd.s32 s21, s3  }
0x9d: {  	[timem:s7], [sflag:s22] =	dma.local [hbm:s5], s20  }
0x9e: {  	_ =	swait.ge [sflag:s22], s20  }
0x9f: {  	s4 =	ssub.s32 $0x0, s20;
	[sflag:s22] =	ssyncset.done $0x0  }
0xa0: {  	[sflag:s22] =	ssyncadd.s32 s4;
	_ =	sdelay $0x1  }
0xa1: {  	s23 =	simm.s32 $0x1B8B  }
0xa2: {  	_ =	swait.ge [sflag:s23], $0x1  }
0xa3: {  	[sflag:s23] =	ssyncset.done $0x0  }
0xa4: {  	s25 =	simm.s32 $0x1B8E;
	s24 =	sld [smem:$0x3FFE];
	[sflag:s23] =	ssyncadd.s32 $0xFFFFFFFF  }
0xa5: {  	s26 =	simm.s32 $execute0_lowered;
	[smem:$0x3FD2] =	sst s25  }
0xa6: {  	s5 =	sshll.u32 s26, $0x1;
	_ =	strace $0x80000046;
	[dreg:$0x1] =	wrdreg $0xFFFFFFFF  }
0xa7: {  	s28 =	simm.s32 $_size_execute0_lowered;
	s3 =	sadd.s32 s3, s5;
	[dreg:$0x0] =	wrdreg $0x0  }
0xa8: {  	s5 =	sshll.u32 s28, $0x1;
	[dreg:$0x2] =	wrdreg s3  }
0xa9: {  	[dreg:$0x3] =	wrdreg s5  }
0xaa: {  	[dreg:$0x4] =	wrdreg $0xC0  }
0xab: {  	_ =	task [dreg:s7], $0x5FFFF  }
0xac: {  	[dreg:$0x1] =	wrdreg $0xFFFFFFFF  }
0xad: {  	[dreg:$0x0] =	wrdreg $0x60  }
0xae: {  	[dreg:$0x2] =	wrdreg s24  }
0xaf: {  	[dreg:$0x3] =	wrdreg s2  }
0xb0: {  	[dreg:$0x4] =	wrdreg $0x9  }
0xb1: {  	_ =	task.clear_ibuf [dreg:s7], $0x5FFFF;
	_ =	strace $0x90000046  }
0xb2: {  	s29 =	simm.s32 $0x9;
	_ =	strace $0x80000048  }
0xb3: {  	_ =	swait.ge [sflag:s29], $0x1  }
0xb4: {  	[sflag:s29] =	ssyncadd.s32 $0xFFFFFFFF  }
0xb5: {  	_ =	strace $0x90000048  }
0xb6: {  	_ =	sfence  }
0xb7: {  	s30 =	sld [smem:$0x0];
	_ =	sdelay $0x2  }
0xb8: {  	s31 =	sshll.u32 s1, $0xD;
	s1 =	sshrl.u32 s1, $0x2  }
0xb9: {  	s3 =	sand.u32 $0x4000, s31;
	s1 =	sadd.s32 s1, s30  }
0xba: {  	s0 =	sor.u32 s3, s0;
	s1 =	sshll.u32 s1, $0x11  }
0xbb: {  	s0 =	sor.u32 s1, s0  }
0xbc: {  	s0 =	sadd.s32 $0x8F2B, s0  }
0xbd: {  	[sflag:s0] =	ssyncadd.remote.s32 $0x1  }
0xbe: {  	_ =	sfence.sel $0xFFFF  }
0xbf: {  	[dreg:$0x0] =	wrdreg $0xFFFFFFFF;
	(pc) =	sbr.abs _section_cstart, $3  }
0xc0: {  	[dreg:$0x1] =	wrdreg $0xFFFFFFFF  }
0xc1: {  	_ =	task.clear_ibuf [dreg:s7], $0x2FFFF;
	_ =	strace $0x9FFFFFFF  }
0xc2: {  	(tm) =	ssettm $0x7FFFFFFF  }
0xc3: {  	_ =	shalt  }
tec
execute0_lowered:
.L_overlay_start_1:
0x0: {  	(tag) =	ssettag $0x1  }
0x1: {  	s4 =	rddreg [dreg:$0x0]  }
0x2: {  	s2 =	rddreg [dreg:$0x1]  }
0x3: {  	s0 =	rddreg [dreg:$0x2];
	s5 =	srdreg.scid  }
0x4: {  	s1 =	stileid.u32;
	s3 =	simm.s32 $0x0;
	s9 =	simm.s32 $0x10000  }
0x5: {  	s10 =	simm.s32 $0x14000;
	s11 =	simm.s32 $0x16000;
	s12 =	simm.s32 $0x18000  }
0x6: {  	s13 =	simm.s32 $0x1A000;
	s14 =	simm.s32 $0x1;
	s15 =	simm.s32 $0x2  }
0x7: {  	s16 =	simm.s32 $0x3;
	s17 =	simm.s32 $0x4;
	s18 =	simm.s32 $0x0  }
0x8: {  	s5 =	sand.u32 $0x1, s5;
	s6 =	sshll.u32 s1, $0x1;
	[smem:$0x7FF] =	sst s3  }
0x9: {  	s6 =	sor.u32 s5, s6;
	_ =	strace $0x80000047;
	s5 =	ssub.s32 $0x2, s5  }
0xa: {  	s7 =	sshll.u32 s6, $0xD;
	s8 =	sshrl.u32 s5, $0x1;
	s6 =	sshll.u32 s6, $0x12  }
0xb: {  	v0 =	vimm.s32 $0x0;
	vm0 =	vcmask $0x300;
	s7 =	sadd.s32 s7, s4;
	s4 =	sadd.s32 $0x400, s4;
	s8 =	ssub.s32 s5, s8  }
0xc: {  	v0 =	vsel vm0, $0xC, v0;
	s5 =	sadd.s32 $0xC00, s7;
	s7 =	smax.u32 s8, $0x1;
	s8 =	simm.s32 $0x5  }
.LBB2_1:
0xd: {  	[tilespmem:s3], [sflag:$0x5] =	stream.linear.gather [hbm4b:s5+s3], $0x10000, $0x38;
	[tilespmem:$0x1C000] =	vst v63  }
0xe: {  	_ =	swait.ge [sflag:s8], $0x10000  }
0xf: {  	[sflag:s8] =	ssyncset.done $0x0  }
0x10: {  	[sflag:s8] =	ssyncadd.s32 $0xFFFF0000  }
0x11: {  	[tilespmem:s9], [sflag:$0x5] =	stream.linear.gather [hbm4b:s4+s3], $0x4000, $0x38;
	[tilespmem:$0x1C000] =	vst v63  }
0x12: {  	_ =	swait.ge [sflag:s8], $0x4000  }
0x13: {  	[sflag:s8] =	ssyncset.done $0x0  }
0x14: {  	s19 =	simm.s32 $0x0;
	s20 =	simm.s32 $0x0;
	[sflag:s8] =	ssyncadd.s32 $0xFFFFC000  }
.LBB2_2:
0x15: {  	p0 =	seq.s32 s20, $0x0  }
0x16: {  	s21 =	simm.s32 @!p0 $0x1  }
0x17: {  	s22 =	sshll.u32 s19, $0xC;
	_ =	swait.ge @!p0 [sflag:s21], $0x2000  }
0x18: {  	s24 =	sshrl.u32 s20, $0x2;
	s22 =	sand.u32 $0x3000, s22;
	[sflag:s21] =	ssyncset.done @!p0 $0x0  }
0x19: {  	s31 =	sshll.u32 s24, $0x3;
	s29 =	sor.u32 $0x10040, s22;
	[sflag:s21] =	ssyncadd.s32 @!p0 $0xFFFFE000  }
0x1a: {  	v1 =	vmov s31;
	v6 =	vld [tilespmem:s29+$0xFFFFFFF0]  }
0x1b: {  	v1 =	vshrl.u32 v1, $0x3;
	v10 =	vld [tilespmem:s29+$0xFFFFFFD0]  }
0x1c: {  	v8 =	vshll.u32 v1, v0;
	v7 =	vld [tilespmem:s29+$0x30]  }
0x1d: {  	v2 =	vor.u32 $0x80, v8;
	v11 =	vld [tilespmem:s29+$0x0];
	v1 =	vbroadcast v8, $0x0  }
0x1e: {  	v3 =	vor.u32 $0x100, v8;
	v4 =	vor.u32 $0x180, v8;
	v2 =	vbroadcast v2, $0x0  }
0x1f: {  	v5 =	vor.u32 $0x200, v8;
	v3 =	vbroadcast v3, $0x0;
	v4 =	vbroadcast v4, $0x0  }
0x20: {  	v5 =	vbroadcast v5, $0x0;
	v12 =	vshll.u32 v6, $0x3;
	v13 =	vshll.u32 v10, $0x3  }
0x21: {  	v15 =	vand.u32 $0x7F, v6;
	v9 =	vand.u32 $0x7F, v7;
	v14 =	vand.u32 $0x7F, v10  }
0x22: {  	v10 =	vshll.u32 v11, $0x3;
	v7 =	vshll.u32 v7, $0x3;
	v11 =	vand.u32 $0x7F, v11  }
0x23: {  	v6 =	vld [tilespmem:s29+$0x20];
	v16 =	vand.u32 $0xFFFFFC00, v13;
	v10 =	vand.u32 $0xFFFFFC00, v10;
	v17 =	vand.u32 $0xFFFFFC00, v7  }
0x24: {  	v18 =	vadd.s32 v1, v16;
	v20 =	vadd.s32 v1, v10;
	v19 =	vadd.s32 v5, v10  }
0x25: {  	v13 =	vld [tilespmem:s29+$0xFFFFFFC0];
	v28 =	vadd.s32 v2, v16;
	v37 =	vadd.s32 v3, v17;
	v41 =	vadd.s32 v2, v10  }
0x26: {  	v24 =	vld [tilespmem:s29+$0xFFFFFFE0];
	v44 =	vadd.s32 v3, v16;
	v55 =	vadd.s32 v4, v17;
	v57 =	vadd.s32 v3, v10  }
0x27: {  	v7 =	vor.u32 v14, v18;
	v18 =	vadd.s32 v1, v17;
	v26 =	vor.u32 v11, v20  }
0x28: {  	v27 =	vor.u32 v9, v18;
	v18 =	vand.u32 $0xFFFFFC00, v12;
	v20 =	vshll.u32 v6, $0x3  }
0x29: {  	v22 =	vand.u32 $0x7F, v6;
	v25 =	vadd.s32 v1, v18;
	v23 =	vand.u32 $0xFFFFFC00, v20  }
0x2a: {  	v12 =	vshll.u32 v13, $0x3;
	v20 =	vand.u32 $0x7F, v13;
	v29 =	vor.u32 v15, v25  }
0x2b: {  	v25 =	vshll.u32 v24, $0x3;
	v6 =	vadd.s32 v1, v23;
	v21 =	vand.u32 $0xFFFFFC00, v12  }
0x2c: {  	v35 =	vld [tilespmem:s29+$0x10];
	v25 =	vand.u32 $0xFFFFFC00, v25;
	v6 =	vor.u32 v22, v6;
	v13 =	vadd.s32 v1, v21  }
0x2d: {  	v24 =	vand.u32 $0x7F, v24;
	v7 =	vld.idx.msk [tilespmem:v7+s3+$0x0], $0xffff;
	v32 =	vadd.s32 v1, v25;
	v13 =	vor.u32 v20, v13  }
0x2e: {  	v47 =	vadd.s32 v5, v17;
	v52 =	vadd.s32 v5, v16;
	v26 =	vld.idx.msk [tilespmem:v26+s3+$0x0], $0xffff;
	v32 =	vor.u32 v24, v32  }
0x2f: {  	v28 =	vor.u32 v14, v28;
	v41 =	vor.u32 v11, v41;
	v12 =	vadd.s32 v2, v17;
	v27 =	vld.idx.msk [tilespmem:v27+s3+$0x0], $0xffff  }
0x30: {  	v37 =	vor.u32 v9, v37;
	v36 =	vadd.s32 v2, v18;
	v34 =	vor.u32 v9, v12;
	v29 =	vld.idx.msk [tilespmem:v29+s3+$0x0], $0xffff  }
0x31: {  	v36 =	vor.u32 v15, v36;
	v31 =	vadd.s32 v2, v23;
	v40 =	vadd.s32 v3, v23;
	v6 =	vld.idx.msk [tilespmem:v6+s3+$0x0], $0xffff  }
0x32: {  	s26 =	simm.s32 $0x14200;
	v30 =	vadd.s32 v2, v21;
	v31 =	vor.u32 v22, v31;
	v33 =	vadd.s32 v2, v25;
	v13 =	vld.idx.msk [tilespmem:v13+s3+$0x0], $0xffff  }
0x33: {  	v12 =	vadd.s32 v3, v21;
	v39 =	vadd.s32 v3, v25;
	[tilespmem:s26+$0xFFFFFE40] =	vst v26;
	v32 =	vld.idx.msk [tilespmem:v32+s3+$0x0], $0xffff  }
0x34: {  	v30 =	vor.u32 v20, v30;
	v33 =	vor.u32 v24, v33;
	v26 =	vld.idx.msk [tilespmem:v41+s3+$0x0], $0xffff;
	[tilespmem:s26+$0xFFFFFE70] =	vst v27  }
0x35: {  	v38 =	vor.u32 v20, v12;
	v12 =	vadd.s32 v4, v23;
	v54 =	vld.idx.msk [tilespmem:v34+s3+$0x0], $0xffff;
	[tilespmem:s26+$0xFFFFFE30] =	vst v29  }
0x36: {  	v42 =	vshll.u32 v35, $0x3;
	v43 =	vor.u32 v22, v12;
	v27 =	vadd.s32 v3, v18;
	v56 =	vld.idx.msk [tilespmem:v36+s3+$0x0], $0xffff;
	[tilespmem:s26+$0xFFFFFE60] =	vst v6  }
0x37: {  	v12 =	vand.u32 $0xFFFFFC00, v42;
	[tilespmem:s26+$0xFFFFFE10] =	vst v7;
	v27 =	vor.u32 v15, v27;
	v6 =	vadd.s32 v4, v21;
	v31 =	vld.idx.msk [tilespmem:v31+s3+$0x0], $0xffff  }
0x38: {  	[tilespmem:s26+$0xFFFFFE00] =	vst v13;
	v53 =	vor.u32 v20, v6;
	v6 =	vld.idx.msk [tilespmem:v28+s3+$0x0], $0xffff;
	v13 =	vand.u32 $0x7F, v35;
	v35 =	vor.u32 v11, v57  }
0x39: {  	v40 =	vor.u32 v22, v40;
	v28 =	vadd.s32 v1, v12;
	[tilespmem:s26+$0xFFFFFE20] =	vst v32;
	v30 =	vld.idx.msk [tilespmem:v30+s3+$0x0], $0xffff  }
0x3a: {  	v7 =	vadd.s32 v4, v25;
	v28 =	vor.u32 v13, v28;
	v33 =	vld.idx.msk [tilespmem:v33+s3+$0x0], $0xffff;
	[tilespmem:s26+$0xFFFFFEF0] =	vst v54  }
0x3b: {  	v45 =	vor.u32 v24, v7;
	v7 =	vor.u32 v14, v44;
	v61 =	vld.idx.msk [tilespmem:v37+s3+$0x0], $0xffff;
	[tilespmem:s26+$0xFFFFFEB0] =	vst v56  }
0x3c: {  	v60 =	vadd.s32 v4, v18;
	v39 =	vor.u32 v24, v39;
	[tilespmem:s26+$0xFFFFFEC0] =	vst v26;
	v27 =	vld.idx.msk [tilespmem:v27+s3+$0x0], $0xffff  }
0x3d: {  	v29 =	vor.u32 v9, v55;
	v32 =	vor.u32 v15, v60;
	[tilespmem:s26+$0xFFFFFEE0] =	vst v31;
	v62 =	vld.idx.msk [tilespmem:v35+s3+$0x0], $0xffff  }
0x3e: {  	v37 =	vor.u32 v9, v47;
	v31 =	vadd.s32 v5, v23;
	[tilespmem:s26+$0xFFFFFE90] =	vst v6;
	v58 =	vld.idx.msk [tilespmem:v40+s3+$0x0], $0xffff  }
0x3f: {  	v6 =	vadd.s32 v5, v21;
	v31 =	vor.u32 v22, v31;
	[tilespmem:s26+$0xFFFFFE80] =	vst v30;
	v28 =	vld.idx.msk [tilespmem:v28+s3+$0x0], $0xffff  }
0x40: {  	v40 =	vor.u32 v20, v6;
	v6 =	vadd.s32 v2, v12;
	v7 =	vld.idx.msk [tilespmem:v7+s3+$0x0], $0xffff;
	[tilespmem:s26+$0xFFFFFEA0] =	vst v33  }
0x41: {  	v26 =	vor.u32 $0x280, v8;
	v30 =	vadd.s32 v5, v25;
	v38 =	vld.idx.msk [tilespmem:v38+s3+$0x0], $0xffff;
	v59 =	vor.u32 v13, v6;
	[tilespmem:s26+$0xFFFFFF70] =	vst v61  }
0x42: {  	v33 =	vor.u32 v14, v52;
	v6 =	vbroadcast v26, $0x0;
	v26 =	vadd.s32 v4, v16;
	v63 =	vld.idx.msk [tilespmem:v39+s3+$0x0], $0xffff;
	[tilespmem:s26+$0xFFFFFF30] =	vst v27  }
0x43: {  	v30 =	vor.u32 v24, v30;
	v26 =	vor.u32 v14, v26;
	v29 =	vld.idx.msk [tilespmem:v29+s3+$0x0], $0xffff;
	[tilespmem:s26+$0xFFFFFF60] =	vst v58  }
0x44: {  	v46 =	vadd.s32 v6, v23;
	v48 =	vadd.s32 v6, v21;
	v32 =	vld.idx.msk [tilespmem:v32+s3+$0x0], $0xffff;
	[tilespmem:s26+$0xFFFFFE50] =	vst v28  }
0x45: {  	v49 =	vadd.s32 v6, v25;
	v27 =	vadd.s32 v6, v18;
	[tilespmem:s26+$0xFFFFFF10] =	vst v7;
	v28 =	vld.idx.msk [tilespmem:v43+s3+$0x0], $0xffff  }
0x46: {  	v36 =	vor.u32 v22, v46;
	v7 =	vadd.s32 v3, v12;
	[tilespmem:s26+$0xFFFFFF00] =	vst v38;
	v41 =	vld.idx.msk [tilespmem:v59+s3+$0x0], $0xffff  }
0x47: {  	v39 =	vor.u32 v24, v49;
	[tilespmem:s26+$0xFFFFFF40] =	vst v62;
	v51 =	vor.u32 v13, v7;
	v42 =	vld.idx.msk [tilespmem:v53+s3+$0x0], $0xffff  }
0x48: {  	v38 =	vor.u32 v20, v48;
	[tilespmem:s26+$0xFFFFFF20] =	vst v63;
	v59 =	vor.u32 v15, v27;
	v54 =	vld.idx.msk [tilespmem:v26+s3+$0x0], $0xffff  }
0x49: {  	v50 =	vor.u32 $0x300, v8;
	v27 =	vadd.s32 v4, v12;
	v53 =	vadd.s32 v5, v18;
	v56 =	vld.idx.msk [tilespmem:v45+s3+$0x0], $0xffff;
	[tilespmem:s26+$0xFFFFFFF0] =	vst v29  }
0x4a: {  	v7 =	vbroadcast v50, $0x0;
	v60 =	vor.u32 v13, v27;
	v27 =	vadd.s32 v6, v16;
	v61 =	vld.idx.msk [tilespmem:v37+s3+$0x0], $0xffff;
	[tilespmem:s26+$0xFFFFFFE0] =	vst v28  }
0x4b: {  	v55 =	vor.u32 v15, v53;
	v28 =	vadd.s32 v6, v17;
	[tilespmem:s26+$0xFFFFFED0] =	vst v41;
	v31 =	vld.idx.msk [tilespmem:v31+s3+$0x0], $0xffff  }
0x4c: {  	v26 =	vadd.s32 v7, v23;
	v58 =	vor.u32 v9, v28;
	v28 =	vld.idx.msk [tilespmem:v51+s3+$0x0], $0xffff;
	[tilespmem:s26+$0xFFFFFF80] =	vst v42  }
0x4d: {  	v8 =	vor.u32 $0x380, v8;
	v29 =	vadd.s32 v7, v17;
	v62 =	vor.u32 v14, v27;
	[tilespmem:s26+$0xFFFFFF90] =	vst v54;
	v40 =	vld.idx.msk [tilespmem:v40+s3+$0x0], $0xffff  }
0x4e: {  	v8 =	vbroadcast v8, $0x0;
	v57 =	vor.u32 v22, v26;
	v26 =	vadd.s32 v7, v25;
	[tilespmem:s26+$0xFFFFFFA0] =	vst v56;
	v33 =	vld.idx.msk [tilespmem:v33+s3+$0x0], $0xffff  }
0x4f: {  	v27 =	vor.u32 v9, v29;
	v29 =	vadd.s32 v7, v21;
	[tilespmem:s26+$0xFFFFFFB0] =	vst v32;
	v43 =	vld.idx.msk [tilespmem:v30+s3+$0x0], $0xffff  }
0x50: {  	v21 =	vadd.s32 v8, v21;
	v26 =	vor.u32 v24, v26;
	v35 =	vld.idx.msk [tilespmem:v55+s3+$0x0], $0xffff;
	[tilespmem:s26+$0x70] =	vst v61  }
0x51: {  	v30 =	vadd.s32 v8, v23;
	v23 =	vor.u32 v20, v29;
	[tilespmem:s26+$0x60] =	vst v31;
	v32 =	vld.idx.msk [tilespmem:v58+s3+$0x0], $0xffff  }
0x52: {  	v29 =	vor.u32 v11, v19;
	v19 =	vadd.s32 v8, v25;
	[tilespmem:s26+$0xFFFFFF50] =	vst v28;
	v36 =	vld.idx.msk [tilespmem:v36+s3+$0x0], $0xffff  }
0x53: {  	v28 =	vor.u32 v22, v30;
	v22 =	vadd.s32 v4, v10;
	v44 =	vld.idx.msk [tilespmem:v60+s3+$0x0], $0xffff;
	[tilespmem:s26+$0x0] =	vst v40  }
0x54: {  	v63 =	vor.u32 v11, v22;
	v22 =	vor.u32 v24, v19;
	v19 =	vadd.s32 v7, v18;
	[tilespmem:s26+$0x10] =	vst v33  }
0x55: {  	[tilespmem:s26+$0x20] =	vst v43;
	v38 =	vld.idx.msk [tilespmem:v38+s3+$0x0], $0xffff;
	v24 =	vor.u32 v15, v19;
	v19 =	vadd.s32 v5, v12  }
0x56: {  	v30 =	vld.idx.msk [tilespmem:v62+s3+$0x0], $0xffff;
	v33 =	vor.u32 v13, v19;
	v19 =	vor.u32 v20, v21;
	v20 =	vadd.s32 v7, v16  }
0x57: {  	[tilespmem:s26+$0x30] =	vst v35;
	v31 =	vld.idx.msk [tilespmem:v39+s3+$0x0], $0xffff;
	v25 =	vor.u32 v14, v20;
	v20 =	vadd.s32 v8, v18  }
0x58: {  	s28 =	sshll.u32 s20, $0xC;
	s30 =	simm.s32 $0x14200;
	v20 =	vor.u32 v15, v20;
	v15 =	vld.idx.msk [tilespmem:v59+s3+$0x0], $0xffff;
	[tilespmem:s26+$0xE0] =	vst v36  }
0x59: {  	s23 =	sor.u32 $0x10870, s22;
	s25 =	sor.u32 $0x10470, s22;
	s21 =	sor.u32 $0x10C70, s22;
	v21 =	vadd.s32 v8, v16;
	[tilespmem:s26+$0xFFFFFFD0] =	vst v44;
	v18 =	vld.idx.msk [tilespmem:v57+s3+$0x0], $0xffff  }
0x5a: {  	s22 =	sand.u32 $0x3000, s28;
	s28 =	simm.s32 $0x0;
	s29 =	sadd.s32 $0x80, s29;
	v21 =	vor.u32 v14, v21;
	v14 =	vadd.s32 v8, v17;
	v16 =	vld.idx.msk [tilespmem:v63+s3+$0x0], $0xffff;
	[tilespmem:s26+$0x80] =	vst v38  }
.LBB2_3:
0x5b: {  	s28 =	sadd.s32 $0x8, s28;
	v17 =	vld.idx.msk [tilespmem:v33+s3+$0x0], $0xffff;
	[tilespmem:s26+$0xF0] =	vst v32;
	s30 =	sadd.s32 $0x400, s30  }
0x5c: {  	p1 =	slt.u32 s28, $0x38;
	[tilespmem:s26+$0x90] =	vst v30;
	v27 =	vld.idx.msk [tilespmem:v27+s3+$0x0], $0xffff  }
0x5d: {  	v30 =	vld [tilespmem:s29+$0xFFFFFFF0];
	[tilespmem:s26+$0xA0] =	vst v31  }
0x5e: {  	v31 =	vld [tilespmem:s29+$0x30];
	[tilespmem:s26+$0x160] =	vst v18  }
0x5f: {  	[tilespmem:s26+$0xFFFFFFC0] =	vst v16;
	v16 =	vld.idx.msk [tilespmem:v28+s3+$0x0], $0xffff  }
0x60: {  	v18 =	vld.idx.msk [tilespmem:v26+s3+$0x0], $0xffff;
	[tilespmem:s26+$0xB0] =	vst v15;
	v15 =	vadd.s32 v6, v12  }
0x61: {  	v28 =	vadd.s32 v6, v10;
	v26 =	vld.idx.msk [tilespmem:v29+s3+$0x0], $0xffff;
	[tilespmem:s26+$0x50] =	vst v17;
	v15 =	vor.u32 v13, v15  }
0x62: {  	v17 =	vld.idx.msk [tilespmem:v23+s3+$0x0], $0xffff;
	v23 =	vor.u32 v11, v28;
	[tilespmem:s26+$0x170] =	vst v27  }
0x63: {  	v27 =	vld [tilespmem:s29+$0x0]  }
0x64: {  	v29 =	vadd.s32 v8, v10;
	v28 =	vld [tilespmem:s29+$0xFFFFFFD0]  }
0x65: {  	v10 =	vadd.s32 v7, v10;
	v29 =	vor.u32 v11, v29;
	v25 =	vld.idx.msk [tilespmem:v25+s3+$0x0], $0xffff;
	[tilespmem:s26+$0x1E0] =	vst v16  }
0x66: {  	v33 =	vor.u32 v9, v14;
	v32 =	vor.u32 v11, v10;
	[tilespmem:s26+$0x120] =	vst v18;
	v11 =	vld.idx.msk [tilespmem:v15+s3+$0x0], $0xffff  }
0x67: {  	v9 =	vadd.s32 v7, v12;
	v10 =	vadd.s32 v8, v12;
	v18 =	vld.idx.msk [tilespmem:v24+s3+$0x0], $0xffff;
	[tilespmem:s26+$0x40] =	vst v26  }
0x68: {  	v12 =	vshll.u32 v30, $0x3;
	v24 =	vor.u32 v13, v9;
	v13 =	vor.u32 v13, v10;
	[tilespmem:s26+$0x100] =	vst v17;
	v23 =	vld.idx.msk [tilespmem:v23+s3+$0x0], $0xffff  }
0x69: {  	v14 =	vand.u32 $0x7F, v30;
	v9 =	vand.u32 $0x7F, v31;
	v10 =	vshll.u32 v28, $0x3;
	v26 =	vld [tilespmem:s29+$0x20]  }
0x6a: {  	v15 =	vand.u32 $0x7F, v28;
	v30 =	vld [tilespmem:s29+$0xFFFFFFC0];
	v16 =	vand.u32 $0xFFFFFC00, v10;
	v10 =	vshll.u32 v27, $0x3  }
0x6b: {  	v17 =	vshll.u32 v31, $0x3;
	v28 =	vadd.s32 v1, v16;
	v10 =	vand.u32 $0xFFFFFC00, v10;
	v31 =	vld.idx.msk [tilespmem:v19+s3+$0x0], $0xffff;
	[tilespmem:s26+$0x110] =	vst v25  }
0x6c: {  	v17 =	vand.u32 $0xFFFFFC00, v17;
	v25 =	vadd.s32 v1, v10;
	v19 =	vadd.s32 v5, v10;
	v34 =	vld.idx.msk [tilespmem:v22+s3+$0x0], $0xffff;
	[tilespmem:s26+$0xD0] =	vst v11  }
0x6d: {  	v28 =	vor.u32 v15, v28;
	v11 =	vand.u32 $0x7F, v27;
	v22 =	vadd.s32 v1, v17;
	[tilespmem:s26+$0x130] =	vst v18;
	v24 =	vld.idx.msk [tilespmem:v24+s3+$0x0], $0xffff  }
0x6e: {  	v35 =	vor.u32 v11, v25;
	v36 =	vor.u32 v9, v22;
	v27 =	vld [tilespmem:s29+$0xFFFFFFE0];
	v25 =	vshll.u32 v26, $0x3;
	[tilespmem:s26+$0xC0] =	vst v23  }
0x6f: {  	v37 =	vadd.s32 v2, v16;
	v18 =	vand.u32 $0xFFFFFC00, v12;
	v23 =	vand.u32 $0xFFFFFC00, v25;
	v12 =	vld.idx.msk [tilespmem:v32+s3+$0x0], $0xffff  }
0x70: {  	v22 =	vand.u32 $0x7F, v26;
	v25 =	vadd.s32 v1, v18;
	v26 =	vadd.s32 v1, v23;
	v32 =	vld.idx.msk [tilespmem:v20+s3+$0x0], $0xffff  }
0x71: {  	v39 =	vadd.s32 v2, v17;
	v38 =	vshll.u32 v30, $0x3;
	v26 =	vor.u32 v22, v26;
	[tilespmem:s26+$0x180] =	vst v31;
	v31 =	vld.idx.msk [tilespmem:v21+s3+$0x0], $0xffff  }
0x72: {  	v20 =	vand.u32 $0x7F, v30;
	v30 =	vor.u32 v14, v25;
	v21 =	vand.u32 $0xFFFFFC00, v38;
	v28 =	vld.idx.msk [tilespmem:v28+s3+$0x0], $0xffff;
	[tilespmem:s26+$0x1A0] =	vst v34  }
0x73: {  	v38 =	vadd.s32 v2, v23;
	v25 =	vadd.s32 v1, v21;
	v34 =	vadd.s32 v2, v21;
	[tilespmem:s26+$0x150] =	vst v24  }
0x74: {  	v38 =	vor.u32 v22, v38;
	v40 =	vor.u32 v20, v25;
	v24 =	vshll.u32 v27, $0x3;
	v13 =	vld.idx.msk [tilespmem:v13+s3+$0x0], $0xffff  }
0x75: {  	v39 =	vor.u32 v9, v39;
	v34 =	vor.u32 v20, v34;
	v25 =	vand.u32 $0xFFFFFC00, v24;
	[tilespmem:s26+$0x140] =	vst v12;
	v12 =	vld.idx.msk [tilespmem:v33+s3+$0x0], $0xffff  }
0x76: {  	v24 =	vand.u32 $0x7F, v27;
	v27 =	vadd.s32 v1, v25;
	v33 =	vadd.s32 v2, v25;
	[tilespmem:s26+$0x1B0] =	vst v32;
	v29 =	vld.idx.msk [tilespmem:v29+s3+$0x0], $0xffff  }
0x77: {  	v32 =	vor.u32 v15, v37;
	v27 =	vor.u32 v24, v27;
	v33 =	vor.u32 v24, v33;
	v26 =	vld.idx.msk [tilespmem:v26+s3+$0x0], $0xffff  }
0x78: {  	v43 =	vadd.s32 v3, v17;
	v41 =	vadd.s32 v2, v18;
	v37 =	vadd.s32 v3, v21;
	v42 =	vld [tilespmem:s29+$0x10];
	[tilespmem:s26+$0x190] =	vst v31  }
0x79: {  	v37 =	vor.u32 v20, v37;
	v31 =	vld.idx.msk [tilespmem:v40+s3+$0x0], $0xffff;
	v40 =	vor.u32 v14, v41;
	v41 =	vadd.s32 v4, v23  }
0x7a: {  	v45 =	vadd.s32 v3, v23;
	v44 =	vadd.s32 v3, v25;
	v35 =	vld.idx.msk [tilespmem:v35+s3+$0x0], $0xffff;
	[tilespmem:s26+$0x1D0] =	vst v13  }
0x7b: {  	v45 =	vor.u32 v22, v45;
	v13 =	vadd.s32 v2, v10;
	v36 =	vld.idx.msk [tilespmem:v36+s3+$0x0], $0xffff;
	[tilespmem:s26+$0x1F0] =	vst v12  }
0x7c: {  	v43 =	vor.u32 v9, v43;
	v46 =	vor.u32 v11, v13;
	v27 =	vld.idx.msk [tilespmem:v27+s3+$0x0], $0xffff;
	[tilespmem:s26+$0x1C0] =	vst v29;
	s26 =	smov.u32 s30  }
0x7d: {  	v29 =	vor.u32 v24, v44;
	v30 =	vld.idx.msk [tilespmem:v30+s3+$0x0], $0xffff;
	v12 =	vshll.u32 v42, $0x3;
	[tilespmem:s30+$0xFFFFFE60] =	vst v26;
	v26 =	vor.u32 v22, v41  }
0x7e: {  	v13 =	vadd.s32 v4, v21;
	[tilespmem:s30+$0xFFFFFE10] =	vst v28;
	v28 =	vadd.s32 v4, v25;
	v12 =	vand.u32 $0xFFFFFC00, v12;
	v38 =	vld.idx.msk [tilespmem:v38+s3+$0x0], $0xffff  }
0x7f: {  	[tilespmem:s30+$0xFFFFFE00] =	vst v31;
	v31 =	vor.u32 v20, v13;
	v32 =	vld.idx.msk [tilespmem:v32+s3+$0x0], $0xffff;
	v41 =	vadd.s32 v1, v12  }
0x80: {  	v44 =	vadd.s32 v3, v16;
	v28 =	vor.u32 v24, v28;
	v13 =	vand.u32 $0x7F, v42;
	v34 =	vld.idx.msk [tilespmem:v34+s3+$0x0], $0xffff;
	[tilespmem:s30+$0xFFFFFE40] =	vst v35  }
0x81: {  	v35 =	vor.u32 v15, v44;
	v41 =	vor.u32 v13, v41;
	v42 =	vld.idx.msk [tilespmem:v46+s3+$0x0], $0xffff;
	[tilespmem:s30+$0xFFFFFE70] =	vst v36  }
0x82: {  	[tilespmem:s30+$0xFFFFFE20] =	vst v27;
	v27 =	vadd.s32 v3, v18;
	v36 =	vld.idx.msk [tilespmem:v39+s3+$0x0], $0xffff;
	v39 =	vadd.s32 v4, v17  }
0x83: {  	v33 =	vld.idx.msk [tilespmem:v33+s3+$0x0], $0xffff;
	[tilespmem:s30+$0xFFFFFE30] =	vst v30;
	v27 =	vor.u32 v14, v27;
	v30 =	vor.u32 v9, v39  }
0x84: {  	v39 =	vld.idx.msk [tilespmem:v40+s3+$0x0], $0xffff;
	v40 =	vadd.s32 v3, v10;
	[tilespmem:s30+$0xFFFFFEE0] =	vst v38;
	v38 =	vadd.s32 v5, v23  }
0x85: {  	[tilespmem:s30+$0xFFFFFE90] =	vst v32;
	v32 =	vor.u32 v11, v40;
	v40 =	vld.idx.msk [tilespmem:v45+s3+$0x0], $0xffff;
	v38 =	vor.u32 v22, v38  }
0x86: {  	v44 =	vadd.s32 v5, v25;
	[tilespmem:s30+$0xFFFFFE80] =	vst v34;
	v34 =	vadd.s32 v5, v21;
	v41 =	vld.idx.msk [tilespmem:v41+s3+$0x0], $0xffff  }
0x87: {  	v37 =	vld.idx.msk [tilespmem:v37+s3+$0x0], $0xffff;
	v34 =	vor.u32 v20, v34;
	[tilespmem:s30+$0xFFFFFEC0] =	vst v42;
	v42 =	vadd.s32 v2, v12  }
0x88: {  	v44 =	vor.u32 v24, v44;
	v35 =	vld.idx.msk [tilespmem:v35+s3+$0x0], $0xffff;
	v42 =	vor.u32 v13, v42;
	[tilespmem:s30+$0xFFFFFEF0] =	vst v36  }
0x89: {  	v36 =	vadd.s32 v4, v16;
	[tilespmem:s30+$0xFFFFFEA0] =	vst v33;
	v33 =	vadd.s32 v4, v18;
	v43 =	vld.idx.msk [tilespmem:v43+s3+$0x0], $0xffff  }
0x8a: {  	v36 =	vor.u32 v15, v36;
	[tilespmem:s30+$0xFFFFFEB0] =	vst v39;
	v33 =	vor.u32 v14, v33;
	v32 =	vld.idx.msk [tilespmem:v32+s3+$0x0], $0xffff  }
0x8b: {  	v39 =	vadd.s32 v6, v23;
	v29 =	vld.idx.msk [tilespmem:v29+s3+$0x0], $0xffff;
	[tilespmem:s30+$0xFFFFFF60] =	vst v40;
	v40 =	vadd.s32 v5, v17  }
0x8c: {  	v39 =	vor.u32 v22, v39;
	[tilespmem:s30+$0xFFFFFE50] =	vst v41;
	v26 =	vld.idx.msk [tilespmem:v26+s3+$0x0], $0xffff;
	v40 =	vor.u32 v9, v40  }
0x8d: {  	v41 =	vadd.s32 v6, v25;
	[tilespmem:s30+$0xFFFFFF00] =	vst v37;
	v37 =	vadd.s32 v6, v21;
	v42 =	vld.idx.msk [tilespmem:v42+s3+$0x0], $0xffff  }
0x8e: {  	v37 =	vor.u32 v20, v37;
	[tilespmem:s30+$0xFFFFFF10] =	vst v35;
	v27 =	vld.idx.msk [tilespmem:v27+s3+$0x0], $0xffff;
	v35 =	vadd.s32 v3, v12  }
0x8f: {  	v41 =	vor.u32 v24, v41;
	v31 =	vld.idx.msk [tilespmem:v31+s3+$0x0], $0xffff;
	v35 =	vor.u32 v13, v35;
	[tilespmem:s30+$0xFFFFFF70] =	vst v43  }
0x90: {  	v45 =	vadd.s32 v5, v18;
	v43 =	vadd.s32 v5, v16;
	[tilespmem:s30+$0xFFFFFF40] =	vst v32;
	v30 =	vld.idx.msk [tilespmem:v30+s3+$0x0], $0xffff  }
0x91: {  	v32 =	vld.idx.msk [tilespmem:v36+s3+$0x0], $0xffff;
	v36 =	vor.u32 v15, v43;
	[tilespmem:s30+$0xFFFFFF20] =	vst v29;
	v43 =	vor.u32 v14, v45  }
0x92: {  	v29 =	vadd.s32 v6, v17;
	v28 =	vld.idx.msk [tilespmem:v28+s3+$0x0], $0xffff;
	[tilespmem:s30+$0xFFFFFFE0] =	vst v26;
	v26 =	vadd.s32 v7, v23  }
0x93: {  	v45 =	vor.u32 v9, v29;
	[tilespmem:s30+$0xFFFFFED0] =	vst v42;
	v38 =	vld.idx.msk [tilespmem:v38+s3+$0x0], $0xffff;
	v42 =	vor.u32 v22, v26  }
0x94: {  	v26 =	vadd.s32 v7, v25;
	[tilespmem:s30+$0xFFFFFF30] =	vst v27;
	v27 =	vadd.s32 v6, v18;
	v29 =	vld.idx.msk [tilespmem:v35+s3+$0x0], $0xffff  }
0x95: {  	[tilespmem:s30+$0xFFFFFF80] =	vst v31;
	v31 =	vld.idx.msk [tilespmem:v33+s3+$0x0], $0xffff;
	v35 =	vor.u32 v14, v27;
	v27 =	vadd.s32 v4, v12  }
0x96: {  	v26 =	vor.u32 v24, v26;
	v33 =	vld.idx.msk [tilespmem:v34+s3+$0x0], $0xffff;
	v34 =	vor.u32 v13, v27;
	[tilespmem:s30+$0xFFFFFFF0] =	vst v30  }
0x97: {  	v27 =	vadd.s32 v6, v16;
	[tilespmem:s30+$0xFFFFFF90] =	vst v32;
	v30 =	vld.idx.msk [tilespmem:v40+s3+$0x0], $0xffff;
	v32 =	vadd.s32 v7, v17  }
0x98: {  	v40 =	vor.u32 v15, v27;
	v36 =	vld.idx.msk [tilespmem:v36+s3+$0x0], $0xffff;
	[tilespmem:s30+$0xFFFFFFA0] =	vst v28;
	v27 =	vor.u32 v9, v32  }
0x99: {  	v28 =	vadd.s32 v7, v21;
	v32 =	vadd.s32 v8, v23;
	v44 =	vld.idx.msk [tilespmem:v44+s3+$0x0], $0xffff;
	[tilespmem:s30+$0x60] =	vst v38  }
0x9a: {  	v23 =	vor.u32 v20, v28;
	v28 =	vor.u32 v22, v32;
	[tilespmem:s30+$0xFFFFFF50] =	vst v29;
	v38 =	vld.idx.msk [tilespmem:v39+s3+$0x0], $0xffff  }
0x9b: {  	v22 =	vadd.s32 v4, v10;
	v29 =	vor.u32 v11, v19;
	[tilespmem:s30+$0xFFFFFFB0] =	vst v31;
	v34 =	vld.idx.msk [tilespmem:v34+s3+$0x0], $0xffff  }
0x9c: {  	v19 =	vadd.s32 v8, v25;
	[tilespmem:s30+$0x0] =	vst v33;
	v39 =	vld.idx.msk [tilespmem:v43+s3+$0x0], $0xffff;
	v43 =	vor.u32 v11, v22  }
0x9d: {  	v22 =	vor.u32 v24, v19;
	v19 =	vadd.s32 v7, v18;
	v37 =	vld.idx.msk [tilespmem:v37+s3+$0x0], $0xffff;
	[tilespmem:s30+$0x70] =	vst v30  }
0x9e: {  	v24 =	vor.u32 v14, v19;
	v19 =	vadd.s32 v5, v12;
	[tilespmem:s30+$0x10] =	vst v36;
	v32 =	vld.idx.msk [tilespmem:v45+s3+$0x0], $0xffff  }
.Ltmp0:
0x9f: {  	v21 =	vadd.s32 v8, v21;
	v33 =	vor.u32 v13, v19;
	v30 =	vld.idx.msk [tilespmem:v40+s3+$0x0], $0xffff;
	[tilespmem:s30+$0x20] =	vst v44;
	(pc) =	sbr.rel @p1 .LBB2_3-.Ltmp0, $4  }
0xa0: {  	v19 =	vor.u32 v20, v21;
	v20 =	vadd.s32 v7, v16;
	v31 =	vld.idx.msk [tilespmem:v41+s3+$0x0], $0xffff;
	[tilespmem:s30+$0xE0] =	vst v38  }
0xa1: {  	v25 =	vor.u32 v15, v20;
	v20 =	vadd.s32 v8, v18;
	[tilespmem:s30+$0xFFFFFFD0] =	vst v34;
	v18 =	vld.idx.msk [tilespmem:v42+s3+$0x0], $0xffff  }
0xa2: {  	v21 =	vadd.s32 v8, v16;
	v20 =	vor.u32 v14, v20;
	[tilespmem:s30+$0x30] =	vst v39;
	v16 =	vld.idx.msk [tilespmem:v43+s3+$0x0], $0xffff  }
0xa3: {  	s29 =	sadd.s32 $0x80, s29;
	v21 =	vor.u32 v15, v21;
	v14 =	vadd.s32 v8, v17;
	[tilespmem:s30+$0x80] =	vst v37;
	v15 =	vld.idx.msk [tilespmem:v35+s3+$0x0], $0xffff  }
0xa4: {  	_ =	sdelay $0x2  }
0xa5: {  	[tilespmem:s26+$0xF0] =	vst v32  }
0xa6: {  	v17 =	vld.idx.msk [tilespmem:v33+s3+$0x0], $0xffff;
	v49 =	vadd.s32 v6, v12;
	[tilespmem:s26+$0xFFFFFFC0] =	vst v16  }
0xa7: {  	v50 =	vadd.s32 v6, v10;
	[tilespmem:s26+$0x90] =	vst v30;
	v16 =	vor.u32 v13, v49;
	v29 =	vld.idx.msk [tilespmem:v29+s3+$0x0], $0xffff  }
0xa8: {  	v23 =	vld.idx.msk [tilespmem:v23+s3+$0x0], $0xffff;
	v30 =	vor.u32 v11, v50;
	[tilespmem:s26+$0xA0] =	vst v31  }
0xa9: {  	v27 =	vld.idx.msk [tilespmem:v27+s3+$0x0], $0xffff;
	[tilespmem:s26+$0x160] =	vst v18  }
0xaa: {  	v18 =	vld.idx.msk [tilespmem:v28+s3+$0x0], $0xffff;
	[tilespmem:s26+$0xB0] =	vst v15  }
0xab: {  	v26 =	vld.idx.msk [tilespmem:v26+s3+$0x0], $0xffff;
	[tilespmem:s26+$0x50] =	vst v17  }
0xac: {  	v15 =	vadd.s32 v7, v10;
	v17 =	vadd.s32 v7, v12;
	v16 =	vld.idx.msk [tilespmem:v16+s3+$0x0], $0xffff;
	[tilespmem:s26+$0x40] =	vst v29  }
0xad: {  	v12 =	vadd.s32 v8, v12;
	[tilespmem:s26+$0x100] =	vst v23;
	v17 =	vor.u32 v13, v17;
	v28 =	vld.idx.msk [tilespmem:v30+s3+$0x0], $0xffff  }
0xae: {  	v15 =	vor.u32 v11, v15;
	v12 =	vor.u32 v13, v12;
	v13 =	vld.idx.msk [tilespmem:v19+s3+$0x0], $0xffff  }
0xaf: {  	v9 =	vor.u32 v9, v14;
	[tilespmem:s26+$0x1E0] =	vst v18;
	v18 =	vld.idx.msk [tilespmem:v24+s3+$0x0], $0xffff  }
0xb0: {  	[tilespmem:s26+$0x170] =	vst v27;
	v24 =	vld.idx.msk [tilespmem:v25+s3+$0x0], $0xffff  }
0xb1: {  	[tilespmem:s26+$0xD0] =	vst v16  }
0xb2: {  	v16 =	vld.idx.msk [tilespmem:v17+s3+$0x0], $0xffff;
	[tilespmem:s26+$0xC0] =	vst v28  }
0xb3: {  	v10 =	vadd.s32 v8, v10;
	[tilespmem:s26+$0x120] =	vst v26;
	v14 =	vld.idx.msk [tilespmem:v15+s3+$0x0], $0xffff  }
0xb4: {  	v10 =	vor.u32 v11, v10;
	v9 =	vld.idx.msk [tilespmem:v9+s3+$0x0], $0xffff;
	[tilespmem:s26+$0x180] =	vst v13  }
0xb5: {  	v11 =	vld.idx.msk [tilespmem:v22+s3+$0x0], $0xffff;
	[tilespmem:s26+$0x110] =	vst v24  }
0xb6: {  	[tilespmem:s26+$0x130] =	vst v18;
	v17 =	vld.idx.msk [tilespmem:v21+s3+$0x0], $0xffff  }
0xb7: {  	v15 =	vld.idx.msk [tilespmem:v20+s3+$0x0], $0xffff;
	[tilespmem:s26+$0x150] =	vst v16  }
0xb8: {  	v12 =	vld.idx.msk [tilespmem:v12+s3+$0x0], $0xffff;
	[tilespmem:s26+$0x140] =	vst v14  }
0xb9: {  	[tilespmem:s26+$0x1F0] =	vst v9;
	v10 =	vld.idx.msk [tilespmem:v10+s3+$0x0], $0xffff  }
0xba: {  	[tilespmem:s26+$0x1A0] =	vst v11  }
0xbb: {  	[tilespmem:s26+$0x190] =	vst v17  }
0xbc: {  	s24 =	sshll.u32 s24, $0xE;
	[tilespmem:s26+$0x1B0] =	vst v15  }
0xbd: {  	s28 =	sadd.s32 s2, s22;
	s24 =	sadd.s32 s6, s24;
	[tilespmem:s26+$0x1D0] =	vst v12  }
0xbe: {  	s31 =	sadd.s32 s24, s28;
	[tilespmem:s26+$0x1C0] =	vst v10;
	s26 =	simm.s32 @!p0 $0x2  }
0xbf: {  	[hbm4b:s31+s3] =	stream.linear.scatter [tilespmem:s10], [sflag:$0x1], $0x2000, $0x38;
	[tilespmem:$0x1C000] =	vst v63  }
0xc0: {  	_ =	swait.ge @!p0 [sflag:s26], $0x2000  }
0xc1: {  	[sflag:s26] =	ssyncset.done @!p0 $0x0  }
0xc2: {  	[sflag:s26] =	ssyncadd.s32 @!p0 $0xFFFFE000  }
0xc3: {  	v9 =	vld [tilespmem:s25+$0xFFFFFFC0]  }
0xc4: {  	v11 =	vld [tilespmem:s25+$0x0]  }
0xc5: {  	v10 =	vld [tilespmem:s25+$0xFFFFFFA0]  }
0xc6: {  	v12 =	vld [tilespmem:s25+$0xFFFFFFD0]  }
0xc7: {  	v20 =	vld [tilespmem:s25+$0xFFFFFFF0];
	_ =	sdelay $0x1  }
0xc8: {  	v13 =	vshll.u32 v9, $0x3  }
0xc9: {  	v16 =	vshll.u32 v10, $0x3;
	v15 =	vand.u32 $0x7F, v9;
	v9 =	vand.u32 $0x7F, v11  }
0xca: {  	v24 =	vld [tilespmem:s25+$0xFFFFFF90];
	v14 =	vand.u32 $0x7F, v10;
	v10 =	vshll.u32 v12, $0x3;
	v11 =	vshll.u32 v11, $0x3  }
0xcb: {  	v22 =	vand.u32 $0x7F, v20;
	v16 =	vand.u32 $0xFFFFFC00, v16;
	v10 =	vand.u32 $0xFFFFFC00, v10  }
0xcc: {  	v17 =	vand.u32 $0xFFFFFC00, v11;
	v11 =	vand.u32 $0x7F, v12;
	v18 =	vadd.s32 v1, v16  }
0xcd: {  	v27 =	vld [tilespmem:s25+$0xFFFFFFB0];
	v21 =	vadd.s32 v1, v10;
	v19 =	vadd.s32 v5, v10;
	v12 =	vadd.s32 v1, v17  }
0xce: {  	v26 =	vor.u32 v14, v18;
	v28 =	vor.u32 v11, v21;
	v21 =	vshll.u32 v20, $0x3  }
0xcf: {  	v12 =	vor.u32 v9, v12;
	v18 =	vand.u32 $0xFFFFFC00, v13;
	v20 =	vshll.u32 v24, $0x3  }
0xd0: {  	v23 =	vand.u32 $0xFFFFFC00, v21;
	v25 =	vadd.s32 v1, v18;
	v21 =	vand.u32 $0xFFFFFC00, v20  }
0xd1: {  	v20 =	vand.u32 $0x7F, v24;
	v13 =	vadd.s32 v1, v23;
	v24 =	vadd.s32 v1, v21  }
0xd2: {  	v31 =	vor.u32 v15, v25;
	v51 =	vor.u32 v20, v24;
	v24 =	vshll.u32 v27, $0x3  }
0xd3: {  	v36 =	vld [tilespmem:s25+$0xFFFFFFE0];
	v29 =	vadd.s32 v2, v16;
	v13 =	vor.u32 v22, v13;
	v25 =	vand.u32 $0xFFFFFC00, v24  }
0xd4: {  	v30 =	vadd.s32 v2, v17;
	v24 =	vand.u32 $0x7F, v27;
	v26 =	vld.idx.msk [tilespmem:v26+s3+$0x0], $0xffff;
	v27 =	vadd.s32 v1, v25  }
0xd5: {  	v39 =	vadd.s32 v3, v17;
	v43 =	vadd.s32 v2, v10;
	v28 =	vld.idx.msk [tilespmem:v28+s3+$0x0], $0xffff;
	v27 =	vor.u32 v24, v27  }
0xd6: {  	v46 =	vadd.s32 v3, v16;
	v56 =	vadd.s32 v4, v17;
	v29 =	vor.u32 v14, v29;
	v44 =	vld.idx.msk [tilespmem:v12+s3+$0x0], $0xffff  }
0xd7: {  	v57 =	vadd.s32 v3, v10;
	v48 =	vadd.s32 v5, v17;
	v43 =	vor.u32 v11, v43;
	v31 =	vld.idx.msk [tilespmem:v31+s3+$0x0], $0xffff  }
0xd8: {  	v30 =	vor.u32 v9, v30;
	v39 =	vor.u32 v9, v39;
	v34 =	vadd.s32 v2, v23;
	v13 =	vld.idx.msk [tilespmem:v13+s3+$0x0], $0xffff  }
0xd9: {  	s26 =	simm.s32 $0x16200;
	v38 =	vadd.s32 v2, v18;
	v62 =	vadd.s32 v4, v18;
	v34 =	vor.u32 v22, v34;
	v32 =	vld.idx.msk [tilespmem:v51+s3+$0x0], $0xffff  }
0xda: {  	v52 =	vadd.s32 v2, v21;
	v38 =	vor.u32 v15, v38;
	[tilespmem:s26+$0xFFFFFE10] =	vst v26;
	v27 =	vld.idx.msk [tilespmem:v27+s3+$0x0], $0xffff  }
0xdb: {  	v33 =	vor.u32 v20, v52;
	v35 =	vadd.s32 v2, v25;
	[tilespmem:s26+$0xFFFFFE40] =	vst v28;
	v29 =	vld.idx.msk [tilespmem:v29+s3+$0x0], $0xffff  }
0xdc: {  	v37 =	vadd.s32 v3, v21;
	v35 =	vor.u32 v24, v35;
	[tilespmem:s26+$0xFFFFFE70] =	vst v44;
	v54 =	vld.idx.msk [tilespmem:v43+s3+$0x0], $0xffff  }
0xdd: {  	v42 =	vadd.s32 v3, v23;
	v12 =	vshll.u32 v36, $0x3;
	v28 =	vor.u32 v14, v46;
	v30 =	vld.idx.msk [tilespmem:v30+s3+$0x0], $0xffff;
	[tilespmem:s26+$0xFFFFFE60] =	vst v13  }
0xde: {  	v42 =	vor.u32 v22, v42;
	v12 =	vand.u32 $0xFFFFFC00, v12;
	[tilespmem:s26+$0xFFFFFE30] =	vst v31;
	v13 =	vadd.s32 v4, v21;
	v34 =	vld.idx.msk [tilespmem:v34+s3+$0x0], $0xffff  }
0xdf: {  	v45 =	vadd.s32 v1, v12;
	[tilespmem:s26+$0xFFFFFE00] =	vst v32;
	v38 =	vld.idx.msk [tilespmem:v38+s3+$0x0], $0xffff;
	v53 =	vor.u32 v20, v13;
	v13 =	vand.u32 $0x7F, v36  }
0xe0: {  	v40 =	vadd.s32 v4, v23;
	v33 =	vld.idx.msk [tilespmem:v33+s3+$0x0], $0xffff;
	v55 =	vor.u32 v13, v45;
	[tilespmem:s26+$0xFFFFFE20] =	vst v27  }
0xe1: {  	v58 =	vadd.s32 v5, v23;
	v37 =	vor.u32 v20, v37;
	[tilespmem:s26+$0xFFFFFE90] =	vst v29;
	v35 =	vld.idx.msk [tilespmem:v35+s3+$0x0], $0xffff  }
0xe2: {  	v27 =	vadd.s32 v3, v18;
	v29 =	vor.u32 v11, v57;
	[tilespmem:s26+$0xFFFFFEF0] =	vst v30;
	v28 =	vld.idx.msk [tilespmem:v28+s3+$0x0], $0xffff  }
0xe3: {  	v41 =	vadd.s32 v3, v25;
	v27 =	vor.u32 v15, v27;
	v39 =	vld.idx.msk [tilespmem:v39+s3+$0x0], $0xffff;
	[tilespmem:s26+$0xFFFFFEE0] =	vst v34  }
0xe4: {  	v41 =	vor.u32 v24, v41;
	[tilespmem:s26+$0xFFFFFEC0] =	vst v54;
	v30 =	vadd.s32 v4, v16;
	v42 =	vld.idx.msk [tilespmem:v42+s3+$0x0], $0xffff  }
0xe5: {  	v59 =	vadd.s32 v5, v21;
	v30 =	vor.u32 v14, v30;
	[tilespmem:s26+$0xFFFFFE80] =	vst v33;
	v43 =	vld.idx.msk [tilespmem:v55+s3+$0x0], $0xffff  }
0xe6: {  	v40 =	vor.u32 v22, v40;
	v61 =	vadd.s32 v2, v12;
	[tilespmem:s26+$0xFFFFFEB0] =	vst v38;
	v37 =	vld.idx.msk [tilespmem:v37+s3+$0x0], $0xffff  }
0xe7: {  	v47 =	vadd.s32 v6, v23;
	v36 =	vor.u32 v13, v61;
	v29 =	vld.idx.msk [tilespmem:v29+s3+$0x0], $0xffff;
	[tilespmem:s26+$0xFFFFFEA0] =	vst v35  }
0xe8: {  	v49 =	vadd.s32 v6, v21;
	v31 =	vor.u32 v9, v56;
	[tilespmem:s26+$0xFFFFFF10] =	vst v28;
	v27 =	vld.idx.msk [tilespmem:v27+s3+$0x0], $0xffff  }
0xe9: {  	v52 =	vadd.s32 v5, v18;
	v60 =	vadd.s32 v5, v25;
	[tilespmem:s26+$0xFFFFFF70] =	vst v39;
	v63 =	vld.idx.msk [tilespmem:v41+s3+$0x0], $0xffff  }
0xea: {  	v50 =	vadd.s32 v6, v25;
	v51 =	vadd.s32 v5, v16;
	v30 =	vld.idx.msk [tilespmem:v30+s3+$0x0], $0xffff;
	[tilespmem:s26+$0xFFFFFF60] =	vst v42  }
0xeb: {  	v26 =	vadd.s32 v4, v25;
	v35 =	vor.u32 v15, v62;
	[tilespmem:s26+$0xFFFFFE50] =	vst v43;
	v40 =	vld.idx.msk [tilespmem:v40+s3+$0x0], $0xffff  }
0xec: {  	v44 =	vor.u32 v24, v60;
	v26 =	vor.u32 v24, v26;
	[tilespmem:s26+$0xFFFFFF00] =	vst v37;
	v36 =	vld.idx.msk [tilespmem:v36+s3+$0x0], $0xffff  }
0xed: {  	v61 =	vadd.s32 v8, v23;
	[tilespmem:s26+$0xFFFFFF40] =	vst v29;
	v29 =	vld.idx.msk [tilespmem:v31+s3+$0x0], $0xffff;
	v31 =	vor.u32 v14, v51  }
0xee: {  	v34 =	vor.u32 v22, v58;
	v33 =	vor.u32 v20, v59;
	v55 =	vadd.s32 v6, v17;
	[tilespmem:s26+$0xFFFFFF30] =	vst v27  }
0xef: {  	v28 =	vadd.s32 v3, v12;
	v42 =	vor.u32 v9, v48;
	v32 =	vld.idx.msk [tilespmem:v53+s3+$0x0], $0xffff;
	[tilespmem:s26+$0xFFFFFF20] =	vst v63  }
0xf0: {  	v41 =	vor.u32 v22, v47;
	v28 =	vor.u32 v13, v28;
	v57 =	vld.idx.msk [tilespmem:v35+s3+$0x0], $0xffff;
	[tilespmem:s26+$0xFFFFFF90] =	vst v30  }
0xf1: {  	v53 =	vor.u32 v15, v52;
	v27 =	vadd.s32 v6, v18;
	v54 =	vld.idx.msk [tilespmem:v26+s3+$0x0], $0xffff;
	[tilespmem:s26+$0xFFFFFFE0] =	vst v40  }
0xf2: {  	v58 =	vor.u32 v15, v27;
	v27 =	vadd.s32 v4, v12;
	[tilespmem:s26+$0xFFFFFED0] =	vst v36;
	v31 =	vld.idx.msk [tilespmem:v31+s3+$0x0], $0xffff  }
0xf3: {  	v59 =	vor.u32 v13, v27;
	v27 =	vadd.s32 v6, v16;
	[tilespmem:s26+$0xFFFFFFF0] =	vst v29;
	v34 =	vld.idx.msk [tilespmem:v34+s3+$0x0], $0xffff  }
0xf4: {  	v37 =	vor.u32 v20, v49;
	v60 =	vor.u32 v14, v27;
	[tilespmem:s26+$0xFFFFFF80] =	vst v32;
	v30 =	vld.idx.msk [tilespmem:v42+s3+$0x0], $0xffff  }
0xf5: {  	v43 =	vor.u32 v24, v50;
	v26 =	vadd.s32 v7, v23;
	v28 =	vld.idx.msk [tilespmem:v28+s3+$0x0], $0xffff;
	[tilespmem:s26+$0xFFFFFFB0] =	vst v57  }
0xf6: {  	v56 =	vor.u32 v22, v26;
	v26 =	vadd.s32 v7, v25;
	v33 =	vld.idx.msk [tilespmem:v33+s3+$0x0], $0xffff;
	[tilespmem:s26+$0xFFFFFFA0] =	vst v54  }
0xf7: {  	v40 =	vor.u32 v9, v55;
	v29 =	vadd.s32 v7, v17;
	v38 =	vld.idx.msk [tilespmem:v53+s3+$0x0], $0xffff;
	[tilespmem:s26+$0x10] =	vst v31  }
0xf8: {  	v27 =	vor.u32 v9, v29;
	v29 =	vadd.s32 v7, v21;
	v39 =	vld.idx.msk [tilespmem:v44+s3+$0x0], $0xffff;
	[tilespmem:s26+$0x60] =	vst v34  }
0xf9: {  	v26 =	vor.u32 v24, v26;
	v23 =	vor.u32 v20, v29;
	[tilespmem:s26+$0x70] =	vst v30;
	v30 =	vld.idx.msk [tilespmem:v60+s3+$0x0], $0xffff  }
0xfa: {  	v29 =	vor.u32 v11, v19;
	v19 =	vadd.s32 v8, v25;
	[tilespmem:s26+$0xFFFFFF50] =	vst v28;
	v41 =	vld.idx.msk [tilespmem:v41+s3+$0x0], $0xffff  }
0xfb: {  	v28 =	vor.u32 v22, v61;
	v22 =	vadd.s32 v4, v10;
	[tilespmem:s26+$0x0] =	vst v33;
	v62 =	vld.idx.msk [tilespmem:v59+s3+$0x0], $0xffff  }
0xfc: {  	v63 =	vor.u32 v11, v22;
	v37 =	vld.idx.msk [tilespmem:v37+s3+$0x0], $0xffff;
	v22 =	vor.u32 v24, v19;
	v19 =	vadd.s32 v7, v18  }
0xfd: {  	v21 =	vadd.s32 v8, v21;
	v32 =	vld.idx.msk [tilespmem:v40+s3+$0x0], $0xffff;
	v24 =	vor.u32 v15, v19;
	v19 =	vadd.s32 v5, v12  }
0xfe: {  	[tilespmem:s26+$0x20] =	vst v39;
	v33 =	vor.u32 v13, v19;
	v19 =	vor.u32 v20, v21;
	v20 =	vadd.s32 v7, v16  }
0xff: {  	[tilespmem:s26+$0x30] =	vst v38;
	v31 =	vld.idx.msk [tilespmem:v43+s3+$0x0], $0xffff;
	v25 =	vor.u32 v14, v20;
	v20 =	vadd.s32 v8, v18  }
0x100: {  	v20 =	vor.u32 v15, v20;
	v15 =	vld.idx.msk [tilespmem:v58+s3+$0x0], $0xffff;
	[tilespmem:s26+$0xE0] =	vst v41  }
0x101: {  	s29 =	simm.s32 $0x0;
	v21 =	vadd.s32 v8, v16;
	[tilespmem:s26+$0xFFFFFFD0] =	vst v62;
	v18 =	vld.idx.msk [tilespmem:v56+s3+$0x0], $0xffff  }
0x102: {  	s30 =	simm.s32 $0x16200;
	s28 =	sor.u32 $0x400, s22;
	s25 =	sadd.s32 $0x80, s25;
	v21 =	vor.u32 v14, v21;
	v14 =	vadd.s32 v8, v17;
	v16 =	vld.idx.msk [tilespmem:v63+s3+$0x0], $0xffff;
	[tilespmem:s26+$0x80] =	vst v37  }
.LBB2_5:
0x103: {  	s29 =	sadd.s32 $0x8, s29;
	v17 =	vld.idx.msk [tilespmem:v33+s3+$0x0], $0xffff;
	[tilespmem:s26+$0xF0] =	vst v32;
	s30 =	sadd.s32 $0x400, s30  }
0x104: {  	p1 =	slt.u32 s29, $0x38;
	[tilespmem:s26+$0x90] =	vst v30;
	v27 =	vld.idx.msk [tilespmem:v27+s3+$0x0], $0xffff  }
0x105: {  	v30 =	vld [tilespmem:s25+$0xFFFFFFC0];
	[tilespmem:s26+$0xA0] =	vst v31  }
0x106: {  	v31 =	vld [tilespmem:s25+$0x0];
	[tilespmem:s26+$0x160] =	vst v18  }
0x107: {  	[tilespmem:s26+$0xFFFFFFC0] =	vst v16;
	v16 =	vld.idx.msk [tilespmem:v28+s3+$0x0], $0xffff  }
0x108: {  	v18 =	vld.idx.msk [tilespmem:v26+s3+$0x0], $0xffff;
	[tilespmem:s26+$0xB0] =	vst v15;
	v15 =	vadd.s32 v6, v12  }
0x109: {  	v28 =	vadd.s32 v6, v10;
	v26 =	vld.idx.msk [tilespmem:v29+s3+$0x0], $0xffff;
	[tilespmem:s26+$0x50] =	vst v17;
	v15 =	vor.u32 v13, v15  }
0x10a: {  	v17 =	vld.idx.msk [tilespmem:v23+s3+$0x0], $0xffff;
	v23 =	vor.u32 v11, v28;
	[tilespmem:s26+$0x170] =	vst v27  }
0x10b: {  	v27 =	vld [tilespmem:s25+$0xFFFFFFD0]  }
0x10c: {  	v29 =	vadd.s32 v8, v10;
	v28 =	vld [tilespmem:s25+$0xFFFFFFA0]  }
0x10d: {  	v10 =	vadd.s32 v7, v10;
	v29 =	vor.u32 v11, v29;
	v25 =	vld.idx.msk [tilespmem:v25+s3+$0x0], $0xffff;
	[tilespmem:s26+$0x1E0] =	vst v16  }
0x10e: {  	v33 =	vor.u32 v9, v14;
	v32 =	vor.u32 v11, v10;
	[tilespmem:s26+$0x120] =	vst v18;
	v11 =	vld.idx.msk [tilespmem:v15+s3+$0x0], $0xffff  }
0x10f: {  	v9 =	vadd.s32 v7, v12;
	v10 =	vadd.s32 v8, v12;
	v18 =	vld.idx.msk [tilespmem:v24+s3+$0x0], $0xffff;
	[tilespmem:s26+$0x40] =	vst v26  }
0x110: {  	v12 =	vshll.u32 v30, $0x3;
	v24 =	vor.u32 v13, v9;
	v13 =	vor.u32 v13, v10;
	[tilespmem:s26+$0x100] =	vst v17;
	v23 =	vld.idx.msk [tilespmem:v23+s3+$0x0], $0xffff  }
0x111: {  	v14 =	vand.u32 $0x7F, v30;
	v9 =	vand.u32 $0x7F, v31;
	v10 =	vshll.u32 v28, $0x3;
	v26 =	vld [tilespmem:s25+$0xFFFFFFF0]  }
0x112: {  	v15 =	vand.u32 $0x7F, v28;
	v30 =	vld [tilespmem:s25+$0xFFFFFF90];
	v16 =	vand.u32 $0xFFFFFC00, v10;
	v10 =	vshll.u32 v27, $0x3  }
0x113: {  	v17 =	vshll.u32 v31, $0x3;
	v28 =	vadd.s32 v1, v16;
	v10 =	vand.u32 $0xFFFFFC00, v10;
	v31 =	vld.idx.msk [tilespmem:v19+s3+$0x0], $0xffff;
	[tilespmem:s26+$0x110] =	vst v25  }
0x114: {  	v17 =	vand.u32 $0xFFFFFC00, v17;
	v25 =	vadd.s32 v1, v10;
	v19 =	vadd.s32 v5, v10;
	v34 =	vld.idx.msk [tilespmem:v22+s3+$0x0], $0xffff;
	[tilespmem:s26+$0xD0] =	vst v11  }
0x115: {  	v28 =	vor.u32 v15, v28;
	v11 =	vand.u32 $0x7F, v27;
	v22 =	vadd.s32 v1, v17;
	[tilespmem:s26+$0x130] =	vst v18;
	v24 =	vld.idx.msk [tilespmem:v24+s3+$0x0], $0xffff  }
0x116: {  	v35 =	vor.u32 v11, v25;
	v36 =	vor.u32 v9, v22;
	v27 =	vld [tilespmem:s25+$0xFFFFFFB0];
	v25 =	vshll.u32 v26, $0x3;
	[tilespmem:s26+$0xC0] =	vst v23  }
0x117: {  	v37 =	vadd.s32 v2, v16;
	v18 =	vand.u32 $0xFFFFFC00, v12;
	v23 =	vand.u32 $0xFFFFFC00, v25;
	v12 =	vld.idx.msk [tilespmem:v32+s3+$0x0], $0xffff  }
0x118: {  	v22 =	vand.u32 $0x7F, v26;
	v25 =	vadd.s32 v1, v18;
	v26 =	vadd.s32 v1, v23;
	v32 =	vld.idx.msk [tilespmem:v20+s3+$0x0], $0xffff  }
0x119: {  	v39 =	vadd.s32 v2, v17;
	v38 =	vshll.u32 v30, $0x3;
	v26 =	vor.u32 v22, v26;
	[tilespmem:s26+$0x180] =	vst v31;
	v31 =	vld.idx.msk [tilespmem:v21+s3+$0x0], $0xffff  }
0x11a: {  	v20 =	vand.u32 $0x7F, v30;
	v30 =	vor.u32 v14, v25;
	v21 =	vand.u32 $0xFFFFFC00, v38;
	v28 =	vld.idx.msk [tilespmem:v28+s3+$0x0], $0xffff;
	[tilespmem:s26+$0x1A0] =	vst v34  }
0x11b: {  	v38 =	vadd.s32 v2, v23;
	v25 =	vadd.s32 v1, v21;
	v34 =	vadd.s32 v2, v21;
	[tilespmem:s26+$0x150] =	vst v24  }
0x11c: {  	v38 =	vor.u32 v22, v38;
	v40 =	vor.u32 v20, v25;
	v24 =	vshll.u32 v27, $0x3;
	v13 =	vld.idx.msk [tilespmem:v13+s3+$0x0], $0xffff  }
0x11d: {  	v39 =	vor.u32 v9, v39;
	v34 =	vor.u32 v20, v34;
	v25 =	vand.u32 $0xFFFFFC00, v24;
	[tilespmem:s26+$0x140] =	vst v12;
	v12 =	vld.idx.msk [tilespmem:v33+s3+$0x0], $0xffff  }
0x11e: {  	v24 =	vand.u32 $0x7F, v27;
	v27 =	vadd.s32 v1, v25;
	v33 =	vadd.s32 v2, v25;
	[tilespmem:s26+$0x1B0] =	vst v32;
	v29 =	vld.idx.msk [tilespmem:v29+s3+$0x0], $0xffff  }
0x11f: {  	v32 =	vor.u32 v15, v37;
	v27 =	vor.u32 v24, v27;
	v33 =	vor.u32 v24, v33;
	v26 =	vld.idx.msk [tilespmem:v26+s3+$0x0], $0xffff  }
0x120: {  	v43 =	vadd.s32 v3, v17;
	v41 =	vadd.s32 v2, v18;
	v37 =	vadd.s32 v3, v21;
	v42 =	vld [tilespmem:s25+$0xFFFFFFE0];
	[tilespmem:s26+$0x190] =	vst v31  }
0x121: {  	v37 =	vor.u32 v20, v37;
	v31 =	vld.idx.msk [tilespmem:v40+s3+$0x0], $0xffff;
	v40 =	vor.u32 v14, v41;
	v41 =	vadd.s32 v4, v23  }
0x122: {  	v45 =	vadd.s32 v3, v23;
	v44 =	vadd.s32 v3, v25;
	v35 =	vld.idx.msk [tilespmem:v35+s3+$0x0], $0xffff;
	[tilespmem:s26+$0x1D0] =	vst v13  }
0x123: {  	v45 =	vor.u32 v22, v45;
	v13 =	vadd.s32 v2, v10;
	v36 =	vld.idx.msk [tilespmem:v36+s3+$0x0], $0xffff;
	[tilespmem:s26+$0x1F0] =	vst v12  }
0x124: {  	v43 =	vor.u32 v9, v43;
	v46 =	vor.u32 v11, v13;
	v27 =	vld.idx.msk [tilespmem:v27+s3+$0x0], $0xffff;
	[tilespmem:s26+$0x1C0] =	vst v29;
	s26 =	smov.u32 s30  }
0x125: {  	v29 =	vor.u32 v24, v44;
	v30 =	vld.idx.msk [tilespmem:v30+s3+$0x0], $0xffff;
	v12 =	vshll.u32 v42, $0x3;
	[tilespmem:s30+$0xFFFFFE60] =	vst v26;
	v26 =	vor.u32 v22, v41  }
0x126: {  	v13 =	vadd.s32 v4, v21;
	[tilespmem:s30+$0xFFFFFE10] =	vst v28;
	v28 =	vadd.s32 v4, v25;
	v12 =	vand.u32 $0xFFFFFC00, v12;
	v38 =	vld.idx.msk [tilespmem:v38+s3+$0x0], $0xffff  }
0x127: {  	[tilespmem:s30+$0xFFFFFE00] =	vst v31;
	v31 =	vor.u32 v20, v13;
	v32 =	vld.idx.msk [tilespmem:v32+s3+$0x0], $0xffff;
	v41 =	vadd.s32 v1, v12  }
0x128: {  	v44 =	vadd.s32 v3, v16;
	v28 =	vor.u32 v24, v28;
	v13 =	vand.u32 $0x7F, v42;
	v34 =	vld.idx.msk [tilespmem:v34+s3+$0x0], $0xffff;
	[tilespmem:s30+$0xFFFFFE40] =	vst v35  }
0x129: {  	v35 =	vor.u32 v15, v44;
	v41 =	vor.u32 v13, v41;
	v42 =	vld.idx.msk [tilespmem:v46+s3+$0x0], $0xffff;
	[tilespmem:s30+$0xFFFFFE70] =	vst v36  }
0x12a: {  	[tilespmem:s30+$0xFFFFFE20] =	vst v27;
	v27 =	vadd.s32 v3, v18;
	v36 =	vld.idx.msk [tilespmem:v39+s3+$0x0], $0xffff;
	v39 =	vadd.s32 v4, v17  }
0x12b: {  	v33 =	vld.idx.msk [tilespmem:v33+s3+$0x0], $0xffff;
	[tilespmem:s30+$0xFFFFFE30] =	vst v30;
	v27 =	vor.u32 v14, v27;
	v30 =	vor.u32 v9, v39  }
0x12c: {  	v39 =	vld.idx.msk [tilespmem:v40+s3+$0x0], $0xffff;
	v40 =	vadd.s32 v3, v10;
	[tilespmem:s30+$0xFFFFFEE0] =	vst v38;
	v38 =	vadd.s32 v5, v23  }
0x12d: {  	[tilespmem:s30+$0xFFFFFE90] =	vst v32;
	v32 =	vor.u32 v11, v40;
	v40 =	vld.idx.msk [tilespmem:v45+s3+$0x0], $0xffff;
	v38 =	vor.u32 v22, v38  }
0x12e: {  	v44 =	vadd.s32 v5, v25;
	[tilespmem:s30+$0xFFFFFE80] =	vst v34;
	v34 =	vadd.s32 v5, v21;
	v41 =	vld.idx.msk [tilespmem:v41+s3+$0x0], $0xffff  }
0x12f: {  	v37 =	vld.idx.msk [tilespmem:v37+s3+$0x0], $0xffff;
	v34 =	vor.u32 v20, v34;
	[tilespmem:s30+$0xFFFFFEC0] =	vst v42;
	v42 =	vadd.s32 v2, v12  }
0x130: {  	v44 =	vor.u32 v24, v44;
	v35 =	vld.idx.msk [tilespmem:v35+s3+$0x0], $0xffff;
	v42 =	vor.u32 v13, v42;
	[tilespmem:s30+$0xFFFFFEF0] =	vst v36  }
0x131: {  	v36 =	vadd.s32 v4, v16;
	[tilespmem:s30+$0xFFFFFEA0] =	vst v33;
	v33 =	vadd.s32 v4, v18;
	v43 =	vld.idx.msk [tilespmem:v43+s3+$0x0], $0xffff  }
0x132: {  	v36 =	vor.u32 v15, v36;
	[tilespmem:s30+$0xFFFFFEB0] =	vst v39;
	v33 =	vor.u32 v14, v33;
	v32 =	vld.idx.msk [tilespmem:v32+s3+$0x0], $0xffff  }
0x133: {  	v39 =	vadd.s32 v6, v23;
	v29 =	vld.idx.msk [tilespmem:v29+s3+$0x0], $0xffff;
	[tilespmem:s30+$0xFFFFFF60] =	vst v40;
	v40 =	vadd.s32 v5, v17  }
0x134: {  	v39 =	vor.u32 v22, v39;
	[tilespmem:s30+$0xFFFFFE50] =	vst v41;
	v26 =	vld.idx.msk [tilespmem:v26+s3+$0x0], $0xffff;
	v40 =	vor.u32 v9, v40  }
0x135: {  	v41 =	vadd.s32 v6, v25;
	[tilespmem:s30+$0xFFFFFF00] =	vst v37;
	v37 =	vadd.s32 v6, v21;
	v42 =	vld.idx.msk [tilespmem:v42+s3+$0x0], $0xffff  }
0x136: {  	v37 =	vor.u32 v20, v37;
	[tilespmem:s30+$0xFFFFFF10] =	vst v35;
	v27 =	vld.idx.msk [tilespmem:v27+s3+$0x0], $0xffff;
	v35 =	vadd.s32 v3, v12  }
0x137: {  	v41 =	vor.u32 v24, v41;
	v31 =	vld.idx.msk [tilespmem:v31+s3+$0x0], $0xffff;
	v35 =	vor.u32 v13, v35;
	[tilespmem:s30+$0xFFFFFF70] =	vst v43  }
0x138: {  	v45 =	vadd.s32 v5, v18;
	v43 =	vadd.s32 v5, v16;
	[tilespmem:s30+$0xFFFFFF40] =	vst v32;
	v30 =	vld.idx.msk [tilespmem:v30+s3+$0x0], $0xffff  }
0x139: {  	v32 =	vld.idx.msk [tilespmem:v36+s3+$0x0], $0xffff;
	v36 =	vor.u32 v15, v43;
	[tilespmem:s30+$0xFFFFFF20] =	vst v29;
	v43 =	vor.u32 v14, v45  }
0x13a: {  	v29 =	vadd.s32 v6, v17;
	v28 =	vld.idx.msk [tilespmem:v28+s3+$0x0], $0xffff;
	[tilespmem:s30+$0xFFFFFFE0] =	vst v26;
	v26 =	vadd.s32 v7, v23  }
0x13b: {  	v45 =	vor.u32 v9, v29;
	[tilespmem:s30+$0xFFFFFED0] =	vst v42;
	v38 =	vld.idx.msk [tilespmem:v38+s3+$0x0], $0xffff;
	v42 =	vor.u32 v22, v26  }
0x13c: {  	v26 =	vadd.s32 v7, v25;
	[tilespmem:s30+$0xFFFFFF30] =	vst v27;
	v27 =	vadd.s32 v6, v18;
	v29 =	vld.idx.msk [tilespmem:v35+s3+$0x0], $0xffff  }
0x13d: {  	[tilespmem:s30+$0xFFFFFF80] =	vst v31;
	v31 =	vld.idx.msk [tilespmem:v33+s3+$0x0], $0xffff;
	v35 =	vor.u32 v14, v27;
	v27 =	vadd.s32 v4, v12  }
0x13e: {  	v26 =	vor.u32 v24, v26;
	v33 =	vld.idx.msk [tilespmem:v34+s3+$0x0], $0xffff;
	v34 =	vor.u32 v13, v27;
	[tilespmem:s30+$0xFFFFFFF0] =	vst v30  }
0x13f: {  	v27 =	vadd.s32 v6, v16;
	[tilespmem:s30+$0xFFFFFF90] =	vst v32;
	v30 =	vld.idx.msk [tilespmem:v40+s3+$0x0], $0xffff;
	v32 =	vadd.s32 v7, v17  }
0x140: {  	v40 =	vor.u32 v15, v27;
	v36 =	vld.idx.msk [tilespmem:v36+s3+$0x0], $0xffff;
	[tilespmem:s30+$0xFFFFFFA0] =	vst v28;
	v27 =	vor.u32 v9, v32  }
0x141: {  	v28 =	vadd.s32 v7, v21;
	v32 =	vadd.s32 v8, v23;
	v44 =	vld.idx.msk [tilespmem:v44+s3+$0x0], $0xffff;
	[tilespmem:s30+$0x60] =	vst v38  }
0x142: {  	v23 =	vor.u32 v20, v28;
	v28 =	vor.u32 v22, v32;
	[tilespmem:s30+$0xFFFFFF50] =	vst v29;
	v38 =	vld.idx.msk [tilespmem:v39+s3+$0x0], $0xffff  }
0x143: {  	v22 =	vadd.s32 v4, v10;
	v29 =	vor.u32 v11, v19;
	[tilespmem:s30+$0xFFFFFFB0] =	vst v31;
	v34 =	vld.idx.msk [tilespmem:v34+s3+$0x0], $0xffff  }
0x144: {  	v19 =	vadd.s32 v8, v25;
	[tilespmem:s30+$0x0] =	vst v33;
	v39 =	vld.idx.msk [tilespmem:v43+s3+$0x0], $0xffff;
	v43 =	vor.u32 v11, v22  }
0x145: {  	v22 =	vor.u32 v24, v19;
	v19 =	vadd.s32 v7, v18;
	v37 =	vld.idx.msk [tilespmem:v37+s3+$0x0], $0xffff;
	[tilespmem:s30+$0x70] =	vst v30  }
0x146: {  	v24 =	vor.u32 v14, v19;
	v19 =	vadd.s32 v5, v12;
	[tilespmem:s30+$0x10] =	vst v36;
	v32 =	vld.idx.msk [tilespmem:v45+s3+$0x0], $0xffff  }
.Ltmp1:
0x147: {  	v21 =	vadd.s32 v8, v21;
	v33 =	vor.u32 v13, v19;
	v30 =	vld.idx.msk [tilespmem:v40+s3+$0x0], $0xffff;
	[tilespmem:s30+$0x20] =	vst v44;
	(pc) =	sbr.rel @p1 .LBB2_5-.Ltmp1, $4  }
0x148: {  	v19 =	vor.u32 v20, v21;
	v20 =	vadd.s32 v7, v16;
	v31 =	vld.idx.msk [tilespmem:v41+s3+$0x0], $0xffff;
	[tilespmem:s30+$0xE0] =	vst v38  }
0x149: {  	v25 =	vor.u32 v15, v20;
	v20 =	vadd.s32 v8, v18;
	[tilespmem:s30+$0xFFFFFFD0] =	vst v34;
	v18 =	vld.idx.msk [tilespmem:v42+s3+$0x0], $0xffff  }
0x14a: {  	v21 =	vadd.s32 v8, v16;
	v20 =	vor.u32 v14, v20;
	[tilespmem:s30+$0x30] =	vst v39;
	v16 =	vld.idx.msk [tilespmem:v43+s3+$0x0], $0xffff  }
0x14b: {  	s25 =	sadd.s32 $0x80, s25;
	v21 =	vor.u32 v15, v21;
	v14 =	vadd.s32 v8, v17;
	[tilespmem:s30+$0x80] =	vst v37;
	v15 =	vld.idx.msk [tilespmem:v35+s3+$0x0], $0xffff  }
0x14c: {  	_ =	sdelay $0x2  }
0x14d: {  	[tilespmem:s26+$0xF0] =	vst v32  }
0x14e: {  	v17 =	vld.idx.msk [tilespmem:v33+s3+$0x0], $0xffff;
	v49 =	vadd.s32 v6, v12;
	[tilespmem:s26+$0xFFFFFFC0] =	vst v16  }
0x14f: {  	v50 =	vadd.s32 v6, v10;
	[tilespmem:s26+$0x90] =	vst v30;
	v16 =	vor.u32 v13, v49;
	v29 =	vld.idx.msk [tilespmem:v29+s3+$0x0], $0xffff  }
0x150: {  	v23 =	vld.idx.msk [tilespmem:v23+s3+$0x0], $0xffff;
	v30 =	vor.u32 v11, v50;
	[tilespmem:s26+$0xA0] =	vst v31  }
0x151: {  	v27 =	vld.idx.msk [tilespmem:v27+s3+$0x0], $0xffff;
	[tilespmem:s26+$0x160] =	vst v18  }
0x152: {  	v18 =	vld.idx.msk [tilespmem:v28+s3+$0x0], $0xffff;
	[tilespmem:s26+$0xB0] =	vst v15  }
0x153: {  	v26 =	vld.idx.msk [tilespmem:v26+s3+$0x0], $0xffff;
	[tilespmem:s26+$0x50] =	vst v17  }
0x154: {  	v15 =	vadd.s32 v7, v10;
	v17 =	vadd.s32 v7, v12;
	v16 =	vld.idx.msk [tilespmem:v16+s3+$0x0], $0xffff;
	[tilespmem:s26+$0x40] =	vst v29  }
0x155: {  	v12 =	vadd.s32 v8, v12;
	[tilespmem:s26+$0x100] =	vst v23;
	v17 =	vor.u32 v13, v17;
	v28 =	vld.idx.msk [tilespmem:v30+s3+$0x0], $0xffff  }
0x156: {  	v15 =	vor.u32 v11, v15;
	v12 =	vor.u32 v13, v12;
	v13 =	vld.idx.msk [tilespmem:v19+s3+$0x0], $0xffff  }
0x157: {  	v9 =	vor.u32 v9, v14;
	[tilespmem:s26+$0x1E0] =	vst v18;
	v18 =	vld.idx.msk [tilespmem:v24+s3+$0x0], $0xffff  }
0x158: {  	[tilespmem:s26+$0x170] =	vst v27;
	v24 =	vld.idx.msk [tilespmem:v25+s3+$0x0], $0xffff  }
0x159: {  	[tilespmem:s26+$0xD0] =	vst v16  }
0x15a: {  	v16 =	vld.idx.msk [tilespmem:v17+s3+$0x0], $0xffff;
	[tilespmem:s26+$0xC0] =	vst v28  }
0x15b: {  	v10 =	vadd.s32 v8, v10;
	[tilespmem:s26+$0x120] =	vst v26;
	v14 =	vld.idx.msk [tilespmem:v15+s3+$0x0], $0xffff  }
0x15c: {  	v10 =	vor.u32 v11, v10;
	v9 =	vld.idx.msk [tilespmem:v9+s3+$0x0], $0xffff;
	[tilespmem:s26+$0x180] =	vst v13  }
0x15d: {  	v11 =	vld.idx.msk [tilespmem:v22+s3+$0x0], $0xffff;
	[tilespmem:s26+$0x110] =	vst v24  }
0x15e: {  	[tilespmem:s26+$0x130] =	vst v18;
	v17 =	vld.idx.msk [tilespmem:v21+s3+$0x0], $0xffff  }
0x15f: {  	v15 =	vld.idx.msk [tilespmem:v20+s3+$0x0], $0xffff;
	[tilespmem:s26+$0x150] =	vst v16  }
0x160: {  	v12 =	vld.idx.msk [tilespmem:v12+s3+$0x0], $0xffff;
	[tilespmem:s26+$0x140] =	vst v14  }
0x161: {  	[tilespmem:s26+$0x1F0] =	vst v9;
	v10 =	vld.idx.msk [tilespmem:v10+s3+$0x0], $0xffff  }
0x162: {  	[tilespmem:s26+$0x1A0] =	vst v11  }
0x163: {  	[tilespmem:s26+$0x190] =	vst v17  }
0x164: {  	[tilespmem:s26+$0x1B0] =	vst v15  }
0x165: {  	s24 =	sadd.s32 s2, s24;
	[tilespmem:s26+$0x1D0] =	vst v12  }
0x166: {  	s25 =	sadd.s32 s28, s24;
	[tilespmem:s26+$0x1C0] =	vst v10  }
0x167: {  	[hbm4b:s25+s3] =	stream.linear.scatter [tilespmem:s11], [sflag:$0x2], $0x2000, $0x38;
	[tilespmem:$0x1C000] =	vst v63  }
0x168: {  	s25 =	simm.s32 @!p0 $0x3  }
0x169: {  	_ =	swait.ge @!p0 [sflag:s25], $0x2000  }
0x16a: {  	[sflag:s25] =	ssyncset.done @!p0 $0x0  }
0x16b: {  	[sflag:s25] =	ssyncadd.s32 @!p0 $0xFFFFE000  }
0x16c: {  	v9 =	vld [tilespmem:s23+$0xFFFFFFC0]  }
0x16d: {  	v11 =	vld [tilespmem:s23+$0x0]  }
0x16e: {  	v10 =	vld [tilespmem:s23+$0xFFFFFFA0]  }
0x16f: {  	v12 =	vld [tilespmem:s23+$0xFFFFFFD0]  }
0x170: {  	v20 =	vld [tilespmem:s23+$0xFFFFFFF0];
	_ =	sdelay $0x1  }
0x171: {  	v13 =	vshll.u32 v9, $0x3  }
0x172: {  	v16 =	vshll.u32 v10, $0x3;
	v15 =	vand.u32 $0x7F, v9;
	v9 =	vand.u32 $0x7F, v11  }
0x173: {  	v24 =	vld [tilespmem:s23+$0xFFFFFF90];
	v14 =	vand.u32 $0x7F, v10;
	v10 =	vshll.u32 v12, $0x3;
	v11 =	vshll.u32 v11, $0x3  }
0x174: {  	v22 =	vand.u32 $0x7F, v20;
	v16 =	vand.u32 $0xFFFFFC00, v16;
	v10 =	vand.u32 $0xFFFFFC00, v10  }
0x175: {  	v17 =	vand.u32 $0xFFFFFC00, v11;
	v11 =	vand.u32 $0x7F, v12;
	v18 =	vadd.s32 v1, v16  }
0x176: {  	v27 =	vld [tilespmem:s23+$0xFFFFFFB0];
	v21 =	vadd.s32 v1, v10;
	v19 =	vadd.s32 v5, v10;
	v12 =	vadd.s32 v1, v17  }
0x177: {  	v26 =	vor.u32 v14, v18;
	v28 =	vor.u32 v11, v21;
	v21 =	vshll.u32 v20, $0x3  }
0x178: {  	v12 =	vor.u32 v9, v12;
	v18 =	vand.u32 $0xFFFFFC00, v13;
	v20 =	vshll.u32 v24, $0x3  }
0x179: {  	v23 =	vand.u32 $0xFFFFFC00, v21;
	v25 =	vadd.s32 v1, v18;
	v21 =	vand.u32 $0xFFFFFC00, v20  }
0x17a: {  	v20 =	vand.u32 $0x7F, v24;
	v13 =	vadd.s32 v1, v23;
	v24 =	vadd.s32 v1, v21  }
0x17b: {  	v31 =	vor.u32 v15, v25;
	v51 =	vor.u32 v20, v24;
	v24 =	vshll.u32 v27, $0x3  }
0x17c: {  	v36 =	vld [tilespmem:s23+$0xFFFFFFE0];
	v29 =	vadd.s32 v2, v16;
	v13 =	vor.u32 v22, v13;
	v25 =	vand.u32 $0xFFFFFC00, v24  }
0x17d: {  	v30 =	vadd.s32 v2, v17;
	v24 =	vand.u32 $0x7F, v27;
	v26 =	vld.idx.msk [tilespmem:v26+s3+$0x0], $0xffff;
	v27 =	vadd.s32 v1, v25  }
0x17e: {  	v39 =	vadd.s32 v3, v17;
	v43 =	vadd.s32 v2, v10;
	v28 =	vld.idx.msk [tilespmem:v28+s3+$0x0], $0xffff;
	v27 =	vor.u32 v24, v27  }
0x17f: {  	v46 =	vadd.s32 v3, v16;
	v56 =	vadd.s32 v4, v17;
	v29 =	vor.u32 v14, v29;
	v44 =	vld.idx.msk [tilespmem:v12+s3+$0x0], $0xffff  }
0x180: {  	v57 =	vadd.s32 v3, v10;
	v48 =	vadd.s32 v5, v17;
	v43 =	vor.u32 v11, v43;
	v31 =	vld.idx.msk [tilespmem:v31+s3+$0x0], $0xffff  }
0x181: {  	v30 =	vor.u32 v9, v30;
	v39 =	vor.u32 v9, v39;
	v34 =	vadd.s32 v2, v23;
	v13 =	vld.idx.msk [tilespmem:v13+s3+$0x0], $0xffff  }
0x182: {  	s25 =	simm.s32 $0x18200;
	v38 =	vadd.s32 v2, v18;
	v62 =	vadd.s32 v4, v18;
	v34 =	vor.u32 v22, v34;
	v32 =	vld.idx.msk [tilespmem:v51+s3+$0x0], $0xffff  }
0x183: {  	v52 =	vadd.s32 v2, v21;
	v38 =	vor.u32 v15, v38;
	[tilespmem:s25+$0xFFFFFE10] =	vst v26;
	v27 =	vld.idx.msk [tilespmem:v27+s3+$0x0], $0xffff  }
0x184: {  	v33 =	vor.u32 v20, v52;
	v35 =	vadd.s32 v2, v25;
	[tilespmem:s25+$0xFFFFFE40] =	vst v28;
	v29 =	vld.idx.msk [tilespmem:v29+s3+$0x0], $0xffff  }
0x185: {  	v37 =	vadd.s32 v3, v21;
	v35 =	vor.u32 v24, v35;
	[tilespmem:s25+$0xFFFFFE70] =	vst v44;
	v54 =	vld.idx.msk [tilespmem:v43+s3+$0x0], $0xffff  }
0x186: {  	v42 =	vadd.s32 v3, v23;
	v12 =	vshll.u32 v36, $0x3;
	v28 =	vor.u32 v14, v46;
	v30 =	vld.idx.msk [tilespmem:v30+s3+$0x0], $0xffff;
	[tilespmem:s25+$0xFFFFFE60] =	vst v13  }
0x187: {  	v42 =	vor.u32 v22, v42;
	v12 =	vand.u32 $0xFFFFFC00, v12;
	[tilespmem:s25+$0xFFFFFE30] =	vst v31;
	v13 =	vadd.s32 v4, v21;
	v34 =	vld.idx.msk [tilespmem:v34+s3+$0x0], $0xffff  }
0x188: {  	v45 =	vadd.s32 v1, v12;
	[tilespmem:s25+$0xFFFFFE00] =	vst v32;
	v38 =	vld.idx.msk [tilespmem:v38+s3+$0x0], $0xffff;
	v53 =	vor.u32 v20, v13;
	v13 =	vand.u32 $0x7F, v36  }
0x189: {  	v40 =	vadd.s32 v4, v23;
	v33 =	vld.idx.msk [tilespmem:v33+s3+$0x0], $0xffff;
	v55 =	vor.u32 v13, v45;
	[tilespmem:s25+$0xFFFFFE20] =	vst v27  }
0x18a: {  	v58 =	vadd.s32 v5, v23;
	v37 =	vor.u32 v20, v37;
	[tilespmem:s25+$0xFFFFFE90] =	vst v29;
	v35 =	vld.idx.msk [tilespmem:v35+s3+$0x0], $0xffff  }
0x18b: {  	v27 =	vadd.s32 v3, v18;
	v29 =	vor.u32 v11, v57;
	[tilespmem:s25+$0xFFFFFEF0] =	vst v30;
	v28 =	vld.idx.msk [tilespmem:v28+s3+$0x0], $0xffff  }
0x18c: {  	v41 =	vadd.s32 v3, v25;
	v27 =	vor.u32 v15, v27;
	v39 =	vld.idx.msk [tilespmem:v39+s3+$0x0], $0xffff;
	[tilespmem:s25+$0xFFFFFEE0] =	vst v34  }
0x18d: {  	v41 =	vor.u32 v24, v41;
	[tilespmem:s25+$0xFFFFFEC0] =	vst v54;
	v30 =	vadd.s32 v4, v16;
	v42 =	vld.idx.msk [tilespmem:v42+s3+$0x0], $0xffff  }
0x18e: {  	v59 =	vadd.s32 v5, v21;
	v30 =	vor.u32 v14, v30;
	[tilespmem:s25+$0xFFFFFE80] =	vst v33;
	v43 =	vld.idx.msk [tilespmem:v55+s3+$0x0], $0xffff  }
0x18f: {  	v40 =	vor.u32 v22, v40;
	v61 =	vadd.s32 v2, v12;
	[tilespmem:s25+$0xFFFFFEB0] =	vst v38;
	v37 =	vld.idx.msk [tilespmem:v37+s3+$0x0], $0xffff  }
0x190: {  	v47 =	vadd.s32 v6, v23;
	v36 =	vor.u32 v13, v61;
	v29 =	vld.idx.msk [tilespmem:v29+s3+$0x0], $0xffff;
	[tilespmem:s25+$0xFFFFFEA0] =	vst v35  }
0x191: {  	v49 =	vadd.s32 v6, v21;
	v31 =	vor.u32 v9, v56;
	[tilespmem:s25+$0xFFFFFF10] =	vst v28;
	v27 =	vld.idx.msk [tilespmem:v27+s3+$0x0], $0xffff  }
0x192: {  	v52 =	vadd.s32 v5, v18;
	v60 =	vadd.s32 v5, v25;
	[tilespmem:s25+$0xFFFFFF70] =	vst v39;
	v63 =	vld.idx.msk [tilespmem:v41+s3+$0x0], $0xffff  }
0x193: {  	v50 =	vadd.s32 v6, v25;
	v51 =	vadd.s32 v5, v16;
	v30 =	vld.idx.msk [tilespmem:v30+s3+$0x0], $0xffff;
	[tilespmem:s25+$0xFFFFFF60] =	vst v42  }
0x194: {  	v26 =	vadd.s32 v4, v25;
	v35 =	vor.u32 v15, v62;
	[tilespmem:s25+$0xFFFFFE50] =	vst v43;
	v40 =	vld.idx.msk [tilespmem:v40+s3+$0x0], $0xffff  }
0x195: {  	v44 =	vor.u32 v24, v60;
	v26 =	vor.u32 v24, v26;
	[tilespmem:s25+$0xFFFFFF00] =	vst v37;
	v36 =	vld.idx.msk [tilespmem:v36+s3+$0x0], $0xffff  }
0x196: {  	v61 =	vadd.s32 v8, v23;
	[tilespmem:s25+$0xFFFFFF40] =	vst v29;
	v29 =	vld.idx.msk [tilespmem:v31+s3+$0x0], $0xffff;
	v31 =	vor.u32 v14, v51  }
0x197: {  	v34 =	vor.u32 v22, v58;
	v33 =	vor.u32 v20, v59;
	v55 =	vadd.s32 v6, v17;
	[tilespmem:s25+$0xFFFFFF30] =	vst v27  }
0x198: {  	v28 =	vadd.s32 v3, v12;
	v42 =	vor.u32 v9, v48;
	v32 =	vld.idx.msk [tilespmem:v53+s3+$0x0], $0xffff;
	[tilespmem:s25+$0xFFFFFF20] =	vst v63  }
0x199: {  	v41 =	vor.u32 v22, v47;
	v28 =	vor.u32 v13, v28;
	v57 =	vld.idx.msk [tilespmem:v35+s3+$0x0], $0xffff;
	[tilespmem:s25+$0xFFFFFF90] =	vst v30  }
0x19a: {  	v53 =	vor.u32 v15, v52;
	v27 =	vadd.s32 v6, v18;
	v54 =	vld.idx.msk [tilespmem:v26+s3+$0x0], $0xffff;
	[tilespmem:s25+$0xFFFFFFE0] =	vst v40  }
0x19b: {  	v58 =	vor.u32 v15, v27;
	v27 =	vadd.s32 v4, v12;
	[tilespmem:s25+$0xFFFFFED0] =	vst v36;
	v31 =	vld.idx.msk [tilespmem:v31+s3+$0x0], $0xffff  }
0x19c: {  	v59 =	vor.u32 v13, v27;
	v27 =	vadd.s32 v6, v16;
	[tilespmem:s25+$0xFFFFFFF0] =	vst v29;
	v34 =	vld.idx.msk [tilespmem:v34+s3+$0x0], $0xffff  }
0x19d: {  	v37 =	vor.u32 v20, v49;
	v60 =	vor.u32 v14, v27;
	[tilespmem:s25+$0xFFFFFF80] =	vst v32;
	v30 =	vld.idx.msk [tilespmem:v42+s3+$0x0], $0xffff  }
0x19e: {  	v43 =	vor.u32 v24, v50;
	v26 =	vadd.s32 v7, v23;
	v28 =	vld.idx.msk [tilespmem:v28+s3+$0x0], $0xffff;
	[tilespmem:s25+$0xFFFFFFB0] =	vst v57  }
0x19f: {  	v56 =	vor.u32 v22, v26;
	v26 =	vadd.s32 v7, v25;
	v33 =	vld.idx.msk [tilespmem:v33+s3+$0x0], $0xffff;
	[tilespmem:s25+$0xFFFFFFA0] =	vst v54  }
0x1a0: {  	v40 =	vor.u32 v9, v55;
	v29 =	vadd.s32 v7, v17;
	v38 =	vld.idx.msk [tilespmem:v53+s3+$0x0], $0xffff;
	[tilespmem:s25+$0x10] =	vst v31  }
0x1a1: {  	v27 =	vor.u32 v9, v29;
	v29 =	vadd.s32 v7, v21;
	v39 =	vld.idx.msk [tilespmem:v44+s3+$0x0], $0xffff;
	[tilespmem:s25+$0x60] =	vst v34  }
0x1a2: {  	v26 =	vor.u32 v24, v26;
	v23 =	vor.u32 v20, v29;
	[tilespmem:s25+$0x70] =	vst v30;
	v30 =	vld.idx.msk [tilespmem:v60+s3+$0x0], $0xffff  }
0x1a3: {  	v29 =	vor.u32 v11, v19;
	v19 =	vadd.s32 v8, v25;
	[tilespmem:s25+$0xFFFFFF50] =	vst v28;
	v41 =	vld.idx.msk [tilespmem:v41+s3+$0x0], $0xffff  }
0x1a4: {  	v28 =	vor.u32 v22, v61;
	v22 =	vadd.s32 v4, v10;
	[tilespmem:s25+$0x0] =	vst v33;
	v62 =	vld.idx.msk [tilespmem:v59+s3+$0x0], $0xffff  }
0x1a5: {  	v63 =	vor.u32 v11, v22;
	v37 =	vld.idx.msk [tilespmem:v37+s3+$0x0], $0xffff;
	v22 =	vor.u32 v24, v19;
	v19 =	vadd.s32 v7, v18  }
0x1a6: {  	v21 =	vadd.s32 v8, v21;
	v32 =	vld.idx.msk [tilespmem:v40+s3+$0x0], $0xffff;
	v24 =	vor.u32 v15, v19;
	v19 =	vadd.s32 v5, v12  }
0x1a7: {  	[tilespmem:s25+$0x20] =	vst v39;
	v33 =	vor.u32 v13, v19;
	v19 =	vor.u32 v20, v21;
	v20 =	vadd.s32 v7, v16  }
0x1a8: {  	[tilespmem:s25+$0x30] =	vst v38;
	v31 =	vld.idx.msk [tilespmem:v43+s3+$0x0], $0xffff;
	v25 =	vor.u32 v14, v20;
	v20 =	vadd.s32 v8, v18  }
0x1a9: {  	v20 =	vor.u32 v15, v20;
	v15 =	vld.idx.msk [tilespmem:v58+s3+$0x0], $0xffff;
	[tilespmem:s25+$0xE0] =	vst v41  }
0x1aa: {  	s29 =	simm.s32 $0x18200;
	v21 =	vadd.s32 v8, v16;
	[tilespmem:s25+$0xFFFFFFD0] =	vst v62;
	v18 =	vld.idx.msk [tilespmem:v56+s3+$0x0], $0xffff  }
0x1ab: {  	s28 =	simm.s32 $0x0;
	s26 =	sor.u32 $0x800, s22;
	s23 =	sadd.s32 $0x80, s23;
	v21 =	vor.u32 v14, v21;
	v14 =	vadd.s32 v8, v17;
	v16 =	vld.idx.msk [tilespmem:v63+s3+$0x0], $0xffff;
	[tilespmem:s25+$0x80] =	vst v37  }
.LBB2_7:
0x1ac: {  	s28 =	sadd.s32 $0x8, s28;
	v17 =	vld.idx.msk [tilespmem:v33+s3+$0x0], $0xffff;
	[tilespmem:s25+$0xF0] =	vst v32;
	s29 =	sadd.s32 $0x400, s29  }
0x1ad: {  	p1 =	slt.u32 s28, $0x38;
	[tilespmem:s25+$0x90] =	vst v30;
	v27 =	vld.idx.msk [tilespmem:v27+s3+$0x0], $0xffff  }
0x1ae: {  	v30 =	vld [tilespmem:s23+$0xFFFFFFC0];
	[tilespmem:s25+$0xA0] =	vst v31  }
0x1af: {  	v31 =	vld [tilespmem:s23+$0x0];
	[tilespmem:s25+$0x160] =	vst v18  }
0x1b0: {  	[tilespmem:s25+$0xFFFFFFC0] =	vst v16;
	v16 =	vld.idx.msk [tilespmem:v28+s3+$0x0], $0xffff  }
0x1b1: {  	v18 =	vld.idx.msk [tilespmem:v26+s3+$0x0], $0xffff;
	[tilespmem:s25+$0xB0] =	vst v15;
	v15 =	vadd.s32 v6, v12  }
0x1b2: {  	v28 =	vadd.s32 v6, v10;
	v26 =	vld.idx.msk [tilespmem:v29+s3+$0x0], $0xffff;
	[tilespmem:s25+$0x50] =	vst v17;
	v15 =	vor.u32 v13, v15  }
0x1b3: {  	v17 =	vld.idx.msk [tilespmem:v23+s3+$0x0], $0xffff;
	v23 =	vor.u32 v11, v28;
	[tilespmem:s25+$0x170] =	vst v27  }
0x1b4: {  	v27 =	vld [tilespmem:s23+$0xFFFFFFD0]  }
0x1b5: {  	v29 =	vadd.s32 v8, v10;
	v28 =	vld [tilespmem:s23+$0xFFFFFFA0]  }
0x1b6: {  	v10 =	vadd.s32 v7, v10;
	v29 =	vor.u32 v11, v29;
	v25 =	vld.idx.msk [tilespmem:v25+s3+$0x0], $0xffff;
	[tilespmem:s25+$0x1E0] =	vst v16  }
0x1b7: {  	v33 =	vor.u32 v9, v14;
	v32 =	vor.u32 v11, v10;
	[tilespmem:s25+$0x120] =	vst v18;
	v11 =	vld.idx.msk [tilespmem:v15+s3+$0x0], $0xffff  }
0x1b8: {  	v9 =	vadd.s32 v7, v12;
	v10 =	vadd.s32 v8, v12;
	v18 =	vld.idx.msk [tilespmem:v24+s3+$0x0], $0xffff;
	[tilespmem:s25+$0x40] =	vst v26  }
0x1b9: {  	v12 =	vshll.u32 v30, $0x3;
	v24 =	vor.u32 v13, v9;
	v13 =	vor.u32 v13, v10;
	[tilespmem:s25+$0x100] =	vst v17;
	v23 =	vld.idx.msk [tilespmem:v23+s3+$0x0], $0xffff  }
0x1ba: {  	v14 =	vand.u32 $0x7F, v30;
	v9 =	vand.u32 $0x7F, v31;
	v10 =	vshll.u32 v28, $0x3;
	v26 =	vld [tilespmem:s23+$0xFFFFFFF0]  }
0x1bb: {  	v15 =	vand.u32 $0x7F, v28;
	v30 =	vld [tilespmem:s23+$0xFFFFFF90];
	v16 =	vand.u32 $0xFFFFFC00, v10;
	v10 =	vshll.u32 v27, $0x3  }
0x1bc: {  	v17 =	vshll.u32 v31, $0x3;
	v28 =	vadd.s32 v1, v16;
	v10 =	vand.u32 $0xFFFFFC00, v10;
	v31 =	vld.idx.msk [tilespmem:v19+s3+$0x0], $0xffff;
	[tilespmem:s25+$0x110] =	vst v25  }
0x1bd: {  	v17 =	vand.u32 $0xFFFFFC00, v17;
	v25 =	vadd.s32 v1, v10;
	v19 =	vadd.s32 v5, v10;
	v34 =	vld.idx.msk [tilespmem:v22+s3+$0x0], $0xffff;
	[tilespmem:s25+$0xD0] =	vst v11  }
0x1be: {  	v28 =	vor.u32 v15, v28;
	v11 =	vand.u32 $0x7F, v27;
	v22 =	vadd.s32 v1, v17;
	[tilespmem:s25+$0x130] =	vst v18;
	v24 =	vld.idx.msk [tilespmem:v24+s3+$0x0], $0xffff  }
0x1bf: {  	v35 =	vor.u32 v11, v25;
	v36 =	vor.u32 v9, v22;
	v27 =	vld [tilespmem:s23+$0xFFFFFFB0];
	v25 =	vshll.u32 v26, $0x3;
	[tilespmem:s25+$0xC0] =	vst v23  }
0x1c0: {  	v37 =	vadd.s32 v2, v16;
	v18 =	vand.u32 $0xFFFFFC00, v12;
	v23 =	vand.u32 $0xFFFFFC00, v25;
	v12 =	vld.idx.msk [tilespmem:v32+s3+$0x0], $0xffff  }
0x1c1: {  	v22 =	vand.u32 $0x7F, v26;
	v25 =	vadd.s32 v1, v18;
	v26 =	vadd.s32 v1, v23;
	v32 =	vld.idx.msk [tilespmem:v20+s3+$0x0], $0xffff  }
0x1c2: {  	v39 =	vadd.s32 v2, v17;
	v38 =	vshll.u32 v30, $0x3;
	v26 =	vor.u32 v22, v26;
	[tilespmem:s25+$0x180] =	vst v31;
	v31 =	vld.idx.msk [tilespmem:v21+s3+$0x0], $0xffff  }
0x1c3: {  	v20 =	vand.u32 $0x7F, v30;
	v30 =	vor.u32 v14, v25;
	v21 =	vand.u32 $0xFFFFFC00, v38;
	v28 =	vld.idx.msk [tilespmem:v28+s3+$0x0], $0xffff;
	[tilespmem:s25+$0x1A0] =	vst v34  }
0x1c4: {  	v38 =	vadd.s32 v2, v23;
	v25 =	vadd.s32 v1, v21;
	v34 =	vadd.s32 v2, v21;
	[tilespmem:s25+$0x150] =	vst v24  }
0x1c5: {  	v38 =	vor.u32 v22, v38;
	v40 =	vor.u32 v20, v25;
	v24 =	vshll.u32 v27, $0x3;
	v13 =	vld.idx.msk [tilespmem:v13+s3+$0x0], $0xffff  }
0x1c6: {  	v39 =	vor.u32 v9, v39;
	v34 =	vor.u32 v20, v34;
	v25 =	vand.u32 $0xFFFFFC00, v24;
	[tilespmem:s25+$0x140] =	vst v12;
	v12 =	vld.idx.msk [tilespmem:v33+s3+$0x0], $0xffff  }
0x1c7: {  	v24 =	vand.u32 $0x7F, v27;
	v27 =	vadd.s32 v1, v25;
	v33 =	vadd.s32 v2, v25;
	[tilespmem:s25+$0x1B0] =	vst v32;
	v29 =	vld.idx.msk [tilespmem:v29+s3+$0x0], $0xffff  }
0x1c8: {  	v32 =	vor.u32 v15, v37;
	v27 =	vor.u32 v24, v27;
	v33 =	vor.u32 v24, v33;
	v26 =	vld.idx.msk [tilespmem:v26+s3+$0x0], $0xffff  }
0x1c9: {  	v43 =	vadd.s32 v3, v17;
	v41 =	vadd.s32 v2, v18;
	v37 =	vadd.s32 v3, v21;
	v42 =	vld [tilespmem:s23+$0xFFFFFFE0];
	[tilespmem:s25+$0x190] =	vst v31  }
0x1ca: {  	v37 =	vor.u32 v20, v37;
	v31 =	vld.idx.msk [tilespmem:v40+s3+$0x0], $0xffff;
	v40 =	vor.u32 v14, v41;
	v41 =	vadd.s32 v4, v23  }
0x1cb: {  	v45 =	vadd.s32 v3, v23;
	v44 =	vadd.s32 v3, v25;
	v35 =	vld.idx.msk [tilespmem:v35+s3+$0x0], $0xffff;
	[tilespmem:s25+$0x1D0] =	vst v13  }
0x1cc: {  	v45 =	vor.u32 v22, v45;
	v13 =	vadd.s32 v2, v10;
	v36 =	vld.idx.msk [tilespmem:v36+s3+$0x0], $0xffff;
	[tilespmem:s25+$0x1F0] =	vst v12  }
0x1cd: {  	v43 =	vor.u32 v9, v43;
	v46 =	vor.u32 v11, v13;
	v27 =	vld.idx.msk [tilespmem:v27+s3+$0x0], $0xffff;
	[tilespmem:s25+$0x1C0] =	vst v29;
	s25 =	smov.u32 s29  }
0x1ce: {  	v29 =	vor.u32 v24, v44;
	v30 =	vld.idx.msk [tilespmem:v30+s3+$0x0], $0xffff;
	v12 =	vshll.u32 v42, $0x3;
	[tilespmem:s29+$0xFFFFFE60] =	vst v26;
	v26 =	vor.u32 v22, v41  }
0x1cf: {  	v13 =	vadd.s32 v4, v21;
	[tilespmem:s29+$0xFFFFFE10] =	vst v28;
	v28 =	vadd.s32 v4, v25;
	v12 =	vand.u32 $0xFFFFFC00, v12;
	v38 =	vld.idx.msk [tilespmem:v38+s3+$0x0], $0xffff  }
0x1d0: {  	[tilespmem:s29+$0xFFFFFE00] =	vst v31;
	v31 =	vor.u32 v20, v13;
	v32 =	vld.idx.msk [tilespmem:v32+s3+$0x0], $0xffff;
	v41 =	vadd.s32 v1, v12  }
0x1d1: {  	v44 =	vadd.s32 v3, v16;
	v28 =	vor.u32 v24, v28;
	v13 =	vand.u32 $0x7F, v42;
	v34 =	vld.idx.msk [tilespmem:v34+s3+$0x0], $0xffff;
	[tilespmem:s29+$0xFFFFFE40] =	vst v35  }
0x1d2: {  	v35 =	vor.u32 v15, v44;
	v41 =	vor.u32 v13, v41;
	v42 =	vld.idx.msk [tilespmem:v46+s3+$0x0], $0xffff;
	[tilespmem:s29+$0xFFFFFE70] =	vst v36  }
0x1d3: {  	[tilespmem:s29+$0xFFFFFE20] =	vst v27;
	v27 =	vadd.s32 v3, v18;
	v36 =	vld.idx.msk [tilespmem:v39+s3+$0x0], $0xffff;
	v39 =	vadd.s32 v4, v17  }
0x1d4: {  	v33 =	vld.idx.msk [tilespmem:v33+s3+$0x0], $0xffff;
	[tilespmem:s29+$0xFFFFFE30] =	vst v30;
	v27 =	vor.u32 v14, v27;
	v30 =	vor.u32 v9, v39  }
0x1d5: {  	v39 =	vld.idx.msk [tilespmem:v40+s3+$0x0], $0xffff;
	v40 =	vadd.s32 v3, v10;
	[tilespmem:s29+$0xFFFFFEE0] =	vst v38;
	v38 =	vadd.s32 v5, v23  }
0x1d6: {  	[tilespmem:s29+$0xFFFFFE90] =	vst v32;
	v32 =	vor.u32 v11, v40;
	v40 =	vld.idx.msk [tilespmem:v45+s3+$0x0], $0xffff;
	v38 =	vor.u32 v22, v38  }
0x1d7: {  	v44 =	vadd.s32 v5, v25;
	[tilespmem:s29+$0xFFFFFE80] =	vst v34;
	v34 =	vadd.s32 v5, v21;
	v41 =	vld.idx.msk [tilespmem:v41+s3+$0x0], $0xffff  }
0x1d8: {  	v37 =	vld.idx.msk [tilespmem:v37+s3+$0x0], $0xffff;
	v34 =	vor.u32 v20, v34;
	[tilespmem:s29+$0xFFFFFEC0] =	vst v42;
	v42 =	vadd.s32 v2, v12  }
0x1d9: {  	v44 =	vor.u32 v24, v44;
	v35 =	vld.idx.msk [tilespmem:v35+s3+$0x0], $0xffff;
	v42 =	vor.u32 v13, v42;
	[tilespmem:s29+$0xFFFFFEF0] =	vst v36  }
0x1da: {  	v36 =	vadd.s32 v4, v16;
	[tilespmem:s29+$0xFFFFFEA0] =	vst v33;
	v33 =	vadd.s32 v4, v18;
	v43 =	vld.idx.msk [tilespmem:v43+s3+$0x0], $0xffff  }
0x1db: {  	v36 =	vor.u32 v15, v36;
	[tilespmem:s29+$0xFFFFFEB0] =	vst v39;
	v33 =	vor.u32 v14, v33;
	v32 =	vld.idx.msk [tilespmem:v32+s3+$0x0], $0xffff  }
0x1dc: {  	v39 =	vadd.s32 v6, v23;
	v29 =	vld.idx.msk [tilespmem:v29+s3+$0x0], $0xffff;
	[tilespmem:s29+$0xFFFFFF60] =	vst v40;
	v40 =	vadd.s32 v5, v17  }
0x1dd: {  	v39 =	vor.u32 v22, v39;
	[tilespmem:s29+$0xFFFFFE50] =	vst v41;
	v26 =	vld.idx.msk [tilespmem:v26+s3+$0x0], $0xffff;
	v40 =	vor.u32 v9, v40  }
0x1de: {  	v41 =	vadd.s32 v6, v25;
	[tilespmem:s29+$0xFFFFFF00] =	vst v37;
	v37 =	vadd.s32 v6, v21;
	v42 =	vld.idx.msk [tilespmem:v42+s3+$0x0], $0xffff  }
0x1df: {  	v37 =	vor.u32 v20, v37;
	[tilespmem:s29+$0xFFFFFF10] =	vst v35;
	v27 =	vld.idx.msk [tilespmem:v27+s3+$0x0], $0xffff;
	v35 =	vadd.s32 v3, v12  }
0x1e0: {  	v41 =	vor.u32 v24, v41;
	v31 =	vld.idx.msk [tilespmem:v31+s3+$0x0], $0xffff;
	v35 =	vor.u32 v13, v35;
	[tilespmem:s29+$0xFFFFFF70] =	vst v43  }
0x1e1: {  	v45 =	vadd.s32 v5, v18;
	v43 =	vadd.s32 v5, v16;
	[tilespmem:s29+$0xFFFFFF40] =	vst v32;
	v30 =	vld.idx.msk [tilespmem:v30+s3+$0x0], $0xffff  }
0x1e2: {  	v32 =	vld.idx.msk [tilespmem:v36+s3+$0x0], $0xffff;
	v36 =	vor.u32 v15, v43;
	[tilespmem:s29+$0xFFFFFF20] =	vst v29;
	v43 =	vor.u32 v14, v45  }
0x1e3: {  	v29 =	vadd.s32 v6, v17;
	v28 =	vld.idx.msk [tilespmem:v28+s3+$0x0], $0xffff;
	[tilespmem:s29+$0xFFFFFFE0] =	vst v26;
	v26 =	vadd.s32 v7, v23  }
0x1e4: {  	v45 =	vor.u32 v9, v29;
	[tilespmem:s29+$0xFFFFFED0] =	vst v42;
	v38 =	vld.idx.msk [tilespmem:v38+s3+$0x0], $0xffff;
	v42 =	vor.u32 v22, v26  }
0x1e5: {  	v26 =	vadd.s32 v7, v25;
	[tilespmem:s29+$0xFFFFFF30] =	vst v27;
	v27 =	vadd.s32 v6, v18;
	v29 =	vld.idx.msk [tilespmem:v35+s3+$0x0], $0xffff  }
0x1e6: {  	[tilespmem:s29+$0xFFFFFF80] =	vst v31;
	v31 =	vld.idx.msk [tilespmem:v33+s3+$0x0], $0xffff;
	v35 =	vor.u32 v14, v27;
	v27 =	vadd.s32 v4, v12  }
0x1e7: {  	v26 =	vor.u32 v24, v26;
	v33 =	vld.idx.msk [tilespmem:v34+s3+$0x0], $0xffff;
	v34 =	vor.u32 v13, v27;
	[tilespmem:s29+$0xFFFFFFF0] =	vst v30  }
0x1e8: {  	v27 =	vadd.s32 v6, v16;
	[tilespmem:s29+$0xFFFFFF90] =	vst v32;
	v30 =	vld.idx.msk [tilespmem:v40+s3+$0x0], $0xffff;
	v32 =	vadd.s32 v7, v17  }
0x1e9: {  	v40 =	vor.u32 v15, v27;
	v36 =	vld.idx.msk [tilespmem:v36+s3+$0x0], $0xffff;
	[tilespmem:s29+$0xFFFFFFA0] =	vst v28;
	v27 =	vor.u32 v9, v32  }
0x1ea: {  	v28 =	vadd.s32 v7, v21;
	v32 =	vadd.s32 v8, v23;
	v44 =	vld.idx.msk [tilespmem:v44+s3+$0x0], $0xffff;
	[tilespmem:s29+$0x60] =	vst v38  }
0x1eb: {  	v23 =	vor.u32 v20, v28;
	v28 =	vor.u32 v22, v32;
	[tilespmem:s29+$0xFFFFFF50] =	vst v29;
	v38 =	vld.idx.msk [tilespmem:v39+s3+$0x0], $0xffff  }
0x1ec: {  	v22 =	vadd.s32 v4, v10;
	v29 =	vor.u32 v11, v19;
	[tilespmem:s29+$0xFFFFFFB0] =	vst v31;
	v34 =	vld.idx.msk [tilespmem:v34+s3+$0x0], $0xffff  }
0x1ed: {  	v19 =	vadd.s32 v8, v25;
	[tilespmem:s29+$0x0] =	vst v33;
	v39 =	vld.idx.msk [tilespmem:v43+s3+$0x0], $0xffff;
	v43 =	vor.u32 v11, v22  }
0x1ee: {  	v22 =	vor.u32 v24, v19;
	v19 =	vadd.s32 v7, v18;
	v37 =	vld.idx.msk [tilespmem:v37+s3+$0x0], $0xffff;
	[tilespmem:s29+$0x70] =	vst v30  }
0x1ef: {  	v24 =	vor.u32 v14, v19;
	v19 =	vadd.s32 v5, v12;
	[tilespmem:s29+$0x10] =	vst v36;
	v32 =	vld.idx.msk [tilespmem:v45+s3+$0x0], $0xffff  }
.Ltmp2:
0x1f0: {  	v21 =	vadd.s32 v8, v21;
	v33 =	vor.u32 v13, v19;
	v30 =	vld.idx.msk [tilespmem:v40+s3+$0x0], $0xffff;
	[tilespmem:s29+$0x20] =	vst v44;
	(pc) =	sbr.rel @p1 .LBB2_7-.Ltmp2, $4  }
0x1f1: {  	v19 =	vor.u32 v20, v21;
	v20 =	vadd.s32 v7, v16;
	v31 =	vld.idx.msk [tilespmem:v41+s3+$0x0], $0xffff;
	[tilespmem:s29+$0xE0] =	vst v38  }
0x1f2: {  	v25 =	vor.u32 v15, v20;
	v20 =	vadd.s32 v8, v18;
	[tilespmem:s29+$0xFFFFFFD0] =	vst v34;
	v18 =	vld.idx.msk [tilespmem:v42+s3+$0x0], $0xffff  }
0x1f3: {  	v21 =	vadd.s32 v8, v16;
	v20 =	vor.u32 v14, v20;
	[tilespmem:s29+$0x30] =	vst v39;
	v16 =	vld.idx.msk [tilespmem:v43+s3+$0x0], $0xffff  }
0x1f4: {  	s23 =	sadd.s32 $0x80, s23;
	v21 =	vor.u32 v15, v21;
	v14 =	vadd.s32 v8, v17;
	[tilespmem:s29+$0x80] =	vst v37;
	v15 =	vld.idx.msk [tilespmem:v35+s3+$0x0], $0xffff  }
0x1f5: {  	_ =	sdelay $0x2  }
0x1f6: {  	[tilespmem:s25+$0xF0] =	vst v32  }
0x1f7: {  	v17 =	vld.idx.msk [tilespmem:v33+s3+$0x0], $0xffff;
	v49 =	vadd.s32 v6, v12;
	[tilespmem:s25+$0xFFFFFFC0] =	vst v16  }
0x1f8: {  	v50 =	vadd.s32 v6, v10;
	[tilespmem:s25+$0x90] =	vst v30;
	v16 =	vor.u32 v13, v49;
	v29 =	vld.idx.msk [tilespmem:v29+s3+$0x0], $0xffff  }
0x1f9: {  	v23 =	vld.idx.msk [tilespmem:v23+s3+$0x0], $0xffff;
	v30 =	vor.u32 v11, v50;
	[tilespmem:s25+$0xA0] =	vst v31  }
0x1fa: {  	v27 =	vld.idx.msk [tilespmem:v27+s3+$0x0], $0xffff;
	[tilespmem:s25+$0x160] =	vst v18  }
0x1fb: {  	v18 =	vld.idx.msk [tilespmem:v28+s3+$0x0], $0xffff;
	[tilespmem:s25+$0xB0] =	vst v15  }
0x1fc: {  	v26 =	vld.idx.msk [tilespmem:v26+s3+$0x0], $0xffff;
	[tilespmem:s25+$0x50] =	vst v17  }
0x1fd: {  	v15 =	vadd.s32 v7, v10;
	v17 =	vadd.s32 v7, v12;
	v16 =	vld.idx.msk [tilespmem:v16+s3+$0x0], $0xffff;
	[tilespmem:s25+$0x40] =	vst v29  }
0x1fe: {  	v12 =	vadd.s32 v8, v12;
	[tilespmem:s25+$0x100] =	vst v23;
	v17 =	vor.u32 v13, v17;
	v28 =	vld.idx.msk [tilespmem:v30+s3+$0x0], $0xffff  }
0x1ff: {  	v15 =	vor.u32 v11, v15;
	v12 =	vor.u32 v13, v12;
	v13 =	vld.idx.msk [tilespmem:v19+s3+$0x0], $0xffff  }
0x200: {  	v9 =	vor.u32 v9, v14;
	[tilespmem:s25+$0x1E0] =	vst v18;
	v18 =	vld.idx.msk [tilespmem:v24+s3+$0x0], $0xffff  }
0x201: {  	[tilespmem:s25+$0x170] =	vst v27;
	v24 =	vld.idx.msk [tilespmem:v25+s3+$0x0], $0xffff  }
0x202: {  	[tilespmem:s25+$0xD0] =	vst v16  }
0x203: {  	v16 =	vld.idx.msk [tilespmem:v17+s3+$0x0], $0xffff;
	[tilespmem:s25+$0xC0] =	vst v28  }
0x204: {  	v10 =	vadd.s32 v8, v10;
	[tilespmem:s25+$0x120] =	vst v26;
	v14 =	vld.idx.msk [tilespmem:v15+s3+$0x0], $0xffff  }
0x205: {  	v10 =	vor.u32 v11, v10;
	v9 =	vld.idx.msk [tilespmem:v9+s3+$0x0], $0xffff;
	[tilespmem:s25+$0x180] =	vst v13  }
0x206: {  	v11 =	vld.idx.msk [tilespmem:v22+s3+$0x0], $0xffff;
	[tilespmem:s25+$0x110] =	vst v24  }
0x207: {  	[tilespmem:s25+$0x130] =	vst v18;
	v17 =	vld.idx.msk [tilespmem:v21+s3+$0x0], $0xffff  }
0x208: {  	v15 =	vld.idx.msk [tilespmem:v20+s3+$0x0], $0xffff;
	[tilespmem:s25+$0x150] =	vst v16  }
0x209: {  	v12 =	vld.idx.msk [tilespmem:v12+s3+$0x0], $0xffff;
	[tilespmem:s25+$0x140] =	vst v14  }
0x20a: {  	[tilespmem:s25+$0x1F0] =	vst v9;
	v10 =	vld.idx.msk [tilespmem:v10+s3+$0x0], $0xffff  }
0x20b: {  	[tilespmem:s25+$0x1A0] =	vst v11  }
0x20c: {  	[tilespmem:s25+$0x190] =	vst v17  }
0x20d: {  	[tilespmem:s25+$0x1B0] =	vst v15  }
0x20e: {  	[tilespmem:s25+$0x1D0] =	vst v12  }
0x20f: {  	s23 =	sadd.s32 s26, s24;
	[tilespmem:s25+$0x1C0] =	vst v10  }
0x210: {  	[hbm4b:s23+s3] =	stream.linear.scatter [tilespmem:s12], [sflag:$0x3], $0x2000, $0x38;
	[tilespmem:$0x1C000] =	vst v63  }
0x211: {  	s23 =	simm.s32 @!p0 $0x4  }
0x212: {  	_ =	swait.ge @!p0 [sflag:s23], $0x2000  }
0x213: {  	[sflag:s23] =	ssyncset.done @!p0 $0x0  }
0x214: {  	[sflag:s23] =	ssyncadd.s32 @!p0 $0xFFFFE000  }
0x215: {  	v9 =	vld [tilespmem:s21+$0xFFFFFFC0]  }
0x216: {  	v11 =	vld [tilespmem:s21+$0x0]  }
0x217: {  	v10 =	vld [tilespmem:s21+$0xFFFFFFA0]  }
0x218: {  	v12 =	vld [tilespmem:s21+$0xFFFFFFD0]  }
0x219: {  	v20 =	vld [tilespmem:s21+$0xFFFFFFF0];
	_ =	sdelay $0x1  }
0x21a: {  	v13 =	vshll.u32 v9, $0x3  }
0x21b: {  	v16 =	vshll.u32 v10, $0x3;
	v15 =	vand.u32 $0x7F, v9;
	v9 =	vand.u32 $0x7F, v11  }
0x21c: {  	v24 =	vld [tilespmem:s21+$0xFFFFFF90];
	v14 =	vand.u32 $0x7F, v10;
	v10 =	vshll.u32 v12, $0x3;
	v11 =	vshll.u32 v11, $0x3  }
0x21d: {  	v22 =	vand.u32 $0x7F, v20;
	v16 =	vand.u32 $0xFFFFFC00, v16;
	v10 =	vand.u32 $0xFFFFFC00, v10  }
0x21e: {  	v17 =	vand.u32 $0xFFFFFC00, v11;
	v11 =	vand.u32 $0x7F, v12;
	v18 =	vadd.s32 v1, v16  }
0x21f: {  	v27 =	vld [tilespmem:s21+$0xFFFFFFB0];
	v21 =	vadd.s32 v1, v10;
	v19 =	vadd.s32 v5, v10;
	v12 =	vadd.s32 v1, v17  }
0x220: {  	v26 =	vor.u32 v14, v18;
	v28 =	vor.u32 v11, v21;
	v21 =	vshll.u32 v20, $0x3  }
0x221: {  	v12 =	vor.u32 v9, v12;
	v18 =	vand.u32 $0xFFFFFC00, v13;
	v20 =	vshll.u32 v24, $0x3  }
0x222: {  	v23 =	vand.u32 $0xFFFFFC00, v21;
	v25 =	vadd.s32 v1, v18;
	v21 =	vand.u32 $0xFFFFFC00, v20  }
0x223: {  	v20 =	vand.u32 $0x7F, v24;
	v13 =	vadd.s32 v1, v23;
	v24 =	vadd.s32 v1, v21  }
0x224: {  	v31 =	vor.u32 v15, v25;
	v51 =	vor.u32 v20, v24;
	v24 =	vshll.u32 v27, $0x3  }
0x225: {  	v36 =	vld [tilespmem:s21+$0xFFFFFFE0];
	v29 =	vadd.s32 v2, v16;
	v13 =	vor.u32 v22, v13;
	v25 =	vand.u32 $0xFFFFFC00, v24  }
0x226: {  	v30 =	vadd.s32 v2, v17;
	v24 =	vand.u32 $0x7F, v27;
	v26 =	vld.idx.msk [tilespmem:v26+s3+$0x0], $0xffff;
	v27 =	vadd.s32 v1, v25  }
0x227: {  	v39 =	vadd.s32 v3, v17;
	v43 =	vadd.s32 v2, v10;
	v28 =	vld.idx.msk [tilespmem:v28+s3+$0x0], $0xffff;
	v27 =	vor.u32 v24, v27  }
0x228: {  	v46 =	vadd.s32 v3, v16;
	v56 =	vadd.s32 v4, v17;
	v29 =	vor.u32 v14, v29;
	v44 =	vld.idx.msk [tilespmem:v12+s3+$0x0], $0xffff  }
0x229: {  	v57 =	vadd.s32 v3, v10;
	v48 =	vadd.s32 v5, v17;
	v43 =	vor.u32 v11, v43;
	v31 =	vld.idx.msk [tilespmem:v31+s3+$0x0], $0xffff  }
0x22a: {  	v30 =	vor.u32 v9, v30;
	v39 =	vor.u32 v9, v39;
	v34 =	vadd.s32 v2, v23;
	v13 =	vld.idx.msk [tilespmem:v13+s3+$0x0], $0xffff  }
0x22b: {  	s23 =	simm.s32 $0x1A200;
	v38 =	vadd.s32 v2, v18;
	v62 =	vadd.s32 v4, v18;
	v34 =	vor.u32 v22, v34;
	v32 =	vld.idx.msk [tilespmem:v51+s3+$0x0], $0xffff  }
0x22c: {  	v52 =	vadd.s32 v2, v21;
	v38 =	vor.u32 v15, v38;
	[tilespmem:s23+$0xFFFFFE10] =	vst v26;
	v27 =	vld.idx.msk [tilespmem:v27+s3+$0x0], $0xffff  }
0x22d: {  	v33 =	vor.u32 v20, v52;
	v35 =	vadd.s32 v2, v25;
	[tilespmem:s23+$0xFFFFFE40] =	vst v28;
	v29 =	vld.idx.msk [tilespmem:v29+s3+$0x0], $0xffff  }
0x22e: {  	v37 =	vadd.s32 v3, v21;
	v35 =	vor.u32 v24, v35;
	[tilespmem:s23+$0xFFFFFE70] =	vst v44;
	v54 =	vld.idx.msk [tilespmem:v43+s3+$0x0], $0xffff  }
0x22f: {  	v42 =	vadd.s32 v3, v23;
	v12 =	vshll.u32 v36, $0x3;
	v28 =	vor.u32 v14, v46;
	v30 =	vld.idx.msk [tilespmem:v30+s3+$0x0], $0xffff;
	[tilespmem:s23+$0xFFFFFE60] =	vst v13  }
0x230: {  	v42 =	vor.u32 v22, v42;
	v12 =	vand.u32 $0xFFFFFC00, v12;
	[tilespmem:s23+$0xFFFFFE30] =	vst v31;
	v13 =	vadd.s32 v4, v21;
	v34 =	vld.idx.msk [tilespmem:v34+s3+$0x0], $0xffff  }
0x231: {  	v45 =	vadd.s32 v1, v12;
	[tilespmem:s23+$0xFFFFFE00] =	vst v32;
	v38 =	vld.idx.msk [tilespmem:v38+s3+$0x0], $0xffff;
	v53 =	vor.u32 v20, v13;
	v13 =	vand.u32 $0x7F, v36  }
0x232: {  	v40 =	vadd.s32 v4, v23;
	v33 =	vld.idx.msk [tilespmem:v33+s3+$0x0], $0xffff;
	v55 =	vor.u32 v13, v45;
	[tilespmem:s23+$0xFFFFFE20] =	vst v27  }
0x233: {  	v58 =	vadd.s32 v5, v23;
	v37 =	vor.u32 v20, v37;
	[tilespmem:s23+$0xFFFFFE90] =	vst v29;
	v35 =	vld.idx.msk [tilespmem:v35+s3+$0x0], $0xffff  }
0x234: {  	v27 =	vadd.s32 v3, v18;
	v29 =	vor.u32 v11, v57;
	[tilespmem:s23+$0xFFFFFEF0] =	vst v30;
	v28 =	vld.idx.msk [tilespmem:v28+s3+$0x0], $0xffff  }
0x235: {  	v41 =	vadd.s32 v3, v25;
	v27 =	vor.u32 v15, v27;
	v39 =	vld.idx.msk [tilespmem:v39+s3+$0x0], $0xffff;
	[tilespmem:s23+$0xFFFFFEE0] =	vst v34  }
0x236: {  	v41 =	vor.u32 v24, v41;
	[tilespmem:s23+$0xFFFFFEC0] =	vst v54;
	v30 =	vadd.s32 v4, v16;
	v42 =	vld.idx.msk [tilespmem:v42+s3+$0x0], $0xffff  }
0x237: {  	v59 =	vadd.s32 v5, v21;
	v30 =	vor.u32 v14, v30;
	[tilespmem:s23+$0xFFFFFE80] =	vst v33;
	v43 =	vld.idx.msk [tilespmem:v55+s3+$0x0], $0xffff  }
0x238: {  	v40 =	vor.u32 v22, v40;
	v61 =	vadd.s32 v2, v12;
	[tilespmem:s23+$0xFFFFFEB0] =	vst v38;
	v37 =	vld.idx.msk [tilespmem:v37+s3+$0x0], $0xffff  }
0x239: {  	v47 =	vadd.s32 v6, v23;
	v36 =	vor.u32 v13, v61;
	v29 =	vld.idx.msk [tilespmem:v29+s3+$0x0], $0xffff;
	[tilespmem:s23+$0xFFFFFEA0] =	vst v35  }
0x23a: {  	v49 =	vadd.s32 v6, v21;
	v31 =	vor.u32 v9, v56;
	[tilespmem:s23+$0xFFFFFF10] =	vst v28;
	v27 =	vld.idx.msk [tilespmem:v27+s3+$0x0], $0xffff  }
0x23b: {  	v52 =	vadd.s32 v5, v18;
	v60 =	vadd.s32 v5, v25;
	[tilespmem:s23+$0xFFFFFF70] =	vst v39;
	v63 =	vld.idx.msk [tilespmem:v41+s3+$0x0], $0xffff  }
0x23c: {  	v50 =	vadd.s32 v6, v25;
	v51 =	vadd.s32 v5, v16;
	v30 =	vld.idx.msk [tilespmem:v30+s3+$0x0], $0xffff;
	[tilespmem:s23+$0xFFFFFF60] =	vst v42  }
0x23d: {  	v26 =	vadd.s32 v4, v25;
	v35 =	vor.u32 v15, v62;
	[tilespmem:s23+$0xFFFFFE50] =	vst v43;
	v40 =	vld.idx.msk [tilespmem:v40+s3+$0x0], $0xffff  }
0x23e: {  	v44 =	vor.u32 v24, v60;
	v26 =	vor.u32 v24, v26;
	[tilespmem:s23+$0xFFFFFF00] =	vst v37;
	v36 =	vld.idx.msk [tilespmem:v36+s3+$0x0], $0xffff  }
0x23f: {  	v61 =	vadd.s32 v8, v23;
	[tilespmem:s23+$0xFFFFFF40] =	vst v29;
	v29 =	vld.idx.msk [tilespmem:v31+s3+$0x0], $0xffff;
	v31 =	vor.u32 v14, v51  }
0x240: {  	v34 =	vor.u32 v22, v58;
	v33 =	vor.u32 v20, v59;
	v55 =	vadd.s32 v6, v17;
	[tilespmem:s23+$0xFFFFFF30] =	vst v27  }
0x241: {  	v28 =	vadd.s32 v3, v12;
	v42 =	vor.u32 v9, v48;
	v32 =	vld.idx.msk [tilespmem:v53+s3+$0x0], $0xffff;
	[tilespmem:s23+$0xFFFFFF20] =	vst v63  }
0x242: {  	v41 =	vor.u32 v22, v47;
	v28 =	vor.u32 v13, v28;
	v57 =	vld.idx.msk [tilespmem:v35+s3+$0x0], $0xffff;
	[tilespmem:s23+$0xFFFFFF90] =	vst v30  }
0x243: {  	v53 =	vor.u32 v15, v52;
	v27 =	vadd.s32 v6, v18;
	v54 =	vld.idx.msk [tilespmem:v26+s3+$0x0], $0xffff;
	[tilespmem:s23+$0xFFFFFFE0] =	vst v40  }
0x244: {  	v58 =	vor.u32 v15, v27;
	v27 =	vadd.s32 v4, v12;
	[tilespmem:s23+$0xFFFFFED0] =	vst v36;
	v31 =	vld.idx.msk [tilespmem:v31+s3+$0x0], $0xffff  }
0x245: {  	v59 =	vor.u32 v13, v27;
	v27 =	vadd.s32 v6, v16;
	[tilespmem:s23+$0xFFFFFFF0] =	vst v29;
	v34 =	vld.idx.msk [tilespmem:v34+s3+$0x0], $0xffff  }
0x246: {  	v37 =	vor.u32 v20, v49;
	v60 =	vor.u32 v14, v27;
	[tilespmem:s23+$0xFFFFFF80] =	vst v32;
	v30 =	vld.idx.msk [tilespmem:v42+s3+$0x0], $0xffff  }
0x247: {  	v43 =	vor.u32 v24, v50;
	v26 =	vadd.s32 v7, v23;
	v28 =	vld.idx.msk [tilespmem:v28+s3+$0x0], $0xffff;
	[tilespmem:s23+$0xFFFFFFB0] =	vst v57  }
0x248: {  	v56 =	vor.u32 v22, v26;
	v26 =	vadd.s32 v7, v25;
	v33 =	vld.idx.msk [tilespmem:v33+s3+$0x0], $0xffff;
	[tilespmem:s23+$0xFFFFFFA0] =	vst v54  }
0x249: {  	v40 =	vor.u32 v9, v55;
	v29 =	vadd.s32 v7, v17;
	v38 =	vld.idx.msk [tilespmem:v53+s3+$0x0], $0xffff;
	[tilespmem:s23+$0x10] =	vst v31  }
0x24a: {  	v27 =	vor.u32 v9, v29;
	v29 =	vadd.s32 v7, v21;
	v39 =	vld.idx.msk [tilespmem:v44+s3+$0x0], $0xffff;
	[tilespmem:s23+$0x60] =	vst v34  }
0x24b: {  	v26 =	vor.u32 v24, v26;
	v23 =	vor.u32 v20, v29;
	[tilespmem:s23+$0x70] =	vst v30;
	v30 =	vld.idx.msk [tilespmem:v60+s3+$0x0], $0xffff  }
0x24c: {  	v29 =	vor.u32 v11, v19;
	v19 =	vadd.s32 v8, v25;
	[tilespmem:s23+$0xFFFFFF50] =	vst v28;
	v41 =	vld.idx.msk [tilespmem:v41+s3+$0x0], $0xffff  }
0x24d: {  	v28 =	vor.u32 v22, v61;
	v22 =	vadd.s32 v4, v10;
	[tilespmem:s23+$0x0] =	vst v33;
	v62 =	vld.idx.msk [tilespmem:v59+s3+$0x0], $0xffff  }
0x24e: {  	v63 =	vor.u32 v11, v22;
	v37 =	vld.idx.msk [tilespmem:v37+s3+$0x0], $0xffff;
	v22 =	vor.u32 v24, v19;
	v19 =	vadd.s32 v7, v18  }
0x24f: {  	v21 =	vadd.s32 v8, v21;
	v32 =	vld.idx.msk [tilespmem:v40+s3+$0x0], $0xffff;
	v24 =	vor.u32 v15, v19;
	v19 =	vadd.s32 v5, v12  }
0x250: {  	[tilespmem:s23+$0x20] =	vst v39;
	v33 =	vor.u32 v13, v19;
	v19 =	vor.u32 v20, v21;
	v20 =	vadd.s32 v7, v16  }
0x251: {  	[tilespmem:s23+$0x30] =	vst v38;
	v31 =	vld.idx.msk [tilespmem:v43+s3+$0x0], $0xffff;
	v25 =	vor.u32 v14, v20;
	v20 =	vadd.s32 v8, v18  }
0x252: {  	v20 =	vor.u32 v15, v20;
	v15 =	vld.idx.msk [tilespmem:v58+s3+$0x0], $0xffff;
	[tilespmem:s23+$0xE0] =	vst v41  }
0x253: {  	s22 =	sor.u32 $0xC00, s22;
	v21 =	vadd.s32 v8, v16;
	[tilespmem:s23+$0xFFFFFFD0] =	vst v62;
	v18 =	vld.idx.msk [tilespmem:v56+s3+$0x0], $0xffff  }
0x254: {  	s26 =	simm.s32 $0x1A200;
	s25 =	simm.s32 $0x0;
	s21 =	sadd.s32 $0x80, s21;
	v21 =	vor.u32 v14, v21;
	v14 =	vadd.s32 v8, v17;
	v16 =	vld.idx.msk [tilespmem:v63+s3+$0x0], $0xffff;
	[tilespmem:s23+$0x80] =	vst v37  }
.LBB2_9:
0x255: {  	s25 =	sadd.s32 $0x8, s25;
	v17 =	vld.idx.msk [tilespmem:v33+s3+$0x0], $0xffff;
	[tilespmem:s23+$0xF0] =	vst v32;
	s26 =	sadd.s32 $0x400, s26  }
0x256: {  	p0 =	slt.u32 s25, $0x38;
	[tilespmem:s23+$0x90] =	vst v30;
	v27 =	vld.idx.msk [tilespmem:v27+s3+$0x0], $0xffff  }
0x257: {  	v30 =	vld [tilespmem:s21+$0xFFFFFFC0];
	[tilespmem:s23+$0xA0] =	vst v31  }
0x258: {  	v31 =	vld [tilespmem:s21+$0x0];
	[tilespmem:s23+$0x160] =	vst v18  }
0x259: {  	[tilespmem:s23+$0xFFFFFFC0] =	vst v16;
	v16 =	vld.idx.msk [tilespmem:v28+s3+$0x0], $0xffff  }
0x25a: {  	v18 =	vld.idx.msk [tilespmem:v26+s3+$0x0], $0xffff;
	[tilespmem:s23+$0xB0] =	vst v15;
	v15 =	vadd.s32 v6, v12  }
0x25b: {  	v28 =	vadd.s32 v6, v10;
	v26 =	vld.idx.msk [tilespmem:v29+s3+$0x0], $0xffff;
	[tilespmem:s23+$0x50] =	vst v17;
	v15 =	vor.u32 v13, v15  }
0x25c: {  	v17 =	vld.idx.msk [tilespmem:v23+s3+$0x0], $0xffff;
	v23 =	vor.u32 v11, v28;
	[tilespmem:s23+$0x170] =	vst v27  }
0x25d: {  	v27 =	vld [tilespmem:s21+$0xFFFFFFD0]  }
0x25e: {  	v29 =	vadd.s32 v8, v10;
	v28 =	vld [tilespmem:s21+$0xFFFFFFA0]  }
0x25f: {  	v10 =	vadd.s32 v7, v10;
	v29 =	vor.u32 v11, v29;
	v25 =	vld.idx.msk [tilespmem:v25+s3+$0x0], $0xffff;
	[tilespmem:s23+$0x1E0] =	vst v16  }
0x260: {  	v33 =	vor.u32 v9, v14;
	v32 =	vor.u32 v11, v10;
	[tilespmem:s23+$0x120] =	vst v18;
	v11 =	vld.idx.msk [tilespmem:v15+s3+$0x0], $0xffff  }
0x261: {  	v9 =	vadd.s32 v7, v12;
	v10 =	vadd.s32 v8, v12;
	v18 =	vld.idx.msk [tilespmem:v24+s3+$0x0], $0xffff;
	[tilespmem:s23+$0x40] =	vst v26  }
0x262: {  	v12 =	vshll.u32 v30, $0x3;
	v24 =	vor.u32 v13, v9;
	v13 =	vor.u32 v13, v10;
	[tilespmem:s23+$0x100] =	vst v17;
	v23 =	vld.idx.msk [tilespmem:v23+s3+$0x0], $0xffff  }
0x263: {  	v14 =	vand.u32 $0x7F, v30;
	v9 =	vand.u32 $0x7F, v31;
	v10 =	vshll.u32 v28, $0x3;
	v26 =	vld [tilespmem:s21+$0xFFFFFFF0]  }
0x264: {  	v15 =	vand.u32 $0x7F, v28;
	v30 =	vld [tilespmem:s21+$0xFFFFFF90];
	v16 =	vand.u32 $0xFFFFFC00, v10;
	v10 =	vshll.u32 v27, $0x3  }
0x265: {  	v17 =	vshll.u32 v31, $0x3;
	v28 =	vadd.s32 v1, v16;
	v10 =	vand.u32 $0xFFFFFC00, v10;
	v31 =	vld.idx.msk [tilespmem:v19+s3+$0x0], $0xffff;
	[tilespmem:s23+$0x110] =	vst v25  }
0x266: {  	v17 =	vand.u32 $0xFFFFFC00, v17;
	v25 =	vadd.s32 v1, v10;
	v19 =	vadd.s32 v5, v10;
	v34 =	vld.idx.msk [tilespmem:v22+s3+$0x0], $0xffff;
	[tilespmem:s23+$0xD0] =	vst v11  }
0x267: {  	v28 =	vor.u32 v15, v28;
	v11 =	vand.u32 $0x7F, v27;
	v22 =	vadd.s32 v1, v17;
	[tilespmem:s23+$0x130] =	vst v18;
	v24 =	vld.idx.msk [tilespmem:v24+s3+$0x0], $0xffff  }
0x268: {  	v35 =	vor.u32 v11, v25;
	v36 =	vor.u32 v9, v22;
	v27 =	vld [tilespmem:s21+$0xFFFFFFB0];
	v25 =	vshll.u32 v26, $0x3;
	[tilespmem:s23+$0xC0] =	vst v23  }
0x269: {  	v37 =	vadd.s32 v2, v16;
	v18 =	vand.u32 $0xFFFFFC00, v12;
	v23 =	vand.u32 $0xFFFFFC00, v25;
	v12 =	vld.idx.msk [tilespmem:v32+s3+$0x0], $0xffff  }
0x26a: {  	v22 =	vand.u32 $0x7F, v26;
	v25 =	vadd.s32 v1, v18;
	v26 =	vadd.s32 v1, v23;
	v32 =	vld.idx.msk [tilespmem:v20+s3+$0x0], $0xffff  }
0x26b: {  	v39 =	vadd.s32 v2, v17;
	v38 =	vshll.u32 v30, $0x3;
	v26 =	vor.u32 v22, v26;
	[tilespmem:s23+$0x180] =	vst v31;
	v31 =	vld.idx.msk [tilespmem:v21+s3+$0x0], $0xffff  }
0x26c: {  	v20 =	vand.u32 $0x7F, v30;
	v30 =	vor.u32 v14, v25;
	v21 =	vand.u32 $0xFFFFFC00, v38;
	v28 =	vld.idx.msk [tilespmem:v28+s3+$0x0], $0xffff;
	[tilespmem:s23+$0x1A0] =	vst v34  }
0x26d: {  	v38 =	vadd.s32 v2, v23;
	v25 =	vadd.s32 v1, v21;
	v34 =	vadd.s32 v2, v21;
	[tilespmem:s23+$0x150] =	vst v24  }
0x26e: {  	v38 =	vor.u32 v22, v38;
	v40 =	vor.u32 v20, v25;
	v24 =	vshll.u32 v27, $0x3;
	v13 =	vld.idx.msk [tilespmem:v13+s3+$0x0], $0xffff  }
0x26f: {  	v39 =	vor.u32 v9, v39;
	v34 =	vor.u32 v20, v34;
	v25 =	vand.u32 $0xFFFFFC00, v24;
	[tilespmem:s23+$0x140] =	vst v12;
	v12 =	vld.idx.msk [tilespmem:v33+s3+$0x0], $0xffff  }
0x270: {  	v24 =	vand.u32 $0x7F, v27;
	v27 =	vadd.s32 v1, v25;
	v33 =	vadd.s32 v2, v25;
	[tilespmem:s23+$0x1B0] =	vst v32;
	v29 =	vld.idx.msk [tilespmem:v29+s3+$0x0], $0xffff  }
0x271: {  	v32 =	vor.u32 v15, v37;
	v27 =	vor.u32 v24, v27;
	v33 =	vor.u32 v24, v33;
	v26 =	vld.idx.msk [tilespmem:v26+s3+$0x0], $0xffff  }
0x272: {  	v43 =	vadd.s32 v3, v17;
	v41 =	vadd.s32 v2, v18;
	v37 =	vadd.s32 v3, v21;
	v42 =	vld [tilespmem:s21+$0xFFFFFFE0];
	[tilespmem:s23+$0x190] =	vst v31  }
0x273: {  	v37 =	vor.u32 v20, v37;
	v31 =	vld.idx.msk [tilespmem:v40+s3+$0x0], $0xffff;
	v40 =	vor.u32 v14, v41;
	v41 =	vadd.s32 v4, v23  }
0x274: {  	v45 =	vadd.s32 v3, v23;
	v44 =	vadd.s32 v3, v25;
	v35 =	vld.idx.msk [tilespmem:v35+s3+$0x0], $0xffff;
	[tilespmem:s23+$0x1D0] =	vst v13  }
0x275: {  	v45 =	vor.u32 v22, v45;
	v13 =	vadd.s32 v2, v10;
	v36 =	vld.idx.msk [tilespmem:v36+s3+$0x0], $0xffff;
	[tilespmem:s23+$0x1F0] =	vst v12  }
0x276: {  	v43 =	vor.u32 v9, v43;
	v46 =	vor.u32 v11, v13;
	v27 =	vld.idx.msk [tilespmem:v27+s3+$0x0], $0xffff;
	[tilespmem:s23+$0x1C0] =	vst v29;
	s23 =	smov.u32 s26  }
0x277: {  	v29 =	vor.u32 v24, v44;
	v30 =	vld.idx.msk [tilespmem:v30+s3+$0x0], $0xffff;
	v12 =	vshll.u32 v42, $0x3;
	[tilespmem:s26+$0xFFFFFE60] =	vst v26;
	v26 =	vor.u32 v22, v41  }
0x278: {  	v13 =	vadd.s32 v4, v21;
	[tilespmem:s26+$0xFFFFFE10] =	vst v28;
	v28 =	vadd.s32 v4, v25;
	v12 =	vand.u32 $0xFFFFFC00, v12;
	v38 =	vld.idx.msk [tilespmem:v38+s3+$0x0], $0xffff  }
0x279: {  	[tilespmem:s26+$0xFFFFFE00] =	vst v31;
	v31 =	vor.u32 v20, v13;
	v32 =	vld.idx.msk [tilespmem:v32+s3+$0x0], $0xffff;
	v41 =	vadd.s32 v1, v12  }
0x27a: {  	v44 =	vadd.s32 v3, v16;
	v28 =	vor.u32 v24, v28;
	v13 =	vand.u32 $0x7F, v42;
	v34 =	vld.idx.msk [tilespmem:v34+s3+$0x0], $0xffff;
	[tilespmem:s26+$0xFFFFFE40] =	vst v35  }
0x27b: {  	v35 =	vor.u32 v15, v44;
	v41 =	vor.u32 v13, v41;
	v42 =	vld.idx.msk [tilespmem:v46+s3+$0x0], $0xffff;
	[tilespmem:s26+$0xFFFFFE70] =	vst v36  }
0x27c: {  	[tilespmem:s26+$0xFFFFFE20] =	vst v27;
	v27 =	vadd.s32 v3, v18;
	v36 =	vld.idx.msk [tilespmem:v39+s3+$0x0], $0xffff;
	v39 =	vadd.s32 v4, v17  }
0x27d: {  	v33 =	vld.idx.msk [tilespmem:v33+s3+$0x0], $0xffff;
	[tilespmem:s26+$0xFFFFFE30] =	vst v30;
	v27 =	vor.u32 v14, v27;
	v30 =	vor.u32 v9, v39  }
0x27e: {  	v39 =	vld.idx.msk [tilespmem:v40+s3+$0x0], $0xffff;
	v40 =	vadd.s32 v3, v10;
	[tilespmem:s26+$0xFFFFFEE0] =	vst v38;
	v38 =	vadd.s32 v5, v23  }
0x27f: {  	[tilespmem:s26+$0xFFFFFE90] =	vst v32;
	v32 =	vor.u32 v11, v40;
	v40 =	vld.idx.msk [tilespmem:v45+s3+$0x0], $0xffff;
	v38 =	vor.u32 v22, v38  }
0x280: {  	v44 =	vadd.s32 v5, v25;
	[tilespmem:s26+$0xFFFFFE80] =	vst v34;
	v34 =	vadd.s32 v5, v21;
	v41 =	vld.idx.msk [tilespmem:v41+s3+$0x0], $0xffff  }
0x281: {  	v37 =	vld.idx.msk [tilespmem:v37+s3+$0x0], $0xffff;
	v34 =	vor.u32 v20, v34;
	[tilespmem:s26+$0xFFFFFEC0] =	vst v42;
	v42 =	vadd.s32 v2, v12  }
0x282: {  	v44 =	vor.u32 v24, v44;
	v35 =	vld.idx.msk [tilespmem:v35+s3+$0x0], $0xffff;
	v42 =	vor.u32 v13, v42;
	[tilespmem:s26+$0xFFFFFEF0] =	vst v36  }
0x283: {  	v36 =	vadd.s32 v4, v16;
	[tilespmem:s26+$0xFFFFFEA0] =	vst v33;
	v33 =	vadd.s32 v4, v18;
	v43 =	vld.idx.msk [tilespmem:v43+s3+$0x0], $0xffff  }
0x284: {  	v36 =	vor.u32 v15, v36;
	[tilespmem:s26+$0xFFFFFEB0] =	vst v39;
	v33 =	vor.u32 v14, v33;
	v32 =	vld.idx.msk [tilespmem:v32+s3+$0x0], $0xffff  }
0x285: {  	v39 =	vadd.s32 v6, v23;
	v29 =	vld.idx.msk [tilespmem:v29+s3+$0x0], $0xffff;
	[tilespmem:s26+$0xFFFFFF60] =	vst v40;
	v40 =	vadd.s32 v5, v17  }
0x286: {  	v39 =	vor.u32 v22, v39;
	[tilespmem:s26+$0xFFFFFE50] =	vst v41;
	v26 =	vld.idx.msk [tilespmem:v26+s3+$0x0], $0xffff;
	v40 =	vor.u32 v9, v40  }
0x287: {  	v41 =	vadd.s32 v6, v25;
	[tilespmem:s26+$0xFFFFFF00] =	vst v37;
	v37 =	vadd.s32 v6, v21;
	v42 =	vld.idx.msk [tilespmem:v42+s3+$0x0], $0xffff  }
0x288: {  	v37 =	vor.u32 v20, v37;
	[tilespmem:s26+$0xFFFFFF10] =	vst v35;
	v27 =	vld.idx.msk [tilespmem:v27+s3+$0x0], $0xffff;
	v35 =	vadd.s32 v3, v12  }
0x289: {  	v41 =	vor.u32 v24, v41;
	v31 =	vld.idx.msk [tilespmem:v31+s3+$0x0], $0xffff;
	v35 =	vor.u32 v13, v35;
	[tilespmem:s26+$0xFFFFFF70] =	vst v43  }
0x28a: {  	v45 =	vadd.s32 v5, v18;
	v43 =	vadd.s32 v5, v16;
	[tilespmem:s26+$0xFFFFFF40] =	vst v32;
	v30 =	vld.idx.msk [tilespmem:v30+s3+$0x0], $0xffff  }
0x28b: {  	v32 =	vld.idx.msk [tilespmem:v36+s3+$0x0], $0xffff;
	v36 =	vor.u32 v15, v43;
	[tilespmem:s26+$0xFFFFFF20] =	vst v29;
	v43 =	vor.u32 v14, v45  }
0x28c: {  	v29 =	vadd.s32 v6, v17;
	v28 =	vld.idx.msk [tilespmem:v28+s3+$0x0], $0xffff;
	[tilespmem:s26+$0xFFFFFFE0] =	vst v26;
	v26 =	vadd.s32 v7, v23  }
0x28d: {  	v45 =	vor.u32 v9, v29;
	[tilespmem:s26+$0xFFFFFED0] =	vst v42;
	v38 =	vld.idx.msk [tilespmem:v38+s3+$0x0], $0xffff;
	v42 =	vor.u32 v22, v26  }
0x28e: {  	v26 =	vadd.s32 v7, v25;
	[tilespmem:s26+$0xFFFFFF30] =	vst v27;
	v27 =	vadd.s32 v6, v18;
	v29 =	vld.idx.msk [tilespmem:v35+s3+$0x0], $0xffff  }
0x28f: {  	[tilespmem:s26+$0xFFFFFF80] =	vst v31;
	v31 =	vld.idx.msk [tilespmem:v33+s3+$0x0], $0xffff;
	v35 =	vor.u32 v14, v27;
	v27 =	vadd.s32 v4, v12  }
0x290: {  	v26 =	vor.u32 v24, v26;
	v33 =	vld.idx.msk [tilespmem:v34+s3+$0x0], $0xffff;
	v34 =	vor.u32 v13, v27;
	[tilespmem:s26+$0xFFFFFFF0] =	vst v30  }
0x291: {  	v27 =	vadd.s32 v6, v16;
	[tilespmem:s26+$0xFFFFFF90] =	vst v32;
	v30 =	vld.idx.msk [tilespmem:v40+s3+$0x0], $0xffff;
	v32 =	vadd.s32 v7, v17  }
0x292: {  	v40 =	vor.u32 v15, v27;
	v36 =	vld.idx.msk [tilespmem:v36+s3+$0x0], $0xffff;
	[tilespmem:s26+$0xFFFFFFA0] =	vst v28;
	v27 =	vor.u32 v9, v32  }
0x293: {  	v28 =	vadd.s32 v7, v21;
	v32 =	vadd.s32 v8, v23;
	v44 =	vld.idx.msk [tilespmem:v44+s3+$0x0], $0xffff;
	[tilespmem:s26+$0x60] =	vst v38  }
0x294: {  	v23 =	vor.u32 v20, v28;
	v28 =	vor.u32 v22, v32;
	[tilespmem:s26+$0xFFFFFF50] =	vst v29;
	v38 =	vld.idx.msk [tilespmem:v39+s3+$0x0], $0xffff  }
0x295: {  	v22 =	vadd.s32 v4, v10;
	v29 =	vor.u32 v11, v19;
	[tilespmem:s26+$0xFFFFFFB0] =	vst v31;
	v34 =	vld.idx.msk [tilespmem:v34+s3+$0x0], $0xffff  }
0x296: {  	v19 =	vadd.s32 v8, v25;
	[tilespmem:s26+$0x0] =	vst v33;
	v39 =	vld.idx.msk [tilespmem:v43+s3+$0x0], $0xffff;
	v43 =	vor.u32 v11, v22  }
0x297: {  	v22 =	vor.u32 v24, v19;
	v19 =	vadd.s32 v7, v18;
	v37 =	vld.idx.msk [tilespmem:v37+s3+$0x0], $0xffff;
	[tilespmem:s26+$0x70] =	vst v30  }
0x298: {  	v24 =	vor.u32 v14, v19;
	v19 =	vadd.s32 v5, v12;
	[tilespmem:s26+$0x10] =	vst v36;
	v32 =	vld.idx.msk [tilespmem:v45+s3+$0x0], $0xffff  }
.Ltmp3:
0x299: {  	v21 =	vadd.s32 v8, v21;
	v33 =	vor.u32 v13, v19;
	v30 =	vld.idx.msk [tilespmem:v40+s3+$0x0], $0xffff;
	[tilespmem:s26+$0x20] =	vst v44;
	(pc) =	sbr.rel @p0 .LBB2_9-.Ltmp3, $4  }
0x29a: {  	v19 =	vor.u32 v20, v21;
	v20 =	vadd.s32 v7, v16;
	v31 =	vld.idx.msk [tilespmem:v41+s3+$0x0], $0xffff;
	[tilespmem:s26+$0xE0] =	vst v38  }
0x29b: {  	v25 =	vor.u32 v15, v20;
	v20 =	vadd.s32 v8, v18;
	[tilespmem:s26+$0xFFFFFFD0] =	vst v34;
	v18 =	vld.idx.msk [tilespmem:v42+s3+$0x0], $0xffff  }
0x29c: {  	v21 =	vadd.s32 v8, v16;
	v20 =	vor.u32 v14, v20;
	[tilespmem:s26+$0x30] =	vst v39;
	v16 =	vld.idx.msk [tilespmem:v43+s3+$0x0], $0xffff  }
0x29d: {  	s21 =	sadd.s32 $0x80, s21;
	v21 =	vor.u32 v15, v21;
	v14 =	vadd.s32 v8, v17;
	[tilespmem:s26+$0x80] =	vst v37;
	v15 =	vld.idx.msk [tilespmem:v35+s3+$0x0], $0xffff  }
0x29e: {  	_ =	sdelay $0x3  }
0x29f: {  	v1 =	vld.idx.msk [tilespmem:v33+s3+$0x0], $0xffff;
	v2 =	vadd.s32 v6, v12;
	[tilespmem:s23+$0xFFFFFFC0] =	vst v16  }
0x2a0: {  	[tilespmem:s23+$0xF0] =	vst v32;
	v4 =	vadd.s32 v6, v10;
	v2 =	vor.u32 v13, v2;
	v3 =	vld.idx.msk [tilespmem:v29+s3+$0x0], $0xffff  }
0x2a1: {  	[tilespmem:s23+$0x90] =	vst v30;
	v4 =	vor.u32 v11, v4  }
0x2a2: {  	v56 =	vld.idx.msk [tilespmem:v23+s3+$0x0], $0xffff;
	[tilespmem:s23+$0xA0] =	vst v31  }
0x2a3: {  	v5 =	vld.idx.msk [tilespmem:v27+s3+$0x0], $0xffff;
	[tilespmem:s23+$0x160] =	vst v18  }
0x2a4: {  	v59 =	vld.idx.msk [tilespmem:v25+s3+$0x0], $0xffff;
	[tilespmem:s23+$0x50] =	vst v1  }
0x2a5: {  	v1 =	vld.idx.msk [tilespmem:v2+s3+$0x0], $0xffff;
	v2 =	vadd.s32 v7, v12;
	[tilespmem:s23+$0x40] =	vst v3  }
0x2a6: {  	[tilespmem:s23+$0xB0] =	vst v15;
	v2 =	vor.u32 v13, v2;
	v3 =	vadd.s32 v7, v10;
	v4 =	vld.idx.msk [tilespmem:v4+s3+$0x0], $0xffff  }
0x2a7: {  	v57 =	vld.idx.msk [tilespmem:v26+s3+$0x0], $0xffff;
	[tilespmem:s23+$0x100] =	vst v56;
	v3 =	vor.u32 v11, v3  }
0x2a8: {  	v55 =	vld.idx.msk [tilespmem:v28+s3+$0x0], $0xffff;
	[tilespmem:s23+$0x170] =	vst v5  }
0x2a9: {  	v58 =	vld.idx.msk [tilespmem:v24+s3+$0x0], $0xffff;
	[tilespmem:s23+$0x110] =	vst v59  }
0x2aa: {  	v60 =	vld.idx.msk [tilespmem:v19+s3+$0x0], $0xffff;
	[tilespmem:s23+$0xD0] =	vst v1  }
0x2ab: {  	v62 =	vor.u32 v9, v14;
	v1 =	vadd.s32 v8, v12;
	v2 =	vld.idx.msk [tilespmem:v2+s3+$0x0], $0xffff;
	[tilespmem:s23+$0xC0] =	vst v4  }
0x2ac: {  	v61 =	vadd.s32 v8, v10;
	[tilespmem:s23+$0x120] =	vst v57;
	v1 =	vor.u32 v13, v1;
	v3 =	vld.idx.msk [tilespmem:v3+s3+$0x0], $0xffff  }
0x2ad: {  	v6 =	vld.idx.msk [tilespmem:v21+s3+$0x0], $0xffff;
	[tilespmem:s23+$0x1E0] =	vst v55;
	v4 =	vor.u32 v11, v61  }
0x2ae: {  	v63 =	vld.idx.msk [tilespmem:v22+s3+$0x0], $0xffff;
	[tilespmem:s23+$0x130] =	vst v58  }
0x2af: {  	v5 =	vld.idx.msk [tilespmem:v20+s3+$0x0], $0xffff;
	[tilespmem:s23+$0x180] =	vst v60  }
0x2b0: {  	[tilespmem:s23+$0x150] =	vst v2;
	v2 =	vld.idx.msk [tilespmem:v62+s3+$0x0], $0xffff  }
0x2b1: {  	v1 =	vld.idx.msk [tilespmem:v1+s3+$0x0], $0xffff;
	[tilespmem:s23+$0x140] =	vst v3  }
0x2b2: {  	s20 =	sadd.s32 $0x1, s20;
	[tilespmem:s23+$0x190] =	vst v6;
	v3 =	vld.idx.msk [tilespmem:v4+s3+$0x0], $0xffff  }
0x2b3: {  	p0 =	sne.s32 s20, $0x40;
	[tilespmem:s23+$0x1A0] =	vst v63  }
.Ltmp4:
0x2b4: {  	[tilespmem:s23+$0x1B0] =	vst v5;
	(pc) =	sbr.rel @p0 .LBB2_2-.Ltmp4, $4  }
0x2b5: {  	[tilespmem:s23+$0x1F0] =	vst v2  }
0x2b6: {  	[tilespmem:s23+$0x1D0] =	vst v1  }
0x2b7: {  	s21 =	sadd.s32 s22, s24;
	s19 =	sadd.s32 $0x1, s19;
	[tilespmem:s23+$0x1C0] =	vst v3  }
0x2b8: {  	[hbm4b:s21+s3] =	stream.linear.scatter [tilespmem:s13], [sflag:$0x4], $0x2000, $0x38;
	[tilespmem:$0x1C000] =	vst v63  }
0x2b9: {  	_ =	swait.ge [sflag:s14], $0x2000  }
0x2ba: {  	[sflag:s14] =	ssyncset.done $0x0  }
0x2bb: {  	[sflag:s14] =	ssyncadd.s32 $0xFFFFE000  }
0x2bc: {  	_ =	swait.ge [sflag:s15], $0x2000  }
0x2bd: {  	[sflag:s15] =	ssyncset.done $0x0  }
0x2be: {  	s18 =	sadd.s32 $0x1, s18;
	[sflag:s15] =	ssyncadd.s32 $0xFFFFE000  }
0x2bf: {  	p0 =	sne.s32 s18, s7;
	_ =	swait.ge [sflag:s16], $0x2000  }
.Ltmp5:
0x2c0: {  	[sflag:s16] =	ssyncset.done $0x0;
	(pc) =	sbr.rel @p0 .LBB2_1-.Ltmp5, $4  }
0x2c1: {  	[sflag:s16] =	ssyncadd.s32 $0xFFFFE000  }
0x2c2: {  	_ =	swait.ge [sflag:s17], $0x2000  }
0x2c3: {  	[sflag:s17] =	ssyncset.done $0x0  }
0x2c4: {  	[sflag:s17] =	ssyncadd.s32 $0xFFFFE000  }
0x2c5: {  	_ =	sfence.sel $0x180000  }
0x2c6: {  	[bflag:$0x0] =	sbarrier.arrive $0xFFFF  }
0x2c7: {  	p0 =	sne.s32 s1, $0x0;
	_ =	strace $0x90000047  }
0x2c8: {  	s0 =	sadd.s32 @!p0 $0x100000, s0;
	[bflag:$0x2] =	sbarrier.arrive $0xFFFF  }
0x2c9: {  	[sflag:s0] =	ssyncadd.tile.s32 @!p0 $0x1;
	_ =	shalt  }
.Lfunc_end2:
_tile_overlayer_lowered:
.L_overlay_start_2:
0x2ca: {  	(tag) =	ssettag $0x2  }
0x2cb: {  	s0 =	rddreg [dreg:$0x0];
	s2 =	stileid.u32  }
0x2cc: {  	s1 =	rddreg [dreg:$0x1];
	p0 =	sne.s32 s2, $0x0  }
0x2cd: {  	s3 =	rddreg [dreg:$0x2];
	[bflag:$0x3] =	sbarrier.arrive $0xFFFF;
	s2 =	simm.s32 @!p0 $0x1C05  }
0x2ce: {  	[timem:s3], [sflag:s2] =	dma.local @!p0 [hbm:s0], s1  }
0x2cf: {  	s0 =	simm.s32 @!p0 $0x5  }
0x2d0: {  	_ =	swait.ge @!p0 [sflag:s0], s1  }
0x2d1: {  	s1 =	ssub.s32 @!p0 $0x0, s1;
	[sflag:s0] =	ssyncset.done @!p0 $0x0  }
0x2d2: {  	[sflag:s0] =	ssyncadd.s32 @!p0 s1  }
0x2d3: {  	[bflag:$0x3] =	sbarrier.arrive $0xFFFF  }
0x2d4: {  	_ =	shalt  }

</sc_bundles>
